<compile_context>
chip_gen: v7x
topology: tpu7x:2x2x1
jax: 0.10.2.dev20260603
libtpu: 0.0.44.dev20260713+nightly
codegen_flags: <defaults>
</compile_context>

<pallas_src>
import jax
import jax.numpy as jnp
from jax import lax
from jax.experimental import pallas as pl
from jax.experimental.pallas import tpu as pltpu
from jax.experimental.pallas import tpu_sc as plsc

_B = 16384
_NS = 26
_ND = 13
_V = 1000000
_NC = 2
_NSUB = 16
_NW = _NC * _NSUB
_BPW = _B // _NW
_L = 16
_CHUNK = 128
_QPF = _BPW // _CHUNK
_K = 8

_VP = 1000064
_W = _VP // 13
_BANDS = ((0, 8), (8, 8), (16, 8), (24, 2))


def _make_detile(band, valid):
    def body(in_ref, out_hbm, sem):
        j = pl.program_id(0)
        copies = [
            pltpu.make_async_copy(
                in_ref.at[r],
                out_hbm.at[pl.ds(r * _VP + j * _W, _W)],
                sem,
            )
            for r in range(valid)
        ]
        for c in copies:
            c.start()
        for c in copies:
            c.wait()

    return pl.pallas_call(
        body,
        grid=(13,),
        in_specs=[pl.BlockSpec((8, _W), lambda j, b=band: (b, j))],
        out_specs=pl.BlockSpec(memory_space=pl.ANY),
        out_shape=jax.ShapeDtypeStruct((valid * _VP,), jnp.float32),
        scratch_shapes=[pltpu.SemaphoreType.DMA],
    )


def _make_gather(nf, with_dense):
    nch = nf * _QPF

    def body(xs_hbm, xd_hbm, emb_hbm, dwb_hbm, out_hbm,
             xs_v, idx_v, vals_v, xd_v, dw_v, acc_v, sem):
        w = lax.axis_index("s") * _NC + lax.axis_index("c")
        base = w * _BPW

        pltpu.sync_copy(xs_hbm.at[w], xs_v)
        if with_dense:
            pltpu.sync_copy(xd_hbm.at[w], xd_v)
            pltpu.sync_copy(dwb_hbm, dw_v)

        def build(j, carry):
            off = (j >> 2) * _VP
            for i in range(_CHUNK // _L):
                ids = xs_v[j, pl.ds(i * _L, _L)]
                idx_v[j, pl.ds(i * _L, _L)] = ids.astype(jnp.int32) + off
            return carry

        lax.fori_loop(0, nch, build, 0)

        def gather(g, carry):
            handles = []
            for b in range(_K):
                j = g * _K + b
                handles.append(
                    pltpu.async_copy(
                        emb_hbm.at[idx_v.at[j]], vals_v.at[j], sem))
            for h in handles:
                h.wait()
            return carry

        lax.fori_loop(0, nch // _K, gather, 0)

        def reduce(c, carry):
            q = c // (_CHUNK // _L)
            off = (c % (_CHUNK // _L)) * _L
            acc = vals_v[q, pl.ds(off, _L)]
            for f in range(1, nf):
                acc = acc + vals_v[f * _QPF + q, pl.ds(off, _L)]
            if with_dense:
                for k in range(_ND):
                    acc = acc + xd_v[k, pl.ds(c * _L, _L)] * dw_v[k]
            acc_v[pl.ds(c * _L, _L)] = acc
            return carry

        lax.fori_loop(0, _BPW // _L, reduce, 0)

        pltpu.sync_copy(acc_v, out_hbm.at[pl.ds(base, _BPW)])

    return pl.kernel(
        body,
        out_type=jax.ShapeDtypeStruct((_B,), jnp.float32),
        mesh=plsc.VectorSubcoreMesh(core_axis_name="c", subcore_axis_name="s"),
        scratch_types=[
            pltpu.VMEM((nch, _CHUNK), jnp.float32),
            pltpu.VMEM((nch, _CHUNK), jnp.int32),
            pltpu.VMEM((nch, _CHUNK), jnp.float32),
            pltpu.VMEM((_ND + 3, _BPW), jnp.float32),
            pltpu.VMEM((_ND, _L), jnp.float32),
            pltpu.VMEM((_BPW,), jnp.float32),
            pltpu.SemaphoreType.DMA,
        ],
    )


@jax.jit
def kernel(X, emb_tables, dense_weight):
    xs_r = (X[:, :_NS].reshape(_NW, _QPF, _CHUNK, _NS)
            .transpose(0, 3, 1, 2).reshape(_NW, _NS * _QPF, _CHUNK))
    xd_r = jnp.concatenate(
        [X[:, _NS:], jnp.zeros((_B, 3), jnp.float32)], axis=1
    ).reshape(_NW, _BPW, _ND + 3).transpose(0, 2, 1)
    dwb = jnp.broadcast_to(dense_weight.reshape(_ND, 1), (_ND, _L))

    partials = []
    for band, (f0, nf) in enumerate(_BANDS):
        emb_band = _make_detile(band, nf)(emb_tables)
        xs_g = xs_r[:, f0 * _QPF:(f0 + nf) * _QPF, :]
        run = _make_gather(nf, with_dense=(band == 0))
        partials.append(run(xs_g, xd_r, emb_band, dwb))
    out = partials[0] + partials[1] + partials[2] + partials[3]
    return out.reshape(_B, 1)

# --- scband reference (transcript-rebuilt; emitter-appended) ---
"""Pipeline reference for scband-linear-30167850287701 (READ-ONLY COPY).

The authoritative reference and input builder live on the scoring server;
editing this copy changes nothing except your own understanding.
"""

import jax, jax.numpy as jnp
import numpy as np

B = 16384
N_SPARSE = 26
N_DENSE = 13
VOCAB = 1000000
INIT_STD = 1e-4


def setup_inputs(seed: int = 0) -> dict:
    key = jax.random.key(seed)
    k1, k2, k3, k4 = jax.random.split(key, 4)
    # DeepCTR-style flat input: first 26 columns are sparse ids (stored as floats),
    # last 13 columns are dense values.
    x_sparse = jax.random.randint(k1, (B, N_SPARSE), 0, VOCAB).astype(jnp.float32)
    x_dense = jax.random.uniform(k2, (B, N_DENSE), dtype=jnp.float32)
    X = jnp.concatenate([x_sparse, x_dense], axis=1)
    # 26 linear embedding tables of shape [VOCAB, 1], stacked as [N_SPARSE, VOCAB].
    emb_tables = jax.random.normal(k3, (N_SPARSE, VOCAB), dtype=jnp.float32) * INIT_STD
    # Dense linear weight: [sum(dense dims), 1] = [13, 1].
    dense_weight = jax.random.normal(k4, (N_DENSE, 1), dtype=jnp.float32) * INIT_STD
    return {"X": X, "emb_tables": emb_tables, "dense_weight": dense_weight}


def reference(X, emb_tables, dense_weight):
    # Sparse part: per-field embedding lookup (embedding_dim=1), concatenated and
    # summed over fields -> [B, 1], mirroring torch.cat(sparse_embedding_list, -1).sum(-1).
    idx = X[:, :N_SPARSE].astype(jnp.int32)  # [B, 26]
    # emb_tables: [26, VOCAB]; gather per-field: result [26, B]
    sparse_emb = jnp.take_along_axis(emb_tables, idx.T, axis=1)
    sparse_logit = jnp.sum(sparse_emb, axis=0)[:, None]  # [B, 1]
    # Dense part: concat dense values -> matmul with weight [13, 1].
    dense_logit = X[:, N_SPARSE:] @ dense_weight  # [B, 1]
    linear_logit = sparse_logit + dense_logit
    return linear_logit

if __name__ == "__main__":
    import jax
    _d = setup_inputs()
    print(jax.jit(kernel)(*tuple(_d.values())))

</pallas_src>

<mosaic_0001>
#map = affine_map<(d0, d1) -> (0, 0, 0)>
#map1 = affine_map<(d0, d1) -> (0)>
#map2 = affine_map<(d0, d1) -> (0, 0)>
module attributes {stable_mosaic.version = 14 : i64} {
  func.func @body(%arg0: i32, %arg1: i32, %arg2: memref<32x8x128xf32, #tpu.memory_space<hbm>>, %arg3: memref<32x16x512xf32, #tpu.memory_space<hbm>>, %arg4: memref<2000128xf32, #tpu.memory_space<hbm>>, %arg5: memref<13x16xf32, #tpu.memory_space<hbm>>, %arg6: memref<16384xf32, #tpu.memory_space<hbm>>, %arg7: memref<8x128xf32, #tpu.memory_space<vmem>>, %arg8: memref<8x128xi32, #tpu.memory_space<vmem>>, %arg9: memref<8x128xf32, #tpu.memory_space<vmem>>, %arg10: memref<16x512xf32, #tpu.memory_space<vmem>>, %arg11: memref<13x16xf32, #tpu.memory_space<vmem>>, %arg12: memref<512xf32, #tpu.memory_space<vmem>>, %arg13: memref<!tpu.dma_semaphore, #tpu.memory_space<semaphore_mem>>) attributes {dimension_semantics = [#tpu.dimension_semantics<core_parallel>, #tpu.dimension_semantics<subcore_parallel>], iteration_bounds = array<i64: 2, 16>, scalar_prefetch = 0 : i64, scratch_operands = 7 : i64, tpu.core_type = #tpu.core_type<sc_vector_subcore>, window_params = [{transform_indices = #map}, {transform_indices = #map}, {transform_indices = #map1}, {transform_indices = #map2}, {transform_indices = #map1}]} {
    %mul3A = arith.constant 2 : i32
    %mul3A_0 = arith.muli %arg1, %mul3A : i32
    %add3A = arith.addi %mul3A_0, %arg0 : i32
    %mul3A_1 = arith.constant 512 : i32
    %mul3A_2 = arith.muli %add3A, %mul3A_1 : i32
    "tpu.region"() ({
      %run_scoped3A = tpu.sem_alloc : memref<!tpu.dma_semaphore, #tpu.memory_space<semaphore_mem>>
      %dma_start3A_175 = arith.constant 0 : i32
      %dma_start3A_176 = arith.constant 0 : i32
      %dma_start3A_177 = tpu.memref_slice %arg2[%add3A, %dma_start3A_175, %dma_start3A_176] : memref<32x8x128xf32, #tpu.memory_space<hbm>> -> memref<1x8x128xf32, #tpu.memory_space<hbm>>
      %dma_start3A_178 = tpu.memref_squeeze %dma_start3A_177 : memref<1x8x128xf32, #tpu.memory_space<hbm>> -> memref<8x128xf32, #tpu.memory_space<hbm>>
      %dma_start3A_179 = arith.constant 0 : i32
      %dma_start3A_180 = arith.constant 0 : i32
      %dma_start3A_181 = tpu.memref_slice %arg2[%add3A, %dma_start3A_179, %dma_start3A_180] : memref<32x8x128xf32, #tpu.memory_space<hbm>> -> memref<1x8x128xf32, #tpu.memory_space<hbm>>
      %dma_start3A_182 = tpu.memref_squeeze %dma_start3A_181 : memref<1x8x128xf32, #tpu.memory_space<hbm>> -> memref<8x128xf32, #tpu.memory_space<hbm>>
      tpu.enqueue_dma source(%dma_start3A_182 : memref<8x128xf32, #tpu.memory_space<hbm>>) target(%arg7 : memref<8x128xf32, #tpu.memory_space<vmem>>) target_semaphore(%run_scoped3A : memref<!tpu.dma_semaphore, #tpu.memory_space<semaphore_mem>>)
      %dma_wait3A_183 = arith.constant 0 : i32
      %dma_wait3A_184 = arith.constant 0 : i32
      %dma_wait3A_185 = tpu.memref_slice %arg2[%add3A, %dma_wait3A_183, %dma_wait3A_184] : memref<32x8x128xf32, #tpu.memory_space<hbm>> -> memref<1x8x128xf32, #tpu.memory_space<hbm>>
      %dma_wait3A_186 = tpu.memref_squeeze %dma_wait3A_185 : memref<1x8x128xf32, #tpu.memory_space<hbm>> -> memref<8x128xf32, #tpu.memory_space<hbm>>
      %dma_wait3A_187 = arith.constant 0 : i32
      %dma_wait3A_188 = arith.constant 0 : i32
      %dma_wait3A_189 = tpu.memref_slice %arg2[%add3A, %dma_wait3A_187, %dma_wait3A_188] : memref<32x8x128xf32, #tpu.memory_space<hbm>> -> memref<1x8x128xf32, #tpu.memory_space<hbm>>
      %dma_wait3A_190 = tpu.memref_squeeze %dma_wait3A_189 : memref<1x8x128xf32, #tpu.memory_space<hbm>> -> memref<8x128xf32, #tpu.memory_space<hbm>>
      tpu.wait_dma2 semaphore(%run_scoped3A : memref<!tpu.dma_semaphore, #tpu.memory_space<semaphore_mem>>) src(%dma_wait3A_190 : memref<8x128xf32, #tpu.memory_space<hbm>>) dst(%arg7 : memref<8x128xf32, #tpu.memory_space<vmem>>)
      tpu.yield
    }) : () -> ()
    %scan3A = arith.constant 0 : i32
    %scan3A_3 = arith.constant 0 : i32
    %scan3A_4 = arith.constant 8 : i32
    %scan3A_5 = arith.addi %scan3A_3, %scan3A_4 : i32
    %scan3A_6 = arith.constant 1 : i32
    scf.for %scan3A_175 = %scan3A_3 to %scan3A_5 step %scan3A_6  : i32 {
      %shift_right_arithmetic3A = arith.constant 2 : i32
      %shift_right_arithmetic3A_176 = arith.shrsi %scan3A_175, %shift_right_arithmetic3A : i32
      %mul3A_177 = arith.constant 1000064 : i32
      %mul3A_178 = arith.muli %shift_right_arithmetic3A_176, %mul3A_177 : i32
      %get3A = arith.index_cast %scan3A_175 : i32 to index
      %get3A_179 = arith.constant 0 : index
      %get3A_180 = tpu.vector_load %arg7[%get3A, %get3A_179] {strides = array<i32>} : memref<8x128xf32, #tpu.memory_space<vmem>>, vector<1x16xf32>,
      %get3A_181 = vector.shape_cast %get3A_180 : vector<1x16xf32> to vector<16xf32>
      %convert_element_type3A = arith.fptosi %get3A_181 : vector<16xf32> to vector<16xi32>
      %add3A_182 = vector.broadcast %mul3A_178 : i32 to vector<16xi32>
      %add3A_183 = arith.addi %convert_element_type3A, %add3A_182 : vector<16xi32>
      %swap3A = arith.index_cast %scan3A_175 : i32 to index
      %swap3A_184 = arith.constant 0 : index
      %swap3A_185 = tpu.vector_load %arg8[%swap3A, %swap3A_184] {strides = array<i32>} : memref<8x128xi32, #tpu.memory_space<vmem>>, vector<1x16xi32>,
      %swap3A_186 = vector.shape_cast %swap3A_185 : vector<1x16xi32> to vector<16xi32>
      %swap3A_187 = vector.shape_cast %add3A_183 : vector<16xi32> to vector<1x16xi32>
      tpu.vector_store %arg8[%swap3A, %swap3A_184], %swap3A_187 {strides = array<i32>} : memref<8x128xi32, #tpu.memory_space<vmem>>, vector<1x16xi32>,
      %get3A_188 = arith.index_cast %scan3A_175 : i32 to index
      %get3A_189 = arith.constant 16 : index
      %get3A_190 = tpu.vector_load %arg7[%get3A_188, %get3A_189] {strides = array<i32>} : memref<8x128xf32, #tpu.memory_space<vmem>>, vector<1x16xf32>,
      %get3A_191 = vector.shape_cast %get3A_190 : vector<1x16xf32> to vector<16xf32>
      %convert_element_type3A_192 = arith.fptosi %get3A_191 : vector<16xf32> to vector<16xi32>
      %add3A_193 = vector.broadcast %mul3A_178 : i32 to vector<16xi32>
      %add3A_194 = arith.addi %convert_element_type3A_192, %add3A_193 : vector<16xi32>
      %swap3A_195 = arith.index_cast %scan3A_175 : i32 to index
      %swap3A_196 = arith.constant 16 : index
      %swap3A_197 = tpu.vector_load %arg8[%swap3A_195, %swap3A_196] {strides = array<i32>} : memref<8x128xi32, #tpu.memory_space<vmem>>, vector<1x16xi32>,
      %swap3A_198 = vector.shape_cast %swap3A_197 : vector<1x16xi32> to vector<16xi32>
      %swap3A_199 = vector.shape_cast %add3A_194 : vector<16xi32> to vector<1x16xi32>
      tpu.vector_store %arg8[%swap3A_195, %swap3A_196], %swap3A_199 {strides = array<i32>} : memref<8x128xi32, #tpu.memory_space<vmem>>, vector<1x16xi32>,
      %get3A_200 = arith.index_cast %scan3A_175 : i32 to index
      %get3A_201 = arith.constant 32 : index
      %get3A_202 = tpu.vector_load %arg7[%get3A_200, %get3A_201] {strides = array<i32>} : memref<8x128xf32, #tpu.memory_space<vmem>>, vector<1x16xf32>,
      %get3A_203 = vector.shape_cast %get3A_202 : vector<1x16xf32> to vector<16xf32>
      %convert_element_type3A_204 = arith.fptosi %get3A_203 : vector<16xf32> to vector<16xi32>
      %add3A_205 = vector.broadcast %mul3A_178 : i32 to vector<16xi32>
      %add3A_206 = arith.addi %convert_element_type3A_204, %add3A_205 : vector<16xi32>
      %swap3A_207 = arith.index_cast %scan3A_175 : i32 to index
      %swap3A_208 = arith.constant 32 : index
      %swap3A_209 = tpu.vector_load %arg8[%swap3A_207, %swap3A_208] {strides = array<i32>} : memref<8x128xi32, #tpu.memory_space<vmem>>, vector<1x16xi32>,
      %swap3A_210 = vector.shape_cast %swap3A_209 : vector<1x16xi32> to vector<16xi32>
      %swap3A_211 = vector.shape_cast %add3A_206 : vector<16xi32> to vector<1x16xi32>
      tpu.vector_store %arg8[%swap3A_207, %swap3A_208], %swap3A_211 {strides = array<i32>} : memref<8x128xi32, #tpu.memory_space<vmem>>, vector<1x16xi32>,
      %get3A_212 = arith.index_cast %scan3A_175 : i32 to index
      %get3A_213 = arith.constant 48 : index
      %get3A_214 = tpu.vector_load %arg7[%get3A_212, %get3A_213] {strides = array<i32>} : memref<8x128xf32, #tpu.memory_space<vmem>>, vector<1x16xf32>,
      %get3A_215 = vector.shape_cast %get3A_214 : vector<1x16xf32> to vector<16xf32>
      %convert_element_type3A_216 = arith.fptosi %get3A_215 : vector<16xf32> to vector<16xi32>
      %add3A_217 = vector.broadcast %mul3A_178 : i32 to vector<16xi32>
      %add3A_218 = arith.addi %convert_element_type3A_216, %add3A_217 : vector<16xi32>
      %swap3A_219 = arith.index_cast %scan3A_175 : i32 to index
      %swap3A_220 = arith.constant 48 : index
      %swap3A_221 = tpu.vector_load %arg8[%swap3A_219, %swap3A_220] {strides = array<i32>} : memref<8x128xi32, #tpu.memory_space<vmem>>, vector<1x16xi32>,
      %swap3A_222 = vector.shape_cast %swap3A_221 : vector<1x16xi32> to vector<16xi32>
      %swap3A_223 = vector.shape_cast %add3A_218 : vector<16xi32> to vector<1x16xi32>
      tpu.vector_store %arg8[%swap3A_219, %swap3A_220], %swap3A_223 {strides = array<i32>} : memref<8x128xi32, #tpu.memory_space<vmem>>, vector<1x16xi32>,
      %get3A_224 = arith.index_cast %scan3A_175 : i32 to index
      %get3A_225 = arith.constant 64 : index
      %get3A_226 = tpu.vector_load %arg7[%get3A_224, %get3A_225] {strides = array<i32>} : memref<8x128xf32, #tpu.memory_space<vmem>>, vector<1x16xf32>,
      %get3A_227 = vector.shape_cast %get3A_226 : vector<1x16xf32> to vector<16xf32>
      %convert_element_type3A_228 = arith.fptosi %get3A_227 : vector<16xf32> to vector<16xi32>
      %add3A_229 = vector.broadcast %mul3A_178 : i32 to vector<16xi32>
      %add3A_230 = arith.addi %convert_element_type3A_228, %add3A_229 : vector<16xi32>
      %swap3A_231 = arith.index_cast %scan3A_175 : i32 to index
      %swap3A_232 = arith.constant 64 : index
      %swap3A_233 = tpu.vector_load %arg8[%swap3A_231, %swap3A_232] {strides = array<i32>} : memref<8x128xi32, #tpu.memory_space<vmem>>, vector<1x16xi32>,
      %swap3A_234 = vector.shape_cast %swap3A_233 : vector<1x16xi32> to vector<16xi32>
      %swap3A_235 = vector.shape_cast %add3A_230 : vector<16xi32> to vector<1x16xi32>
      tpu.vector_store %arg8[%swap3A_231, %swap3A_232], %swap3A_235 {strides = array<i32>} : memref<8x128xi32, #tpu.memory_space<vmem>>, vector<1x16xi32>,
      %get3A_236 = arith.index_cast %scan3A_175 : i32 to index
      %get3A_237 = arith.constant 80 : index
      %get3A_238 = tpu.vector_load %arg7[%get3A_236, %get3A_237] {strides = array<i32>} : memref<8x128xf32, #tpu.memory_space<vmem>>, vector<1x16xf32>,
      %get3A_239 = vector.shape_cast %get3A_238 : vector<1x16xf32> to vector<16xf32>
      %convert_element_type3A_240 = arith.fptosi %get3A_239 : vector<16xf32> to vector<16xi32>
      %add3A_241 = vector.broadcast %mul3A_178 : i32 to vector<16xi32>
      %add3A_242 = arith.addi %convert_element_type3A_240, %add3A_241 : vector<16xi32>
      %swap3A_243 = arith.index_cast %scan3A_175 : i32 to index
      %swap3A_244 = arith.constant 80 : index
      %swap3A_245 = tpu.vector_load %arg8[%swap3A_243, %swap3A_244] {strides = array<i32>} : memref<8x128xi32, #tpu.memory_space<vmem>>, vector<1x16xi32>,
      %swap3A_246 = vector.shape_cast %swap3A_245 : vector<1x16xi32> to vector<16xi32>
      %swap3A_247 = vector.shape_cast %add3A_242 : vector<16xi32> to vector<1x16xi32>
      tpu.vector_store %arg8[%swap3A_243, %swap3A_244], %swap3A_247 {strides = array<i32>} : memref<8x128xi32, #tpu.memory_space<vmem>>, vector<1x16xi32>,
      %get3A_248 = arith.index_cast %scan3A_175 : i32 to index
      %get3A_249 = arith.constant 96 : index
      %get3A_250 = tpu.vector_load %arg7[%get3A_248, %get3A_249] {strides = array<i32>} : memref<8x128xf32, #tpu.memory_space<vmem>>, vector<1x16xf32>,
      %get3A_251 = vector.shape_cast %get3A_250 : vector<1x16xf32> to vector<16xf32>
      %convert_element_type3A_252 = arith.fptosi %get3A_251 : vector<16xf32> to vector<16xi32>
      %add3A_253 = vector.broadcast %mul3A_178 : i32 to vector<16xi32>
      %add3A_254 = arith.addi %convert_element_type3A_252, %add3A_253 : vector<16xi32>
      %swap3A_255 = arith.index_cast %scan3A_175 : i32 to index
      %swap3A_256 = arith.constant 96 : index
      %swap3A_257 = tpu.vector_load %arg8[%swap3A_255, %swap3A_256] {strides = array<i32>} : memref<8x128xi32, #tpu.memory_space<vmem>>, vector<1x16xi32>,
      %swap3A_258 = vector.shape_cast %swap3A_257 : vector<1x16xi32> to vector<16xi32>
      %swap3A_259 = vector.shape_cast %add3A_254 : vector<16xi32> to vector<1x16xi32>
      tpu.vector_store %arg8[%swap3A_255, %swap3A_256], %swap3A_259 {strides = array<i32>} : memref<8x128xi32, #tpu.memory_space<vmem>>, vector<1x16xi32>,
      %get3A_260 = arith.index_cast %scan3A_175 : i32 to index
      %get3A_261 = arith.constant 112 : index
      %get3A_262 = tpu.vector_load %arg7[%get3A_260, %get3A_261] {strides = array<i32>} : memref<8x128xf32, #tpu.memory_space<vmem>>, vector<1x16xf32>,
      %get3A_263 = vector.shape_cast %get3A_262 : vector<1x16xf32> to vector<16xf32>
      %convert_element_type3A_264 = arith.fptosi %get3A_263 : vector<16xf32> to vector<16xi32>
      %add3A_265 = vector.broadcast %mul3A_178 : i32 to vector<16xi32>
      %add3A_266 = arith.addi %convert_element_type3A_264, %add3A_265 : vector<16xi32>
      %swap3A_267 = arith.index_cast %scan3A_175 : i32 to index
      %swap3A_268 = arith.constant 112 : index
      %swap3A_269 = tpu.vector_load %arg8[%swap3A_267, %swap3A_268] {strides = array<i32>} : memref<8x128xi32, #tpu.memory_space<vmem>>, vector<1x16xi32>,
      %swap3A_270 = vector.shape_cast %swap3A_269 : vector<1x16xi32> to vector<16xi32>
      %swap3A_271 = vector.shape_cast %add3A_266 : vector<16xi32> to vector<1x16xi32>
      tpu.vector_store %arg8[%swap3A_267, %swap3A_268], %swap3A_271 {strides = array<i32>} : memref<8x128xi32, #tpu.memory_space<vmem>>, vector<1x16xi32>,
    }
    %scan3A_7 = arith.constant 8 : i32
    %scan3A_8 = arith.constant 0 : i32
    %scan3A_9 = arith.constant 0 : i32
    %mul3A_10 = arith.constant 8 : i32
    %mul3A_11 = arith.muli %scan3A_9, %mul3A_10 : i32
    %add3A_12 = arith.constant 0 : i32
    %add3A_13 = arith.addi %mul3A_11, %add3A_12 : i32
    %dma_start3A = arith.constant 0 : i32
    %dma_start3A_14 = tpu.memref_slice %arg9[%add3A_13, %dma_start3A] : memref<8x128xf32, #tpu.memory_space<vmem>> -> memref<1x128xf32, #tpu.memory_space<vmem>>
    %dma_start3A_15 = tpu.memref_squeeze %dma_start3A_14 : memref<1x128xf32, #tpu.memory_space<vmem>> -> memref<128xf32, #tpu.memory_space<vmem>>
    %dma_start3A_16 = arith.constant 0 : i32
    %dma_start3A_17 = tpu.memref_slice %arg8[%add3A_13, %dma_start3A_16] : memref<8x128xi32, #tpu.memory_space<vmem>> -> memref<1x128xi32, #tpu.memory_space<vmem>>
    %dma_start3A_18 = tpu.memref_squeeze %dma_start3A_17 : memref<1x128xi32, #tpu.memory_space<vmem>> -> memref<128xi32, #tpu.memory_space<vmem>>
    %dma_start3A_19 = arith.constant 0 : i32
    %dma_start3A_20 = tpu.memref_slice %arg4[%dma_start3A_19] : memref<2000128xf32, #tpu.memory_space<hbm>> -> memref<2000128xf32, #tpu.memory_space<hbm>>
    tpu.enqueue_indirect_dma source(%dma_start3A_20 : memref<2000128xf32, #tpu.memory_space<hbm>>) target(%dma_start3A_15 : memref<128xf32, #tpu.memory_space<vmem>>) offsets(%dma_start3A_18 : memref<128xi32, #tpu.memory_space<vmem>>) semaphore(%arg13 : memref<!tpu.dma_semaphore, #tpu.memory_space<semaphore_mem>>)
    %mul3A_21 = arith.constant 8 : i32
    %mul3A_22 = arith.muli %scan3A_9, %mul3A_21 : i32
    %add3A_23 = arith.constant 1 : i32
    %add3A_24 = arith.addi %mul3A_22, %add3A_23 : i32
    %dma_start3A_25 = arith.constant 0 : i32
    %dma_start3A_26 = tpu.memref_slice %arg9[%add3A_24, %dma_start3A_25] : memref<8x128xf32, #tpu.memory_space<vmem>> -> memref<1x128xf32, #tpu.memory_space<vmem>>
    %dma_start3A_27 = tpu.memref_squeeze %dma_start3A_26 : memref<1x128xf32, #tpu.memory_space<vmem>> -> memref<128xf32, #tpu.memory_space<vmem>>
    %dma_start3A_28 = arith.constant 0 : i32
    %dma_start3A_29 = tpu.memref_slice %arg8[%add3A_24, %dma_start3A_28] : memref<8x128xi32, #tpu.memory_space<vmem>> -> memref<1x128xi32, #tpu.memory_space<vmem>>
    %dma_start3A_30 = tpu.memref_squeeze %dma_start3A_29 : memref<1x128xi32, #tpu.memory_space<vmem>> -> memref<128xi32, #tpu.memory_space<vmem>>
    %dma_start3A_31 = arith.constant 0 : i32
    %dma_start3A_32 = tpu.memref_slice %arg4[%dma_start3A_31] : memref<2000128xf32, #tpu.memory_space<hbm>> -> memref<2000128xf32, #tpu.memory_space<hbm>>
    tpu.enqueue_indirect_dma source(%dma_start3A_32 : memref<2000128xf32, #tpu.memory_space<hbm>>) target(%dma_start3A_27 : memref<128xf32, #tpu.memory_space<vmem>>) offsets(%dma_start3A_30 : memref<128xi32, #tpu.memory_space<vmem>>) semaphore(%arg13 : memref<!tpu.dma_semaphore, #tpu.memory_space<semaphore_mem>>)
    %mul3A_33 = arith.constant 8 : i32
    %mul3A_34 = arith.muli %scan3A_9, %mul3A_33 : i32
    %add3A_35 = arith.constant 2 : i32
    %add3A_36 = arith.addi %mul3A_34, %add3A_35 : i32
    %dma_start3A_37 = arith.constant 0 : i32
    %dma_start3A_38 = tpu.memref_slice %arg9[%add3A_36, %dma_start3A_37] : memref<8x128xf32, #tpu.memory_space<vmem>> -> memref<1x128xf32, #tpu.memory_space<vmem>>
    %dma_start3A_39 = tpu.memref_squeeze %dma_start3A_38 : memref<1x128xf32, #tpu.memory_space<vmem>> -> memref<128xf32, #tpu.memory_space<vmem>>
    %dma_start3A_40 = arith.constant 0 : i32
    %dma_start3A_41 = tpu.memref_slice %arg8[%add3A_36, %dma_start3A_40] : memref<8x128xi32, #tpu.memory_space<vmem>> -> memref<1x128xi32, #tpu.memory_space<vmem>>
    %dma_start3A_42 = tpu.memref_squeeze %dma_start3A_41 : memref<1x128xi32, #tpu.memory_space<vmem>> -> memref<128xi32, #tpu.memory_space<vmem>>
    %dma_start3A_43 = arith.constant 0 : i32
    %dma_start3A_44 = tpu.memref_slice %arg4[%dma_start3A_43] : memref<2000128xf32, #tpu.memory_space<hbm>> -> memref<2000128xf32, #tpu.memory_space<hbm>>
    tpu.enqueue_indirect_dma source(%dma_start3A_44 : memref<2000128xf32, #tpu.memory_space<hbm>>) target(%dma_start3A_39 : memref<128xf32, #tpu.memory_space<vmem>>) offsets(%dma_start3A_42 : memref<128xi32, #tpu.memory_space<vmem>>) semaphore(%arg13 : memref<!tpu.dma_semaphore, #tpu.memory_space<semaphore_mem>>)
    %mul3A_45 = arith.constant 8 : i32
    %mul3A_46 = arith.muli %scan3A_9, %mul3A_45 : i32
    %add3A_47 = arith.constant 3 : i32
    %add3A_48 = arith.addi %mul3A_46, %add3A_47 : i32
    %dma_start3A_49 = arith.constant 0 : i32
    %dma_start3A_50 = tpu.memref_slice %arg9[%add3A_48, %dma_start3A_49] : memref<8x128xf32, #tpu.memory_space<vmem>> -> memref<1x128xf32, #tpu.memory_space<vmem>>
    %dma_start3A_51 = tpu.memref_squeeze %dma_start3A_50 : memref<1x128xf32, #tpu.memory_space<vmem>> -> memref<128xf32, #tpu.memory_space<vmem>>
    %dma_start3A_52 = arith.constant 0 : i32
    %dma_start3A_53 = tpu.memref_slice %arg8[%add3A_48, %dma_start3A_52] : memref<8x128xi32, #tpu.memory_space<vmem>> -> memref<1x128xi32, #tpu.memory_space<vmem>>
    %dma_start3A_54 = tpu.memref_squeeze %dma_start3A_53 : memref<1x128xi32, #tpu.memory_space<vmem>> -> memref<128xi32, #tpu.memory_space<vmem>>
    %dma_start3A_55 = arith.constant 0 : i32
    %dma_start3A_56 = tpu.memref_slice %arg4[%dma_start3A_55] : memref<2000128xf32, #tpu.memory_space<hbm>> -> memref<2000128xf32, #tpu.memory_space<hbm>>
    tpu.enqueue_indirect_dma source(%dma_start3A_56 : memref<2000128xf32, #tpu.memory_space<hbm>>) target(%dma_start3A_51 : memref<128xf32, #tpu.memory_space<vmem>>) offsets(%dma_start3A_54 : memref<128xi32, #tpu.memory_space<vmem>>) semaphore(%arg13 : memref<!tpu.dma_semaphore, #tpu.memory_space<semaphore_mem>>)
    %mul3A_57 = arith.constant 8 : i32
    %mul3A_58 = arith.muli %scan3A_9, %mul3A_57 : i32
    %add3A_59 = arith.constant 4 : i32
    %add3A_60 = arith.addi %mul3A_58, %add3A_59 : i32
    %dma_start3A_61 = arith.constant 0 : i32
    %dma_start3A_62 = tpu.memref_slice %arg9[%add3A_60, %dma_start3A_61] : memref<8x128xf32, #tpu.memory_space<vmem>> -> memref<1x128xf32, #tpu.memory_space<vmem>>
    %dma_start3A_63 = tpu.memref_squeeze %dma_start3A_62 : memref<1x128xf32, #tpu.memory_space<vmem>> -> memref<128xf32, #tpu.memory_space<vmem>>
    %dma_start3A_64 = arith.constant 0 : i32
    %dma_start3A_65 = tpu.memref_slice %arg8[%add3A_60, %dma_start3A_64] : memref<8x128xi32, #tpu.memory_space<vmem>> -> memref<1x128xi32, #tpu.memory_space<vmem>>
    %dma_start3A_66 = tpu.memref_squeeze %dma_start3A_65 : memref<1x128xi32, #tpu.memory_space<vmem>> -> memref<128xi32, #tpu.memory_space<vmem>>
    %dma_start3A_67 = arith.constant 0 : i32
    %dma_start3A_68 = tpu.memref_slice %arg4[%dma_start3A_67] : memref<2000128xf32, #tpu.memory_space<hbm>> -> memref<2000128xf32, #tpu.memory_space<hbm>>
    tpu.enqueue_indirect_dma source(%dma_start3A_68 : memref<2000128xf32, #tpu.memory_space<hbm>>) target(%dma_start3A_63 : memref<128xf32, #tpu.memory_space<vmem>>) offsets(%dma_start3A_66 : memref<128xi32, #tpu.memory_space<vmem>>) semaphore(%arg13 : memref<!tpu.dma_semaphore, #tpu.memory_space<semaphore_mem>>)
    %mul3A_69 = arith.constant 8 : i32
    %mul3A_70 = arith.muli %scan3A_9, %mul3A_69 : i32
    %add3A_71 = arith.constant 5 : i32
    %add3A_72 = arith.addi %mul3A_70, %add3A_71 : i32
    %dma_start3A_73 = arith.constant 0 : i32
    %dma_start3A_74 = tpu.memref_slice %arg9[%add3A_72, %dma_start3A_73] : memref<8x128xf32, #tpu.memory_space<vmem>> -> memref<1x128xf32, #tpu.memory_space<vmem>>
    %dma_start3A_75 = tpu.memref_squeeze %dma_start3A_74 : memref<1x128xf32, #tpu.memory_space<vmem>> -> memref<128xf32, #tpu.memory_space<vmem>>
    %dma_start3A_76 = arith.constant 0 : i32
    %dma_start3A_77 = tpu.memref_slice %arg8[%add3A_72, %dma_start3A_76] : memref<8x128xi32, #tpu.memory_space<vmem>> -> memref<1x128xi32, #tpu.memory_space<vmem>>
    %dma_start3A_78 = tpu.memref_squeeze %dma_start3A_77 : memref<1x128xi32, #tpu.memory_space<vmem>> -> memref<128xi32, #tpu.memory_space<vmem>>
    %dma_start3A_79 = arith.constant 0 : i32
    %dma_start3A_80 = tpu.memref_slice %arg4[%dma_start3A_79] : memref<2000128xf32, #tpu.memory_space<hbm>> -> memref<2000128xf32, #tpu.memory_space<hbm>>
    tpu.enqueue_indirect_dma source(%dma_start3A_80 : memref<2000128xf32, #tpu.memory_space<hbm>>) target(%dma_start3A_75 : memref<128xf32, #tpu.memory_space<vmem>>) offsets(%dma_start3A_78 : memref<128xi32, #tpu.memory_space<vmem>>) semaphore(%arg13 : memref<!tpu.dma_semaphore, #tpu.memory_space<semaphore_mem>>)
    %mul3A_81 = arith.constant 8 : i32
    %mul3A_82 = arith.muli %scan3A_9, %mul3A_81 : i32
    %add3A_83 = arith.constant 6 : i32
    %add3A_84 = arith.addi %mul3A_82, %add3A_83 : i32
    %dma_start3A_85 = arith.constant 0 : i32
    %dma_start3A_86 = tpu.memref_slice %arg9[%add3A_84, %dma_start3A_85] : memref<8x128xf32, #tpu.memory_space<vmem>> -> memref<1x128xf32, #tpu.memory_space<vmem>>
    %dma_start3A_87 = tpu.memref_squeeze %dma_start3A_86 : memref<1x128xf32, #tpu.memory_space<vmem>> -> memref<128xf32, #tpu.memory_space<vmem>>
    %dma_start3A_88 = arith.constant 0 : i32
    %dma_start3A_89 = tpu.memref_slice %arg8[%add3A_84, %dma_start3A_88] : memref<8x128xi32, #tpu.memory_space<vmem>> -> memref<1x128xi32, #tpu.memory_space<vmem>>
    %dma_start3A_90 = tpu.memref_squeeze %dma_start3A_89 : memref<1x128xi32, #tpu.memory_space<vmem>> -> memref<128xi32, #tpu.memory_space<vmem>>
    %dma_start3A_91 = arith.constant 0 : i32
    %dma_start3A_92 = tpu.memref_slice %arg4[%dma_start3A_91] : memref<2000128xf32, #tpu.memory_space<hbm>> -> memref<2000128xf32, #tpu.memory_space<hbm>>
    tpu.enqueue_indirect_dma source(%dma_start3A_92 : memref<2000128xf32, #tpu.memory_space<hbm>>) target(%dma_start3A_87 : memref<128xf32, #tpu.memory_space<vmem>>) offsets(%dma_start3A_90 : memref<128xi32, #tpu.memory_space<vmem>>) semaphore(%arg13 : memref<!tpu.dma_semaphore, #tpu.memory_space<semaphore_mem>>)
    %mul3A_93 = arith.constant 8 : i32
    %mul3A_94 = arith.muli %scan3A_9, %mul3A_93 : i32
    %add3A_95 = arith.constant 7 : i32
    %add3A_96 = arith.addi %mul3A_94, %add3A_95 : i32
    %dma_start3A_97 = arith.constant 0 : i32
    %dma_start3A_98 = tpu.memref_slice %arg9[%add3A_96, %dma_start3A_97] : memref<8x128xf32, #tpu.memory_space<vmem>> -> memref<1x128xf32, #tpu.memory_space<vmem>>
    %dma_start3A_99 = tpu.memref_squeeze %dma_start3A_98 : memref<1x128xf32, #tpu.memory_space<vmem>> -> memref<128xf32, #tpu.memory_space<vmem>>
    %dma_start3A_100 = arith.constant 0 : i32
    %dma_start3A_101 = tpu.memref_slice %arg8[%add3A_96, %dma_start3A_100] : memref<8x128xi32, #tpu.memory_space<vmem>> -> memref<1x128xi32, #tpu.memory_space<vmem>>
    %dma_start3A_102 = tpu.memref_squeeze %dma_start3A_101 : memref<1x128xi32, #tpu.memory_space<vmem>> -> memref<128xi32, #tpu.memory_space<vmem>>
    %dma_start3A_103 = arith.constant 0 : i32
    %dma_start3A_104 = tpu.memref_slice %arg4[%dma_start3A_103] : memref<2000128xf32, #tpu.memory_space<hbm>> -> memref<2000128xf32, #tpu.memory_space<hbm>>
    tpu.enqueue_indirect_dma source(%dma_start3A_104 : memref<2000128xf32, #tpu.memory_space<hbm>>) target(%dma_start3A_99 : memref<128xf32, #tpu.memory_space<vmem>>) offsets(%dma_start3A_102 : memref<128xi32, #tpu.memory_space<vmem>>) semaphore(%arg13 : memref<!tpu.dma_semaphore, #tpu.memory_space<semaphore_mem>>)
    %dma_wait3A = arith.constant 0 : i32
    %dma_wait3A_105 = tpu.memref_slice %arg9[%add3A_13, %dma_wait3A] : memref<8x128xf32, #tpu.memory_space<vmem>> -> memref<1x128xf32, #tpu.memory_space<vmem>>
    %dma_wait3A_106 = tpu.memref_squeeze %dma_wait3A_105 : memref<1x128xf32, #tpu.memory_space<vmem>> -> memref<128xf32, #tpu.memory_space<vmem>>
    %dma_wait3A_107 = arith.constant 0 : i32
    %dma_wait3A_108 = tpu.memref_slice %arg8[%add3A_13, %dma_wait3A_107] : memref<8x128xi32, #tpu.memory_space<vmem>> -> memref<1x128xi32, #tpu.memory_space<vmem>>
    %dma_wait3A_109 = tpu.memref_squeeze %dma_wait3A_108 : memref<1x128xi32, #tpu.memory_space<vmem>> -> memref<128xi32, #tpu.memory_space<vmem>>
    %dma_wait3A_110 = arith.constant 0 : i32
    %dma_wait3A_111 = tpu.memref_slice %arg4[%dma_wait3A_110] : memref<2000128xf32, #tpu.memory_space<hbm>> -> memref<2000128xf32, #tpu.memory_space<hbm>>
    tpu.wait_indirect_dma semaphore(%arg13 : memref<!tpu.dma_semaphore, #tpu.memory_space<semaphore_mem>>) src(%dma_wait3A_111 : memref<2000128xf32, #tpu.memory_space<hbm>>) dst(%dma_wait3A_106 : memref<128xf32, #tpu.memory_space<vmem>>)
    %dma_wait3A_112 = arith.constant 0 : i32
    %dma_wait3A_113 = tpu.memref_slice %arg9[%add3A_24, %dma_wait3A_112] : memref<8x128xf32, #tpu.memory_space<vmem>> -> memref<1x128xf32, #tpu.memory_space<vmem>>
    %dma_wait3A_114 = tpu.memref_squeeze %dma_wait3A_113 : memref<1x128xf32, #tpu.memory_space<vmem>> -> memref<128xf32, #tpu.memory_space<vmem>>
    %dma_wait3A_115 = arith.constant 0 : i32
    %dma_wait3A_116 = tpu.memref_slice %arg8[%add3A_24, %dma_wait3A_115] : memref<8x128xi32, #tpu.memory_space<vmem>> -> memref<1x128xi32, #tpu.memory_space<vmem>>
    %dma_wait3A_117 = tpu.memref_squeeze %dma_wait3A_116 : memref<1x128xi32, #tpu.memory_space<vmem>> -> memref<128xi32, #tpu.memory_space<vmem>>
    %dma_wait3A_118 = arith.constant 0 : i32
    %dma_wait3A_119 = tpu.memref_slice %arg4[%dma_wait3A_118] : memref<2000128xf32, #tpu.memory_space<hbm>> -> memref<2000128xf32, #tpu.memory_space<hbm>>
    tpu.wait_indirect_dma semaphore(%arg13 : memref<!tpu.dma_semaphore, #tpu.memory_space<semaphore_mem>>) src(%dma_wait3A_119 : memref<2000128xf32, #tpu.memory_space<hbm>>) dst(%dma_wait3A_114 : memref<128xf32, #tpu.memory_space<vmem>>)
    %dma_wait3A_120 = arith.constant 0 : i32
    %dma_wait3A_121 = tpu.memref_slice %arg9[%add3A_36, %dma_wait3A_120] : memref<8x128xf32, #tpu.memory_space<vmem>> -> memref<1x128xf32, #tpu.memory_space<vmem>>
    %dma_wait3A_122 = tpu.memref_squeeze %dma_wait3A_121 : memref<1x128xf32, #tpu.memory_space<vmem>> -> memref<128xf32, #tpu.memory_space<vmem>>
    %dma_wait3A_123 = arith.constant 0 : i32
    %dma_wait3A_124 = tpu.memref_slice %arg8[%add3A_36, %dma_wait3A_123] : memref<8x128xi32, #tpu.memory_space<vmem>> -> memref<1x128xi32, #tpu.memory_space<vmem>>
    %dma_wait3A_125 = tpu.memref_squeeze %dma_wait3A_124 : memref<1x128xi32, #tpu.memory_space<vmem>> -> memref<128xi32, #tpu.memory_space<vmem>>
    %dma_wait3A_126 = arith.constant 0 : i32
    %dma_wait3A_127 = tpu.memref_slice %arg4[%dma_wait3A_126] : memref<2000128xf32, #tpu.memory_space<hbm>> -> memref<2000128xf32, #tpu.memory_space<hbm>>
    tpu.wait_indirect_dma semaphore(%arg13 : memref<!tpu.dma_semaphore, #tpu.memory_space<semaphore_mem>>) src(%dma_wait3A_127 : memref<2000128xf32, #tpu.memory_space<hbm>>) dst(%dma_wait3A_122 : memref<128xf32, #tpu.memory_space<vmem>>)
    %dma_wait3A_128 = arith.constant 0 : i32
    %dma_wait3A_129 = tpu.memref_slice %arg9[%add3A_48, %dma_wait3A_128] : memref<8x128xf32, #tpu.memory_space<vmem>> -> memref<1x128xf32, #tpu.memory_space<vmem>>
    %dma_wait3A_130 = tpu.memref_squeeze %dma_wait3A_129 : memref<1x128xf32, #tpu.memory_space<vmem>> -> memref<128xf32, #tpu.memory_space<vmem>>
    %dma_wait3A_131 = arith.constant 0 : i32
    %dma_wait3A_132 = tpu.memref_slice %arg8[%add3A_48, %dma_wait3A_131] : memref<8x128xi32, #tpu.memory_space<vmem>> -> memref<1x128xi32, #tpu.memory_space<vmem>>
    %dma_wait3A_133 = tpu.memref_squeeze %dma_wait3A_132 : memref<1x128xi32, #tpu.memory_space<vmem>> -> memref<128xi32, #tpu.memory_space<vmem>>
    %dma_wait3A_134 = arith.constant 0 : i32
    %dma_wait3A_135 = tpu.memref_slice %arg4[%dma_wait3A_134] : memref<2000128xf32, #tpu.memory_space<hbm>> -> memref<2000128xf32, #tpu.memory_space<hbm>>
    tpu.wait_indirect_dma semaphore(%arg13 : memref<!tpu.dma_semaphore, #tpu.memory_space<semaphore_mem>>) src(%dma_wait3A_135 : memref<2000128xf32, #tpu.memory_space<hbm>>) dst(%dma_wait3A_130 : memref<128xf32, #tpu.memory_space<vmem>>)
    %dma_wait3A_136 = arith.constant 0 : i32
    %dma_wait3A_137 = tpu.memref_slice %arg9[%add3A_60, %dma_wait3A_136] : memref<8x128xf32, #tpu.memory_space<vmem>> -> memref<1x128xf32, #tpu.memory_space<vmem>>
    %dma_wait3A_138 = tpu.memref_squeeze %dma_wait3A_137 : memref<1x128xf32, #tpu.memory_space<vmem>> -> memref<128xf32, #tpu.memory_space<vmem>>
    %dma_wait3A_139 = arith.constant 0 : i32
    %dma_wait3A_140 = tpu.memref_slice %arg8[%add3A_60, %dma_wait3A_139] : memref<8x128xi32, #tpu.memory_space<vmem>> -> memref<1x128xi32, #tpu.memory_space<vmem>>
    %dma_wait3A_141 = tpu.memref_squeeze %dma_wait3A_140 : memref<1x128xi32, #tpu.memory_space<vmem>> -> memref<128xi32, #tpu.memory_space<vmem>>
    %dma_wait3A_142 = arith.constant 0 : i32
    %dma_wait3A_143 = tpu.memref_slice %arg4[%dma_wait3A_142] : memref<2000128xf32, #tpu.memory_space<hbm>> -> memref<2000128xf32, #tpu.memory_space<hbm>>
    tpu.wait_indirect_dma semaphore(%arg13 : memref<!tpu.dma_semaphore, #tpu.memory_space<semaphore_mem>>) src(%dma_wait3A_143 : memref<2000128xf32, #tpu.memory_space<hbm>>) dst(%dma_wait3A_138 : memref<128xf32, #tpu.memory_space<vmem>>)
    %dma_wait3A_144 = arith.constant 0 : i32
    %dma_wait3A_145 = tpu.memref_slice %arg9[%add3A_72, %dma_wait3A_144] : memref<8x128xf32, #tpu.memory_space<vmem>> -> memref<1x128xf32, #tpu.memory_space<vmem>>
    %dma_wait3A_146 = tpu.memref_squeeze %dma_wait3A_145 : memref<1x128xf32, #tpu.memory_space<vmem>> -> memref<128xf32, #tpu.memory_space<vmem>>
    %dma_wait3A_147 = arith.constant 0 : i32
    %dma_wait3A_148 = tpu.memref_slice %arg8[%add3A_72, %dma_wait3A_147] : memref<8x128xi32, #tpu.memory_space<vmem>> -> memref<1x128xi32, #tpu.memory_space<vmem>>
    %dma_wait3A_149 = tpu.memref_squeeze %dma_wait3A_148 : memref<1x128xi32, #tpu.memory_space<vmem>> -> memref<128xi32, #tpu.memory_space<vmem>>
    %dma_wait3A_150 = arith.constant 0 : i32
    %dma_wait3A_151 = tpu.memref_slice %arg4[%dma_wait3A_150] : memref<2000128xf32, #tpu.memory_space<hbm>> -> memref<2000128xf32, #tpu.memory_space<hbm>>
    tpu.wait_indirect_dma semaphore(%arg13 : memref<!tpu.dma_semaphore, #tpu.memory_space<semaphore_mem>>) src(%dma_wait3A_151 : memref<2000128xf32, #tpu.memory_space<hbm>>) dst(%dma_wait3A_146 : memref<128xf32, #tpu.memory_space<vmem>>)
    %dma_wait3A_152 = arith.constant 0 : i32
    %dma_wait3A_153 = tpu.memref_slice %arg9[%add3A_84, %dma_wait3A_152] : memref<8x128xf32, #tpu.memory_space<vmem>> -> memref<1x128xf32, #tpu.memory_space<vmem>>
    %dma_wait3A_154 = tpu.memref_squeeze %dma_wait3A_153 : memref<1x128xf32, #tpu.memory_space<vmem>> -> memref<128xf32, #tpu.memory_space<vmem>>
    %dma_wait3A_155 = arith.constant 0 : i32
    %dma_wait3A_156 = tpu.memref_slice %arg8[%add3A_84, %dma_wait3A_155] : memref<8x128xi32, #tpu.memory_space<vmem>> -> memref<1x128xi32, #tpu.memory_space<vmem>>
    %dma_wait3A_157 = tpu.memref_squeeze %dma_wait3A_156 : memref<1x128xi32, #tpu.memory_space<vmem>> -> memref<128xi32, #tpu.memory_space<vmem>>
    %dma_wait3A_158 = arith.constant 0 : i32
    %dma_wait3A_159 = tpu.memref_slice %arg4[%dma_wait3A_158] : memref<2000128xf32, #tpu.memory_space<hbm>> -> memref<2000128xf32, #tpu.memory_space<hbm>>
    tpu.wait_indirect_dma semaphore(%arg13 : memref<!tpu.dma_semaphore, #tpu.memory_space<semaphore_mem>>) src(%dma_wait3A_159 : memref<2000128xf32, #tpu.memory_space<hbm>>) dst(%dma_wait3A_154 : memref<128xf32, #tpu.memory_space<vmem>>)
    %dma_wait3A_160 = arith.constant 0 : i32
    %dma_wait3A_161 = tpu.memref_slice %arg9[%add3A_96, %dma_wait3A_160] : memref<8x128xf32, #tpu.memory_space<vmem>> -> memref<1x128xf32, #tpu.memory_space<vmem>>
    %dma_wait3A_162 = tpu.memref_squeeze %dma_wait3A_161 : memref<1x128xf32, #tpu.memory_space<vmem>> -> memref<128xf32, #tpu.memory_space<vmem>>
    %dma_wait3A_163 = arith.constant 0 : i32
    %dma_wait3A_164 = tpu.memref_slice %arg8[%add3A_96, %dma_wait3A_163] : memref<8x128xi32, #tpu.memory_space<vmem>> -> memref<1x128xi32, #tpu.memory_space<vmem>>
    %dma_wait3A_165 = tpu.memref_squeeze %dma_wait3A_164 : memref<1x128xi32, #tpu.memory_space<vmem>> -> memref<128xi32, #tpu.memory_space<vmem>>
    %dma_wait3A_166 = arith.constant 0 : i32
    %dma_wait3A_167 = tpu.memref_slice %arg4[%dma_wait3A_166] : memref<2000128xf32, #tpu.memory_space<hbm>> -> memref<2000128xf32, #tpu.memory_space<hbm>>
    tpu.wait_indirect_dma semaphore(%arg13 : memref<!tpu.dma_semaphore, #tpu.memory_space<semaphore_mem>>) src(%dma_wait3A_167 : memref<2000128xf32, #tpu.memory_space<hbm>>) dst(%dma_wait3A_162 : memref<128xf32, #tpu.memory_space<vmem>>)
    %scan3A_168 = arith.constant 1 : i32
    %scan3A_169 = arith.constant 0 : i32
    %scan3A_170 = arith.constant 0 : i32
    %scan3A_171 = arith.constant 32 : i32
    %scan3A_172 = arith.addi %scan3A_170, %scan3A_171 : i32
    %scan3A_173 = arith.constant 1 : i32
    scf.for %scan3A_175 = %scan3A_170 to %scan3A_172 step %scan3A_173  : i32 {
      %jit3A = arith.constant 8 : i32
      %div3A = arith.divsi %scan3A_175, %jit3A : i32
      %sign3A = arith.constant 0 : i32
      %sign3A_176 = arith.cmpi sgt, %scan3A_175, %sign3A : i32
      %sign3A_177 = arith.extui %sign3A_176 : i1 to i32
      %sign3A_178 = arith.constant 0 : i32
      %sign3A_179 = arith.cmpi slt, %scan3A_175, %sign3A_178 : i32
      %sign3A_180 = arith.extui %sign3A_179 : i1 to i32
      %sign3A_181 = arith.subi %sign3A_177, %sign3A_180 : i32
      %sign3A_182 = arith.constant 0 : i32
      %sign3A_183 = arith.cmpi sgt, %jit3A, %sign3A_182 : i32
      %sign3A_184 = arith.extui %sign3A_183 : i1 to i32
      %sign3A_185 = arith.constant 0 : i32
      %sign3A_186 = arith.cmpi slt, %jit3A, %sign3A_185 : i32
      %sign3A_187 = arith.extui %sign3A_186 : i1 to i32
      %sign3A_188 = arith.subi %sign3A_184, %sign3A_187 : i32
      %ne3A = arith.cmpi ne, %sign3A_181, %sign3A_188 : i32
      %rem3A = arith.remsi %scan3A_175, %jit3A : i32
      %ne3A_189 = arith.constant 0 : i32
      %ne3A_190 = arith.cmpi ne, %rem3A, %ne3A_189 : i32
      %and3A = arith.andi %ne3A, %ne3A_190 : i1
      %sub3A = arith.constant 1 : i32
      %sub3A_191 = arith.subi %div3A, %sub3A : i32
      %select_n3A = arith.select %and3A, %sub3A_191, %div3A : i32
      %jit3A_192 = arith.constant 8 : i32
      %eq3A = arith.constant 0 : i32
      %eq3A_193 = arith.cmpi eq, %jit3A_192, %eq3A : i32
      %jit3A_194 = arith.constant 1 : i32
      %select_n3A_195 = arith.select %eq3A_193, %jit3A_194, %jit3A_192 : i32
      %rem3A_196 = arith.remsi %scan3A_175, %select_n3A_195 : i32
      %ne3A_197 = arith.constant 0 : i32
      %ne3A_198 = arith.cmpi ne, %rem3A_196, %ne3A_197 : i32
      %lt3A = arith.constant 0 : i32
      %lt3A_199 = arith.cmpi slt, %rem3A_196, %lt3A : i32
      %lt3A_200 = arith.constant 0 : i32
      %lt3A_201 = arith.cmpi slt, %select_n3A_195, %lt3A_200 : i32
      %ne3A_202 = arith.xori %lt3A_199, %lt3A_201 : i1
      %and3A_203 = arith.andi %ne3A_202, %ne3A_198 : i1
      %add3A_204 = arith.addi %rem3A_196, %select_n3A_195 : i32
      %select_n3A_205 = arith.select %and3A_203, %add3A_204, %rem3A_196 : i32
      %mul3A_206 = arith.constant 16 : i32
      %mul3A_207 = arith.muli %select_n3A_205, %mul3A_206 : i32
      %get3A = arith.index_cast %select_n3A : i32 to index
      %get3A_208 = arith.index_cast %mul3A_207 : i32 to index
      %get3A_209 = tpu.vector_load %arg9[%get3A, %get3A_208] {strides = array<i32>} : memref<8x128xf32, #tpu.memory_space<vmem>>, vector<1x16xf32>,
      %get3A_210 = vector.shape_cast %get3A_209 : vector<1x16xf32> to vector<16xf32>
      %add3A_211 = arith.constant 4 : i32
      %add3A_212 = arith.addi %add3A_211, %select_n3A : i32
      %get3A_213 = arith.index_cast %add3A_212 : i32 to index
      %get3A_214 = arith.index_cast %mul3A_207 : i32 to index
      %get3A_215 = tpu.vector_load %arg9[%get3A_213, %get3A_214] {strides = array<i32>} : memref<8x128xf32, #tpu.memory_space<vmem>>, vector<1x16xf32>,
      %get3A_216 = vector.shape_cast %get3A_215 : vector<1x16xf32> to vector<16xf32>
      %add3A_217 = arith.addf %get3A_210, %get3A_216 : vector<16xf32>
      %mul3A_218 = arith.constant 16 : i32
      %mul3A_219 = arith.muli %scan3A_175, %mul3A_218 : i32
      %swap3A = arith.index_cast %mul3A_219 : i32 to index
      %swap3A_220 = tpu.vector_load %arg12[%swap3A] {strides = array<i32>} : memref<512xf32, #tpu.memory_space<vmem>>, vector<16xf32>,
      %swap3A_221 = vector.shape_cast %swap3A_220 : vector<16xf32> to vector<16xf32>
      %swap3A_222 = vector.shape_cast %add3A_217 : vector<16xf32> to vector<16xf32>
      tpu.vector_store %arg12[%swap3A], %swap3A_222 {strides = array<i32>} : memref<512xf32, #tpu.memory_space<vmem>>, vector<16xf32>,
    }
    %scan3A_174 = arith.constant 32 : i32
    "tpu.region"() ({
      %run_scoped3A = tpu.sem_alloc : memref<!tpu.dma_semaphore, #tpu.memory_space<semaphore_mem>>
      %dma_start3A_175 = tpu.memref_slice %arg6[%mul3A_2] : memref<16384xf32, #tpu.memory_space<hbm>> -> memref<512xf32, #tpu.memory_space<hbm>>
      %dma_start3A_176 = tpu.memref_slice %arg6[%mul3A_2] : memref<16384xf32, #tpu.memory_space<hbm>> -> memref<512xf32, #tpu.memory_space<hbm>>
      tpu.enqueue_dma source(%arg12 : memref<512xf32, #tpu.memory_space<vmem>>) target(%dma_start3A_176 : memref<512xf32, #tpu.memory_space<hbm>>) target_semaphore(%run_scoped3A : memref<!tpu.dma_semaphore, #tpu.memory_space<semaphore_mem>>)
      %dma_wait3A_177 = tpu.memref_slice %arg6[%mul3A_2] : memref<16384xf32, #tpu.memory_space<hbm>> -> memref<512xf32, #tpu.memory_space<hbm>>
      %dma_wait3A_178 = tpu.memref_slice %arg6[%mul3A_2] : memref<16384xf32, #tpu.memory_space<hbm>> -> memref<512xf32, #tpu.memory_space<hbm>>
      tpu.wait_dma2 semaphore(%run_scoped3A : memref<!tpu.dma_semaphore, #tpu.memory_space<semaphore_mem>>) src(%arg12 : memref<512xf32, #tpu.memory_space<vmem>>) dst(%dma_wait3A_178 : memref<512xf32, #tpu.memory_space<hbm>>)
      tpu.yield
    }) : () -> ()
    return
  }
}

#map = affine_map<(d0, d1) -> (0, 0, 0)>
#map1 = affine_map<(d0, d1) -> (0)>
#map2 = affine_map<(d0, d1) -> (0, 0)>
module attributes {stable_mosaic.version = 14 : i64} {
  func.func @body(%arg0: i32, %arg1: i32, %arg2: memref<32x32x128xf32, #tpu.memory_space<hbm>>, %arg3: memref<32x16x512xf32, #tpu.memory_space<hbm>>, %arg4: memref<8000512xf32, #tpu.memory_space<hbm>>, %arg5: memref<13x16xf32, #tpu.memory_space<hbm>>, %arg6: memref<16384xf32, #tpu.memory_space<hbm>>, %arg7: memref<32x128xf32, #tpu.memory_space<vmem>>, %arg8: memref<32x128xi32, #tpu.memory_space<vmem>>, %arg9: memref<32x128xf32, #tpu.memory_space<vmem>>, %arg10: memref<16x512xf32, #tpu.memory_space<vmem>>, %arg11: memref<13x16xf32, #tpu.memory_space<vmem>>, %arg12: memref<512xf32, #tpu.memory_space<vmem>>, %arg13: memref<!tpu.dma_semaphore, #tpu.memory_space<semaphore_mem>>) attributes {dimension_semantics = [#tpu.dimension_semantics<core_parallel>, #tpu.dimension_semantics<subcore_parallel>], iteration_bounds = array<i64: 2, 16>, scalar_prefetch = 0 : i64, scratch_operands = 7 : i64, tpu.core_type = #tpu.core_type<sc_vector_subcore>, window_params = [{transform_indices = #map}, {transform_indices = #map}, {transform_indices = #map1}, {transform_indices = #map2}, {transform_indices = #map1}]} {
    %mul3A = arith.constant 2 : i32
    %mul3A_0 = arith.muli %arg1, %mul3A : i32
    %add3A = arith.addi %mul3A_0, %arg0 : i32
    %mul3A_1 = arith.constant 512 : i32
    %mul3A_2 = arith.muli %add3A, %mul3A_1 : i32
    "tpu.region"() ({
      %run_scoped3A = tpu.sem_alloc : memref<!tpu.dma_semaphore, #tpu.memory_space<semaphore_mem>>
      %dma_start3A = arith.constant 0 : i32
      %dma_start3A_20 = arith.constant 0 : i32
      %dma_start3A_21 = tpu.memref_slice %arg2[%add3A, %dma_start3A, %dma_start3A_20] : memref<32x32x128xf32, #tpu.memory_space<hbm>> -> memref<1x32x128xf32, #tpu.memory_space<hbm>>
      %dma_start3A_22 = tpu.memref_squeeze %dma_start3A_21 : memref<1x32x128xf32, #tpu.memory_space<hbm>> -> memref<32x128xf32, #tpu.memory_space<hbm>>
      %dma_start3A_23 = arith.constant 0 : i32
      %dma_start3A_24 = arith.constant 0 : i32
      %dma_start3A_25 = tpu.memref_slice %arg2[%add3A, %dma_start3A_23, %dma_start3A_24] : memref<32x32x128xf32, #tpu.memory_space<hbm>> -> memref<1x32x128xf32, #tpu.memory_space<hbm>>
      %dma_start3A_26 = tpu.memref_squeeze %dma_start3A_25 : memref<1x32x128xf32, #tpu.memory_space<hbm>> -> memref<32x128xf32, #tpu.memory_space<hbm>>
      tpu.enqueue_dma source(%dma_start3A_26 : memref<32x128xf32, #tpu.memory_space<hbm>>) target(%arg7 : memref<32x128xf32, #tpu.memory_space<vmem>>) target_semaphore(%run_scoped3A : memref<!tpu.dma_semaphore, #tpu.memory_space<semaphore_mem>>)
      %dma_wait3A = arith.constant 0 : i32
      %dma_wait3A_27 = arith.constant 0 : i32
      %dma_wait3A_28 = tpu.memref_slice %arg2[%add3A, %dma_wait3A, %dma_wait3A_27] : memref<32x32x128xf32, #tpu.memory_space<hbm>> -> memref<1x32x128xf32, #tpu.memory_space<hbm>>
      %dma_wait3A_29 = tpu.memref_squeeze %dma_wait3A_28 : memref<1x32x128xf32, #tpu.memory_space<hbm>> -> memref<32x128xf32, #tpu.memory_space<hbm>>
      %dma_wait3A_30 = arith.constant 0 : i32
      %dma_wait3A_31 = arith.constant 0 : i32
      %dma_wait3A_32 = tpu.memref_slice %arg2[%add3A, %dma_wait3A_30, %dma_wait3A_31] : memref<32x32x128xf32, #tpu.memory_space<hbm>> -> memref<1x32x128xf32, #tpu.memory_space<hbm>>
      %dma_wait3A_33 = tpu.memref_squeeze %dma_wait3A_32 : memref<1x32x128xf32, #tpu.memory_space<hbm>> -> memref<32x128xf32, #tpu.memory_space<hbm>>
      tpu.wait_dma2 semaphore(%run_scoped3A : memref<!tpu.dma_semaphore, #tpu.memory_space<semaphore_mem>>) src(%dma_wait3A_33 : memref<32x128xf32, #tpu.memory_space<hbm>>) dst(%arg7 : memref<32x128xf32, #tpu.memory_space<vmem>>)
      tpu.yield
    }) : () -> ()
    %scan3A = arith.constant 0 : i32
    %scan3A_3 = arith.constant 0 : i32
    %scan3A_4 = arith.constant 32 : i32
    %scan3A_5 = arith.addi %scan3A_3, %scan3A_4 : i32
    %scan3A_6 = arith.constant 1 : i32
    scf.for %scan3A_20 = %scan3A_3 to %scan3A_5 step %scan3A_6  : i32 {
      %shift_right_arithmetic3A = arith.constant 2 : i32
      %shift_right_arithmetic3A_21 = arith.shrsi %scan3A_20, %shift_right_arithmetic3A : i32
      %mul3A_22 = arith.constant 1000064 : i32
      %mul3A_23 = arith.muli %shift_right_arithmetic3A_21, %mul3A_22 : i32
      %get3A = arith.index_cast %scan3A_20 : i32 to index
      %get3A_24 = arith.constant 0 : index
      %get3A_25 = tpu.vector_load %arg7[%get3A, %get3A_24] {strides = array<i32>} : memref<32x128xf32, #tpu.memory_space<vmem>>, vector<1x16xf32>,
      %get3A_26 = vector.shape_cast %get3A_25 : vector<1x16xf32> to vector<16xf32>
      %convert_element_type3A = arith.fptosi %get3A_26 : vector<16xf32> to vector<16xi32>
      %add3A_27 = vector.broadcast %mul3A_23 : i32 to vector<16xi32>
      %add3A_28 = arith.addi %convert_element_type3A, %add3A_27 : vector<16xi32>
      %swap3A = arith.index_cast %scan3A_20 : i32 to index
      %swap3A_29 = arith.constant 0 : index
      %swap3A_30 = tpu.vector_load %arg8[%swap3A, %swap3A_29] {strides = array<i32>} : memref<32x128xi32, #tpu.memory_space<vmem>>, vector<1x16xi32>,
      %swap3A_31 = vector.shape_cast %swap3A_30 : vector<1x16xi32> to vector<16xi32>
      %swap3A_32 = vector.shape_cast %add3A_28 : vector<16xi32> to vector<1x16xi32>
      tpu.vector_store %arg8[%swap3A, %swap3A_29], %swap3A_32 {strides = array<i32>} : memref<32x128xi32, #tpu.memory_space<vmem>>, vector<1x16xi32>,
      %get3A_33 = arith.index_cast %scan3A_20 : i32 to index
      %get3A_34 = arith.constant 16 : index
      %get3A_35 = tpu.vector_load %arg7[%get3A_33, %get3A_34] {strides = array<i32>} : memref<32x128xf32, #tpu.memory_space<vmem>>, vector<1x16xf32>,
      %get3A_36 = vector.shape_cast %get3A_35 : vector<1x16xf32> to vector<16xf32>
      %convert_element_type3A_37 = arith.fptosi %get3A_36 : vector<16xf32> to vector<16xi32>
      %add3A_38 = vector.broadcast %mul3A_23 : i32 to vector<16xi32>
      %add3A_39 = arith.addi %convert_element_type3A_37, %add3A_38 : vector<16xi32>
      %swap3A_40 = arith.index_cast %scan3A_20 : i32 to index
      %swap3A_41 = arith.constant 16 : index
      %swap3A_42 = tpu.vector_load %arg8[%swap3A_40, %swap3A_41] {strides = array<i32>} : memref<32x128xi32, #tpu.memory_space<vmem>>, vector<1x16xi32>,
      %swap3A_43 = vector.shape_cast %swap3A_42 : vector<1x16xi32> to vector<16xi32>
      %swap3A_44 = vector.shape_cast %add3A_39 : vector<16xi32> to vector<1x16xi32>
      tpu.vector_store %arg8[%swap3A_40, %swap3A_41], %swap3A_44 {strides = array<i32>} : memref<32x128xi32, #tpu.memory_space<vmem>>, vector<1x16xi32>,
      %get3A_45 = arith.index_cast %scan3A_20 : i32 to index
      %get3A_46 = arith.constant 32 : index
      %get3A_47 = tpu.vector_load %arg7[%get3A_45, %get3A_46] {strides = array<i32>} : memref<32x128xf32, #tpu.memory_space<vmem>>, vector<1x16xf32>,
      %get3A_48 = vector.shape_cast %get3A_47 : vector<1x16xf32> to vector<16xf32>
      %convert_element_type3A_49 = arith.fptosi %get3A_48 : vector<16xf32> to vector<16xi32>
      %add3A_50 = vector.broadcast %mul3A_23 : i32 to vector<16xi32>
      %add3A_51 = arith.addi %convert_element_type3A_49, %add3A_50 : vector<16xi32>
      %swap3A_52 = arith.index_cast %scan3A_20 : i32 to index
      %swap3A_53 = arith.constant 32 : index
      %swap3A_54 = tpu.vector_load %arg8[%swap3A_52, %swap3A_53] {strides = array<i32>} : memref<32x128xi32, #tpu.memory_space<vmem>>, vector<1x16xi32>,
      %swap3A_55 = vector.shape_cast %swap3A_54 : vector<1x16xi32> to vector<16xi32>
      %swap3A_56 = vector.shape_cast %add3A_51 : vector<16xi32> to vector<1x16xi32>
      tpu.vector_store %arg8[%swap3A_52, %swap3A_53], %swap3A_56 {strides = array<i32>} : memref<32x128xi32, #tpu.memory_space<vmem>>, vector<1x16xi32>,
      %get3A_57 = arith.index_cast %scan3A_20 : i32 to index
      %get3A_58 = arith.constant 48 : index
      %get3A_59 = tpu.vector_load %arg7[%get3A_57, %get3A_58] {strides = array<i32>} : memref<32x128xf32, #tpu.memory_space<vmem>>, vector<1x16xf32>,
      %get3A_60 = vector.shape_cast %get3A_59 : vector<1x16xf32> to vector<16xf32>
      %convert_element_type3A_61 = arith.fptosi %get3A_60 : vector<16xf32> to vector<16xi32>
      %add3A_62 = vector.broadcast %mul3A_23 : i32 to vector<16xi32>
      %add3A_63 = arith.addi %convert_element_type3A_61, %add3A_62 : vector<16xi32>
      %swap3A_64 = arith.index_cast %scan3A_20 : i32 to index
      %swap3A_65 = arith.constant 48 : index
      %swap3A_66 = tpu.vector_load %arg8[%swap3A_64, %swap3A_65] {strides = array<i32>} : memref<32x128xi32, #tpu.memory_space<vmem>>, vector<1x16xi32>,
      %swap3A_67 = vector.shape_cast %swap3A_66 : vector<1x16xi32> to vector<16xi32>
      %swap3A_68 = vector.shape_cast %add3A_63 : vector<16xi32> to vector<1x16xi32>
      tpu.vector_store %arg8[%swap3A_64, %swap3A_65], %swap3A_68 {strides = array<i32>} : memref<32x128xi32, #tpu.memory_space<vmem>>, vector<1x16xi32>,
      %get3A_69 = arith.index_cast %scan3A_20 : i32 to index
      %get3A_70 = arith.constant 64 : index
      %get3A_71 = tpu.vector_load %arg7[%get3A_69, %get3A_70] {strides = array<i32>} : memref<32x128xf32, #tpu.memory_space<vmem>>, vector<1x16xf32>,
      %get3A_72 = vector.shape_cast %get3A_71 : vector<1x16xf32> to vector<16xf32>
      %convert_element_type3A_73 = arith.fptosi %get3A_72 : vector<16xf32> to vector<16xi32>
      %add3A_74 = vector.broadcast %mul3A_23 : i32 to vector<16xi32>
      %add3A_75 = arith.addi %convert_element_type3A_73, %add3A_74 : vector<16xi32>
      %swap3A_76 = arith.index_cast %scan3A_20 : i32 to index
      %swap3A_77 = arith.constant 64 : index
      %swap3A_78 = tpu.vector_load %arg8[%swap3A_76, %swap3A_77] {strides = array<i32>} : memref<32x128xi32, #tpu.memory_space<vmem>>, vector<1x16xi32>,
      %swap3A_79 = vector.shape_cast %swap3A_78 : vector<1x16xi32> to vector<16xi32>
      %swap3A_80 = vector.shape_cast %add3A_75 : vector<16xi32> to vector<1x16xi32>
      tpu.vector_store %arg8[%swap3A_76, %swap3A_77], %swap3A_80 {strides = array<i32>} : memref<32x128xi32, #tpu.memory_space<vmem>>, vector<1x16xi32>,
      %get3A_81 = arith.index_cast %scan3A_20 : i32 to index
      %get3A_82 = arith.constant 80 : index
      %get3A_83 = tpu.vector_load %arg7[%get3A_81, %get3A_82] {strides = array<i32>} : memref<32x128xf32, #tpu.memory_space<vmem>>, vector<1x16xf32>,
      %get3A_84 = vector.shape_cast %get3A_83 : vector<1x16xf32> to vector<16xf32>
      %convert_element_type3A_85 = arith.fptosi %get3A_84 : vector<16xf32> to vector<16xi32>
      %add3A_86 = vector.broadcast %mul3A_23 : i32 to vector<16xi32>
      %add3A_87 = arith.addi %convert_element_type3A_85, %add3A_86 : vector<16xi32>
      %swap3A_88 = arith.index_cast %scan3A_20 : i32 to index
      %swap3A_89 = arith.constant 80 : index
      %swap3A_90 = tpu.vector_load %arg8[%swap3A_88, %swap3A_89] {strides = array<i32>} : memref<32x128xi32, #tpu.memory_space<vmem>>, vector<1x16xi32>,
      %swap3A_91 = vector.shape_cast %swap3A_90 : vector<1x16xi32> to vector<16xi32>
      %swap3A_92 = vector.shape_cast %add3A_87 : vector<16xi32> to vector<1x16xi32>
      tpu.vector_store %arg8[%swap3A_88, %swap3A_89], %swap3A_92 {strides = array<i32>} : memref<32x128xi32, #tpu.memory_space<vmem>>, vector<1x16xi32>,
      %get3A_93 = arith.index_cast %scan3A_20 : i32 to index
      %get3A_94 = arith.constant 96 : index
      %get3A_95 = tpu.vector_load %arg7[%get3A_93, %get3A_94] {strides = array<i32>} : memref<32x128xf32, #tpu.memory_space<vmem>>, vector<1x16xf32>,
      %get3A_96 = vector.shape_cast %get3A_95 : vector<1x16xf32> to vector<16xf32>
      %convert_element_type3A_97 = arith.fptosi %get3A_96 : vector<16xf32> to vector<16xi32>
      %add3A_98 = vector.broadcast %mul3A_23 : i32 to vector<16xi32>
      %add3A_99 = arith.addi %convert_element_type3A_97, %add3A_98 : vector<16xi32>
      %swap3A_100 = arith.index_cast %scan3A_20 : i32 to index
      %swap3A_101 = arith.constant 96 : index
      %swap3A_102 = tpu.vector_load %arg8[%swap3A_100, %swap3A_101] {strides = array<i32>} : memref<32x128xi32, #tpu.memory_space<vmem>>, vector<1x16xi32>,
      %swap3A_103 = vector.shape_cast %swap3A_102 : vector<1x16xi32> to vector<16xi32>
      %swap3A_104 = vector.shape_cast %add3A_99 : vector<16xi32> to vector<1x16xi32>
      tpu.vector_store %arg8[%swap3A_100, %swap3A_101], %swap3A_104 {strides = array<i32>} : memref<32x128xi32, #tpu.memory_space<vmem>>, vector<1x16xi32>,
      %get3A_105 = arith.index_cast %scan3A_20 : i32 to index
      %get3A_106 = arith.constant 112 : index
      %get3A_107 = tpu.vector_load %arg7[%get3A_105, %get3A_106] {strides = array<i32>} : memref<32x128xf32, #tpu.memory_space<vmem>>, vector<1x16xf32>,
      %get3A_108 = vector.shape_cast %get3A_107 : vector<1x16xf32> to vector<16xf32>
      %convert_element_type3A_109 = arith.fptosi %get3A_108 : vector<16xf32> to vector<16xi32>
      %add3A_110 = vector.broadcast %mul3A_23 : i32 to vector<16xi32>
      %add3A_111 = arith.addi %convert_element_type3A_109, %add3A_110 : vector<16xi32>
      %swap3A_112 = arith.index_cast %scan3A_20 : i32 to index
      %swap3A_113 = arith.constant 112 : index
      %swap3A_114 = tpu.vector_load %arg8[%swap3A_112, %swap3A_113] {strides = array<i32>} : memref<32x128xi32, #tpu.memory_space<vmem>>, vector<1x16xi32>,
      %swap3A_115 = vector.shape_cast %swap3A_114 : vector<1x16xi32> to vector<16xi32>
      %swap3A_116 = vector.shape_cast %add3A_111 : vector<16xi32> to vector<1x16xi32>
      tpu.vector_store %arg8[%swap3A_112, %swap3A_113], %swap3A_116 {strides = array<i32>} : memref<32x128xi32, #tpu.memory_space<vmem>>, vector<1x16xi32>,
    }
    %scan3A_7 = arith.constant 32 : i32
    %scan3A_8 = arith.constant 0 : i32
    %scan3A_9 = arith.constant 0 : i32
    %scan3A_10 = arith.constant 4 : i32
    %scan3A_11 = arith.addi %scan3A_9, %scan3A_10 : i32
    %scan3A_12 = arith.constant 1 : i32
    scf.for %scan3A_20 = %scan3A_9 to %scan3A_11 step %scan3A_12  : i32 {
      %mul3A_21 = arith.constant 8 : i32
      %mul3A_22 = arith.muli %scan3A_20, %mul3A_21 : i32
      %add3A_23 = arith.constant 0 : i32
      %add3A_24 = arith.addi %mul3A_22, %add3A_23 : i32
      %dma_start3A = arith.constant 0 : i32
      %dma_start3A_25 = tpu.memref_slice %arg9[%add3A_24, %dma_start3A] : memref<32x128xf32, #tpu.memory_space<vmem>> -> memref<1x128xf32, #tpu.memory_space<vmem>>
      %dma_start3A_26 = tpu.memref_squeeze %dma_start3A_25 : memref<1x128xf32, #tpu.memory_space<vmem>> -> memref<128xf32, #tpu.memory_space<vmem>>
      %dma_start3A_27 = arith.constant 0 : i32
      %dma_start3A_28 = tpu.memref_slice %arg8[%add3A_24, %dma_start3A_27] : memref<32x128xi32, #tpu.memory_space<vmem>> -> memref<1x128xi32, #tpu.memory_space<vmem>>
      %dma_start3A_29 = tpu.memref_squeeze %dma_start3A_28 : memref<1x128xi32, #tpu.memory_space<vmem>> -> memref<128xi32, #tpu.memory_space<vmem>>
      %dma_start3A_30 = arith.constant 0 : i32
      %dma_start3A_31 = tpu.memref_slice %arg4[%dma_start3A_30] : memref<8000512xf32, #tpu.memory_space<hbm>> -> memref<8000512xf32, #tpu.memory_space<hbm>>
      tpu.enqueue_indirect_dma source(%dma_start3A_31 : memref<8000512xf32, #tpu.memory_space<hbm>>) target(%dma_start3A_26 : memref<128xf32, #tpu.memory_space<vmem>>) offsets(%dma_start3A_29 : memref<128xi32, #tpu.memory_space<vmem>>) semaphore(%arg13 : memref<!tpu.dma_semaphore, #tpu.memory_space<semaphore_mem>>)
      %mul3A_32 = arith.constant 8 : i32
      %mul3A_33 = arith.muli %scan3A_20, %mul3A_32 : i32
      %add3A_34 = arith.constant 1 : i32
      %add3A_35 = arith.addi %mul3A_33, %add3A_34 : i32
      %dma_start3A_36 = arith.constant 0 : i32
      %dma_start3A_37 = tpu.memref_slice %arg9[%add3A_35, %dma_start3A_36] : memref<32x128xf32, #tpu.memory_space<vmem>> -> memref<1x128xf32, #tpu.memory_space<vmem>>
      %dma_start3A_38 = tpu.memref_squeeze %dma_start3A_37 : memref<1x128xf32, #tpu.memory_space<vmem>> -> memref<128xf32, #tpu.memory_space<vmem>>
      %dma_start3A_39 = arith.constant 0 : i32
      %dma_start3A_40 = tpu.memref_slice %arg8[%add3A_35, %dma_start3A_39] : memref<32x128xi32, #tpu.memory_space<vmem>> -> memref<1x128xi32, #tpu.memory_space<vmem>>
      %dma_start3A_41 = tpu.memref_squeeze %dma_start3A_40 : memref<1x128xi32, #tpu.memory_space<vmem>> -> memref<128xi32, #tpu.memory_space<vmem>>
      %dma_start3A_42 = arith.constant 0 : i32
      %dma_start3A_43 = tpu.memref_slice %arg4[%dma_start3A_42] : memref<8000512xf32, #tpu.memory_space<hbm>> -> memref<8000512xf32, #tpu.memory_space<hbm>>
      tpu.enqueue_indirect_dma source(%dma_start3A_43 : memref<8000512xf32, #tpu.memory_space<hbm>>) target(%dma_start3A_38 : memref<128xf32, #tpu.memory_space<vmem>>) offsets(%dma_start3A_41 : memref<128xi32, #tpu.memory_space<vmem>>) semaphore(%arg13 : memref<!tpu.dma_semaphore, #tpu.memory_space<semaphore_mem>>)
      %mul3A_44 = arith.constant 8 : i32
      %mul3A_45 = arith.muli %scan3A_20, %mul3A_44 : i32
      %add3A_46 = arith.constant 2 : i32
      %add3A_47 = arith.addi %mul3A_45, %add3A_46 : i32
      %dma_start3A_48 = arith.constant 0 : i32
      %dma_start3A_49 = tpu.memref_slice %arg9[%add3A_47, %dma_start3A_48] : memref<32x128xf32, #tpu.memory_space<vmem>> -> memref<1x128xf32, #tpu.memory_space<vmem>>
      %dma_start3A_50 = tpu.memref_squeeze %dma_start3A_49 : memref<1x128xf32, #tpu.memory_space<vmem>> -> memref<128xf32, #tpu.memory_space<vmem>>
      %dma_start3A_51 = arith.constant 0 : i32
      %dma_start3A_52 = tpu.memref_slice %arg8[%add3A_47, %dma_start3A_51] : memref<32x128xi32, #tpu.memory_space<vmem>> -> memref<1x128xi32, #tpu.memory_space<vmem>>
      %dma_start3A_53 = tpu.memref_squeeze %dma_start3A_52 : memref<1x128xi32, #tpu.memory_space<vmem>> -> memref<128xi32, #tpu.memory_space<vmem>>
      %dma_start3A_54 = arith.constant 0 : i32
      %dma_start3A_55 = tpu.memref_slice %arg4[%dma_start3A_54] : memref<8000512xf32, #tpu.memory_space<hbm>> -> memref<8000512xf32, #tpu.memory_space<hbm>>
      tpu.enqueue_indirect_dma source(%dma_start3A_55 : memref<8000512xf32, #tpu.memory_space<hbm>>) target(%dma_start3A_50 : memref<128xf32, #tpu.memory_space<vmem>>) offsets(%dma_start3A_53 : memref<128xi32, #tpu.memory_space<vmem>>) semaphore(%arg13 : memref<!tpu.dma_semaphore, #tpu.memory_space<semaphore_mem>>)
      %mul3A_56 = arith.constant 8 : i32
      %mul3A_57 = arith.muli %scan3A_20, %mul3A_56 : i32
      %add3A_58 = arith.constant 3 : i32
      %add3A_59 = arith.addi %mul3A_57, %add3A_58 : i32
      %dma_start3A_60 = arith.constant 0 : i32
      %dma_start3A_61 = tpu.memref_slice %arg9[%add3A_59, %dma_start3A_60] : memref<32x128xf32, #tpu.memory_space<vmem>> -> memref<1x128xf32, #tpu.memory_space<vmem>>
      %dma_start3A_62 = tpu.memref_squeeze %dma_start3A_61 : memref<1x128xf32, #tpu.memory_space<vmem>> -> memref<128xf32, #tpu.memory_space<vmem>>
      %dma_start3A_63 = arith.constant 0 : i32
      %dma_start3A_64 = tpu.memref_slice %arg8[%add3A_59, %dma_start3A_63] : memref<32x128xi32, #tpu.memory_space<vmem>> -> memref<1x128xi32, #tpu.memory_space<vmem>>
      %dma_start3A_65 = tpu.memref_squeeze %dma_start3A_64 : memref<1x128xi32, #tpu.memory_space<vmem>> -> memref<128xi32, #tpu.memory_space<vmem>>
      %dma_start3A_66 = arith.constant 0 : i32
      %dma_start3A_67 = tpu.memref_slice %arg4[%dma_start3A_66] : memref<8000512xf32, #tpu.memory_space<hbm>> -> memref<8000512xf32, #tpu.memory_space<hbm>>
      tpu.enqueue_indirect_dma source(%dma_start3A_67 : memref<8000512xf32, #tpu.memory_space<hbm>>) target(%dma_start3A_62 : memref<128xf32, #tpu.memory_space<vmem>>) offsets(%dma_start3A_65 : memref<128xi32, #tpu.memory_space<vmem>>) semaphore(%arg13 : memref<!tpu.dma_semaphore, #tpu.memory_space<semaphore_mem>>)
      %mul3A_68 = arith.constant 8 : i32
      %mul3A_69 = arith.muli %scan3A_20, %mul3A_68 : i32
      %add3A_70 = arith.constant 4 : i32
      %add3A_71 = arith.addi %mul3A_69, %add3A_70 : i32
      %dma_start3A_72 = arith.constant 0 : i32
      %dma_start3A_73 = tpu.memref_slice %arg9[%add3A_71, %dma_start3A_72] : memref<32x128xf32, #tpu.memory_space<vmem>> -> memref<1x128xf32, #tpu.memory_space<vmem>>
      %dma_start3A_74 = tpu.memref_squeeze %dma_start3A_73 : memref<1x128xf32, #tpu.memory_space<vmem>> -> memref<128xf32, #tpu.memory_space<vmem>>
      %dma_start3A_75 = arith.constant 0 : i32
      %dma_start3A_76 = tpu.memref_slice %arg8[%add3A_71, %dma_start3A_75] : memref<32x128xi32, #tpu.memory_space<vmem>> -> memref<1x128xi32, #tpu.memory_space<vmem>>
      %dma_start3A_77 = tpu.memref_squeeze %dma_start3A_76 : memref<1x128xi32, #tpu.memory_space<vmem>> -> memref<128xi32, #tpu.memory_space<vmem>>
      %dma_start3A_78 = arith.constant 0 : i32
      %dma_start3A_79 = tpu.memref_slice %arg4[%dma_start3A_78] : memref<8000512xf32, #tpu.memory_space<hbm>> -> memref<8000512xf32, #tpu.memory_space<hbm>>
      tpu.enqueue_indirect_dma source(%dma_start3A_79 : memref<8000512xf32, #tpu.memory_space<hbm>>) target(%dma_start3A_74 : memref<128xf32, #tpu.memory_space<vmem>>) offsets(%dma_start3A_77 : memref<128xi32, #tpu.memory_space<vmem>>) semaphore(%arg13 : memref<!tpu.dma_semaphore, #tpu.memory_space<semaphore_mem>>)
      %mul3A_80 = arith.constant 8 : i32
      %mul3A_81 = arith.muli %scan3A_20, %mul3A_80 : i32
      %add3A_82 = arith.constant 5 : i32
      %add3A_83 = arith.addi %mul3A_81, %add3A_82 : i32
      %dma_start3A_84 = arith.constant 0 : i32
      %dma_start3A_85 = tpu.memref_slice %arg9[%add3A_83, %dma_start3A_84] : memref<32x128xf32, #tpu.memory_space<vmem>> -> memref<1x128xf32, #tpu.memory_space<vmem>>
      %dma_start3A_86 = tpu.memref_squeeze %dma_start3A_85 : memref<1x128xf32, #tpu.memory_space<vmem>> -> memref<128xf32, #tpu.memory_space<vmem>>
      %dma_start3A_87 = arith.constant 0 : i32
      %dma_start3A_88 = tpu.memref_slice %arg8[%add3A_83, %dma_start3A_87] : memref<32x128xi32, #tpu.memory_space<vmem>> -> memref<1x128xi32, #tpu.memory_space<vmem>>
      %dma_start3A_89 = tpu.memref_squeeze %dma_start3A_88 : memref<1x128xi32, #tpu.memory_space<vmem>> -> memref<128xi32, #tpu.memory_space<vmem>>
      %dma_start3A_90 = arith.constant 0 : i32
      %dma_start3A_91 = tpu.memref_slice %arg4[%dma_start3A_90] : memref<8000512xf32, #tpu.memory_space<hbm>> -> memref<8000512xf32, #tpu.memory_space<hbm>>
      tpu.enqueue_indirect_dma source(%dma_start3A_91 : memref<8000512xf32, #tpu.memory_space<hbm>>) target(%dma_start3A_86 : memref<128xf32, #tpu.memory_space<vmem>>) offsets(%dma_start3A_89 : memref<128xi32, #tpu.memory_space<vmem>>) semaphore(%arg13 : memref<!tpu.dma_semaphore, #tpu.memory_space<semaphore_mem>>)
      %mul3A_92 = arith.constant 8 : i32
      %mul3A_93 = arith.muli %scan3A_20, %mul3A_92 : i32
      %add3A_94 = arith.constant 6 : i32
      %add3A_95 = arith.addi %mul3A_93, %add3A_94 : i32
      %dma_start3A_96 = arith.constant 0 : i32
      %dma_start3A_97 = tpu.memref_slice %arg9[%add3A_95, %dma_start3A_96] : memref<32x128xf32, #tpu.memory_space<vmem>> -> memref<1x128xf32, #tpu.memory_space<vmem>>
      %dma_start3A_98 = tpu.memref_squeeze %dma_start3A_97 : memref<1x128xf32, #tpu.memory_space<vmem>> -> memref<128xf32, #tpu.memory_space<vmem>>
      %dma_start3A_99 = arith.constant 0 : i32
      %dma_start3A_100 = tpu.memref_slice %arg8[%add3A_95, %dma_start3A_99] : memref<32x128xi32, #tpu.memory_space<vmem>> -> memref<1x128xi32, #tpu.memory_space<vmem>>
      %dma_start3A_101 = tpu.memref_squeeze %dma_start3A_100 : memref<1x128xi32, #tpu.memory_space<vmem>> -> memref<128xi32, #tpu.memory_space<vmem>>
      %dma_start3A_102 = arith.constant 0 : i32
      %dma_start3A_103 = tpu.memref_slice %arg4[%dma_start3A_102] : memref<8000512xf32, #tpu.memory_space<hbm>> -> memref<8000512xf32, #tpu.memory_space<hbm>>
      tpu.enqueue_indirect_dma source(%dma_start3A_103 : memref<8000512xf32, #tpu.memory_space<hbm>>) target(%dma_start3A_98 : memref<128xf32, #tpu.memory_space<vmem>>) offsets(%dma_start3A_101 : memref<128xi32, #tpu.memory_space<vmem>>) semaphore(%arg13 : memref<!tpu.dma_semaphore, #tpu.memory_space<semaphore_mem>>)
      %mul3A_104 = arith.constant 8 : i32
      %mul3A_105 = arith.muli %scan3A_20, %mul3A_104 : i32
      %add3A_106 = arith.constant 7 : i32
      %add3A_107 = arith.addi %mul3A_105, %add3A_106 : i32
      %dma_start3A_108 = arith.constant 0 : i32
      %dma_start3A_109 = tpu.memref_slice %arg9[%add3A_107, %dma_start3A_108] : memref<32x128xf32, #tpu.memory_space<vmem>> -> memref<1x128xf32, #tpu.memory_space<vmem>>
      %dma_start3A_110 = tpu.memref_squeeze %dma_start3A_109 : memref<1x128xf32, #tpu.memory_space<vmem>> -> memref<128xf32, #tpu.memory_space<vmem>>
      %dma_start3A_111 = arith.constant 0 : i32
      %dma_start3A_112 = tpu.memref_slice %arg8[%add3A_107, %dma_start3A_111] : memref<32x128xi32, #tpu.memory_space<vmem>> -> memref<1x128xi32, #tpu.memory_space<vmem>>
      %dma_start3A_113 = tpu.memref_squeeze %dma_start3A_112 : memref<1x128xi32, #tpu.memory_space<vmem>> -> memref<128xi32, #tpu.memory_space<vmem>>
      %dma_start3A_114 = arith.constant 0 : i32
      %dma_start3A_115 = tpu.memref_slice %arg4[%dma_start3A_114] : memref<8000512xf32, #tpu.memory_space<hbm>> -> memref<8000512xf32, #tpu.memory_space<hbm>>
      tpu.enqueue_indirect_dma source(%dma_start3A_115 : memref<8000512xf32, #tpu.memory_space<hbm>>) target(%dma_start3A_110 : memref<128xf32, #tpu.memory_space<vmem>>) offsets(%dma_start3A_113 : memref<128xi32, #tpu.memory_space<vmem>>) semaphore(%arg13 : memref<!tpu.dma_semaphore, #tpu.memory_space<semaphore_mem>>)
      %dma_wait3A = arith.constant 0 : i32
      %dma_wait3A_116 = tpu.memref_slice %arg9[%add3A_24, %dma_wait3A] : memref<32x128xf32, #tpu.memory_space<vmem>> -> memref<1x128xf32, #tpu.memory_space<vmem>>
      %dma_wait3A_117 = tpu.memref_squeeze %dma_wait3A_116 : memref<1x128xf32, #tpu.memory_space<vmem>> -> memref<128xf32, #tpu.memory_space<vmem>>
      %dma_wait3A_118 = arith.constant 0 : i32
      %dma_wait3A_119 = tpu.memref_slice %arg8[%add3A_24, %dma_wait3A_118] : memref<32x128xi32, #tpu.memory_space<vmem>> -> memref<1x128xi32, #tpu.memory_space<vmem>>
      %dma_wait3A_120 = tpu.memref_squeeze %dma_wait3A_119 : memref<1x128xi32, #tpu.memory_space<vmem>> -> memref<128xi32, #tpu.memory_space<vmem>>
      %dma_wait3A_121 = arith.constant 0 : i32
      %dma_wait3A_122 = tpu.memref_slice %arg4[%dma_wait3A_121] : memref<8000512xf32, #tpu.memory_space<hbm>> -> memref<8000512xf32, #tpu.memory_space<hbm>>
      tpu.wait_indirect_dma semaphore(%arg13 : memref<!tpu.dma_semaphore, #tpu.memory_space<semaphore_mem>>) src(%dma_wait3A_122 : memref<8000512xf32, #tpu.memory_space<hbm>>) dst(%dma_wait3A_117 : memref<128xf32, #tpu.memory_space<vmem>>)
      %dma_wait3A_123 = arith.constant 0 : i32
      %dma_wait3A_124 = tpu.memref_slice %arg9[%add3A_35, %dma_wait3A_123] : memref<32x128xf32, #tpu.memory_space<vmem>> -> memref<1x128xf32, #tpu.memory_space<vmem>>
      %dma_wait3A_125 = tpu.memref_squeeze %dma_wait3A_124 : memref<1x128xf32, #tpu.memory_space<vmem>> -> memref<128xf32, #tpu.memory_space<vmem>>
      %dma_wait3A_126 = arith.constant 0 : i32
      %dma_wait3A_127 = tpu.memref_slice %arg8[%add3A_35, %dma_wait3A_126] : memref<32x128xi32, #tpu.memory_space<vmem>> -> memref<1x128xi32, #tpu.memory_space<vmem>>
      %dma_wait3A_128 = tpu.memref_squeeze %dma_wait3A_127 : memref<1x128xi32, #tpu.memory_space<vmem>> -> memref<128xi32, #tpu.memory_space<vmem>>
      %dma_wait3A_129 = arith.constant 0 : i32
      %dma_wait3A_130 = tpu.memref_slice %arg4[%dma_wait3A_129] : memref<8000512xf32, #tpu.memory_space<hbm>> -> memref<8000512xf32, #tpu.memory_space<hbm>>
      tpu.wait_indirect_dma semaphore(%arg13 : memref<!tpu.dma_semaphore, #tpu.memory_space<semaphore_mem>>) src(%dma_wait3A_130 : memref<8000512xf32, #tpu.memory_space<hbm>>) dst(%dma_wait3A_125 : memref<128xf32, #tpu.memory_space<vmem>>)
      %dma_wait3A_131 = arith.constant 0 : i32
      %dma_wait3A_132 = tpu.memref_slice %arg9[%add3A_47, %dma_wait3A_131] : memref<32x128xf32, #tpu.memory_space<vmem>> -> memref<1x128xf32, #tpu.memory_space<vmem>>
      %dma_wait3A_133 = tpu.memref_squeeze %dma_wait3A_132 : memref<1x128xf32, #tpu.memory_space<vmem>> -> memref<128xf32, #tpu.memory_space<vmem>>
      %dma_wait3A_134 = arith.constant 0 : i32
      %dma_wait3A_135 = tpu.memref_slice %arg8[%add3A_47, %dma_wait3A_134] : memref<32x128xi32, #tpu.memory_space<vmem>> -> memref<1x128xi32, #tpu.memory_space<vmem>>
      %dma_wait3A_136 = tpu.memref_squeeze %dma_wait3A_135 : memref<1x128xi32, #tpu.memory_space<vmem>> -> memref<128xi32, #tpu.memory_space<vmem>>
      %dma_wait3A_137 = arith.constant 0 : i32
      %dma_wait3A_138 = tpu.memref_slice %arg4[%dma_wait3A_137] : memref<8000512xf32, #tpu.memory_space<hbm>> -> memref<8000512xf32, #tpu.memory_space<hbm>>
      tpu.wait_indirect_dma semaphore(%arg13 : memref<!tpu.dma_semaphore, #tpu.memory_space<semaphore_mem>>) src(%dma_wait3A_138 : memref<8000512xf32, #tpu.memory_space<hbm>>) dst(%dma_wait3A_133 : memref<128xf32, #tpu.memory_space<vmem>>)
      %dma_wait3A_139 = arith.constant 0 : i32
      %dma_wait3A_140 = tpu.memref_slice %arg9[%add3A_59, %dma_wait3A_139] : memref<32x128xf32, #tpu.memory_space<vmem>> -> memref<1x128xf32, #tpu.memory_space<vmem>>
      %dma_wait3A_141 = tpu.memref_squeeze %dma_wait3A_140 : memref<1x128xf32, #tpu.memory_space<vmem>> -> memref<128xf32, #tpu.memory_space<vmem>>
      %dma_wait3A_142 = arith.constant 0 : i32
      %dma_wait3A_143 = tpu.memref_slice %arg8[%add3A_59, %dma_wait3A_142] : memref<32x128xi32, #tpu.memory_space<vmem>> -> memref<1x128xi32, #tpu.memory_space<vmem>>
      %dma_wait3A_144 = tpu.memref_squeeze %dma_wait3A_143 : memref<1x128xi32, #tpu.memory_space<vmem>> -> memref<128xi32, #tpu.memory_space<vmem>>
      %dma_wait3A_145 = arith.constant 0 : i32
      %dma_wait3A_146 = tpu.memref_slice %arg4[%dma_wait3A_145] : memref<8000512xf32, #tpu.memory_space<hbm>> -> memref<8000512xf32, #tpu.memory_space<hbm>>
      tpu.wait_indirect_dma semaphore(%arg13 : memref<!tpu.dma_semaphore, #tpu.memory_space<semaphore_mem>>) src(%dma_wait3A_146 : memref<8000512xf32, #tpu.memory_space<hbm>>) dst(%dma_wait3A_141 : memref<128xf32, #tpu.memory_space<vmem>>)
      %dma_wait3A_147 = arith.constant 0 : i32
      %dma_wait3A_148 = tpu.memref_slice %arg9[%add3A_71, %dma_wait3A_147] : memref<32x128xf32, #tpu.memory_space<vmem>> -> memref<1x128xf32, #tpu.memory_space<vmem>>
      %dma_wait3A_149 = tpu.memref_squeeze %dma_wait3A_148 : memref<1x128xf32, #tpu.memory_space<vmem>> -> memref<128xf32, #tpu.memory_space<vmem>>
      %dma_wait3A_150 = arith.constant 0 : i32
      %dma_wait3A_151 = tpu.memref_slice %arg8[%add3A_71, %dma_wait3A_150] : memref<32x128xi32, #tpu.memory_space<vmem>> -> memref<1x128xi32, #tpu.memory_space<vmem>>
      %dma_wait3A_152 = tpu.memref_squeeze %dma_wait3A_151 : memref<1x128xi32, #tpu.memory_space<vmem>> -> memref<128xi32, #tpu.memory_space<vmem>>
      %dma_wait3A_153 = arith.constant 0 : i32
      %dma_wait3A_154 = tpu.memref_slice %arg4[%dma_wait3A_153] : memref<8000512xf32, #tpu.memory_space<hbm>> -> memref<8000512xf32, #tpu.memory_space<hbm>>
      tpu.wait_indirect_dma semaphore(%arg13 : memref<!tpu.dma_semaphore, #tpu.memory_space<semaphore_mem>>) src(%dma_wait3A_154 : memref<8000512xf32, #tpu.memory_space<hbm>>) dst(%dma_wait3A_149 : memref<128xf32, #tpu.memory_space<vmem>>)
      %dma_wait3A_155 = arith.constant 0 : i32
      %dma_wait3A_156 = tpu.memref_slice %arg9[%add3A_83, %dma_wait3A_155] : memref<32x128xf32, #tpu.memory_space<vmem>> -> memref<1x128xf32, #tpu.memory_space<vmem>>
      %dma_wait3A_157 = tpu.memref_squeeze %dma_wait3A_156 : memref<1x128xf32, #tpu.memory_space<vmem>> -> memref<128xf32, #tpu.memory_space<vmem>>
      %dma_wait3A_158 = arith.constant 0 : i32
      %dma_wait3A_159 = tpu.memref_slice %arg8[%add3A_83, %dma_wait3A_158] : memref<32x128xi32, #tpu.memory_space<vmem>> -> memref<1x128xi32, #tpu.memory_space<vmem>>
      %dma_wait3A_160 = tpu.memref_squeeze %dma_wait3A_159 : memref<1x128xi32, #tpu.memory_space<vmem>> -> memref<128xi32, #tpu.memory_space<vmem>>
      %dma_wait3A_161 = arith.constant 0 : i32
      %dma_wait3A_162 = tpu.memref_slice %arg4[%dma_wait3A_161] : memref<8000512xf32, #tpu.memory_space<hbm>> -> memref<8000512xf32, #tpu.memory_space<hbm>>
      tpu.wait_indirect_dma semaphore(%arg13 : memref<!tpu.dma_semaphore, #tpu.memory_space<semaphore_mem>>) src(%dma_wait3A_162 : memref<8000512xf32, #tpu.memory_space<hbm>>) dst(%dma_wait3A_157 : memref<128xf32, #tpu.memory_space<vmem>>)
      %dma_wait3A_163 = arith.constant 0 : i32
      %dma_wait3A_164 = tpu.memref_slice %arg9[%add3A_95, %dma_wait3A_163] : memref<32x128xf32, #tpu.memory_space<vmem>> -> memref<1x128xf32, #tpu.memory_space<vmem>>
      %dma_wait3A_165 = tpu.memref_squeeze %dma_wait3A_164 : memref<1x128xf32, #tpu.memory_space<vmem>> -> memref<128xf32, #tpu.memory_space<vmem>>
      %dma_wait3A_166 = arith.constant 0 : i32
      %dma_wait3A_167 = tpu.memref_slice %arg8[%add3A_95, %dma_wait3A_166] : memref<32x128xi32, #tpu.memory_space<vmem>> -> memref<1x128xi32, #tpu.memory_space<vmem>>
      %dma_wait3A_168 = tpu.memref_squeeze %dma_wait3A_167 : memref<1x128xi32, #tpu.memory_space<vmem>> -> memref<128xi32, #tpu.memory_space<vmem>>
      %dma_wait3A_169 = arith.constant 0 : i32
      %dma_wait3A_170 = tpu.memref_slice %arg4[%dma_wait3A_169] : memref<8000512xf32, #tpu.memory_space<hbm>> -> memref<8000512xf32, #tpu.memory_space<hbm>>
      tpu.wait_indirect_dma semaphore(%arg13 : memref<!tpu.dma_semaphore, #tpu.memory_space<semaphore_mem>>) src(%dma_wait3A_170 : memref<8000512xf32, #tpu.memory_space<hbm>>) dst(%dma_wait3A_165 : memref<128xf32, #tpu.memory_space<vmem>>)
      %dma_wait3A_171 = arith.constant 0 : i32
      %dma_wait3A_172 = tpu.memref_slice %arg9[%add3A_107, %dma_wait3A_171] : memref<32x128xf32, #tpu.memory_space<vmem>> -> memref<1x128xf32, #tpu.memory_space<vmem>>
      %dma_wait3A_173 = tpu.memref_squeeze %dma_wait3A_172 : memref<1x128xf32, #tpu.memory_space<vmem>> -> memref<128xf32, #tpu.memory_space<vmem>>
      %dma_wait3A_174 = arith.constant 0 : i32
      %dma_wait3A_175 = tpu.memref_slice %arg8[%add3A_107, %dma_wait3A_174] : memref<32x128xi32, #tpu.memory_space<vmem>> -> memref<1x128xi32, #tpu.memory_space<vmem>>
      %dma_wait3A_176 = tpu.memref_squeeze %dma_wait3A_175 : memref<1x128xi32, #tpu.memory_space<vmem>> -> memref<128xi32, #tpu.memory_space<vmem>>
      %dma_wait3A_177 = arith.constant 0 : i32
      %dma_wait3A_178 = tpu.memref_slice %arg4[%dma_wait3A_177] : memref<8000512xf32, #tpu.memory_space<hbm>> -> memref<8000512xf32, #tpu.memory_space<hbm>>
      tpu.wait_indirect_dma semaphore(%arg13 : memref<!tpu.dma_semaphore, #tpu.memory_space<semaphore_mem>>) src(%dma_wait3A_178 : memref<8000512xf32, #tpu.memory_space<hbm>>) dst(%dma_wait3A_173 : memref<128xf32, #tpu.memory_space<vmem>>)
    }
    %scan3A_13 = arith.constant 4 : i32
    %scan3A_14 = arith.constant 0 : i32
    %scan3A_15 = arith.constant 0 : i32
    %scan3A_16 = arith.constant 32 : i32
    %scan3A_17 = arith.addi %scan3A_15, %scan3A_16 : i32
    %scan3A_18 = arith.constant 1 : i32
    scf.for %scan3A_20 = %scan3A_15 to %scan3A_17 step %scan3A_18  : i32 {
      %jit3A = arith.constant 8 : i32
      %div3A = arith.divsi %scan3A_20, %jit3A : i32
      %sign3A = arith.constant 0 : i32
      %sign3A_21 = arith.cmpi sgt, %scan3A_20, %sign3A : i32
      %sign3A_22 = arith.extui %sign3A_21 : i1 to i32
      %sign3A_23 = arith.constant 0 : i32
      %sign3A_24 = arith.cmpi slt, %scan3A_20, %sign3A_23 : i32
      %sign3A_25 = arith.extui %sign3A_24 : i1 to i32
      %sign3A_26 = arith.subi %sign3A_22, %sign3A_25 : i32
      %sign3A_27 = arith.constant 0 : i32
      %sign3A_28 = arith.cmpi sgt, %jit3A, %sign3A_27 : i32
      %sign3A_29 = arith.extui %sign3A_28 : i1 to i32
      %sign3A_30 = arith.constant 0 : i32
      %sign3A_31 = arith.cmpi slt, %jit3A, %sign3A_30 : i32
      %sign3A_32 = arith.extui %sign3A_31 : i1 to i32
      %sign3A_33 = arith.subi %sign3A_29, %sign3A_32 : i32
      %ne3A = arith.cmpi ne, %sign3A_26, %sign3A_33 : i32
      %rem3A = arith.remsi %scan3A_20, %jit3A : i32
      %ne3A_34 = arith.constant 0 : i32
      %ne3A_35 = arith.cmpi ne, %rem3A, %ne3A_34 : i32
      %and3A = arith.andi %ne3A, %ne3A_35 : i1
      %sub3A = arith.constant 1 : i32
      %sub3A_36 = arith.subi %div3A, %sub3A : i32
      %select_n3A = arith.select %and3A, %sub3A_36, %div3A : i32
      %jit3A_37 = arith.constant 8 : i32
      %eq3A = arith.constant 0 : i32
      %eq3A_38 = arith.cmpi eq, %jit3A_37, %eq3A : i32
      %jit3A_39 = arith.constant 1 : i32
      %select_n3A_40 = arith.select %eq3A_38, %jit3A_39, %jit3A_37 : i32
      %rem3A_41 = arith.remsi %scan3A_20, %select_n3A_40 : i32
      %ne3A_42 = arith.constant 0 : i32
      %ne3A_43 = arith.cmpi ne, %rem3A_41, %ne3A_42 : i32
      %lt3A = arith.constant 0 : i32
      %lt3A_44 = arith.cmpi slt, %rem3A_41, %lt3A : i32
      %lt3A_45 = arith.constant 0 : i32
      %lt3A_46 = arith.cmpi slt, %select_n3A_40, %lt3A_45 : i32
      %ne3A_47 = arith.xori %lt3A_44, %lt3A_46 : i1
      %and3A_48 = arith.andi %ne3A_47, %ne3A_43 : i1
      %add3A_49 = arith.addi %rem3A_41, %select_n3A_40 : i32
      %select_n3A_50 = arith.select %and3A_48, %add3A_49, %rem3A_41 : i32
      %mul3A_51 = arith.constant 16 : i32
      %mul3A_52 = arith.muli %select_n3A_50, %mul3A_51 : i32
      %get3A = arith.index_cast %select_n3A : i32 to index
      %get3A_53 = arith.index_cast %mul3A_52 : i32 to index
      %get3A_54 = tpu.vector_load %arg9[%get3A, %get3A_53] {strides = array<i32>} : memref<32x128xf32, #tpu.memory_space<vmem>>, vector<1x16xf32>,
      %get3A_55 = vector.shape_cast %get3A_54 : vector<1x16xf32> to vector<16xf32>
      %add3A_56 = arith.constant 4 : i32
      %add3A_57 = arith.addi %add3A_56, %select_n3A : i32
      %get3A_58 = arith.index_cast %add3A_57 : i32 to index
      %get3A_59 = arith.index_cast %mul3A_52 : i32 to index
      %get3A_60 = tpu.vector_load %arg9[%get3A_58, %get3A_59] {strides = array<i32>} : memref<32x128xf32, #tpu.memory_space<vmem>>, vector<1x16xf32>,
      %get3A_61 = vector.shape_cast %get3A_60 : vector<1x16xf32> to vector<16xf32>
      %add3A_62 = arith.addf %get3A_55, %get3A_61 : vector<16xf32>
      %add3A_63 = arith.constant 8 : i32
      %add3A_64 = arith.addi %add3A_63, %select_n3A : i32
      %get3A_65 = arith.index_cast %add3A_64 : i32 to index
      %get3A_66 = arith.index_cast %mul3A_52 : i32 to index
      %get3A_67 = tpu.vector_load %arg9[%get3A_65, %get3A_66] {strides = array<i32>} : memref<32x128xf32, #tpu.memory_space<vmem>>, vector<1x16xf32>,
      %get3A_68 = vector.shape_cast %get3A_67 : vector<1x16xf32> to vector<16xf32>
      %add3A_69 = arith.addf %add3A_62, %get3A_68 : vector<16xf32>
      %add3A_70 = arith.constant 12 : i32
      %add3A_71 = arith.addi %add3A_70, %select_n3A : i32
      %get3A_72 = arith.index_cast %add3A_71 : i32 to index
      %get3A_73 = arith.index_cast %mul3A_52 : i32 to index
      %get3A_74 = tpu.vector_load %arg9[%get3A_72, %get3A_73] {strides = array<i32>} : memref<32x128xf32, #tpu.memory_space<vmem>>, vector<1x16xf32>,
      %get3A_75 = vector.shape_cast %get3A_74 : vector<1x16xf32> to vector<16xf32>
      %add3A_76 = arith.addf %add3A_69, %get3A_75 : vector<16xf32>
      %add3A_77 = arith.constant 16 : i32
      %add3A_78 = arith.addi %add3A_77, %select_n3A : i32
      %get3A_79 = arith.index_cast %add3A_78 : i32 to index
      %get3A_80 = arith.index_cast %mul3A_52 : i32 to index
      %get3A_81 = tpu.vector_load %arg9[%get3A_79, %get3A_80] {strides = array<i32>} : memref<32x128xf32, #tpu.memory_space<vmem>>, vector<1x16xf32>,
      %get3A_82 = vector.shape_cast %get3A_81 : vector<1x16xf32> to vector<16xf32>
      %add3A_83 = arith.addf %add3A_76, %get3A_82 : vector<16xf32>
      %add3A_84 = arith.constant 20 : i32
      %add3A_85 = arith.addi %add3A_84, %select_n3A : i32
      %get3A_86 = arith.index_cast %add3A_85 : i32 to index
      %get3A_87 = arith.index_cast %mul3A_52 : i32 to index
      %get3A_88 = tpu.vector_load %arg9[%get3A_86, %get3A_87] {strides = array<i32>} : memref<32x128xf32, #tpu.memory_space<vmem>>, vector<1x16xf32>,
      %get3A_89 = vector.shape_cast %get3A_88 : vector<1x16xf32> to vector<16xf32>
      %add3A_90 = arith.addf %add3A_83, %get3A_89 : vector<16xf32>
      %add3A_91 = arith.constant 24 : i32
      %add3A_92 = arith.addi %add3A_91, %select_n3A : i32
      %get3A_93 = arith.index_cast %add3A_92 : i32 to index
      %get3A_94 = arith.index_cast %mul3A_52 : i32 to index
      %get3A_95 = tpu.vector_load %arg9[%get3A_93, %get3A_94] {strides = array<i32>} : memref<32x128xf32, #tpu.memory_space<vmem>>, vector<1x16xf32>,
      %get3A_96 = vector.shape_cast %get3A_95 : vector<1x16xf32> to vector<16xf32>
      %add3A_97 = arith.addf %add3A_90, %get3A_96 : vector<16xf32>
      %add3A_98 = arith.constant 28 : i32
      %add3A_99 = arith.addi %add3A_98, %select_n3A : i32
      %get3A_100 = arith.index_cast %add3A_99 : i32 to index
      %get3A_101 = arith.index_cast %mul3A_52 : i32 to index
      %get3A_102 = tpu.vector_load %arg9[%get3A_100, %get3A_101] {strides = array<i32>} : memref<32x128xf32, #tpu.memory_space<vmem>>, vector<1x16xf32>,
      %get3A_103 = vector.shape_cast %get3A_102 : vector<1x16xf32> to vector<16xf32>
      %add3A_104 = arith.addf %add3A_97, %get3A_103 : vector<16xf32>
      %mul3A_105 = arith.constant 16 : i32
      %mul3A_106 = arith.muli %scan3A_20, %mul3A_105 : i32
      %swap3A = arith.index_cast %mul3A_106 : i32 to index
      %swap3A_107 = tpu.vector_load %arg12[%swap3A] {strides = array<i32>} : memref<512xf32, #tpu.memory_space<vmem>>, vector<16xf32>,
      %swap3A_108 = vector.shape_cast %swap3A_107 : vector<16xf32> to vector<16xf32>
      %swap3A_109 = vector.shape_cast %add3A_104 : vector<16xf32> to vector<16xf32>
      tpu.vector_store %arg12[%swap3A], %swap3A_109 {strides = array<i32>} : memref<512xf32, #tpu.memory_space<vmem>>, vector<16xf32>,
    }
    %scan3A_19 = arith.constant 32 : i32
    "tpu.region"() ({
      %run_scoped3A = tpu.sem_alloc : memref<!tpu.dma_semaphore, #tpu.memory_space<semaphore_mem>>
      %dma_start3A = tpu.memref_slice %arg6[%mul3A_2] : memref<16384xf32, #tpu.memory_space<hbm>> -> memref<512xf32, #tpu.memory_space<hbm>>
      %dma_start3A_20 = tpu.memref_slice %arg6[%mul3A_2] : memref<16384xf32, #tpu.memory_space<hbm>> -> memref<512xf32, #tpu.memory_space<hbm>>
      tpu.enqueue_dma source(%arg12 : memref<512xf32, #tpu.memory_space<vmem>>) target(%dma_start3A_20 : memref<512xf32, #tpu.memory_space<hbm>>) target_semaphore(%run_scoped3A : memref<!tpu.dma_semaphore, #tpu.memory_space<semaphore_mem>>)
      %dma_wait3A = tpu.memref_slice %arg6[%mul3A_2] : memref<16384xf32, #tpu.memory_space<hbm>> -> memref<512xf32, #tpu.memory_space<hbm>>
      %dma_wait3A_21 = tpu.memref_slice %arg6[%mul3A_2] : memref<16384xf32, #tpu.memory_space<hbm>> -> memref<512xf32, #tpu.memory_space<hbm>>
      tpu.wait_dma2 semaphore(%run_scoped3A : memref<!tpu.dma_semaphore, #tpu.memory_space<semaphore_mem>>) src(%arg12 : memref<512xf32, #tpu.memory_space<vmem>>) dst(%dma_wait3A_21 : memref<512xf32, #tpu.memory_space<hbm>>)
      tpu.yield
    }) : () -> ()
    return
  }
}

#map = affine_map<(d0, d1) -> (0, 0, 0)>
#map1 = affine_map<(d0, d1) -> (0)>
#map2 = affine_map<(d0, d1) -> (0, 0)>
module attributes {stable_mosaic.version = 14 : i64} {
  func.func @body(%arg0: i32, %arg1: i32, %arg2: memref<32x32x128xf32, #tpu.memory_space<hbm>>, %arg3: memref<32x16x512xf32, #tpu.memory_space<hbm>>, %arg4: memref<8000512xf32, #tpu.memory_space<hbm>>, %arg5: memref<13x16xf32, #tpu.memory_space<hbm>>, %arg6: memref<16384xf32, #tpu.memory_space<hbm>>, %arg7: memref<32x128xf32, #tpu.memory_space<vmem>>, %arg8: memref<32x128xi32, #tpu.memory_space<vmem>>, %arg9: memref<32x128xf32, #tpu.memory_space<vmem>>, %arg10: memref<16x512xf32, #tpu.memory_space<vmem>>, %arg11: memref<13x16xf32, #tpu.memory_space<vmem>>, %arg12: memref<512xf32, #tpu.memory_space<vmem>>, %arg13: memref<!tpu.dma_semaphore, #tpu.memory_space<semaphore_mem>>) attributes {dimension_semantics = [#tpu.dimension_semantics<core_parallel>, #tpu.dimension_semantics<subcore_parallel>], iteration_bounds = array<i64: 2, 16>, scalar_prefetch = 0 : i64, scratch_operands = 7 : i64, tpu.core_type = #tpu.core_type<sc_vector_subcore>, window_params = [{transform_indices = #map}, {transform_indices = #map}, {transform_indices = #map1}, {transform_indices = #map2}, {transform_indices = #map1}]} {
    %mul3A = arith.constant 2 : i32
    %mul3A_0 = arith.muli %arg1, %mul3A : i32
    %add3A = arith.addi %mul3A_0, %arg0 : i32
    %mul3A_1 = arith.constant 512 : i32
    %mul3A_2 = arith.muli %add3A, %mul3A_1 : i32
    "tpu.region"() ({
      %run_scoped3A = tpu.sem_alloc : memref<!tpu.dma_semaphore, #tpu.memory_space<semaphore_mem>>
      %dma_start3A = arith.constant 0 : i32
      %dma_start3A_20 = arith.constant 0 : i32
      %dma_start3A_21 = tpu.memref_slice %arg2[%add3A, %dma_start3A, %dma_start3A_20] : memref<32x32x128xf32, #tpu.memory_space<hbm>> -> memref<1x32x128xf32, #tpu.memory_space<hbm>>
      %dma_start3A_22 = tpu.memref_squeeze %dma_start3A_21 : memref<1x32x128xf32, #tpu.memory_space<hbm>> -> memref<32x128xf32, #tpu.memory_space<hbm>>
      %dma_start3A_23 = arith.constant 0 : i32
      %dma_start3A_24 = arith.constant 0 : i32
      %dma_start3A_25 = tpu.memref_slice %arg2[%add3A, %dma_start3A_23, %dma_start3A_24] : memref<32x32x128xf32, #tpu.memory_space<hbm>> -> memref<1x32x128xf32, #tpu.memory_space<hbm>>
      %dma_start3A_26 = tpu.memref_squeeze %dma_start3A_25 : memref<1x32x128xf32, #tpu.memory_space<hbm>> -> memref<32x128xf32, #tpu.memory_space<hbm>>
      tpu.enqueue_dma source(%dma_start3A_26 : memref<32x128xf32, #tpu.memory_space<hbm>>) target(%arg7 : memref<32x128xf32, #tpu.memory_space<vmem>>) target_semaphore(%run_scoped3A : memref<!tpu.dma_semaphore, #tpu.memory_space<semaphore_mem>>)
      %dma_wait3A = arith.constant 0 : i32
      %dma_wait3A_27 = arith.constant 0 : i32
      %dma_wait3A_28 = tpu.memref_slice %arg2[%add3A, %dma_wait3A, %dma_wait3A_27] : memref<32x32x128xf32, #tpu.memory_space<hbm>> -> memref<1x32x128xf32, #tpu.memory_space<hbm>>
      %dma_wait3A_29 = tpu.memref_squeeze %dma_wait3A_28 : memref<1x32x128xf32, #tpu.memory_space<hbm>> -> memref<32x128xf32, #tpu.memory_space<hbm>>
      %dma_wait3A_30 = arith.constant 0 : i32
      %dma_wait3A_31 = arith.constant 0 : i32
      %dma_wait3A_32 = tpu.memref_slice %arg2[%add3A, %dma_wait3A_30, %dma_wait3A_31] : memref<32x32x128xf32, #tpu.memory_space<hbm>> -> memref<1x32x128xf32, #tpu.memory_space<hbm>>
      %dma_wait3A_33 = tpu.memref_squeeze %dma_wait3A_32 : memref<1x32x128xf32, #tpu.memory_space<hbm>> -> memref<32x128xf32, #tpu.memory_space<hbm>>
      tpu.wait_dma2 semaphore(%run_scoped3A : memref<!tpu.dma_semaphore, #tpu.memory_space<semaphore_mem>>) src(%dma_wait3A_33 : memref<32x128xf32, #tpu.memory_space<hbm>>) dst(%arg7 : memref<32x128xf32, #tpu.memory_space<vmem>>)
      tpu.yield
    }) : () -> ()
    %scan3A = arith.constant 0 : i32
    %scan3A_3 = arith.constant 0 : i32
    %scan3A_4 = arith.constant 32 : i32
    %scan3A_5 = arith.addi %scan3A_3, %scan3A_4 : i32
    %scan3A_6 = arith.constant 1 : i32
    scf.for %scan3A_20 = %scan3A_3 to %scan3A_5 step %scan3A_6  : i32 {
      %shift_right_arithmetic3A = arith.constant 2 : i32
      %shift_right_arithmetic3A_21 = arith.shrsi %scan3A_20, %shift_right_arithmetic3A : i32
      %mul3A_22 = arith.constant 1000064 : i32
      %mul3A_23 = arith.muli %shift_right_arithmetic3A_21, %mul3A_22 : i32
      %get3A = arith.index_cast %scan3A_20 : i32 to index
      %get3A_24 = arith.constant 0 : index
      %get3A_25 = tpu.vector_load %arg7[%get3A, %get3A_24] {strides = array<i32>} : memref<32x128xf32, #tpu.memory_space<vmem>>, vector<1x16xf32>,
      %get3A_26 = vector.shape_cast %get3A_25 : vector<1x16xf32> to vector<16xf32>
      %convert_element_type3A = arith.fptosi %get3A_26 : vector<16xf32> to vector<16xi32>
      %add3A_27 = vector.broadcast %mul3A_23 : i32 to vector<16xi32>
      %add3A_28 = arith.addi %convert_element_type3A, %add3A_27 : vector<16xi32>
      %swap3A = arith.index_cast %scan3A_20 : i32 to index
      %swap3A_29 = arith.constant 0 : index
      %swap3A_30 = tpu.vector_load %arg8[%swap3A, %swap3A_29] {strides = array<i32>} : memref<32x128xi32, #tpu.memory_space<vmem>>, vector<1x16xi32>,
      %swap3A_31 = vector.shape_cast %swap3A_30 : vector<1x16xi32> to vector<16xi32>
      %swap3A_32 = vector.shape_cast %add3A_28 : vector<16xi32> to vector<1x16xi32>
      tpu.vector_store %arg8[%swap3A, %swap3A_29], %swap3A_32 {strides = array<i32>} : memref<32x128xi32, #tpu.memory_space<vmem>>, vector<1x16xi32>,
      %get3A_33 = arith.index_cast %scan3A_20 : i32 to index
      %get3A_34 = arith.constant 16 : index
      %get3A_35 = tpu.vector_load %arg7[%get3A_33, %get3A_34] {strides = array<i32>} : memref<32x128xf32, #tpu.memory_space<vmem>>, vector<1x16xf32>,
      %get3A_36 = vector.shape_cast %get3A_35 : vector<1x16xf32> to vector<16xf32>
      %convert_element_type3A_37 = arith.fptosi %get3A_36 : vector<16xf32> to vector<16xi32>
      %add3A_38 = vector.broadcast %mul3A_23 : i32 to vector<16xi32>
      %add3A_39 = arith.addi %convert_element_type3A_37, %add3A_38 : vector<16xi32>
      %swap3A_40 = arith.index_cast %scan3A_20 : i32 to index
      %swap3A_41 = arith.constant 16 : index
      %swap3A_42 = tpu.vector_load %arg8[%swap3A_40, %swap3A_41] {strides = array<i32>} : memref<32x128xi32, #tpu.memory_space<vmem>>, vector<1x16xi32>,
      %swap3A_43 = vector.shape_cast %swap3A_42 : vector<1x16xi32> to vector<16xi32>
      %swap3A_44 = vector.shape_cast %add3A_39 : vector<16xi32> to vector<1x16xi32>
      tpu.vector_store %arg8[%swap3A_40, %swap3A_41], %swap3A_44 {strides = array<i32>} : memref<32x128xi32, #tpu.memory_space<vmem>>, vector<1x16xi32>,
      %get3A_45 = arith.index_cast %scan3A_20 : i32 to index
      %get3A_46 = arith.constant 32 : index
      %get3A_47 = tpu.vector_load %arg7[%get3A_45, %get3A_46] {strides = array<i32>} : memref<32x128xf32, #tpu.memory_space<vmem>>, vector<1x16xf32>,
      %get3A_48 = vector.shape_cast %get3A_47 : vector<1x16xf32> to vector<16xf32>
      %convert_element_type3A_49 = arith.fptosi %get3A_48 : vector<16xf32> to vector<16xi32>
      %add3A_50 = vector.broadcast %mul3A_23 : i32 to vector<16xi32>
      %add3A_51 = arith.addi %convert_element_type3A_49, %add3A_50 : vector<16xi32>
      %swap3A_52 = arith.index_cast %scan3A_20 : i32 to index
      %swap3A_53 = arith.constant 32 : index
      %swap3A_54 = tpu.vector_load %arg8[%swap3A_52, %swap3A_53] {strides = array<i32>} : memref<32x128xi32, #tpu.memory_space<vmem>>, vector<1x16xi32>,
      %swap3A_55 = vector.shape_cast %swap3A_54 : vector<1x16xi32> to vector<16xi32>
      %swap3A_56 = vector.shape_cast %add3A_51 : vector<16xi32> to vector<1x16xi32>
      tpu.vector_store %arg8[%swap3A_52, %swap3A_53], %swap3A_56 {strides = array<i32>} : memref<32x128xi32, #tpu.memory_space<vmem>>, vector<1x16xi32>,
      %get3A_57 = arith.index_cast %scan3A_20 : i32 to index
      %get3A_58 = arith.constant 48 : index
      %get3A_59 = tpu.vector_load %arg7[%get3A_57, %get3A_58] {strides = array<i32>} : memref<32x128xf32, #tpu.memory_space<vmem>>, vector<1x16xf32>,
      %get3A_60 = vector.shape_cast %get3A_59 : vector<1x16xf32> to vector<16xf32>
      %convert_element_type3A_61 = arith.fptosi %get3A_60 : vector<16xf32> to vector<16xi32>
      %add3A_62 = vector.broadcast %mul3A_23 : i32 to vector<16xi32>
      %add3A_63 = arith.addi %convert_element_type3A_61, %add3A_62 : vector<16xi32>
      %swap3A_64 = arith.index_cast %scan3A_20 : i32 to index
      %swap3A_65 = arith.constant 48 : index
      %swap3A_66 = tpu.vector_load %arg8[%swap3A_64, %swap3A_65] {strides = array<i32>} : memref<32x128xi32, #tpu.memory_space<vmem>>, vector<1x16xi32>,
      %swap3A_67 = vector.shape_cast %swap3A_66 : vector<1x16xi32> to vector<16xi32>
      %swap3A_68 = vector.shape_cast %add3A_63 : vector<16xi32> to vector<1x16xi32>
      tpu.vector_store %arg8[%swap3A_64, %swap3A_65], %swap3A_68 {strides = array<i32>} : memref<32x128xi32, #tpu.memory_space<vmem>>, vector<1x16xi32>,
      %get3A_69 = arith.index_cast %scan3A_20 : i32 to index
      %get3A_70 = arith.constant 64 : index
      %get3A_71 = tpu.vector_load %arg7[%get3A_69, %get3A_70] {strides = array<i32>} : memref<32x128xf32, #tpu.memory_space<vmem>>, vector<1x16xf32>,
      %get3A_72 = vector.shape_cast %get3A_71 : vector<1x16xf32> to vector<16xf32>
      %convert_element_type3A_73 = arith.fptosi %get3A_72 : vector<16xf32> to vector<16xi32>
      %add3A_74 = vector.broadcast %mul3A_23 : i32 to vector<16xi32>
      %add3A_75 = arith.addi %convert_element_type3A_73, %add3A_74 : vector<16xi32>
      %swap3A_76 = arith.index_cast %scan3A_20 : i32 to index
      %swap3A_77 = arith.constant 64 : index
      %swap3A_78 = tpu.vector_load %arg8[%swap3A_76, %swap3A_77] {strides = array<i32>} : memref<32x128xi32, #tpu.memory_space<vmem>>, vector<1x16xi32>,
      %swap3A_79 = vector.shape_cast %swap3A_78 : vector<1x16xi32> to vector<16xi32>
      %swap3A_80 = vector.shape_cast %add3A_75 : vector<16xi32> to vector<1x16xi32>
      tpu.vector_store %arg8[%swap3A_76, %swap3A_77], %swap3A_80 {strides = array<i32>} : memref<32x128xi32, #tpu.memory_space<vmem>>, vector<1x16xi32>,
      %get3A_81 = arith.index_cast %scan3A_20 : i32 to index
      %get3A_82 = arith.constant 80 : index
      %get3A_83 = tpu.vector_load %arg7[%get3A_81, %get3A_82] {strides = array<i32>} : memref<32x128xf32, #tpu.memory_space<vmem>>, vector<1x16xf32>,
      %get3A_84 = vector.shape_cast %get3A_83 : vector<1x16xf32> to vector<16xf32>
      %convert_element_type3A_85 = arith.fptosi %get3A_84 : vector<16xf32> to vector<16xi32>
      %add3A_86 = vector.broadcast %mul3A_23 : i32 to vector<16xi32>
      %add3A_87 = arith.addi %convert_element_type3A_85, %add3A_86 : vector<16xi32>
      %swap3A_88 = arith.index_cast %scan3A_20 : i32 to index
      %swap3A_89 = arith.constant 80 : index
      %swap3A_90 = tpu.vector_load %arg8[%swap3A_88, %swap3A_89] {strides = array<i32>} : memref<32x128xi32, #tpu.memory_space<vmem>>, vector<1x16xi32>,
      %swap3A_91 = vector.shape_cast %swap3A_90 : vector<1x16xi32> to vector<16xi32>
      %swap3A_92 = vector.shape_cast %add3A_87 : vector<16xi32> to vector<1x16xi32>
      tpu.vector_store %arg8[%swap3A_88, %swap3A_89], %swap3A_92 {strides = array<i32>} : memref<32x128xi32, #tpu.memory_space<vmem>>, vector<1x16xi32>,
      %get3A_93 = arith.index_cast %scan3A_20 : i32 to index
      %get3A_94 = arith.constant 96 : index
      %get3A_95 = tpu.vector_load %arg7[%get3A_93, %get3A_94] {strides = array<i32>} : memref<32x128xf32, #tpu.memory_space<vmem>>, vector<1x16xf32>,
      %get3A_96 = vector.shape_cast %get3A_95 : vector<1x16xf32> to vector<16xf32>
      %convert_element_type3A_97 = arith.fptosi %get3A_96 : vector<16xf32> to vector<16xi32>
      %add3A_98 = vector.broadcast %mul3A_23 : i32 to vector<16xi32>
      %add3A_99 = arith.addi %convert_element_type3A_97, %add3A_98 : vector<16xi32>
      %swap3A_100 = arith.index_cast %scan3A_20 : i32 to index
      %swap3A_101 = arith.constant 96 : index
      %swap3A_102 = tpu.vector_load %arg8[%swap3A_100, %swap3A_101] {strides = array<i32>} : memref<32x128xi32, #tpu.memory_space<vmem>>, vector<1x16xi32>,
      %swap3A_103 = vector.shape_cast %swap3A_102 : vector<1x16xi32> to vector<16xi32>
      %swap3A_104 = vector.shape_cast %add3A_99 : vector<16xi32> to vector<1x16xi32>
      tpu.vector_store %arg8[%swap3A_100, %swap3A_101], %swap3A_104 {strides = array<i32>} : memref<32x128xi32, #tpu.memory_space<vmem>>, vector<1x16xi32>,
      %get3A_105 = arith.index_cast %scan3A_20 : i32 to index
      %get3A_106 = arith.constant 112 : index
      %get3A_107 = tpu.vector_load %arg7[%get3A_105, %get3A_106] {strides = array<i32>} : memref<32x128xf32, #tpu.memory_space<vmem>>, vector<1x16xf32>,
      %get3A_108 = vector.shape_cast %get3A_107 : vector<1x16xf32> to vector<16xf32>
      %convert_element_type3A_109 = arith.fptosi %get3A_108 : vector<16xf32> to vector<16xi32>
      %add3A_110 = vector.broadcast %mul3A_23 : i32 to vector<16xi32>
      %add3A_111 = arith.addi %convert_element_type3A_109, %add3A_110 : vector<16xi32>
      %swap3A_112 = arith.index_cast %scan3A_20 : i32 to index
      %swap3A_113 = arith.constant 112 : index
      %swap3A_114 = tpu.vector_load %arg8[%swap3A_112, %swap3A_113] {strides = array<i32>} : memref<32x128xi32, #tpu.memory_space<vmem>>, vector<1x16xi32>,
      %swap3A_115 = vector.shape_cast %swap3A_114 : vector<1x16xi32> to vector<16xi32>
      %swap3A_116 = vector.shape_cast %add3A_111 : vector<16xi32> to vector<1x16xi32>
      tpu.vector_store %arg8[%swap3A_112, %swap3A_113], %swap3A_116 {strides = array<i32>} : memref<32x128xi32, #tpu.memory_space<vmem>>, vector<1x16xi32>,
    }
    %scan3A_7 = arith.constant 32 : i32
    %scan3A_8 = arith.constant 0 : i32
    %scan3A_9 = arith.constant 0 : i32
    %scan3A_10 = arith.constant 4 : i32
    %scan3A_11 = arith.addi %scan3A_9, %scan3A_10 : i32
    %scan3A_12 = arith.constant 1 : i32
    scf.for %scan3A_20 = %scan3A_9 to %scan3A_11 step %scan3A_12  : i32 {
      %mul3A_21 = arith.constant 8 : i32
      %mul3A_22 = arith.muli %scan3A_20, %mul3A_21 : i32
      %add3A_23 = arith.constant 0 : i32
      %add3A_24 = arith.addi %mul3A_22, %add3A_23 : i32
      %dma_start3A = arith.constant 0 : i32
      %dma_start3A_25 = tpu.memref_slice %arg9[%add3A_24, %dma_start3A] : memref<32x128xf32, #tpu.memory_space<vmem>> -> memref<1x128xf32, #tpu.memory_space<vmem>>
      %dma_start3A_26 = tpu.memref_squeeze %dma_start3A_25 : memref<1x128xf32, #tpu.memory_space<vmem>> -> memref<128xf32, #tpu.memory_space<vmem>>
      %dma_start3A_27 = arith.constant 0 : i32
      %dma_start3A_28 = tpu.memref_slice %arg8[%add3A_24, %dma_start3A_27] : memref<32x128xi32, #tpu.memory_space<vmem>> -> memref<1x128xi32, #tpu.memory_space<vmem>>
      %dma_start3A_29 = tpu.memref_squeeze %dma_start3A_28 : memref<1x128xi32, #tpu.memory_space<vmem>> -> memref<128xi32, #tpu.memory_space<vmem>>
      %dma_start3A_30 = arith.constant 0 : i32
      %dma_start3A_31 = tpu.memref_slice %arg4[%dma_start3A_30] : memref<8000512xf32, #tpu.memory_space<hbm>> -> memref<8000512xf32, #tpu.memory_space<hbm>>
      tpu.enqueue_indirect_dma source(%dma_start3A_31 : memref<8000512xf32, #tpu.memory_space<hbm>>) target(%dma_start3A_26 : memref<128xf32, #tpu.memory_space<vmem>>) offsets(%dma_start3A_29 : memref<128xi32, #tpu.memory_space<vmem>>) semaphore(%arg13 : memref<!tpu.dma_semaphore, #tpu.memory_space<semaphore_mem>>)
      %mul3A_32 = arith.constant 8 : i32
      %mul3A_33 = arith.muli %scan3A_20, %mul3A_32 : i32
      %add3A_34 = arith.constant 1 : i32
      %add3A_35 = arith.addi %mul3A_33, %add3A_34 : i32
      %dma_start3A_36 = arith.constant 0 : i32
      %dma_start3A_37 = tpu.memref_slice %arg9[%add3A_35, %dma_start3A_36] : memref<32x128xf32, #tpu.memory_space<vmem>> -> memref<1x128xf32, #tpu.memory_space<vmem>>
      %dma_start3A_38 = tpu.memref_squeeze %dma_start3A_37 : memref<1x128xf32, #tpu.memory_space<vmem>> -> memref<128xf32, #tpu.memory_space<vmem>>
      %dma_start3A_39 = arith.constant 0 : i32
      %dma_start3A_40 = tpu.memref_slice %arg8[%add3A_35, %dma_start3A_39] : memref<32x128xi32, #tpu.memory_space<vmem>> -> memref<1x128xi32, #tpu.memory_space<vmem>>
      %dma_start3A_41 = tpu.memref_squeeze %dma_start3A_40 : memref<1x128xi32, #tpu.memory_space<vmem>> -> memref<128xi32, #tpu.memory_space<vmem>>
      %dma_start3A_42 = arith.constant 0 : i32
      %dma_start3A_43 = tpu.memref_slice %arg4[%dma_start3A_42] : memref<8000512xf32, #tpu.memory_space<hbm>> -> memref<8000512xf32, #tpu.memory_space<hbm>>
      tpu.enqueue_indirect_dma source(%dma_start3A_43 : memref<8000512xf32, #tpu.memory_space<hbm>>) target(%dma_start3A_38 : memref<128xf32, #tpu.memory_space<vmem>>) offsets(%dma_start3A_41 : memref<128xi32, #tpu.memory_space<vmem>>) semaphore(%arg13 : memref<!tpu.dma_semaphore, #tpu.memory_space<semaphore_mem>>)
      %mul3A_44 = arith.constant 8 : i32
      %mul3A_45 = arith.muli %scan3A_20, %mul3A_44 : i32
      %add3A_46 = arith.constant 2 : i32
      %add3A_47 = arith.addi %mul3A_45, %add3A_46 : i32
      %dma_start3A_48 = arith.constant 0 : i32
      %dma_start3A_49 = tpu.memref_slice %arg9[%add3A_47, %dma_start3A_48] : memref<32x128xf32, #tpu.memory_space<vmem>> -> memref<1x128xf32, #tpu.memory_space<vmem>>
      %dma_start3A_50 = tpu.memref_squeeze %dma_start3A_49 : memref<1x128xf32, #tpu.memory_space<vmem>> -> memref<128xf32, #tpu.memory_space<vmem>>
      %dma_start3A_51 = arith.constant 0 : i32
      %dma_start3A_52 = tpu.memref_slice %arg8[%add3A_47, %dma_start3A_51] : memref<32x128xi32, #tpu.memory_space<vmem>> -> memref<1x128xi32, #tpu.memory_space<vmem>>
      %dma_start3A_53 = tpu.memref_squeeze %dma_start3A_52 : memref<1x128xi32, #tpu.memory_space<vmem>> -> memref<128xi32, #tpu.memory_space<vmem>>
      %dma_start3A_54 = arith.constant 0 : i32
      %dma_start3A_55 = tpu.memref_slice %arg4[%dma_start3A_54] : memref<8000512xf32, #tpu.memory_space<hbm>> -> memref<8000512xf32, #tpu.memory_space<hbm>>
      tpu.enqueue_indirect_dma source(%dma_start3A_55 : memref<8000512xf32, #tpu.memory_space<hbm>>) target(%dma_start3A_50 : memref<128xf32, #tpu.memory_space<vmem>>) offsets(%dma_start3A_53 : memref<128xi32, #tpu.memory_space<vmem>>) semaphore(%arg13 : memref<!tpu.dma_semaphore, #tpu.memory_space<semaphore_mem>>)
      %mul3A_56 = arith.constant 8 : i32
      %mul3A_57 = arith.muli %scan3A_20, %mul3A_56 : i32
      %add3A_58 = arith.constant 3 : i32
      %add3A_59 = arith.addi %mul3A_57, %add3A_58 : i32
      %dma_start3A_60 = arith.constant 0 : i32
      %dma_start3A_61 = tpu.memref_slice %arg9[%add3A_59, %dma_start3A_60] : memref<32x128xf32, #tpu.memory_space<vmem>> -> memref<1x128xf32, #tpu.memory_space<vmem>>
      %dma_start3A_62 = tpu.memref_squeeze %dma_start3A_61 : memref<1x128xf32, #tpu.memory_space<vmem>> -> memref<128xf32, #tpu.memory_space<vmem>>
      %dma_start3A_63 = arith.constant 0 : i32
      %dma_start3A_64 = tpu.memref_slice %arg8[%add3A_59, %dma_start3A_63] : memref<32x128xi32, #tpu.memory_space<vmem>> -> memref<1x128xi32, #tpu.memory_space<vmem>>
      %dma_start3A_65 = tpu.memref_squeeze %dma_start3A_64 : memref<1x128xi32, #tpu.memory_space<vmem>> -> memref<128xi32, #tpu.memory_space<vmem>>
      %dma_start3A_66 = arith.constant 0 : i32
      %dma_start3A_67 = tpu.memref_slice %arg4[%dma_start3A_66] : memref<8000512xf32, #tpu.memory_space<hbm>> -> memref<8000512xf32, #tpu.memory_space<hbm>>
      tpu.enqueue_indirect_dma source(%dma_start3A_67 : memref<8000512xf32, #tpu.memory_space<hbm>>) target(%dma_start3A_62 : memref<128xf32, #tpu.memory_space<vmem>>) offsets(%dma_start3A_65 : memref<128xi32, #tpu.memory_space<vmem>>) semaphore(%arg13 : memref<!tpu.dma_semaphore, #tpu.memory_space<semaphore_mem>>)
      %mul3A_68 = arith.constant 8 : i32
      %mul3A_69 = arith.muli %scan3A_20, %mul3A_68 : i32
      %add3A_70 = arith.constant 4 : i32
      %add3A_71 = arith.addi %mul3A_69, %add3A_70 : i32
      %dma_start3A_72 = arith.constant 0 : i32
      %dma_start3A_73 = tpu.memref_slice %arg9[%add3A_71, %dma_start3A_72] : memref<32x128xf32, #tpu.memory_space<vmem>> -> memref<1x128xf32, #tpu.memory_space<vmem>>
      %dma_start3A_74 = tpu.memref_squeeze %dma_start3A_73 : memref<1x128xf32, #tpu.memory_space<vmem>> -> memref<128xf32, #tpu.memory_space<vmem>>
      %dma_start3A_75 = arith.constant 0 : i32
      %dma_start3A_76 = tpu.memref_slice %arg8[%add3A_71, %dma_start3A_75] : memref<32x128xi32, #tpu.memory_space<vmem>> -> memref<1x128xi32, #tpu.memory_space<vmem>>
      %dma_start3A_77 = tpu.memref_squeeze %dma_start3A_76 : memref<1x128xi32, #tpu.memory_space<vmem>> -> memref<128xi32, #tpu.memory_space<vmem>>
      %dma_start3A_78 = arith.constant 0 : i32
      %dma_start3A_79 = tpu.memref_slice %arg4[%dma_start3A_78] : memref<8000512xf32, #tpu.memory_space<hbm>> -> memref<8000512xf32, #tpu.memory_space<hbm>>
      tpu.enqueue_indirect_dma source(%dma_start3A_79 : memref<8000512xf32, #tpu.memory_space<hbm>>) target(%dma_start3A_74 : memref<128xf32, #tpu.memory_space<vmem>>) offsets(%dma_start3A_77 : memref<128xi32, #tpu.memory_space<vmem>>) semaphore(%arg13 : memref<!tpu.dma_semaphore, #tpu.memory_space<semaphore_mem>>)
      %mul3A_80 = arith.constant 8 : i32
      %mul3A_81 = arith.muli %scan3A_20, %mul3A_80 : i32
      %add3A_82 = arith.constant 5 : i32
      %add3A_83 = arith.addi %mul3A_81, %add3A_82 : i32
      %dma_start3A_84 = arith.constant 0 : i32
      %dma_start3A_85 = tpu.memref_slice %arg9[%add3A_83, %dma_start3A_84] : memref<32x128xf32, #tpu.memory_space<vmem>> -> memref<1x128xf32, #tpu.memory_space<vmem>>
      %dma_start3A_86 = tpu.memref_squeeze %dma_start3A_85 : memref<1x128xf32, #tpu.memory_space<vmem>> -> memref<128xf32, #tpu.memory_space<vmem>>
      %dma_start3A_87 = arith.constant 0 : i32
      %dma_start3A_88 = tpu.memref_slice %arg8[%add3A_83, %dma_start3A_87] : memref<32x128xi32, #tpu.memory_space<vmem>> -> memref<1x128xi32, #tpu.memory_space<vmem>>
      %dma_start3A_89 = tpu.memref_squeeze %dma_start3A_88 : memref<1x128xi32, #tpu.memory_space<vmem>> -> memref<128xi32, #tpu.memory_space<vmem>>
      %dma_start3A_90 = arith.constant 0 : i32
      %dma_start3A_91 = tpu.memref_slice %arg4[%dma_start3A_90] : memref<8000512xf32, #tpu.memory_space<hbm>> -> memref<8000512xf32, #tpu.memory_space<hbm>>
      tpu.enqueue_indirect_dma source(%dma_start3A_91 : memref<8000512xf32, #tpu.memory_space<hbm>>) target(%dma_start3A_86 : memref<128xf32, #tpu.memory_space<vmem>>) offsets(%dma_start3A_89 : memref<128xi32, #tpu.memory_space<vmem>>) semaphore(%arg13 : memref<!tpu.dma_semaphore, #tpu.memory_space<semaphore_mem>>)
      %mul3A_92 = arith.constant 8 : i32
      %mul3A_93 = arith.muli %scan3A_20, %mul3A_92 : i32
      %add3A_94 = arith.constant 6 : i32
      %add3A_95 = arith.addi %mul3A_93, %add3A_94 : i32
      %dma_start3A_96 = arith.constant 0 : i32
      %dma_start3A_97 = tpu.memref_slice %arg9[%add3A_95, %dma_start3A_96] : memref<32x128xf32, #tpu.memory_space<vmem>> -> memref<1x128xf32, #tpu.memory_space<vmem>>
      %dma_start3A_98 = tpu.memref_squeeze %dma_start3A_97 : memref<1x128xf32, #tpu.memory_space<vmem>> -> memref<128xf32, #tpu.memory_space<vmem>>
      %dma_start3A_99 = arith.constant 0 : i32
      %dma_start3A_100 = tpu.memref_slice %arg8[%add3A_95, %dma_start3A_99] : memref<32x128xi32, #tpu.memory_space<vmem>> -> memref<1x128xi32, #tpu.memory_space<vmem>>
      %dma_start3A_101 = tpu.memref_squeeze %dma_start3A_100 : memref<1x128xi32, #tpu.memory_space<vmem>> -> memref<128xi32, #tpu.memory_space<vmem>>
      %dma_start3A_102 = arith.constant 0 : i32
      %dma_start3A_103 = tpu.memref_slice %arg4[%dma_start3A_102] : memref<8000512xf32, #tpu.memory_space<hbm>> -> memref<8000512xf32, #tpu.memory_space<hbm>>
      tpu.enqueue_indirect_dma source(%dma_start3A_103 : memref<8000512xf32, #tpu.memory_space<hbm>>) target(%dma_start3A_98 : memref<128xf32, #tpu.memory_space<vmem>>) offsets(%dma_start3A_101 : memref<128xi32, #tpu.memory_space<vmem>>) semaphore(%arg13 : memref<!tpu.dma_semaphore, #tpu.memory_space<semaphore_mem>>)
      %mul3A_104 = arith.constant 8 : i32
      %mul3A_105 = arith.muli %scan3A_20, %mul3A_104 : i32
      %add3A_106 = arith.constant 7 : i32
      %add3A_107 = arith.addi %mul3A_105, %add3A_106 : i32
      %dma_start3A_108 = arith.constant 0 : i32
      %dma_start3A_109 = tpu.memref_slice %arg9[%add3A_107, %dma_start3A_108] : memref<32x128xf32, #tpu.memory_space<vmem>> -> memref<1x128xf32, #tpu.memory_space<vmem>>
      %dma_start3A_110 = tpu.memref_squeeze %dma_start3A_109 : memref<1x128xf32, #tpu.memory_space<vmem>> -> memref<128xf32, #tpu.memory_space<vmem>>
      %dma_start3A_111 = arith.constant 0 : i32
      %dma_start3A_112 = tpu.memref_slice %arg8[%add3A_107, %dma_start3A_111] : memref<32x128xi32, #tpu.memory_space<vmem>> -> memref<1x128xi32, #tpu.memory_space<vmem>>
      %dma_start3A_113 = tpu.memref_squeeze %dma_start3A_112 : memref<1x128xi32, #tpu.memory_space<vmem>> -> memref<128xi32, #tpu.memory_space<vmem>>
      %dma_start3A_114 = arith.constant 0 : i32
      %dma_start3A_115 = tpu.memref_slice %arg4[%dma_start3A_114] : memref<8000512xf32, #tpu.memory_space<hbm>> -> memref<8000512xf32, #tpu.memory_space<hbm>>
      tpu.enqueue_indirect_dma source(%dma_start3A_115 : memref<8000512xf32, #tpu.memory_space<hbm>>) target(%dma_start3A_110 : memref<128xf32, #tpu.memory_space<vmem>>) offsets(%dma_start3A_113 : memref<128xi32, #tpu.memory_space<vmem>>) semaphore(%arg13 : memref<!tpu.dma_semaphore, #tpu.memory_space<semaphore_mem>>)
      %dma_wait3A = arith.constant 0 : i32
      %dma_wait3A_116 = tpu.memref_slice %arg9[%add3A_24, %dma_wait3A] : memref<32x128xf32, #tpu.memory_space<vmem>> -> memref<1x128xf32, #tpu.memory_space<vmem>>
      %dma_wait3A_117 = tpu.memref_squeeze %dma_wait3A_116 : memref<1x128xf32, #tpu.memory_space<vmem>> -> memref<128xf32, #tpu.memory_space<vmem>>
      %dma_wait3A_118 = arith.constant 0 : i32
      %dma_wait3A_119 = tpu.memref_slice %arg8[%add3A_24, %dma_wait3A_118] : memref<32x128xi32, #tpu.memory_space<vmem>> -> memref<1x128xi32, #tpu.memory_space<vmem>>
      %dma_wait3A_120 = tpu.memref_squeeze %dma_wait3A_119 : memref<1x128xi32, #tpu.memory_space<vmem>> -> memref<128xi32, #tpu.memory_space<vmem>>
      %dma_wait3A_121 = arith.constant 0 : i32
      %dma_wait3A_122 = tpu.memref_slice %arg4[%dma_wait3A_121] : memref<8000512xf32, #tpu.memory_space<hbm>> -> memref<8000512xf32, #tpu.memory_space<hbm>>
      tpu.wait_indirect_dma semaphore(%arg13 : memref<!tpu.dma_semaphore, #tpu.memory_space<semaphore_mem>>) src(%dma_wait3A_122 : memref<8000512xf32, #tpu.memory_space<hbm>>) dst(%dma_wait3A_117 : memref<128xf32, #tpu.memory_space<vmem>>)
      %dma_wait3A_123 = arith.constant 0 : i32
      %dma_wait3A_124 = tpu.memref_slice %arg9[%add3A_35, %dma_wait3A_123] : memref<32x128xf32, #tpu.memory_space<vmem>> -> memref<1x128xf32, #tpu.memory_space<vmem>>
      %dma_wait3A_125 = tpu.memref_squeeze %dma_wait3A_124 : memref<1x128xf32, #tpu.memory_space<vmem>> -> memref<128xf32, #tpu.memory_space<vmem>>
      %dma_wait3A_126 = arith.constant 0 : i32
      %dma_wait3A_127 = tpu.memref_slice %arg8[%add3A_35, %dma_wait3A_126] : memref<32x128xi32, #tpu.memory_space<vmem>> -> memref<1x128xi32, #tpu.memory_space<vmem>>
      %dma_wait3A_128 = tpu.memref_squeeze %dma_wait3A_127 : memref<1x128xi32, #tpu.memory_space<vmem>> -> memref<128xi32, #tpu.memory_space<vmem>>
      %dma_wait3A_129 = arith.constant 0 : i32
      %dma_wait3A_130 = tpu.memref_slice %arg4[%dma_wait3A_129] : memref<8000512xf32, #tpu.memory_space<hbm>> -> memref<8000512xf32, #tpu.memory_space<hbm>>
      tpu.wait_indirect_dma semaphore(%arg13 : memref<!tpu.dma_semaphore, #tpu.memory_space<semaphore_mem>>) src(%dma_wait3A_130 : memref<8000512xf32, #tpu.memory_space<hbm>>) dst(%dma_wait3A_125 : memref<128xf32, #tpu.memory_space<vmem>>)
      %dma_wait3A_131 = arith.constant 0 : i32
      %dma_wait3A_132 = tpu.memref_slice %arg9[%add3A_47, %dma_wait3A_131] : memref<32x128xf32, #tpu.memory_space<vmem>> -> memref<1x128xf32, #tpu.memory_space<vmem>>
      %dma_wait3A_133 = tpu.memref_squeeze %dma_wait3A_132 : memref<1x128xf32, #tpu.memory_space<vmem>> -> memref<128xf32, #tpu.memory_space<vmem>>
      %dma_wait3A_134 = arith.constant 0 : i32
      %dma_wait3A_135 = tpu.memref_slice %arg8[%add3A_47, %dma_wait3A_134] : memref<32x128xi32, #tpu.memory_space<vmem>> -> memref<1x128xi32, #tpu.memory_space<vmem>>
      %dma_wait3A_136 = tpu.memref_squeeze %dma_wait3A_135 : memref<1x128xi32, #tpu.memory_space<vmem>> -> memref<128xi32, #tpu.memory_space<vmem>>
      %dma_wait3A_137 = arith.constant 0 : i32
      %dma_wait3A_138 = tpu.memref_slice %arg4[%dma_wait3A_137] : memref<8000512xf32, #tpu.memory_space<hbm>> -> memref<8000512xf32, #tpu.memory_space<hbm>>
      tpu.wait_indirect_dma semaphore(%arg13 : memref<!tpu.dma_semaphore, #tpu.memory_space<semaphore_mem>>) src(%dma_wait3A_138 : memref<8000512xf32, #tpu.memory_space<hbm>>) dst(%dma_wait3A_133 : memref<128xf32, #tpu.memory_space<vmem>>)
      %dma_wait3A_139 = arith.constant 0 : i32
      %dma_wait3A_140 = tpu.memref_slice %arg9[%add3A_59, %dma_wait3A_139] : memref<32x128xf32, #tpu.memory_space<vmem>> -> memref<1x128xf32, #tpu.memory_space<vmem>>
      %dma_wait3A_141 = tpu.memref_squeeze %dma_wait3A_140 : memref<1x128xf32, #tpu.memory_space<vmem>> -> memref<128xf32, #tpu.memory_space<vmem>>
      %dma_wait3A_142 = arith.constant 0 : i32
      %dma_wait3A_143 = tpu.memref_slice %arg8[%add3A_59, %dma_wait3A_142] : memref<32x128xi32, #tpu.memory_space<vmem>> -> memref<1x128xi32, #tpu.memory_space<vmem>>
      %dma_wait3A_144 = tpu.memref_squeeze %dma_wait3A_143 : memref<1x128xi32, #tpu.memory_space<vmem>> -> memref<128xi32, #tpu.memory_space<vmem>>
      %dma_wait3A_145 = arith.constant 0 : i32
      %dma_wait3A_146 = tpu.memref_slice %arg4[%dma_wait3A_145] : memref<8000512xf32, #tpu.memory_space<hbm>> -> memref<8000512xf32, #tpu.memory_space<hbm>>
      tpu.wait_indirect_dma semaphore(%arg13 : memref<!tpu.dma_semaphore, #tpu.memory_space<semaphore_mem>>) src(%dma_wait3A_146 : memref<8000512xf32, #tpu.memory_space<hbm>>) dst(%dma_wait3A_141 : memref<128xf32, #tpu.memory_space<vmem>>)
      %dma_wait3A_147 = arith.constant 0 : i32
      %dma_wait3A_148 = tpu.memref_slice %arg9[%add3A_71, %dma_wait3A_147] : memref<32x128xf32, #tpu.memory_space<vmem>> -> memref<1x128xf32, #tpu.memory_space<vmem>>
      %dma_wait3A_149 = tpu.memref_squeeze %dma_wait3A_148 : memref<1x128xf32, #tpu.memory_space<vmem>> -> memref<128xf32, #tpu.memory_space<vmem>>
      %dma_wait3A_150 = arith.constant 0 : i32
      %dma_wait3A_151 = tpu.memref_slice %arg8[%add3A_71, %dma_wait3A_150] : memref<32x128xi32, #tpu.memory_space<vmem>> -> memref<1x128xi32, #tpu.memory_space<vmem>>
      %dma_wait3A_152 = tpu.memref_squeeze %dma_wait3A_151 : memref<1x128xi32, #tpu.memory_space<vmem>> -> memref<128xi32, #tpu.memory_space<vmem>>
      %dma_wait3A_153 = arith.constant 0 : i32
      %dma_wait3A_154 = tpu.memref_slice %arg4[%dma_wait3A_153] : memref<8000512xf32, #tpu.memory_space<hbm>> -> memref<8000512xf32, #tpu.memory_space<hbm>>
      tpu.wait_indirect_dma semaphore(%arg13 : memref<!tpu.dma_semaphore, #tpu.memory_space<semaphore_mem>>) src(%dma_wait3A_154 : memref<8000512xf32, #tpu.memory_space<hbm>>) dst(%dma_wait3A_149 : memref<128xf32, #tpu.memory_space<vmem>>)
      %dma_wait3A_155 = arith.constant 0 : i32
      %dma_wait3A_156 = tpu.memref_slice %arg9[%add3A_83, %dma_wait3A_155] : memref<32x128xf32, #tpu.memory_space<vmem>> -> memref<1x128xf32, #tpu.memory_space<vmem>>
      %dma_wait3A_157 = tpu.memref_squeeze %dma_wait3A_156 : memref<1x128xf32, #tpu.memory_space<vmem>> -> memref<128xf32, #tpu.memory_space<vmem>>
      %dma_wait3A_158 = arith.constant 0 : i32
      %dma_wait3A_159 = tpu.memref_slice %arg8[%add3A_83, %dma_wait3A_158] : memref<32x128xi32, #tpu.memory_space<vmem>> -> memref<1x128xi32, #tpu.memory_space<vmem>>
      %dma_wait3A_160 = tpu.memref_squeeze %dma_wait3A_159 : memref<1x128xi32, #tpu.memory_space<vmem>> -> memref<128xi32, #tpu.memory_space<vmem>>
      %dma_wait3A_161 = arith.constant 0 : i32
      %dma_wait3A_162 = tpu.memref_slice %arg4[%dma_wait3A_161] : memref<8000512xf32, #tpu.memory_space<hbm>> -> memref<8000512xf32, #tpu.memory_space<hbm>>
      tpu.wait_indirect_dma semaphore(%arg13 : memref<!tpu.dma_semaphore, #tpu.memory_space<semaphore_mem>>) src(%dma_wait3A_162 : memref<8000512xf32, #tpu.memory_space<hbm>>) dst(%dma_wait3A_157 : memref<128xf32, #tpu.memory_space<vmem>>)
      %dma_wait3A_163 = arith.constant 0 : i32
      %dma_wait3A_164 = tpu.memref_slice %arg9[%add3A_95, %dma_wait3A_163] : memref<32x128xf32, #tpu.memory_space<vmem>> -> memref<1x128xf32, #tpu.memory_space<vmem>>
      %dma_wait3A_165 = tpu.memref_squeeze %dma_wait3A_164 : memref<1x128xf32, #tpu.memory_space<vmem>> -> memref<128xf32, #tpu.memory_space<vmem>>
      %dma_wait3A_166 = arith.constant 0 : i32
      %dma_wait3A_167 = tpu.memref_slice %arg8[%add3A_95, %dma_wait3A_166] : memref<32x128xi32, #tpu.memory_space<vmem>> -> memref<1x128xi32, #tpu.memory_space<vmem>>
      %dma_wait3A_168 = tpu.memref_squeeze %dma_wait3A_167 : memref<1x128xi32, #tpu.memory_space<vmem>> -> memref<128xi32, #tpu.memory_space<vmem>>
      %dma_wait3A_169 = arith.constant 0 : i32
      %dma_wait3A_170 = tpu.memref_slice %arg4[%dma_wait3A_169] : memref<8000512xf32, #tpu.memory_space<hbm>> -> memref<8000512xf32, #tpu.memory_space<hbm>>
      tpu.wait_indirect_dma semaphore(%arg13 : memref<!tpu.dma_semaphore, #tpu.memory_space<semaphore_mem>>) src(%dma_wait3A_170 : memref<8000512xf32, #tpu.memory_space<hbm>>) dst(%dma_wait3A_165 : memref<128xf32, #tpu.memory_space<vmem>>)
      %dma_wait3A_171 = arith.constant 0 : i32
      %dma_wait3A_172 = tpu.memref_slice %arg9[%add3A_107, %dma_wait3A_171] : memref<32x128xf32, #tpu.memory_space<vmem>> -> memref<1x128xf32, #tpu.memory_space<vmem>>
      %dma_wait3A_173 = tpu.memref_squeeze %dma_wait3A_172 : memref<1x128xf32, #tpu.memory_space<vmem>> -> memref<128xf32, #tpu.memory_space<vmem>>
      %dma_wait3A_174 = arith.constant 0 : i32
      %dma_wait3A_175 = tpu.memref_slice %arg8[%add3A_107, %dma_wait3A_174] : memref<32x128xi32, #tpu.memory_space<vmem>> -> memref<1x128xi32, #tpu.memory_space<vmem>>
      %dma_wait3A_176 = tpu.memref_squeeze %dma_wait3A_175 : memref<1x128xi32, #tpu.memory_space<vmem>> -> memref<128xi32, #tpu.memory_space<vmem>>
      %dma_wait3A_177 = arith.constant 0 : i32
      %dma_wait3A_178 = tpu.memref_slice %arg4[%dma_wait3A_177] : memref<8000512xf32, #tpu.memory_space<hbm>> -> memref<8000512xf32, #tpu.memory_space<hbm>>
      tpu.wait_indirect_dma semaphore(%arg13 : memref<!tpu.dma_semaphore, #tpu.memory_space<semaphore_mem>>) src(%dma_wait3A_178 : memref<8000512xf32, #tpu.memory_space<hbm>>) dst(%dma_wait3A_173 : memref<128xf32, #tpu.memory_space<vmem>>)
    }
    %scan3A_13 = arith.constant 4 : i32
    %scan3A_14 = arith.constant 0 : i32
    %scan3A_15 = arith.constant 0 : i32
    %scan3A_16 = arith.constant 32 : i32
    %scan3A_17 = arith.addi %scan3A_15, %scan3A_16 : i32
    %scan3A_18 = arith.constant 1 : i32
    scf.for %scan3A_20 = %scan3A_15 to %scan3A_17 step %scan3A_18  : i32 {
      %jit3A = arith.constant 8 : i32
      %div3A = arith.divsi %scan3A_20, %jit3A : i32
      %sign3A = arith.constant 0 : i32
      %sign3A_21 = arith.cmpi sgt, %scan3A_20, %sign3A : i32
      %sign3A_22 = arith.extui %sign3A_21 : i1 to i32
      %sign3A_23 = arith.constant 0 : i32
      %sign3A_24 = arith.cmpi slt, %scan3A_20, %sign3A_23 : i32
      %sign3A_25 = arith.extui %sign3A_24 : i1 to i32
      %sign3A_26 = arith.subi %sign3A_22, %sign3A_25 : i32
      %sign3A_27 = arith.constant 0 : i32
      %sign3A_28 = arith.cmpi sgt, %jit3A, %sign3A_27 : i32
      %sign3A_29 = arith.extui %sign3A_28 : i1 to i32
      %sign3A_30 = arith.constant 0 : i32
      %sign3A_31 = arith.cmpi slt, %jit3A, %sign3A_30 : i32
      %sign3A_32 = arith.extui %sign3A_31 : i1 to i32
      %sign3A_33 = arith.subi %sign3A_29, %sign3A_32 : i32
      %ne3A = arith.cmpi ne, %sign3A_26, %sign3A_33 : i32
      %rem3A = arith.remsi %scan3A_20, %jit3A : i32
      %ne3A_34 = arith.constant 0 : i32
      %ne3A_35 = arith.cmpi ne, %rem3A, %ne3A_34 : i32
      %and3A = arith.andi %ne3A, %ne3A_35 : i1
      %sub3A = arith.constant 1 : i32
      %sub3A_36 = arith.subi %div3A, %sub3A : i32
      %select_n3A = arith.select %and3A, %sub3A_36, %div3A : i32
      %jit3A_37 = arith.constant 8 : i32
      %eq3A = arith.constant 0 : i32
      %eq3A_38 = arith.cmpi eq, %jit3A_37, %eq3A : i32
      %jit3A_39 = arith.constant 1 : i32
      %select_n3A_40 = arith.select %eq3A_38, %jit3A_39, %jit3A_37 : i32
      %rem3A_41 = arith.remsi %scan3A_20, %select_n3A_40 : i32
      %ne3A_42 = arith.constant 0 : i32
      %ne3A_43 = arith.cmpi ne, %rem3A_41, %ne3A_42 : i32
      %lt3A = arith.constant 0 : i32
      %lt3A_44 = arith.cmpi slt, %rem3A_41, %lt3A : i32
      %lt3A_45 = arith.constant 0 : i32
      %lt3A_46 = arith.cmpi slt, %select_n3A_40, %lt3A_45 : i32
      %ne3A_47 = arith.xori %lt3A_44, %lt3A_46 : i1
      %and3A_48 = arith.andi %ne3A_47, %ne3A_43 : i1
      %add3A_49 = arith.addi %rem3A_41, %select_n3A_40 : i32
      %select_n3A_50 = arith.select %and3A_48, %add3A_49, %rem3A_41 : i32
      %mul3A_51 = arith.constant 16 : i32
      %mul3A_52 = arith.muli %select_n3A_50, %mul3A_51 : i32
      %get3A = arith.index_cast %select_n3A : i32 to index
      %get3A_53 = arith.index_cast %mul3A_52 : i32 to index
      %get3A_54 = tpu.vector_load %arg9[%get3A, %get3A_53] {strides = array<i32>} : memref<32x128xf32, #tpu.memory_space<vmem>>, vector<1x16xf32>,
      %get3A_55 = vector.shape_cast %get3A_54 : vector<1x16xf32> to vector<16xf32>
      %add3A_56 = arith.constant 4 : i32
      %add3A_57 = arith.addi %add3A_56, %select_n3A : i32
      %get3A_58 = arith.index_cast %add3A_57 : i32 to index
      %get3A_59 = arith.index_cast %mul3A_52 : i32 to index
      %get3A_60 = tpu.vector_load %arg9[%get3A_58, %get3A_59] {strides = array<i32>} : memref<32x128xf32, #tpu.memory_space<vmem>>, vector<1x16xf32>,
      %get3A_61 = vector.shape_cast %get3A_60 : vector<1x16xf32> to vector<16xf32>
      %add3A_62 = arith.addf %get3A_55, %get3A_61 : vector<16xf32>
      %add3A_63 = arith.constant 8 : i32
      %add3A_64 = arith.addi %add3A_63, %select_n3A : i32
      %get3A_65 = arith.index_cast %add3A_64 : i32 to index
      %get3A_66 = arith.index_cast %mul3A_52 : i32 to index
      %get3A_67 = tpu.vector_load %arg9[%get3A_65, %get3A_66] {strides = array<i32>} : memref<32x128xf32, #tpu.memory_space<vmem>>, vector<1x16xf32>,
      %get3A_68 = vector.shape_cast %get3A_67 : vector<1x16xf32> to vector<16xf32>
      %add3A_69 = arith.addf %add3A_62, %get3A_68 : vector<16xf32>
      %add3A_70 = arith.constant 12 : i32
      %add3A_71 = arith.addi %add3A_70, %select_n3A : i32
      %get3A_72 = arith.index_cast %add3A_71 : i32 to index
      %get3A_73 = arith.index_cast %mul3A_52 : i32 to index
      %get3A_74 = tpu.vector_load %arg9[%get3A_72, %get3A_73] {strides = array<i32>} : memref<32x128xf32, #tpu.memory_space<vmem>>, vector<1x16xf32>,
      %get3A_75 = vector.shape_cast %get3A_74 : vector<1x16xf32> to vector<16xf32>
      %add3A_76 = arith.addf %add3A_69, %get3A_75 : vector<16xf32>
      %add3A_77 = arith.constant 16 : i32
      %add3A_78 = arith.addi %add3A_77, %select_n3A : i32
      %get3A_79 = arith.index_cast %add3A_78 : i32 to index
      %get3A_80 = arith.index_cast %mul3A_52 : i32 to index
      %get3A_81 = tpu.vector_load %arg9[%get3A_79, %get3A_80] {strides = array<i32>} : memref<32x128xf32, #tpu.memory_space<vmem>>, vector<1x16xf32>,
      %get3A_82 = vector.shape_cast %get3A_81 : vector<1x16xf32> to vector<16xf32>
      %add3A_83 = arith.addf %add3A_76, %get3A_82 : vector<16xf32>
      %add3A_84 = arith.constant 20 : i32
      %add3A_85 = arith.addi %add3A_84, %select_n3A : i32
      %get3A_86 = arith.index_cast %add3A_85 : i32 to index
      %get3A_87 = arith.index_cast %mul3A_52 : i32 to index
      %get3A_88 = tpu.vector_load %arg9[%get3A_86, %get3A_87] {strides = array<i32>} : memref<32x128xf32, #tpu.memory_space<vmem>>, vector<1x16xf32>,
      %get3A_89 = vector.shape_cast %get3A_88 : vector<1x16xf32> to vector<16xf32>
      %add3A_90 = arith.addf %add3A_83, %get3A_89 : vector<16xf32>
      %add3A_91 = arith.constant 24 : i32
      %add3A_92 = arith.addi %add3A_91, %select_n3A : i32
      %get3A_93 = arith.index_cast %add3A_92 : i32 to index
      %get3A_94 = arith.index_cast %mul3A_52 : i32 to index
      %get3A_95 = tpu.vector_load %arg9[%get3A_93, %get3A_94] {strides = array<i32>} : memref<32x128xf32, #tpu.memory_space<vmem>>, vector<1x16xf32>,
      %get3A_96 = vector.shape_cast %get3A_95 : vector<1x16xf32> to vector<16xf32>
      %add3A_97 = arith.addf %add3A_90, %get3A_96 : vector<16xf32>
      %add3A_98 = arith.constant 28 : i32
      %add3A_99 = arith.addi %add3A_98, %select_n3A : i32
      %get3A_100 = arith.index_cast %add3A_99 : i32 to index
      %get3A_101 = arith.index_cast %mul3A_52 : i32 to index
      %get3A_102 = tpu.vector_load %arg9[%get3A_100, %get3A_101] {strides = array<i32>} : memref<32x128xf32, #tpu.memory_space<vmem>>, vector<1x16xf32>,
      %get3A_103 = vector.shape_cast %get3A_102 : vector<1x16xf32> to vector<16xf32>
      %add3A_104 = arith.addf %add3A_97, %get3A_103 : vector<16xf32>
      %mul3A_105 = arith.constant 16 : i32
      %mul3A_106 = arith.muli %scan3A_20, %mul3A_105 : i32
      %swap3A = arith.index_cast %mul3A_106 : i32 to index
      %swap3A_107 = tpu.vector_load %arg12[%swap3A] {strides = array<i32>} : memref<512xf32, #tpu.memory_space<vmem>>, vector<16xf32>,
      %swap3A_108 = vector.shape_cast %swap3A_107 : vector<16xf32> to vector<16xf32>
      %swap3A_109 = vector.shape_cast %add3A_104 : vector<16xf32> to vector<16xf32>
      tpu.vector_store %arg12[%swap3A], %swap3A_109 {strides = array<i32>} : memref<512xf32, #tpu.memory_space<vmem>>, vector<16xf32>,
    }
    %scan3A_19 = arith.constant 32 : i32
    "tpu.region"() ({
      %run_scoped3A = tpu.sem_alloc : memref<!tpu.dma_semaphore, #tpu.memory_space<semaphore_mem>>
      %dma_start3A = tpu.memref_slice %arg6[%mul3A_2] : memref<16384xf32, #tpu.memory_space<hbm>> -> memref<512xf32, #tpu.memory_space<hbm>>
      %dma_start3A_20 = tpu.memref_slice %arg6[%mul3A_2] : memref<16384xf32, #tpu.memory_space<hbm>> -> memref<512xf32, #tpu.memory_space<hbm>>
      tpu.enqueue_dma source(%arg12 : memref<512xf32, #tpu.memory_space<vmem>>) target(%dma_start3A_20 : memref<512xf32, #tpu.memory_space<hbm>>) target_semaphore(%run_scoped3A : memref<!tpu.dma_semaphore, #tpu.memory_space<semaphore_mem>>)
      %dma_wait3A = tpu.memref_slice %arg6[%mul3A_2] : memref<16384xf32, #tpu.memory_space<hbm>> -> memref<512xf32, #tpu.memory_space<hbm>>
      %dma_wait3A_21 = tpu.memref_slice %arg6[%mul3A_2] : memref<16384xf32, #tpu.memory_space<hbm>> -> memref<512xf32, #tpu.memory_space<hbm>>
      tpu.wait_dma2 semaphore(%run_scoped3A : memref<!tpu.dma_semaphore, #tpu.memory_space<semaphore_mem>>) src(%arg12 : memref<512xf32, #tpu.memory_space<vmem>>) dst(%dma_wait3A_21 : memref<512xf32, #tpu.memory_space<hbm>>)
      tpu.yield
    }) : () -> ()
    return
  }
}

#map = affine_map<(d0, d1) -> (0, 0, 0)>
#map1 = affine_map<(d0, d1) -> (0)>
#map2 = affine_map<(d0, d1) -> (0, 0)>
module attributes {stable_mosaic.version = 14 : i64} {
  func.func @body(%arg0: i32, %arg1: i32, %arg2: memref<32x32x128xf32, #tpu.memory_space<hbm>>, %arg3: memref<32x16x512xf32, #tpu.memory_space<hbm>>, %arg4: memref<8000512xf32, #tpu.memory_space<hbm>>, %arg5: memref<13x16xf32, #tpu.memory_space<hbm>>, %arg6: memref<16384xf32, #tpu.memory_space<hbm>>, %arg7: memref<32x128xf32, #tpu.memory_space<vmem>>, %arg8: memref<32x128xi32, #tpu.memory_space<vmem>>, %arg9: memref<32x128xf32, #tpu.memory_space<vmem>>, %arg10: memref<16x512xf32, #tpu.memory_space<vmem>>, %arg11: memref<13x16xf32, #tpu.memory_space<vmem>>, %arg12: memref<512xf32, #tpu.memory_space<vmem>>, %arg13: memref<!tpu.dma_semaphore, #tpu.memory_space<semaphore_mem>>) attributes {dimension_semantics = [#tpu.dimension_semantics<core_parallel>, #tpu.dimension_semantics<subcore_parallel>], iteration_bounds = array<i64: 2, 16>, scalar_prefetch = 0 : i64, scratch_operands = 7 : i64, tpu.core_type = #tpu.core_type<sc_vector_subcore>, window_params = [{transform_indices = #map}, {transform_indices = #map}, {transform_indices = #map1}, {transform_indices = #map2}, {transform_indices = #map1}]} {
    %mul3A = arith.constant 2 : i32
    %mul3A_0 = arith.muli %arg1, %mul3A : i32
    %add3A = arith.addi %mul3A_0, %arg0 : i32
    %mul3A_1 = arith.constant 512 : i32
    %mul3A_2 = arith.muli %add3A, %mul3A_1 : i32
    "tpu.region"() ({
      %run_scoped3A = tpu.sem_alloc : memref<!tpu.dma_semaphore, #tpu.memory_space<semaphore_mem>>
      %dma_start3A = arith.constant 0 : i32
      %dma_start3A_20 = arith.constant 0 : i32
      %dma_start3A_21 = tpu.memref_slice %arg2[%add3A, %dma_start3A, %dma_start3A_20] : memref<32x32x128xf32, #tpu.memory_space<hbm>> -> memref<1x32x128xf32, #tpu.memory_space<hbm>>
      %dma_start3A_22 = tpu.memref_squeeze %dma_start3A_21 : memref<1x32x128xf32, #tpu.memory_space<hbm>> -> memref<32x128xf32, #tpu.memory_space<hbm>>
      %dma_start3A_23 = arith.constant 0 : i32
      %dma_start3A_24 = arith.constant 0 : i32
      %dma_start3A_25 = tpu.memref_slice %arg2[%add3A, %dma_start3A_23, %dma_start3A_24] : memref<32x32x128xf32, #tpu.memory_space<hbm>> -> memref<1x32x128xf32, #tpu.memory_space<hbm>>
      %dma_start3A_26 = tpu.memref_squeeze %dma_start3A_25 : memref<1x32x128xf32, #tpu.memory_space<hbm>> -> memref<32x128xf32, #tpu.memory_space<hbm>>
      tpu.enqueue_dma source(%dma_start3A_26 : memref<32x128xf32, #tpu.memory_space<hbm>>) target(%arg7 : memref<32x128xf32, #tpu.memory_space<vmem>>) target_semaphore(%run_scoped3A : memref<!tpu.dma_semaphore, #tpu.memory_space<semaphore_mem>>)
      %dma_wait3A = arith.constant 0 : i32
      %dma_wait3A_27 = arith.constant 0 : i32
      %dma_wait3A_28 = tpu.memref_slice %arg2[%add3A, %dma_wait3A, %dma_wait3A_27] : memref<32x32x128xf32, #tpu.memory_space<hbm>> -> memref<1x32x128xf32, #tpu.memory_space<hbm>>
      %dma_wait3A_29 = tpu.memref_squeeze %dma_wait3A_28 : memref<1x32x128xf32, #tpu.memory_space<hbm>> -> memref<32x128xf32, #tpu.memory_space<hbm>>
      %dma_wait3A_30 = arith.constant 0 : i32
      %dma_wait3A_31 = arith.constant 0 : i32
      %dma_wait3A_32 = tpu.memref_slice %arg2[%add3A, %dma_wait3A_30, %dma_wait3A_31] : memref<32x32x128xf32, #tpu.memory_space<hbm>> -> memref<1x32x128xf32, #tpu.memory_space<hbm>>
      %dma_wait3A_33 = tpu.memref_squeeze %dma_wait3A_32 : memref<1x32x128xf32, #tpu.memory_space<hbm>> -> memref<32x128xf32, #tpu.memory_space<hbm>>
      tpu.wait_dma2 semaphore(%run_scoped3A : memref<!tpu.dma_semaphore, #tpu.memory_space<semaphore_mem>>) src(%dma_wait3A_33 : memref<32x128xf32, #tpu.memory_space<hbm>>) dst(%arg7 : memref<32x128xf32, #tpu.memory_space<vmem>>)
      tpu.yield
    }) : () -> ()
    "tpu.region"() ({
      %run_scoped3A = tpu.sem_alloc : memref<!tpu.dma_semaphore, #tpu.memory_space<semaphore_mem>>
      %dma_start3A = arith.constant 0 : i32
      %dma_start3A_20 = arith.constant 0 : i32
      %dma_start3A_21 = tpu.memref_slice %arg3[%add3A, %dma_start3A, %dma_start3A_20] : memref<32x16x512xf32, #tpu.memory_space<hbm>> -> memref<1x16x512xf32, #tpu.memory_space<hbm>>
      %dma_start3A_22 = tpu.memref_squeeze %dma_start3A_21 : memref<1x16x512xf32, #tpu.memory_space<hbm>> -> memref<16x512xf32, #tpu.memory_space<hbm>>
      %dma_start3A_23 = arith.constant 0 : i32
      %dma_start3A_24 = arith.constant 0 : i32
      %dma_start3A_25 = tpu.memref_slice %arg3[%add3A, %dma_start3A_23, %dma_start3A_24] : memref<32x16x512xf32, #tpu.memory_space<hbm>> -> memref<1x16x512xf32, #tpu.memory_space<hbm>>
      %dma_start3A_26 = tpu.memref_squeeze %dma_start3A_25 : memref<1x16x512xf32, #tpu.memory_space<hbm>> -> memref<16x512xf32, #tpu.memory_space<hbm>>
      tpu.enqueue_dma source(%dma_start3A_26 : memref<16x512xf32, #tpu.memory_space<hbm>>) target(%arg10 : memref<16x512xf32, #tpu.memory_space<vmem>>) target_semaphore(%run_scoped3A : memref<!tpu.dma_semaphore, #tpu.memory_space<semaphore_mem>>)
      %dma_wait3A = arith.constant 0 : i32
      %dma_wait3A_27 = arith.constant 0 : i32
      %dma_wait3A_28 = tpu.memref_slice %arg3[%add3A, %dma_wait3A, %dma_wait3A_27] : memref<32x16x512xf32, #tpu.memory_space<hbm>> -> memref<1x16x512xf32, #tpu.memory_space<hbm>>
      %dma_wait3A_29 = tpu.memref_squeeze %dma_wait3A_28 : memref<1x16x512xf32, #tpu.memory_space<hbm>> -> memref<16x512xf32, #tpu.memory_space<hbm>>
      %dma_wait3A_30 = arith.constant 0 : i32
      %dma_wait3A_31 = arith.constant 0 : i32
      %dma_wait3A_32 = tpu.memref_slice %arg3[%add3A, %dma_wait3A_30, %dma_wait3A_31] : memref<32x16x512xf32, #tpu.memory_space<hbm>> -> memref<1x16x512xf32, #tpu.memory_space<hbm>>
      %dma_wait3A_33 = tpu.memref_squeeze %dma_wait3A_32 : memref<1x16x512xf32, #tpu.memory_space<hbm>> -> memref<16x512xf32, #tpu.memory_space<hbm>>
      tpu.wait_dma2 semaphore(%run_scoped3A : memref<!tpu.dma_semaphore, #tpu.memory_space<semaphore_mem>>) src(%dma_wait3A_33 : memref<16x512xf32, #tpu.memory_space<hbm>>) dst(%arg10 : memref<16x512xf32, #tpu.memory_space<vmem>>)
      tpu.yield
    }) : () -> ()
    "tpu.region"() ({
      %run_scoped3A = tpu.sem_alloc : memref<!tpu.dma_semaphore, #tpu.memory_space<semaphore_mem>>
      tpu.enqueue_dma source(%arg5 : memref<13x16xf32, #tpu.memory_space<hbm>>) target(%arg11 : memref<13x16xf32, #tpu.memory_space<vmem>>) target_semaphore(%run_scoped3A : memref<!tpu.dma_semaphore, #tpu.memory_space<semaphore_mem>>)
      tpu.wait_dma2 semaphore(%run_scoped3A : memref<!tpu.dma_semaphore, #tpu.memory_space<semaphore_mem>>) src(%arg5 : memref<13x16xf32, #tpu.memory_space<hbm>>) dst(%arg11 : memref<13x16xf32, #tpu.memory_space<vmem>>)
      tpu.yield
    }) : () -> ()
    %scan3A = arith.constant 0 : i32
    %scan3A_3 = arith.constant 0 : i32
    %scan3A_4 = arith.constant 32 : i32
    %scan3A_5 = arith.addi %scan3A_3, %scan3A_4 : i32
    %scan3A_6 = arith.constant 1 : i32
    scf.for %scan3A_20 = %scan3A_3 to %scan3A_5 step %scan3A_6  : i32 {
      %shift_right_arithmetic3A = arith.constant 2 : i32
      %shift_right_arithmetic3A_21 = arith.shrsi %scan3A_20, %shift_right_arithmetic3A : i32
      %mul3A_22 = arith.constant 1000064 : i32
      %mul3A_23 = arith.muli %shift_right_arithmetic3A_21, %mul3A_22 : i32
      %get3A = arith.index_cast %scan3A_20 : i32 to index
      %get3A_24 = arith.constant 0 : index
      %get3A_25 = tpu.vector_load %arg7[%get3A, %get3A_24] {strides = array<i32>} : memref<32x128xf32, #tpu.memory_space<vmem>>, vector<1x16xf32>,
      %get3A_26 = vector.shape_cast %get3A_25 : vector<1x16xf32> to vector<16xf32>
      %convert_element_type3A = arith.fptosi %get3A_26 : vector<16xf32> to vector<16xi32>
      %add3A_27 = vector.broadcast %mul3A_23 : i32 to vector<16xi32>
      %add3A_28 = arith.addi %convert_element_type3A, %add3A_27 : vector<16xi32>
      %swap3A = arith.index_cast %scan3A_20 : i32 to index
      %swap3A_29 = arith.constant 0 : index
      %swap3A_30 = tpu.vector_load %arg8[%swap3A, %swap3A_29] {strides = array<i32>} : memref<32x128xi32, #tpu.memory_space<vmem>>, vector<1x16xi32>,
      %swap3A_31 = vector.shape_cast %swap3A_30 : vector<1x16xi32> to vector<16xi32>
      %swap3A_32 = vector.shape_cast %add3A_28 : vector<16xi32> to vector<1x16xi32>
      tpu.vector_store %arg8[%swap3A, %swap3A_29], %swap3A_32 {strides = array<i32>} : memref<32x128xi32, #tpu.memory_space<vmem>>, vector<1x16xi32>,
      %get3A_33 = arith.index_cast %scan3A_20 : i32 to index
      %get3A_34 = arith.constant 16 : index
      %get3A_35 = tpu.vector_load %arg7[%get3A_33, %get3A_34] {strides = array<i32>} : memref<32x128xf32, #tpu.memory_space<vmem>>, vector<1x16xf32>,
      %get3A_36 = vector.shape_cast %get3A_35 : vector<1x16xf32> to vector<16xf32>
      %convert_element_type3A_37 = arith.fptosi %get3A_36 : vector<16xf32> to vector<16xi32>
      %add3A_38 = vector.broadcast %mul3A_23 : i32 to vector<16xi32>
      %add3A_39 = arith.addi %convert_element_type3A_37, %add3A_38 : vector<16xi32>
      %swap3A_40 = arith.index_cast %scan3A_20 : i32 to index
      %swap3A_41 = arith.constant 16 : index
      %swap3A_42 = tpu.vector_load %arg8[%swap3A_40, %swap3A_41] {strides = array<i32>} : memref<32x128xi32, #tpu.memory_space<vmem>>, vector<1x16xi32>,
      %swap3A_43 = vector.shape_cast %swap3A_42 : vector<1x16xi32> to vector<16xi32>
      %swap3A_44 = vector.shape_cast %add3A_39 : vector<16xi32> to vector<1x16xi32>
      tpu.vector_store %arg8[%swap3A_40, %swap3A_41], %swap3A_44 {strides = array<i32>} : memref<32x128xi32, #tpu.memory_space<vmem>>, vector<1x16xi32>,
      %get3A_45 = arith.index_cast %scan3A_20 : i32 to index
      %get3A_46 = arith.constant 32 : index
      %get3A_47 = tpu.vector_load %arg7[%get3A_45, %get3A_46] {strides = array<i32>} : memref<32x128xf32, #tpu.memory_space<vmem>>, vector<1x16xf32>,
      %get3A_48 = vector.shape_cast %get3A_47 : vector<1x16xf32> to vector<16xf32>
      %convert_element_type3A_49 = arith.fptosi %get3A_48 : vector<16xf32> to vector<16xi32>
      %add3A_50 = vector.broadcast %mul3A_23 : i32 to vector<16xi32>
      %add3A_51 = arith.addi %convert_element_type3A_49, %add3A_50 : vector<16xi32>
      %swap3A_52 = arith.index_cast %scan3A_20 : i32 to index
      %swap3A_53 = arith.constant 32 : index
      %swap3A_54 = tpu.vector_load %arg8[%swap3A_52, %swap3A_53] {strides = array<i32>} : memref<32x128xi32, #tpu.memory_space<vmem>>, vector<1x16xi32>,
      %swap3A_55 = vector.shape_cast %swap3A_54 : vector<1x16xi32> to vector<16xi32>
      %swap3A_56 = vector.shape_cast %add3A_51 : vector<16xi32> to vector<1x16xi32>
      tpu.vector_store %arg8[%swap3A_52, %swap3A_53], %swap3A_56 {strides = array<i32>} : memref<32x128xi32, #tpu.memory_space<vmem>>, vector<1x16xi32>,
      %get3A_57 = arith.index_cast %scan3A_20 : i32 to index
      %get3A_58 = arith.constant 48 : index
      %get3A_59 = tpu.vector_load %arg7[%get3A_57, %get3A_58] {strides = array<i32>} : memref<32x128xf32, #tpu.memory_space<vmem>>, vector<1x16xf32>,
      %get3A_60 = vector.shape_cast %get3A_59 : vector<1x16xf32> to vector<16xf32>
      %convert_element_type3A_61 = arith.fptosi %get3A_60 : vector<16xf32> to vector<16xi32>
      %add3A_62 = vector.broadcast %mul3A_23 : i32 to vector<16xi32>
      %add3A_63 = arith.addi %convert_element_type3A_61, %add3A_62 : vector<16xi32>
      %swap3A_64 = arith.index_cast %scan3A_20 : i32 to index
      %swap3A_65 = arith.constant 48 : index
      %swap3A_66 = tpu.vector_load %arg8[%swap3A_64, %swap3A_65] {strides = array<i32>} : memref<32x128xi32, #tpu.memory_space<vmem>>, vector<1x16xi32>,
      %swap3A_67 = vector.shape_cast %swap3A_66 : vector<1x16xi32> to vector<16xi32>
      %swap3A_68 = vector.shape_cast %add3A_63 : vector<16xi32> to vector<1x16xi32>
      tpu.vector_store %arg8[%swap3A_64, %swap3A_65], %swap3A_68 {strides = array<i32>} : memref<32x128xi32, #tpu.memory_space<vmem>>, vector<1x16xi32>,
      %get3A_69 = arith.index_cast %scan3A_20 : i32 to index
      %get3A_70 = arith.constant 64 : index
      %get3A_71 = tpu.vector_load %arg7[%get3A_69, %get3A_70] {strides = array<i32>} : memref<32x128xf32, #tpu.memory_space<vmem>>, vector<1x16xf32>,
      %get3A_72 = vector.shape_cast %get3A_71 : vector<1x16xf32> to vector<16xf32>
      %convert_element_type3A_73 = arith.fptosi %get3A_72 : vector<16xf32> to vector<16xi32>
      %add3A_74 = vector.broadcast %mul3A_23 : i32 to vector<16xi32>
      %add3A_75 = arith.addi %convert_element_type3A_73, %add3A_74 : vector<16xi32>
      %swap3A_76 = arith.index_cast %scan3A_20 : i32 to index
      %swap3A_77 = arith.constant 64 : index
      %swap3A_78 = tpu.vector_load %arg8[%swap3A_76, %swap3A_77] {strides = array<i32>} : memref<32x128xi32, #tpu.memory_space<vmem>>, vector<1x16xi32>,
      %swap3A_79 = vector.shape_cast %swap3A_78 : vector<1x16xi32> to vector<16xi32>
      %swap3A_80 = vector.shape_cast %add3A_75 : vector<16xi32> to vector<1x16xi32>
      tpu.vector_store %arg8[%swap3A_76, %swap3A_77], %swap3A_80 {strides = array<i32>} : memref<32x128xi32, #tpu.memory_space<vmem>>, vector<1x16xi32>,
      %get3A_81 = arith.index_cast %scan3A_20 : i32 to index
      %get3A_82 = arith.constant 80 : index
      %get3A_83 = tpu.vector_load %arg7[%get3A_81, %get3A_82] {strides = array<i32>} : memref<32x128xf32, #tpu.memory_space<vmem>>, vector<1x16xf32>,
      %get3A_84 = vector.shape_cast %get3A_83 : vector<1x16xf32> to vector<16xf32>
      %convert_element_type3A_85 = arith.fptosi %get3A_84 : vector<16xf32> to vector<16xi32>
      %add3A_86 = vector.broadcast %mul3A_23 : i32 to vector<16xi32>
      %add3A_87 = arith.addi %convert_element_type3A_85, %add3A_86 : vector<16xi32>
      %swap3A_88 = arith.index_cast %scan3A_20 : i32 to index
      %swap3A_89 = arith.constant 80 : index
      %swap3A_90 = tpu.vector_load %arg8[%swap3A_88, %swap3A_89] {strides = array<i32>} : memref<32x128xi32, #tpu.memory_space<vmem>>, vector<1x16xi32>,
      %swap3A_91 = vector.shape_cast %swap3A_90 : vector<1x16xi32> to vector<16xi32>
      %swap3A_92 = vector.shape_cast %add3A_87 : vector<16xi32> to vector<1x16xi32>
      tpu.vector_store %arg8[%swap3A_88, %swap3A_89], %swap3A_92 {strides = array<i32>} : memref<32x128xi32, #tpu.memory_space<vmem>>, vector<1x16xi32>,
      %get3A_93 = arith.index_cast %scan3A_20 : i32 to index
      %get3A_94 = arith.constant 96 : index
      %get3A_95 = tpu.vector_load %arg7[%get3A_93, %get3A_94] {strides = array<i32>} : memref<32x128xf32, #tpu.memory_space<vmem>>, vector<1x16xf32>,
      %get3A_96 = vector.shape_cast %get3A_95 : vector<1x16xf32> to vector<16xf32>
      %convert_element_type3A_97 = arith.fptosi %get3A_96 : vector<16xf32> to vector<16xi32>
      %add3A_98 = vector.broadcast %mul3A_23 : i32 to vector<16xi32>
      %add3A_99 = arith.addi %convert_element_type3A_97, %add3A_98 : vector<16xi32>
      %swap3A_100 = arith.index_cast %scan3A_20 : i32 to index
      %swap3A_101 = arith.constant 96 : index
      %swap3A_102 = tpu.vector_load %arg8[%swap3A_100, %swap3A_101] {strides = array<i32>} : memref<32x128xi32, #tpu.memory_space<vmem>>, vector<1x16xi32>,
      %swap3A_103 = vector.shape_cast %swap3A_102 : vector<1x16xi32> to vector<16xi32>
      %swap3A_104 = vector.shape_cast %add3A_99 : vector<16xi32> to vector<1x16xi32>
      tpu.vector_store %arg8[%swap3A_100, %swap3A_101], %swap3A_104 {strides = array<i32>} : memref<32x128xi32, #tpu.memory_space<vmem>>, vector<1x16xi32>,
      %get3A_105 = arith.index_cast %scan3A_20 : i32 to index
      %get3A_106 = arith.constant 112 : index
      %get3A_107 = tpu.vector_load %arg7[%get3A_105, %get3A_106] {strides = array<i32>} : memref<32x128xf32, #tpu.memory_space<vmem>>, vector<1x16xf32>,
      %get3A_108 = vector.shape_cast %get3A_107 : vector<1x16xf32> to vector<16xf32>
      %convert_element_type3A_109 = arith.fptosi %get3A_108 : vector<16xf32> to vector<16xi32>
      %add3A_110 = vector.broadcast %mul3A_23 : i32 to vector<16xi32>
      %add3A_111 = arith.addi %convert_element_type3A_109, %add3A_110 : vector<16xi32>
      %swap3A_112 = arith.index_cast %scan3A_20 : i32 to index
      %swap3A_113 = arith.constant 112 : index
      %swap3A_114 = tpu.vector_load %arg8[%swap3A_112, %swap3A_113] {strides = array<i32>} : memref<32x128xi32, #tpu.memory_space<vmem>>, vector<1x16xi32>,
      %swap3A_115 = vector.shape_cast %swap3A_114 : vector<1x16xi32> to vector<16xi32>
      %swap3A_116 = vector.shape_cast %add3A_111 : vector<16xi32> to vector<1x16xi32>
      tpu.vector_store %arg8[%swap3A_112, %swap3A_113], %swap3A_116 {strides = array<i32>} : memref<32x128xi32, #tpu.memory_space<vmem>>, vector<1x16xi32>,
    }
    %scan3A_7 = arith.constant 32 : i32
    %scan3A_8 = arith.constant 0 : i32
    %scan3A_9 = arith.constant 0 : i32
    %scan3A_10 = arith.constant 4 : i32
    %scan3A_11 = arith.addi %scan3A_9, %scan3A_10 : i32
    %scan3A_12 = arith.constant 1 : i32
    scf.for %scan3A_20 = %scan3A_9 to %scan3A_11 step %scan3A_12  : i32 {
      %mul3A_21 = arith.constant 8 : i32
      %mul3A_22 = arith.muli %scan3A_20, %mul3A_21 : i32
      %add3A_23 = arith.constant 0 : i32
      %add3A_24 = arith.addi %mul3A_22, %add3A_23 : i32
      %dma_start3A = arith.constant 0 : i32
      %dma_start3A_25 = tpu.memref_slice %arg9[%add3A_24, %dma_start3A] : memref<32x128xf32, #tpu.memory_space<vmem>> -> memref<1x128xf32, #tpu.memory_space<vmem>>
      %dma_start3A_26 = tpu.memref_squeeze %dma_start3A_25 : memref<1x128xf32, #tpu.memory_space<vmem>> -> memref<128xf32, #tpu.memory_space<vmem>>
      %dma_start3A_27 = arith.constant 0 : i32
      %dma_start3A_28 = tpu.memref_slice %arg8[%add3A_24, %dma_start3A_27] : memref<32x128xi32, #tpu.memory_space<vmem>> -> memref<1x128xi32, #tpu.memory_space<vmem>>
      %dma_start3A_29 = tpu.memref_squeeze %dma_start3A_28 : memref<1x128xi32, #tpu.memory_space<vmem>> -> memref<128xi32, #tpu.memory_space<vmem>>
      %dma_start3A_30 = arith.constant 0 : i32
      %dma_start3A_31 = tpu.memref_slice %arg4[%dma_start3A_30] : memref<8000512xf32, #tpu.memory_space<hbm>> -> memref<8000512xf32, #tpu.memory_space<hbm>>
      tpu.enqueue_indirect_dma source(%dma_start3A_31 : memref<8000512xf32, #tpu.memory_space<hbm>>) target(%dma_start3A_26 : memref<128xf32, #tpu.memory_space<vmem>>) offsets(%dma_start3A_29 : memref<128xi32, #tpu.memory_space<vmem>>) semaphore(%arg13 : memref<!tpu.dma_semaphore, #tpu.memory_space<semaphore_mem>>)
      %mul3A_32 = arith.constant 8 : i32
      %mul3A_33 = arith.muli %scan3A_20, %mul3A_32 : i32
      %add3A_34 = arith.constant 1 : i32
      %add3A_35 = arith.addi %mul3A_33, %add3A_34 : i32
      %dma_start3A_36 = arith.constant 0 : i32
      %dma_start3A_37 = tpu.memref_slice %arg9[%add3A_35, %dma_start3A_36] : memref<32x128xf32, #tpu.memory_space<vmem>> -> memref<1x128xf32, #tpu.memory_space<vmem>>
      %dma_start3A_38 = tpu.memref_squeeze %dma_start3A_37 : memref<1x128xf32, #tpu.memory_space<vmem>> -> memref<128xf32, #tpu.memory_space<vmem>>
      %dma_start3A_39 = arith.constant 0 : i32
      %dma_start3A_40 = tpu.memref_slice %arg8[%add3A_35, %dma_start3A_39] : memref<32x128xi32, #tpu.memory_space<vmem>> -> memref<1x128xi32, #tpu.memory_space<vmem>>
      %dma_start3A_41 = tpu.memref_squeeze %dma_start3A_40 : memref<1x128xi32, #tpu.memory_space<vmem>> -> memref<128xi32, #tpu.memory_space<vmem>>
      %dma_start3A_42 = arith.constant 0 : i32
      %dma_start3A_43 = tpu.memref_slice %arg4[%dma_start3A_42] : memref<8000512xf32, #tpu.memory_space<hbm>> -> memref<8000512xf32, #tpu.memory_space<hbm>>
      tpu.enqueue_indirect_dma source(%dma_start3A_43 : memref<8000512xf32, #tpu.memory_space<hbm>>) target(%dma_start3A_38 : memref<128xf32, #tpu.memory_space<vmem>>) offsets(%dma_start3A_41 : memref<128xi32, #tpu.memory_space<vmem>>) semaphore(%arg13 : memref<!tpu.dma_semaphore, #tpu.memory_space<semaphore_mem>>)
      %mul3A_44 = arith.constant 8 : i32
      %mul3A_45 = arith.muli %scan3A_20, %mul3A_44 : i32
      %add3A_46 = arith.constant 2 : i32
      %add3A_47 = arith.addi %mul3A_45, %add3A_46 : i32
      %dma_start3A_48 = arith.constant 0 : i32
      %dma_start3A_49 = tpu.memref_slice %arg9[%add3A_47, %dma_start3A_48] : memref<32x128xf32, #tpu.memory_space<vmem>> -> memref<1x128xf32, #tpu.memory_space<vmem>>
      %dma_start3A_50 = tpu.memref_squeeze %dma_start3A_49 : memref<1x128xf32, #tpu.memory_space<vmem>> -> memref<128xf32, #tpu.memory_space<vmem>>
      %dma_start3A_51 = arith.constant 0 : i32
      %dma_start3A_52 = tpu.memref_slice %arg8[%add3A_47, %dma_start3A_51] : memref<32x128xi32, #tpu.memory_space<vmem>> -> memref<1x128xi32, #tpu.memory_space<vmem>>
      %dma_start3A_53 = tpu.memref_squeeze %dma_start3A_52 : memref<1x128xi32, #tpu.memory_space<vmem>> -> memref<128xi32, #tpu.memory_space<vmem>>
      %dma_start3A_54 = arith.constant 0 : i32
      %dma_start3A_55 = tpu.memref_slice %arg4[%dma_start3A_54] : memref<8000512xf32, #tpu.memory_space<hbm>> -> memref<8000512xf32, #tpu.memory_space<hbm>>
      tpu.enqueue_indirect_dma source(%dma_start3A_55 : memref<8000512xf32, #tpu.memory_space<hbm>>) target(%dma_start3A_50 : memref<128xf32, #tpu.memory_space<vmem>>) offsets(%dma_start3A_53 : memref<128xi32, #tpu.memory_space<vmem>>) semaphore(%arg13 : memref<!tpu.dma_semaphore, #tpu.memory_space<semaphore_mem>>)
      %mul3A_56 = arith.constant 8 : i32
      %mul3A_57 = arith.muli %scan3A_20, %mul3A_56 : i32
      %add3A_58 = arith.constant 3 : i32
      %add3A_59 = arith.addi %mul3A_57, %add3A_58 : i32
      %dma_start3A_60 = arith.constant 0 : i32
      %dma_start3A_61 = tpu.memref_slice %arg9[%add3A_59, %dma_start3A_60] : memref<32x128xf32, #tpu.memory_space<vmem>> -> memref<1x128xf32, #tpu.memory_space<vmem>>
      %dma_start3A_62 = tpu.memref_squeeze %dma_start3A_61 : memref<1x128xf32, #tpu.memory_space<vmem>> -> memref<128xf32, #tpu.memory_space<vmem>>
      %dma_start3A_63 = arith.constant 0 : i32
      %dma_start3A_64 = tpu.memref_slice %arg8[%add3A_59, %dma_start3A_63] : memref<32x128xi32, #tpu.memory_space<vmem>> -> memref<1x128xi32, #tpu.memory_space<vmem>>
      %dma_start3A_65 = tpu.memref_squeeze %dma_start3A_64 : memref<1x128xi32, #tpu.memory_space<vmem>> -> memref<128xi32, #tpu.memory_space<vmem>>
      %dma_start3A_66 = arith.constant 0 : i32
      %dma_start3A_67 = tpu.memref_slice %arg4[%dma_start3A_66] : memref<8000512xf32, #tpu.memory_space<hbm>> -> memref<8000512xf32, #tpu.memory_space<hbm>>
      tpu.enqueue_indirect_dma source(%dma_start3A_67 : memref<8000512xf32, #tpu.memory_space<hbm>>) target(%dma_start3A_62 : memref<128xf32, #tpu.memory_space<vmem>>) offsets(%dma_start3A_65 : memref<128xi32, #tpu.memory_space<vmem>>) semaphore(%arg13 : memref<!tpu.dma_semaphore, #tpu.memory_space<semaphore_mem>>)
      %mul3A_68 = arith.constant 8 : i32
      %mul3A_69 = arith.muli %scan3A_20, %mul3A_68 : i32
      %add3A_70 = arith.constant 4 : i32
      %add3A_71 = arith.addi %mul3A_69, %add3A_70 : i32
      %dma_start3A_72 = arith.constant 0 : i32
      %dma_start3A_73 = tpu.memref_slice %arg9[%add3A_71, %dma_start3A_72] : memref<32x128xf32, #tpu.memory_space<vmem>> -> memref<1x128xf32, #tpu.memory_space<vmem>>
      %dma_start3A_74 = tpu.memref_squeeze %dma_start3A_73 : memref<1x128xf32, #tpu.memory_space<vmem>> -> memref<128xf32, #tpu.memory_space<vmem>>
      %dma_start3A_75 = arith.constant 0 : i32
      %dma_start3A_76 = tpu.memref_slice %arg8[%add3A_71, %dma_start3A_75] : memref<32x128xi32, #tpu.memory_space<vmem>> -> memref<1x128xi32, #tpu.memory_space<vmem>>
      %dma_start3A_77 = tpu.memref_squeeze %dma_start3A_76 : memref<1x128xi32, #tpu.memory_space<vmem>> -> memref<128xi32, #tpu.memory_space<vmem>>
      %dma_start3A_78 = arith.constant 0 : i32
      %dma_start3A_79 = tpu.memref_slice %arg4[%dma_start3A_78] : memref<8000512xf32, #tpu.memory_space<hbm>> -> memref<8000512xf32, #tpu.memory_space<hbm>>
      tpu.enqueue_indirect_dma source(%dma_start3A_79 : memref<8000512xf32, #tpu.memory_space<hbm>>) target(%dma_start3A_74 : memref<128xf32, #tpu.memory_space<vmem>>) offsets(%dma_start3A_77 : memref<128xi32, #tpu.memory_space<vmem>>) semaphore(%arg13 : memref<!tpu.dma_semaphore, #tpu.memory_space<semaphore_mem>>)
      %mul3A_80 = arith.constant 8 : i32
      %mul3A_81 = arith.muli %scan3A_20, %mul3A_80 : i32
      %add3A_82 = arith.constant 5 : i32
      %add3A_83 = arith.addi %mul3A_81, %add3A_82 : i32
      %dma_start3A_84 = arith.constant 0 : i32
      %dma_start3A_85 = tpu.memref_slice %arg9[%add3A_83, %dma_start3A_84] : memref<32x128xf32, #tpu.memory_space<vmem>> -> memref<1x128xf32, #tpu.memory_space<vmem>>
      %dma_start3A_86 = tpu.memref_squeeze %dma_start3A_85 : memref<1x128xf32, #tpu.memory_space<vmem>> -> memref<128xf32, #tpu.memory_space<vmem>>
      %dma_start3A_87 = arith.constant 0 : i32
      %dma_start3A_88 = tpu.memref_slice %arg8[%add3A_83, %dma_start3A_87] : memref<32x128xi32, #tpu.memory_space<vmem>> -> memref<1x128xi32, #tpu.memory_space<vmem>>
      %dma_start3A_89 = tpu.memref_squeeze %dma_start3A_88 : memref<1x128xi32, #tpu.memory_space<vmem>> -> memref<128xi32, #tpu.memory_space<vmem>>
      %dma_start3A_90 = arith.constant 0 : i32
      %dma_start3A_91 = tpu.memref_slice %arg4[%dma_start3A_90] : memref<8000512xf32, #tpu.memory_space<hbm>> -> memref<8000512xf32, #tpu.memory_space<hbm>>
      tpu.enqueue_indirect_dma source(%dma_start3A_91 : memref<8000512xf32, #tpu.memory_space<hbm>>) target(%dma_start3A_86 : memref<128xf32, #tpu.memory_space<vmem>>) offsets(%dma_start3A_89 : memref<128xi32, #tpu.memory_space<vmem>>) semaphore(%arg13 : memref<!tpu.dma_semaphore, #tpu.memory_space<semaphore_mem>>)
      %mul3A_92 = arith.constant 8 : i32
      %mul3A_93 = arith.muli %scan3A_20, %mul3A_92 : i32
      %add3A_94 = arith.constant 6 : i32
      %add3A_95 = arith.addi %mul3A_93, %add3A_94 : i32
      %dma_start3A_96 = arith.constant 0 : i32
      %dma_start3A_97 = tpu.memref_slice %arg9[%add3A_95, %dma_start3A_96] : memref<32x128xf32, #tpu.memory_space<vmem>> -> memref<1x128xf32, #tpu.memory_space<vmem>>
      %dma_start3A_98 = tpu.memref_squeeze %dma_start3A_97 : memref<1x128xf32, #tpu.memory_space<vmem>> -> memref<128xf32, #tpu.memory_space<vmem>>
      %dma_start3A_99 = arith.constant 0 : i32
      %dma_start3A_100 = tpu.memref_slice %arg8[%add3A_95, %dma_start3A_99] : memref<32x128xi32, #tpu.memory_space<vmem>> -> memref<1x128xi32, #tpu.memory_space<vmem>>
      %dma_start3A_101 = tpu.memref_squeeze %dma_start3A_100 : memref<1x128xi32, #tpu.memory_space<vmem>> -> memref<128xi32, #tpu.memory_space<vmem>>
      %dma_start3A_102 = arith.constant 0 : i32
      %dma_start3A_103 = tpu.memref_slice %arg4[%dma_start3A_102] : memref<8000512xf32, #tpu.memory_space<hbm>> -> memref<8000512xf32, #tpu.memory_space<hbm>>
      tpu.enqueue_indirect_dma source(%dma_start3A_103 : memref<8000512xf32, #tpu.memory_space<hbm>>) target(%dma_start3A_98 : memref<128xf32, #tpu.memory_space<vmem>>) offsets(%dma_start3A_101 : memref<128xi32, #tpu.memory_space<vmem>>) semaphore(%arg13 : memref<!tpu.dma_semaphore, #tpu.memory_space<semaphore_mem>>)
      %mul3A_104 = arith.constant 8 : i32
      %mul3A_105 = arith.muli %scan3A_20, %mul3A_104 : i32
      %add3A_106 = arith.constant 7 : i32
      %add3A_107 = arith.addi %mul3A_105, %add3A_106 : i32
      %dma_start3A_108 = arith.constant 0 : i32
      %dma_start3A_109 = tpu.memref_slice %arg9[%add3A_107, %dma_start3A_108] : memref<32x128xf32, #tpu.memory_space<vmem>> -> memref<1x128xf32, #tpu.memory_space<vmem>>
      %dma_start3A_110 = tpu.memref_squeeze %dma_start3A_109 : memref<1x128xf32, #tpu.memory_space<vmem>> -> memref<128xf32, #tpu.memory_space<vmem>>
      %dma_start3A_111 = arith.constant 0 : i32
      %dma_start3A_112 = tpu.memref_slice %arg8[%add3A_107, %dma_start3A_111] : memref<32x128xi32, #tpu.memory_space<vmem>> -> memref<1x128xi32, #tpu.memory_space<vmem>>
      %dma_start3A_113 = tpu.memref_squeeze %dma_start3A_112 : memref<1x128xi32, #tpu.memory_space<vmem>> -> memref<128xi32, #tpu.memory_space<vmem>>
      %dma_start3A_114 = arith.constant 0 : i32
      %dma_start3A_115 = tpu.memref_slice %arg4[%dma_start3A_114] : memref<8000512xf32, #tpu.memory_space<hbm>> -> memref<8000512xf32, #tpu.memory_space<hbm>>
      tpu.enqueue_indirect_dma source(%dma_start3A_115 : memref<8000512xf32, #tpu.memory_space<hbm>>) target(%dma_start3A_110 : memref<128xf32, #tpu.memory_space<vmem>>) offsets(%dma_start3A_113 : memref<128xi32, #tpu.memory_space<vmem>>) semaphore(%arg13 : memref<!tpu.dma_semaphore, #tpu.memory_space<semaphore_mem>>)
      %dma_wait3A = arith.constant 0 : i32
      %dma_wait3A_116 = tpu.memref_slice %arg9[%add3A_24, %dma_wait3A] : memref<32x128xf32, #tpu.memory_space<vmem>> -> memref<1x128xf32, #tpu.memory_space<vmem>>
      %dma_wait3A_117 = tpu.memref_squeeze %dma_wait3A_116 : memref<1x128xf32, #tpu.memory_space<vmem>> -> memref<128xf32, #tpu.memory_space<vmem>>
      %dma_wait3A_118 = arith.constant 0 : i32
      %dma_wait3A_119 = tpu.memref_slice %arg8[%add3A_24, %dma_wait3A_118] : memref<32x128xi32, #tpu.memory_space<vmem>> -> memref<1x128xi32, #tpu.memory_space<vmem>>
      %dma_wait3A_120 = tpu.memref_squeeze %dma_wait3A_119 : memref<1x128xi32, #tpu.memory_space<vmem>> -> memref<128xi32, #tpu.memory_space<vmem>>
      %dma_wait3A_121 = arith.constant 0 : i32
      %dma_wait3A_122 = tpu.memref_slice %arg4[%dma_wait3A_121] : memref<8000512xf32, #tpu.memory_space<hbm>> -> memref<8000512xf32, #tpu.memory_space<hbm>>
      tpu.wait_indirect_dma semaphore(%arg13 : memref<!tpu.dma_semaphore, #tpu.memory_space<semaphore_mem>>) src(%dma_wait3A_122 : memref<8000512xf32, #tpu.memory_space<hbm>>) dst(%dma_wait3A_117 : memref<128xf32, #tpu.memory_space<vmem>>)
      %dma_wait3A_123 = arith.constant 0 : i32
      %dma_wait3A_124 = tpu.memref_slice %arg9[%add3A_35, %dma_wait3A_123] : memref<32x128xf32, #tpu.memory_space<vmem>> -> memref<1x128xf32, #tpu.memory_space<vmem>>
      %dma_wait3A_125 = tpu.memref_squeeze %dma_wait3A_124 : memref<1x128xf32, #tpu.memory_space<vmem>> -> memref<128xf32, #tpu.memory_space<vmem>>
      %dma_wait3A_126 = arith.constant 0 : i32
      %dma_wait3A_127 = tpu.memref_slice %arg8[%add3A_35, %dma_wait3A_126] : memref<32x128xi32, #tpu.memory_space<vmem>> -> memref<1x128xi32, #tpu.memory_space<vmem>>
      %dma_wait3A_128 = tpu.memref_squeeze %dma_wait3A_127 : memref<1x128xi32, #tpu.memory_space<vmem>> -> memref<128xi32, #tpu.memory_space<vmem>>
      %dma_wait3A_129 = arith.constant 0 : i32
      %dma_wait3A_130 = tpu.memref_slice %arg4[%dma_wait3A_129] : memref<8000512xf32, #tpu.memory_space<hbm>> -> memref<8000512xf32, #tpu.memory_space<hbm>>
      tpu.wait_indirect_dma semaphore(%arg13 : memref<!tpu.dma_semaphore, #tpu.memory_space<semaphore_mem>>) src(%dma_wait3A_130 : memref<8000512xf32, #tpu.memory_space<hbm>>) dst(%dma_wait3A_125 : memref<128xf32, #tpu.memory_space<vmem>>)
      %dma_wait3A_131 = arith.constant 0 : i32
      %dma_wait3A_132 = tpu.memref_slice %arg9[%add3A_47, %dma_wait3A_131] : memref<32x128xf32, #tpu.memory_space<vmem>> -> memref<1x128xf32, #tpu.memory_space<vmem>>
      %dma_wait3A_133 = tpu.memref_squeeze %dma_wait3A_132 : memref<1x128xf32, #tpu.memory_space<vmem>> -> memref<128xf32, #tpu.memory_space<vmem>>
      %dma_wait3A_134 = arith.constant 0 : i32
      %dma_wait3A_135 = tpu.memref_slice %arg8[%add3A_47, %dma_wait3A_134] : memref<32x128xi32, #tpu.memory_space<vmem>> -> memref<1x128xi32, #tpu.memory_space<vmem>>
      %dma_wait3A_136 = tpu.memref_squeeze %dma_wait3A_135 : memref<1x128xi32, #tpu.memory_space<vmem>> -> memref<128xi32, #tpu.memory_space<vmem>>
      %dma_wait3A_137 = arith.constant 0 : i32
      %dma_wait3A_138 = tpu.memref_slice %arg4[%dma_wait3A_137] : memref<8000512xf32, #tpu.memory_space<hbm>> -> memref<8000512xf32, #tpu.memory_space<hbm>>
      tpu.wait_indirect_dma semaphore(%arg13 : memref<!tpu.dma_semaphore, #tpu.memory_space<semaphore_mem>>) src(%dma_wait3A_138 : memref<8000512xf32, #tpu.memory_space<hbm>>) dst(%dma_wait3A_133 : memref<128xf32, #tpu.memory_space<vmem>>)
      %dma_wait3A_139 = arith.constant 0 : i32
      %dma_wait3A_140 = tpu.memref_slice %arg9[%add3A_59, %dma_wait3A_139] : memref<32x128xf32, #tpu.memory_space<vmem>> -> memref<1x128xf32, #tpu.memory_space<vmem>>
      %dma_wait3A_141 = tpu.memref_squeeze %dma_wait3A_140 : memref<1x128xf32, #tpu.memory_space<vmem>> -> memref<128xf32, #tpu.memory_space<vmem>>
      %dma_wait3A_142 = arith.constant 0 : i32
      %dma_wait3A_143 = tpu.memref_slice %arg8[%add3A_59, %dma_wait3A_142] : memref<32x128xi32, #tpu.memory_space<vmem>> -> memref<1x128xi32, #tpu.memory_space<vmem>>
      %dma_wait3A_144 = tpu.memref_squeeze %dma_wait3A_143 : memref<1x128xi32, #tpu.memory_space<vmem>> -> memref<128xi32, #tpu.memory_space<vmem>>
      %dma_wait3A_145 = arith.constant 0 : i32
      %dma_wait3A_146 = tpu.memref_slice %arg4[%dma_wait3A_145] : memref<8000512xf32, #tpu.memory_space<hbm>> -> memref<8000512xf32, #tpu.memory_space<hbm>>
      tpu.wait_indirect_dma semaphore(%arg13 : memref<!tpu.dma_semaphore, #tpu.memory_space<semaphore_mem>>) src(%dma_wait3A_146 : memref<8000512xf32, #tpu.memory_space<hbm>>) dst(%dma_wait3A_141 : memref<128xf32, #tpu.memory_space<vmem>>)
      %dma_wait3A_147 = arith.constant 0 : i32
      %dma_wait3A_148 = tpu.memref_slice %arg9[%add3A_71, %dma_wait3A_147] : memref<32x128xf32, #tpu.memory_space<vmem>> -> memref<1x128xf32, #tpu.memory_space<vmem>>
      %dma_wait3A_149 = tpu.memref_squeeze %dma_wait3A_148 : memref<1x128xf32, #tpu.memory_space<vmem>> -> memref<128xf32, #tpu.memory_space<vmem>>
      %dma_wait3A_150 = arith.constant 0 : i32
      %dma_wait3A_151 = tpu.memref_slice %arg8[%add3A_71, %dma_wait3A_150] : memref<32x128xi32, #tpu.memory_space<vmem>> -> memref<1x128xi32, #tpu.memory_space<vmem>>
      %dma_wait3A_152 = tpu.memref_squeeze %dma_wait3A_151 : memref<1x128xi32, #tpu.memory_space<vmem>> -> memref<128xi32, #tpu.memory_space<vmem>>
      %dma_wait3A_153 = arith.constant 0 : i32
      %dma_wait3A_154 = tpu.memref_slice %arg4[%dma_wait3A_153] : memref<8000512xf32, #tpu.memory_space<hbm>> -> memref<8000512xf32, #tpu.memory_space<hbm>>
      tpu.wait_indirect_dma semaphore(%arg13 : memref<!tpu.dma_semaphore, #tpu.memory_space<semaphore_mem>>) src(%dma_wait3A_154 : memref<8000512xf32, #tpu.memory_space<hbm>>) dst(%dma_wait3A_149 : memref<128xf32, #tpu.memory_space<vmem>>)
      %dma_wait3A_155 = arith.constant 0 : i32
      %dma_wait3A_156 = tpu.memref_slice %arg9[%add3A_83, %dma_wait3A_155] : memref<32x128xf32, #tpu.memory_space<vmem>> -> memref<1x128xf32, #tpu.memory_space<vmem>>
      %dma_wait3A_157 = tpu.memref_squeeze %dma_wait3A_156 : memref<1x128xf32, #tpu.memory_space<vmem>> -> memref<128xf32, #tpu.memory_space<vmem>>
      %dma_wait3A_158 = arith.constant 0 : i32
      %dma_wait3A_159 = tpu.memref_slice %arg8[%add3A_83, %dma_wait3A_158] : memref<32x128xi32, #tpu.memory_space<vmem>> -> memref<1x128xi32, #tpu.memory_space<vmem>>
      %dma_wait3A_160 = tpu.memref_squeeze %dma_wait3A_159 : memref<1x128xi32, #tpu.memory_space<vmem>> -> memref<128xi32, #tpu.memory_space<vmem>>
      %dma_wait3A_161 = arith.constant 0 : i32
      %dma_wait3A_162 = tpu.memref_slice %arg4[%dma_wait3A_161] : memref<8000512xf32, #tpu.memory_space<hbm>> -> memref<8000512xf32, #tpu.memory_space<hbm>>
      tpu.wait_indirect_dma semaphore(%arg13 : memref<!tpu.dma_semaphore, #tpu.memory_space<semaphore_mem>>) src(%dma_wait3A_162 : memref<8000512xf32, #tpu.memory_space<hbm>>) dst(%dma_wait3A_157 : memref<128xf32, #tpu.memory_space<vmem>>)
      %dma_wait3A_163 = arith.constant 0 : i32
      %dma_wait3A_164 = tpu.memref_slice %arg9[%add3A_95, %dma_wait3A_163] : memref<32x128xf32, #tpu.memory_space<vmem>> -> memref<1x128xf32, #tpu.memory_space<vmem>>
      %dma_wait3A_165 = tpu.memref_squeeze %dma_wait3A_164 : memref<1x128xf32, #tpu.memory_space<vmem>> -> memref<128xf32, #tpu.memory_space<vmem>>
      %dma_wait3A_166 = arith.constant 0 : i32
      %dma_wait3A_167 = tpu.memref_slice %arg8[%add3A_95, %dma_wait3A_166] : memref<32x128xi32, #tpu.memory_space<vmem>> -> memref<1x128xi32, #tpu.memory_space<vmem>>
      %dma_wait3A_168 = tpu.memref_squeeze %dma_wait3A_167 : memref<1x128xi32, #tpu.memory_space<vmem>> -> memref<128xi32, #tpu.memory_space<vmem>>
      %dma_wait3A_169 = arith.constant 0 : i32
      %dma_wait3A_170 = tpu.memref_slice %arg4[%dma_wait3A_169] : memref<8000512xf32, #tpu.memory_space<hbm>> -> memref<8000512xf32, #tpu.memory_space<hbm>>
      tpu.wait_indirect_dma semaphore(%arg13 : memref<!tpu.dma_semaphore, #tpu.memory_space<semaphore_mem>>) src(%dma_wait3A_170 : memref<8000512xf32, #tpu.memory_space<hbm>>) dst(%dma_wait3A_165 : memref<128xf32, #tpu.memory_space<vmem>>)
      %dma_wait3A_171 = arith.constant 0 : i32
      %dma_wait3A_172 = tpu.memref_slice %arg9[%add3A_107, %dma_wait3A_171] : memref<32x128xf32, #tpu.memory_space<vmem>> -> memref<1x128xf32, #tpu.memory_space<vmem>>
      %dma_wait3A_173 = tpu.memref_squeeze %dma_wait3A_172 : memref<1x128xf32, #tpu.memory_space<vmem>> -> memref<128xf32, #tpu.memory_space<vmem>>
      %dma_wait3A_174 = arith.constant 0 : i32
      %dma_wait3A_175 = tpu.memref_slice %arg8[%add3A_107, %dma_wait3A_174] : memref<32x128xi32, #tpu.memory_space<vmem>> -> memref<1x128xi32, #tpu.memory_space<vmem>>
      %dma_wait3A_176 = tpu.memref_squeeze %dma_wait3A_175 : memref<1x128xi32, #tpu.memory_space<vmem>> -> memref<128xi32, #tpu.memory_space<vmem>>
      %dma_wait3A_177 = arith.constant 0 : i32
      %dma_wait3A_178 = tpu.memref_slice %arg4[%dma_wait3A_177] : memref<8000512xf32, #tpu.memory_space<hbm>> -> memref<8000512xf32, #tpu.memory_space<hbm>>
      tpu.wait_indirect_dma semaphore(%arg13 : memref<!tpu.dma_semaphore, #tpu.memory_space<semaphore_mem>>) src(%dma_wait3A_178 : memref<8000512xf32, #tpu.memory_space<hbm>>) dst(%dma_wait3A_173 : memref<128xf32, #tpu.memory_space<vmem>>)
    }
    %scan3A_13 = arith.constant 4 : i32
    %scan3A_14 = arith.constant 0 : i32
    %scan3A_15 = arith.constant 0 : i32
    %scan3A_16 = arith.constant 32 : i32
    %scan3A_17 = arith.addi %scan3A_15, %scan3A_16 : i32
    %scan3A_18 = arith.constant 1 : i32
    scf.for %scan3A_20 = %scan3A_15 to %scan3A_17 step %scan3A_18  : i32 {
      %jit3A = arith.constant 8 : i32
      %div3A = arith.divsi %scan3A_20, %jit3A : i32
      %sign3A = arith.constant 0 : i32
      %sign3A_21 = arith.cmpi sgt, %scan3A_20, %sign3A : i32
      %sign3A_22 = arith.extui %sign3A_21 : i1 to i32
      %sign3A_23 = arith.constant 0 : i32
      %sign3A_24 = arith.cmpi slt, %scan3A_20, %sign3A_23 : i32
      %sign3A_25 = arith.extui %sign3A_24 : i1 to i32
      %sign3A_26 = arith.subi %sign3A_22, %sign3A_25 : i32
      %sign3A_27 = arith.constant 0 : i32
      %sign3A_28 = arith.cmpi sgt, %jit3A, %sign3A_27 : i32
      %sign3A_29 = arith.extui %sign3A_28 : i1 to i32
      %sign3A_30 = arith.constant 0 : i32
      %sign3A_31 = arith.cmpi slt, %jit3A, %sign3A_30 : i32
      %sign3A_32 = arith.extui %sign3A_31 : i1 to i32
      %sign3A_33 = arith.subi %sign3A_29, %sign3A_32 : i32
      %ne3A = arith.cmpi ne, %sign3A_26, %sign3A_33 : i32
      %rem3A = arith.remsi %scan3A_20, %jit3A : i32
      %ne3A_34 = arith.constant 0 : i32
      %ne3A_35 = arith.cmpi ne, %rem3A, %ne3A_34 : i32
      %and3A = arith.andi %ne3A, %ne3A_35 : i1
      %sub3A = arith.constant 1 : i32
      %sub3A_36 = arith.subi %div3A, %sub3A : i32
      %select_n3A = arith.select %and3A, %sub3A_36, %div3A : i32
      %jit3A_37 = arith.constant 8 : i32
      %eq3A = arith.constant 0 : i32
      %eq3A_38 = arith.cmpi eq, %jit3A_37, %eq3A : i32
      %jit3A_39 = arith.constant 1 : i32
      %select_n3A_40 = arith.select %eq3A_38, %jit3A_39, %jit3A_37 : i32
      %rem3A_41 = arith.remsi %scan3A_20, %select_n3A_40 : i32
      %ne3A_42 = arith.constant 0 : i32
      %ne3A_43 = arith.cmpi ne, %rem3A_41, %ne3A_42 : i32
      %lt3A = arith.constant 0 : i32
      %lt3A_44 = arith.cmpi slt, %rem3A_41, %lt3A : i32
      %lt3A_45 = arith.constant 0 : i32
      %lt3A_46 = arith.cmpi slt, %select_n3A_40, %lt3A_45 : i32
      %ne3A_47 = arith.xori %lt3A_44, %lt3A_46 : i1
      %and3A_48 = arith.andi %ne3A_47, %ne3A_43 : i1
      %add3A_49 = arith.addi %rem3A_41, %select_n3A_40 : i32
      %select_n3A_50 = arith.select %and3A_48, %add3A_49, %rem3A_41 : i32
      %mul3A_51 = arith.constant 16 : i32
      %mul3A_52 = arith.muli %select_n3A_50, %mul3A_51 : i32
      %get3A = arith.index_cast %select_n3A : i32 to index
      %get3A_53 = arith.index_cast %mul3A_52 : i32 to index
      %get3A_54 = tpu.vector_load %arg9[%get3A, %get3A_53] {strides = array<i32>} : memref<32x128xf32, #tpu.memory_space<vmem>>, vector<1x16xf32>,
      %get3A_55 = vector.shape_cast %get3A_54 : vector<1x16xf32> to vector<16xf32>
      %add3A_56 = arith.constant 4 : i32
      %add3A_57 = arith.addi %add3A_56, %select_n3A : i32
      %get3A_58 = arith.index_cast %add3A_57 : i32 to index
      %get3A_59 = arith.index_cast %mul3A_52 : i32 to index
      %get3A_60 = tpu.vector_load %arg9[%get3A_58, %get3A_59] {strides = array<i32>} : memref<32x128xf32, #tpu.memory_space<vmem>>, vector<1x16xf32>,
      %get3A_61 = vector.shape_cast %get3A_60 : vector<1x16xf32> to vector<16xf32>
      %add3A_62 = arith.addf %get3A_55, %get3A_61 : vector<16xf32>
      %add3A_63 = arith.constant 8 : i32
      %add3A_64 = arith.addi %add3A_63, %select_n3A : i32
      %get3A_65 = arith.index_cast %add3A_64 : i32 to index
      %get3A_66 = arith.index_cast %mul3A_52 : i32 to index
      %get3A_67 = tpu.vector_load %arg9[%get3A_65, %get3A_66] {strides = array<i32>} : memref<32x128xf32, #tpu.memory_space<vmem>>, vector<1x16xf32>,
      %get3A_68 = vector.shape_cast %get3A_67 : vector<1x16xf32> to vector<16xf32>
      %add3A_69 = arith.addf %add3A_62, %get3A_68 : vector<16xf32>
      %add3A_70 = arith.constant 12 : i32
      %add3A_71 = arith.addi %add3A_70, %select_n3A : i32
      %get3A_72 = arith.index_cast %add3A_71 : i32 to index
      %get3A_73 = arith.index_cast %mul3A_52 : i32 to index
      %get3A_74 = tpu.vector_load %arg9[%get3A_72, %get3A_73] {strides = array<i32>} : memref<32x128xf32, #tpu.memory_space<vmem>>, vector<1x16xf32>,
      %get3A_75 = vector.shape_cast %get3A_74 : vector<1x16xf32> to vector<16xf32>
      %add3A_76 = arith.addf %add3A_69, %get3A_75 : vector<16xf32>
      %add3A_77 = arith.constant 16 : i32
      %add3A_78 = arith.addi %add3A_77, %select_n3A : i32
      %get3A_79 = arith.index_cast %add3A_78 : i32 to index
      %get3A_80 = arith.index_cast %mul3A_52 : i32 to index
      %get3A_81 = tpu.vector_load %arg9[%get3A_79, %get3A_80] {strides = array<i32>} : memref<32x128xf32, #tpu.memory_space<vmem>>, vector<1x16xf32>,
      %get3A_82 = vector.shape_cast %get3A_81 : vector<1x16xf32> to vector<16xf32>
      %add3A_83 = arith.addf %add3A_76, %get3A_82 : vector<16xf32>
      %add3A_84 = arith.constant 20 : i32
      %add3A_85 = arith.addi %add3A_84, %select_n3A : i32
      %get3A_86 = arith.index_cast %add3A_85 : i32 to index
      %get3A_87 = arith.index_cast %mul3A_52 : i32 to index
      %get3A_88 = tpu.vector_load %arg9[%get3A_86, %get3A_87] {strides = array<i32>} : memref<32x128xf32, #tpu.memory_space<vmem>>, vector<1x16xf32>,
      %get3A_89 = vector.shape_cast %get3A_88 : vector<1x16xf32> to vector<16xf32>
      %add3A_90 = arith.addf %add3A_83, %get3A_89 : vector<16xf32>
      %add3A_91 = arith.constant 24 : i32
      %add3A_92 = arith.addi %add3A_91, %select_n3A : i32
      %get3A_93 = arith.index_cast %add3A_92 : i32 to index
      %get3A_94 = arith.index_cast %mul3A_52 : i32 to index
      %get3A_95 = tpu.vector_load %arg9[%get3A_93, %get3A_94] {strides = array<i32>} : memref<32x128xf32, #tpu.memory_space<vmem>>, vector<1x16xf32>,
      %get3A_96 = vector.shape_cast %get3A_95 : vector<1x16xf32> to vector<16xf32>
      %add3A_97 = arith.addf %add3A_90, %get3A_96 : vector<16xf32>
      %add3A_98 = arith.constant 28 : i32
      %add3A_99 = arith.addi %add3A_98, %select_n3A : i32
      %get3A_100 = arith.index_cast %add3A_99 : i32 to index
      %get3A_101 = arith.index_cast %mul3A_52 : i32 to index
      %get3A_102 = tpu.vector_load %arg9[%get3A_100, %get3A_101] {strides = array<i32>} : memref<32x128xf32, #tpu.memory_space<vmem>>, vector<1x16xf32>,
      %get3A_103 = vector.shape_cast %get3A_102 : vector<1x16xf32> to vector<16xf32>
      %add3A_104 = arith.addf %add3A_97, %get3A_103 : vector<16xf32>
      %mul3A_105 = arith.constant 16 : i32
      %mul3A_106 = arith.muli %scan3A_20, %mul3A_105 : i32
      %get3A_107 = arith.constant 0 : i32
      %get3A_108 = arith.index_cast %get3A_107 : i32 to index
      %get3A_109 = arith.index_cast %mul3A_106 : i32 to index
      %get3A_110 = tpu.vector_load %arg10[%get3A_108, %get3A_109] {strides = array<i32>} : memref<16x512xf32, #tpu.memory_space<vmem>>, vector<1x16xf32>,
      %get3A_111 = vector.shape_cast %get3A_110 : vector<1x16xf32> to vector<16xf32>
      %get3A_112 = arith.constant 0 : i32
      %get3A_113 = arith.index_cast %get3A_112 : i32 to index
      %get3A_114 = arith.constant 0 : index
      %get3A_115 = tpu.vector_load %arg11[%get3A_113, %get3A_114] {strides = array<i32>} : memref<13x16xf32, #tpu.memory_space<vmem>>, vector<1x16xf32>,
      %get3A_116 = vector.shape_cast %get3A_115 : vector<1x16xf32> to vector<16xf32>
      %mul3A_117 = arith.mulf %get3A_111, %get3A_116 : vector<16xf32>
      %add3A_118 = arith.addf %add3A_104, %mul3A_117 : vector<16xf32>
      %mul3A_119 = arith.constant 16 : i32
      %mul3A_120 = arith.muli %scan3A_20, %mul3A_119 : i32
      %get3A_121 = arith.constant 1 : i32
      %get3A_122 = arith.index_cast %get3A_121 : i32 to index
      %get3A_123 = arith.index_cast %mul3A_120 : i32 to index
      %get3A_124 = tpu.vector_load %arg10[%get3A_122, %get3A_123] {strides = array<i32>} : memref<16x512xf32, #tpu.memory_space<vmem>>, vector<1x16xf32>,
      %get3A_125 = vector.shape_cast %get3A_124 : vector<1x16xf32> to vector<16xf32>
      %get3A_126 = arith.constant 1 : i32
      %get3A_127 = arith.index_cast %get3A_126 : i32 to index
      %get3A_128 = arith.constant 0 : index
      %get3A_129 = tpu.vector_load %arg11[%get3A_127, %get3A_128] {strides = array<i32>} : memref<13x16xf32, #tpu.memory_space<vmem>>, vector<1x16xf32>,
      %get3A_130 = vector.shape_cast %get3A_129 : vector<1x16xf32> to vector<16xf32>
      %mul3A_131 = arith.mulf %get3A_125, %get3A_130 : vector<16xf32>
      %add3A_132 = arith.addf %add3A_118, %mul3A_131 : vector<16xf32>
      %mul3A_133 = arith.constant 16 : i32
      %mul3A_134 = arith.muli %scan3A_20, %mul3A_133 : i32
      %get3A_135 = arith.constant 2 : i32
      %get3A_136 = arith.index_cast %get3A_135 : i32 to index
      %get3A_137 = arith.index_cast %mul3A_134 : i32 to index
      %get3A_138 = tpu.vector_load %arg10[%get3A_136, %get3A_137] {strides = array<i32>} : memref<16x512xf32, #tpu.memory_space<vmem>>, vector<1x16xf32>,
      %get3A_139 = vector.shape_cast %get3A_138 : vector<1x16xf32> to vector<16xf32>
      %get3A_140 = arith.constant 2 : i32
      %get3A_141 = arith.index_cast %get3A_140 : i32 to index
      %get3A_142 = arith.constant 0 : index
      %get3A_143 = tpu.vector_load %arg11[%get3A_141, %get3A_142] {strides = array<i32>} : memref<13x16xf32, #tpu.memory_space<vmem>>, vector<1x16xf32>,
      %get3A_144 = vector.shape_cast %get3A_143 : vector<1x16xf32> to vector<16xf32>
      %mul3A_145 = arith.mulf %get3A_139, %get3A_144 : vector<16xf32>
      %add3A_146 = arith.addf %add3A_132, %mul3A_145 : vector<16xf32>
      %mul3A_147 = arith.constant 16 : i32
      %mul3A_148 = arith.muli %scan3A_20, %mul3A_147 : i32
      %get3A_149 = arith.constant 3 : i32
      %get3A_150 = arith.index_cast %get3A_149 : i32 to index
      %get3A_151 = arith.index_cast %mul3A_148 : i32 to index
      %get3A_152 = tpu.vector_load %arg10[%get3A_150, %get3A_151] {strides = array<i32>} : memref<16x512xf32, #tpu.memory_space<vmem>>, vector<1x16xf32>,
      %get3A_153 = vector.shape_cast %get3A_152 : vector<1x16xf32> to vector<16xf32>
      %get3A_154 = arith.constant 3 : i32
      %get3A_155 = arith.index_cast %get3A_154 : i32 to index
      %get3A_156 = arith.constant 0 : index
      %get3A_157 = tpu.vector_load %arg11[%get3A_155, %get3A_156] {strides = array<i32>} : memref<13x16xf32, #tpu.memory_space<vmem>>, vector<1x16xf32>,
      %get3A_158 = vector.shape_cast %get3A_157 : vector<1x16xf32> to vector<16xf32>
      %mul3A_159 = arith.mulf %get3A_153, %get3A_158 : vector<16xf32>
      %add3A_160 = arith.addf %add3A_146, %mul3A_159 : vector<16xf32>
      %mul3A_161 = arith.constant 16 : i32
      %mul3A_162 = arith.muli %scan3A_20, %mul3A_161 : i32
      %get3A_163 = arith.constant 4 : i32
      %get3A_164 = arith.index_cast %get3A_163 : i32 to index
      %get3A_165 = arith.index_cast %mul3A_162 : i32 to index
      %get3A_166 = tpu.vector_load %arg10[%get3A_164, %get3A_165] {strides = array<i32>} : memref<16x512xf32, #tpu.memory_space<vmem>>, vector<1x16xf32>,
      %get3A_167 = vector.shape_cast %get3A_166 : vector<1x16xf32> to vector<16xf32>
      %get3A_168 = arith.constant 4 : i32
      %get3A_169 = arith.index_cast %get3A_168 : i32 to index
      %get3A_170 = arith.constant 0 : index
      %get3A_171 = tpu.vector_load %arg11[%get3A_169, %get3A_170] {strides = array<i32>} : memref<13x16xf32, #tpu.memory_space<vmem>>, vector<1x16xf32>,
      %get3A_172 = vector.shape_cast %get3A_171 : vector<1x16xf32> to vector<16xf32>
      %mul3A_173 = arith.mulf %get3A_167, %get3A_172 : vector<16xf32>
      %add3A_174 = arith.addf %add3A_160, %mul3A_173 : vector<16xf32>
      %mul3A_175 = arith.constant 16 : i32
      %mul3A_176 = arith.muli %scan3A_20, %mul3A_175 : i32
      %get3A_177 = arith.constant 5 : i32
      %get3A_178 = arith.index_cast %get3A_177 : i32 to index
      %get3A_179 = arith.index_cast %mul3A_176 : i32 to index
      %get3A_180 = tpu.vector_load %arg10[%get3A_178, %get3A_179] {strides = array<i32>} : memref<16x512xf32, #tpu.memory_space<vmem>>, vector<1x16xf32>,
      %get3A_181 = vector.shape_cast %get3A_180 : vector<1x16xf32> to vector<16xf32>
      %get3A_182 = arith.constant 5 : i32
      %get3A_183 = arith.index_cast %get3A_182 : i32 to index
      %get3A_184 = arith.constant 0 : index
      %get3A_185 = tpu.vector_load %arg11[%get3A_183, %get3A_184] {strides = array<i32>} : memref<13x16xf32, #tpu.memory_space<vmem>>, vector<1x16xf32>,
      %get3A_186 = vector.shape_cast %get3A_185 : vector<1x16xf32> to vector<16xf32>
      %mul3A_187 = arith.mulf %get3A_181, %get3A_186 : vector<16xf32>
      %add3A_188 = arith.addf %add3A_174, %mul3A_187 : vector<16xf32>
      %mul3A_189 = arith.constant 16 : i32
      %mul3A_190 = arith.muli %scan3A_20, %mul3A_189 : i32
      %get3A_191 = arith.constant 6 : i32
      %get3A_192 = arith.index_cast %get3A_191 : i32 to index
      %get3A_193 = arith.index_cast %mul3A_190 : i32 to index
      %get3A_194 = tpu.vector_load %arg10[%get3A_192, %get3A_193] {strides = array<i32>} : memref<16x512xf32, #tpu.memory_space<vmem>>, vector<1x16xf32>,
      %get3A_195 = vector.shape_cast %get3A_194 : vector<1x16xf32> to vector<16xf32>
      %get3A_196 = arith.constant 6 : i32
      %get3A_197 = arith.index_cast %get3A_196 : i32 to index
      %get3A_198 = arith.constant 0 : index
      %get3A_199 = tpu.vector_load %arg11[%get3A_197, %get3A_198] {strides = array<i32>} : memref<13x16xf32, #tpu.memory_space<vmem>>, vector<1x16xf32>,
      %get3A_200 = vector.shape_cast %get3A_199 : vector<1x16xf32> to vector<16xf32>
      %mul3A_201 = arith.mulf %get3A_195, %get3A_200 : vector<16xf32>
      %add3A_202 = arith.addf %add3A_188, %mul3A_201 : vector<16xf32>
      %mul3A_203 = arith.constant 16 : i32
      %mul3A_204 = arith.muli %scan3A_20, %mul3A_203 : i32
      %get3A_205 = arith.constant 7 : i32
      %get3A_206 = arith.index_cast %get3A_205 : i32 to index
      %get3A_207 = arith.index_cast %mul3A_204 : i32 to index
      %get3A_208 = tpu.vector_load %arg10[%get3A_206, %get3A_207] {strides = array<i32>} : memref<16x512xf32, #tpu.memory_space<vmem>>, vector<1x16xf32>,
      %get3A_209 = vector.shape_cast %get3A_208 : vector<1x16xf32> to vector<16xf32>
      %get3A_210 = arith.constant 7 : i32
      %get3A_211 = arith.index_cast %get3A_210 : i32 to index
      %get3A_212 = arith.constant 0 : index
      %get3A_213 = tpu.vector_load %arg11[%get3A_211, %get3A_212] {strides = array<i32>} : memref<13x16xf32, #tpu.memory_space<vmem>>, vector<1x16xf32>,
      %get3A_214 = vector.shape_cast %get3A_213 : vector<1x16xf32> to vector<16xf32>
      %mul3A_215 = arith.mulf %get3A_209, %get3A_214 : vector<16xf32>
      %add3A_216 = arith.addf %add3A_202, %mul3A_215 : vector<16xf32>
      %mul3A_217 = arith.constant 16 : i32
      %mul3A_218 = arith.muli %scan3A_20, %mul3A_217 : i32
      %get3A_219 = arith.constant 8 : i32
      %get3A_220 = arith.index_cast %get3A_219 : i32 to index
      %get3A_221 = arith.index_cast %mul3A_218 : i32 to index
      %get3A_222 = tpu.vector_load %arg10[%get3A_220, %get3A_221] {strides = array<i32>} : memref<16x512xf32, #tpu.memory_space<vmem>>, vector<1x16xf32>,
      %get3A_223 = vector.shape_cast %get3A_222 : vector<1x16xf32> to vector<16xf32>
      %get3A_224 = arith.constant 8 : i32
      %get3A_225 = arith.index_cast %get3A_224 : i32 to index
      %get3A_226 = arith.constant 0 : index
      %get3A_227 = tpu.vector_load %arg11[%get3A_225, %get3A_226] {strides = array<i32>} : memref<13x16xf32, #tpu.memory_space<vmem>>, vector<1x16xf32>,
      %get3A_228 = vector.shape_cast %get3A_227 : vector<1x16xf32> to vector<16xf32>
      %mul3A_229 = arith.mulf %get3A_223, %get3A_228 : vector<16xf32>
      %add3A_230 = arith.addf %add3A_216, %mul3A_229 : vector<16xf32>
      %mul3A_231 = arith.constant 16 : i32
      %mul3A_232 = arith.muli %scan3A_20, %mul3A_231 : i32
      %get3A_233 = arith.constant 9 : i32
      %get3A_234 = arith.index_cast %get3A_233 : i32 to index
      %get3A_235 = arith.index_cast %mul3A_232 : i32 to index
      %get3A_236 = tpu.vector_load %arg10[%get3A_234, %get3A_235] {strides = array<i32>} : memref<16x512xf32, #tpu.memory_space<vmem>>, vector<1x16xf32>,
      %get3A_237 = vector.shape_cast %get3A_236 : vector<1x16xf32> to vector<16xf32>
      %get3A_238 = arith.constant 9 : i32
      %get3A_239 = arith.index_cast %get3A_238 : i32 to index
      %get3A_240 = arith.constant 0 : index
      %get3A_241 = tpu.vector_load %arg11[%get3A_239, %get3A_240] {strides = array<i32>} : memref<13x16xf32, #tpu.memory_space<vmem>>, vector<1x16xf32>,
      %get3A_242 = vector.shape_cast %get3A_241 : vector<1x16xf32> to vector<16xf32>
      %mul3A_243 = arith.mulf %get3A_237, %get3A_242 : vector<16xf32>
      %add3A_244 = arith.addf %add3A_230, %mul3A_243 : vector<16xf32>
      %mul3A_245 = arith.constant 16 : i32
      %mul3A_246 = arith.muli %scan3A_20, %mul3A_245 : i32
      %get3A_247 = arith.constant 10 : i32
      %get3A_248 = arith.index_cast %get3A_247 : i32 to index
      %get3A_249 = arith.index_cast %mul3A_246 : i32 to index
      %get3A_250 = tpu.vector_load %arg10[%get3A_248, %get3A_249] {strides = array<i32>} : memref<16x512xf32, #tpu.memory_space<vmem>>, vector<1x16xf32>,
      %get3A_251 = vector.shape_cast %get3A_250 : vector<1x16xf32> to vector<16xf32>
      %get3A_252 = arith.constant 10 : i32
      %get3A_253 = arith.index_cast %get3A_252 : i32 to index
      %get3A_254 = arith.constant 0 : index
      %get3A_255 = tpu.vector_load %arg11[%get3A_253, %get3A_254] {strides = array<i32>} : memref<13x16xf32, #tpu.memory_space<vmem>>, vector<1x16xf32>,
      %get3A_256 = vector.shape_cast %get3A_255 : vector<1x16xf32> to vector<16xf32>
      %mul3A_257 = arith.mulf %get3A_251, %get3A_256 : vector<16xf32>
      %add3A_258 = arith.addf %add3A_244, %mul3A_257 : vector<16xf32>
      %mul3A_259 = arith.constant 16 : i32
      %mul3A_260 = arith.muli %scan3A_20, %mul3A_259 : i32
      %get3A_261 = arith.constant 11 : i32
      %get3A_262 = arith.index_cast %get3A_261 : i32 to index
      %get3A_263 = arith.index_cast %mul3A_260 : i32 to index
      %get3A_264 = tpu.vector_load %arg10[%get3A_262, %get3A_263] {strides = array<i32>} : memref<16x512xf32, #tpu.memory_space<vmem>>, vector<1x16xf32>,
      %get3A_265 = vector.shape_cast %get3A_264 : vector<1x16xf32> to vector<16xf32>
      %get3A_266 = arith.constant 11 : i32
      %get3A_267 = arith.index_cast %get3A_266 : i32 to index
      %get3A_268 = arith.constant 0 : index
      %get3A_269 = tpu.vector_load %arg11[%get3A_267, %get3A_268] {strides = array<i32>} : memref<13x16xf32, #tpu.memory_space<vmem>>, vector<1x16xf32>,
      %get3A_270 = vector.shape_cast %get3A_269 : vector<1x16xf32> to vector<16xf32>
      %mul3A_271 = arith.mulf %get3A_265, %get3A_270 : vector<16xf32>
      %add3A_272 = arith.addf %add3A_258, %mul3A_271 : vector<16xf32>
      %mul3A_273 = arith.constant 16 : i32
      %mul3A_274 = arith.muli %scan3A_20, %mul3A_273 : i32
      %get3A_275 = arith.constant 12 : i32
      %get3A_276 = arith.index_cast %get3A_275 : i32 to index
      %get3A_277 = arith.index_cast %mul3A_274 : i32 to index
      %get3A_278 = tpu.vector_load %arg10[%get3A_276, %get3A_277] {strides = array<i32>} : memref<16x512xf32, #tpu.memory_space<vmem>>, vector<1x16xf32>,
      %get3A_279 = vector.shape_cast %get3A_278 : vector<1x16xf32> to vector<16xf32>
      %get3A_280 = arith.constant 12 : i32
      %get3A_281 = arith.index_cast %get3A_280 : i32 to index
      %get3A_282 = arith.constant 0 : index
      %get3A_283 = tpu.vector_load %arg11[%get3A_281, %get3A_282] {strides = array<i32>} : memref<13x16xf32, #tpu.memory_space<vmem>>, vector<1x16xf32>,
      %get3A_284 = vector.shape_cast %get3A_283 : vector<1x16xf32> to vector<16xf32>
      %mul3A_285 = arith.mulf %get3A_279, %get3A_284 : vector<16xf32>
      %add3A_286 = arith.addf %add3A_272, %mul3A_285 : vector<16xf32>
      %mul3A_287 = arith.constant 16 : i32
      %mul3A_288 = arith.muli %scan3A_20, %mul3A_287 : i32
      %swap3A = arith.index_cast %mul3A_288 : i32 to index
      %swap3A_289 = tpu.vector_load %arg12[%swap3A] {strides = array<i32>} : memref<512xf32, #tpu.memory_space<vmem>>, vector<16xf32>,
      %swap3A_290 = vector.shape_cast %swap3A_289 : vector<16xf32> to vector<16xf32>
      %swap3A_291 = vector.shape_cast %add3A_286 : vector<16xf32> to vector<16xf32>
      tpu.vector_store %arg12[%swap3A], %swap3A_291 {strides = array<i32>} : memref<512xf32, #tpu.memory_space<vmem>>, vector<16xf32>,
    }
    %scan3A_19 = arith.constant 32 : i32
    "tpu.region"() ({
      %run_scoped3A = tpu.sem_alloc : memref<!tpu.dma_semaphore, #tpu.memory_space<semaphore_mem>>
      %dma_start3A = tpu.memref_slice %arg6[%mul3A_2] : memref<16384xf32, #tpu.memory_space<hbm>> -> memref<512xf32, #tpu.memory_space<hbm>>
      %dma_start3A_20 = tpu.memref_slice %arg6[%mul3A_2] : memref<16384xf32, #tpu.memory_space<hbm>> -> memref<512xf32, #tpu.memory_space<hbm>>
      tpu.enqueue_dma source(%arg12 : memref<512xf32, #tpu.memory_space<vmem>>) target(%dma_start3A_20 : memref<512xf32, #tpu.memory_space<hbm>>) target_semaphore(%run_scoped3A : memref<!tpu.dma_semaphore, #tpu.memory_space<semaphore_mem>>)
      %dma_wait3A = tpu.memref_slice %arg6[%mul3A_2] : memref<16384xf32, #tpu.memory_space<hbm>> -> memref<512xf32, #tpu.memory_space<hbm>>
      %dma_wait3A_21 = tpu.memref_slice %arg6[%mul3A_2] : memref<16384xf32, #tpu.memory_space<hbm>> -> memref<512xf32, #tpu.memory_space<hbm>>
      tpu.wait_dma2 semaphore(%run_scoped3A : memref<!tpu.dma_semaphore, #tpu.memory_space<semaphore_mem>>) src(%arg12 : memref<512xf32, #tpu.memory_space<vmem>>) dst(%dma_wait3A_21 : memref<512xf32, #tpu.memory_space<hbm>>)
      tpu.yield
    }) : () -> ()
    return
  }
}

module attributes {stable_mosaic.version = 14 : i64} {
  func.func @body(%arg0: i32, %arg1: memref<8x76928xf32, #tpu.memory_space<vmem>>, %arg2: memref<2000128xf32, #tpu.memory_space<any>>, %arg3: memref<!tpu.dma_semaphore, #tpu.memory_space<semaphore_mem>>) attributes {dimension_semantics = [#tpu.dimension_semantics<arbitrary>], iteration_bounds = array<i64: 13>, scalar_prefetch = 0 : i64, scratch_operands = 1 : i64, tpu.core_type = #tpu.core_type<tc>, window_params = [{transform_indices = @transform_0, window_bounds = array<i64: 8, 76928>}, {}]} {
    %mul3A = arith.constant 76928 : i32
    %mul3A_0 = arith.muli %arg0, %mul3A : i32
    %add3A = arith.constant 0 : i32
    %add3A_1 = arith.addi %add3A, %mul3A_0 : i32
    %mul3A_2 = arith.constant 76928 : i32
    %mul3A_3 = arith.muli %arg0, %mul3A_2 : i32
    %add3A_4 = arith.constant 1000064 : i32
    %add3A_5 = arith.addi %add3A_4, %mul3A_3 : i32
    %dma_start3A = arith.constant 0 : i32
    %dma_start3A_6 = tpu.memref_slice %arg2[%add3A_1] : memref<2000128xf32, #tpu.memory_space<any>> -> memref<76928xf32, #tpu.memory_space<any>>
    %dma_start3A_7 = arith.constant 0 : i32
    %dma_start3A_8 = tpu.memref_slice %arg1[%dma_start3A, %dma_start3A_7] : memref<8x76928xf32, #tpu.memory_space<vmem>> -> memref<1x76928xf32, #tpu.memory_space<vmem>>
    %dma_start3A_9 = tpu.memref_squeeze %dma_start3A_8 : memref<1x76928xf32, #tpu.memory_space<vmem>> -> memref<76928xf32, #tpu.memory_space<vmem>>
    tpu.enqueue_dma source(%dma_start3A_9 : memref<76928xf32, #tpu.memory_space<vmem>>) target(%dma_start3A_6 : memref<76928xf32, #tpu.memory_space<any>>) target_semaphore(%arg3 : memref<!tpu.dma_semaphore, #tpu.memory_space<semaphore_mem>>)
    %dma_start3A_10 = arith.constant 1 : i32
    %dma_start3A_11 = tpu.memref_slice %arg2[%add3A_5] : memref<2000128xf32, #tpu.memory_space<any>> -> memref<76928xf32, #tpu.memory_space<any>>
    %dma_start3A_12 = arith.constant 0 : i32
    %dma_start3A_13 = tpu.memref_slice %arg1[%dma_start3A_10, %dma_start3A_12] : memref<8x76928xf32, #tpu.memory_space<vmem>> -> memref<1x76928xf32, #tpu.memory_space<vmem>>
    %dma_start3A_14 = tpu.memref_squeeze %dma_start3A_13 : memref<1x76928xf32, #tpu.memory_space<vmem>> -> memref<76928xf32, #tpu.memory_space<vmem>>
    tpu.enqueue_dma source(%dma_start3A_14 : memref<76928xf32, #tpu.memory_space<vmem>>) target(%dma_start3A_11 : memref<76928xf32, #tpu.memory_space<any>>) target_semaphore(%arg3 : memref<!tpu.dma_semaphore, #tpu.memory_space<semaphore_mem>>)
    %dma_wait3A = arith.constant 0 : i32
    %dma_wait3A_15 = tpu.memref_slice %arg2[%add3A_1] : memref<2000128xf32, #tpu.memory_space<any>> -> memref<76928xf32, #tpu.memory_space<any>>
    %dma_wait3A_16 = arith.constant 0 : i32
    %dma_wait3A_17 = tpu.memref_slice %arg1[%dma_wait3A, %dma_wait3A_16] : memref<8x76928xf32, #tpu.memory_space<vmem>> -> memref<1x76928xf32, #tpu.memory_space<vmem>>
    %dma_wait3A_18 = tpu.memref_squeeze %dma_wait3A_17 : memref<1x76928xf32, #tpu.memory_space<vmem>> -> memref<76928xf32, #tpu.memory_space<vmem>>
    tpu.wait_dma2 semaphore(%arg3 : memref<!tpu.dma_semaphore, #tpu.memory_space<semaphore_mem>>) src(%dma_wait3A_18 : memref<76928xf32, #tpu.memory_space<vmem>>) dst(%dma_wait3A_15 : memref<76928xf32, #tpu.memory_space<any>>)
    %dma_wait3A_19 = arith.constant 1 : i32
    %dma_wait3A_20 = tpu.memref_slice %arg2[%add3A_5] : memref<2000128xf32, #tpu.memory_space<any>> -> memref<76928xf32, #tpu.memory_space<any>>
    %dma_wait3A_21 = arith.constant 0 : i32
    %dma_wait3A_22 = tpu.memref_slice %arg1[%dma_wait3A_19, %dma_wait3A_21] : memref<8x76928xf32, #tpu.memory_space<vmem>> -> memref<1x76928xf32, #tpu.memory_space<vmem>>
    %dma_wait3A_23 = tpu.memref_squeeze %dma_wait3A_22 : memref<1x76928xf32, #tpu.memory_space<vmem>> -> memref<76928xf32, #tpu.memory_space<vmem>>
    tpu.wait_dma2 semaphore(%arg3 : memref<!tpu.dma_semaphore, #tpu.memory_space<semaphore_mem>>) src(%dma_wait3A_23 : memref<76928xf32, #tpu.memory_space<vmem>>) dst(%dma_wait3A_20 : memref<76928xf32, #tpu.memory_space<any>>)
    return
  }
  func.func @transform_0(%arg0: i32) -> (i32, i32) {
    %c3_i32 = arith.constant 3 : i32
    %c0_i32 = arith.constant 0 : i32
    return %c3_i32, %arg0 : i32, i32
  }
}

module attributes {stable_mosaic.version = 14 : i64} {
  func.func @body(%arg0: i32, %arg1: memref<8x76928xf32, #tpu.memory_space<vmem>>, %arg2: memref<8000512xf32, #tpu.memory_space<any>>, %arg3: memref<!tpu.dma_semaphore, #tpu.memory_space<semaphore_mem>>) attributes {dimension_semantics = [#tpu.dimension_semantics<arbitrary>], iteration_bounds = array<i64: 13>, scalar_prefetch = 0 : i64, scratch_operands = 1 : i64, tpu.core_type = #tpu.core_type<tc>, window_params = [{transform_indices = @transform_0, window_bounds = array<i64: 8, 76928>}, {}]} {
    %mul3A = arith.constant 76928 : i32
    %mul3A_0 = arith.muli %arg0, %mul3A : i32
    %add3A = arith.constant 0 : i32
    %add3A_1 = arith.addi %add3A, %mul3A_0 : i32
    %mul3A_2 = arith.constant 76928 : i32
    %mul3A_3 = arith.muli %arg0, %mul3A_2 : i32
    %add3A_4 = arith.constant 1000064 : i32
    %add3A_5 = arith.addi %add3A_4, %mul3A_3 : i32
    %mul3A_6 = arith.constant 76928 : i32
    %mul3A_7 = arith.muli %arg0, %mul3A_6 : i32
    %add3A_8 = arith.constant 2000128 : i32
    %add3A_9 = arith.addi %add3A_8, %mul3A_7 : i32
    %mul3A_10 = arith.constant 76928 : i32
    %mul3A_11 = arith.muli %arg0, %mul3A_10 : i32
    %add3A_12 = arith.constant 3000192 : i32
    %add3A_13 = arith.addi %add3A_12, %mul3A_11 : i32
    %mul3A_14 = arith.constant 76928 : i32
    %mul3A_15 = arith.muli %arg0, %mul3A_14 : i32
    %add3A_16 = arith.constant 4000256 : i32
    %add3A_17 = arith.addi %add3A_16, %mul3A_15 : i32
    %mul3A_18 = arith.constant 76928 : i32
    %mul3A_19 = arith.muli %arg0, %mul3A_18 : i32
    %add3A_20 = arith.constant 5000320 : i32
    %add3A_21 = arith.addi %add3A_20, %mul3A_19 : i32
    %mul3A_22 = arith.constant 76928 : i32
    %mul3A_23 = arith.muli %arg0, %mul3A_22 : i32
    %add3A_24 = arith.constant 6000384 : i32
    %add3A_25 = arith.addi %add3A_24, %mul3A_23 : i32
    %mul3A_26 = arith.constant 76928 : i32
    %mul3A_27 = arith.muli %arg0, %mul3A_26 : i32
    %add3A_28 = arith.constant 7000448 : i32
    %add3A_29 = arith.addi %add3A_28, %mul3A_27 : i32
    %dma_start3A = arith.constant 0 : i32
    %dma_start3A_30 = tpu.memref_slice %arg2[%add3A_1] : memref<8000512xf32, #tpu.memory_space<any>> -> memref<76928xf32, #tpu.memory_space<any>>
    %dma_start3A_31 = arith.constant 0 : i32
    %dma_start3A_32 = tpu.memref_slice %arg1[%dma_start3A, %dma_start3A_31] : memref<8x76928xf32, #tpu.memory_space<vmem>> -> memref<1x76928xf32, #tpu.memory_space<vmem>>
    %dma_start3A_33 = tpu.memref_squeeze %dma_start3A_32 : memref<1x76928xf32, #tpu.memory_space<vmem>> -> memref<76928xf32, #tpu.memory_space<vmem>>
    tpu.enqueue_dma source(%dma_start3A_33 : memref<76928xf32, #tpu.memory_space<vmem>>) target(%dma_start3A_30 : memref<76928xf32, #tpu.memory_space<any>>) target_semaphore(%arg3 : memref<!tpu.dma_semaphore, #tpu.memory_space<semaphore_mem>>)
    %dma_start3A_34 = arith.constant 1 : i32
    %dma_start3A_35 = tpu.memref_slice %arg2[%add3A_5] : memref<8000512xf32, #tpu.memory_space<any>> -> memref<76928xf32, #tpu.memory_space<any>>
    %dma_start3A_36 = arith.constant 0 : i32
    %dma_start3A_37 = tpu.memref_slice %arg1[%dma_start3A_34, %dma_start3A_36] : memref<8x76928xf32, #tpu.memory_space<vmem>> -> memref<1x76928xf32, #tpu.memory_space<vmem>>
    %dma_start3A_38 = tpu.memref_squeeze %dma_start3A_37 : memref<1x76928xf32, #tpu.memory_space<vmem>> -> memref<76928xf32, #tpu.memory_space<vmem>>
    tpu.enqueue_dma source(%dma_start3A_38 : memref<76928xf32, #tpu.memory_space<vmem>>) target(%dma_start3A_35 : memref<76928xf32, #tpu.memory_space<any>>) target_semaphore(%arg3 : memref<!tpu.dma_semaphore, #tpu.memory_space<semaphore_mem>>)
    %dma_start3A_39 = arith.constant 2 : i32
    %dma_start3A_40 = tpu.memref_slice %arg2[%add3A_9] : memref<8000512xf32, #tpu.memory_space<any>> -> memref<76928xf32, #tpu.memory_space<any>>
    %dma_start3A_41 = arith.constant 0 : i32
    %dma_start3A_42 = tpu.memref_slice %arg1[%dma_start3A_39, %dma_start3A_41] : memref<8x76928xf32, #tpu.memory_space<vmem>> -> memref<1x76928xf32, #tpu.memory_space<vmem>>
    %dma_start3A_43 = tpu.memref_squeeze %dma_start3A_42 : memref<1x76928xf32, #tpu.memory_space<vmem>> -> memref<76928xf32, #tpu.memory_space<vmem>>
    tpu.enqueue_dma source(%dma_start3A_43 : memref<76928xf32, #tpu.memory_space<vmem>>) target(%dma_start3A_40 : memref<76928xf32, #tpu.memory_space<any>>) target_semaphore(%arg3 : memref<!tpu.dma_semaphore, #tpu.memory_space<semaphore_mem>>)
    %dma_start3A_44 = arith.constant 3 : i32
    %dma_start3A_45 = tpu.memref_slice %arg2[%add3A_13] : memref<8000512xf32, #tpu.memory_space<any>> -> memref<76928xf32, #tpu.memory_space<any>>
    %dma_start3A_46 = arith.constant 0 : i32
    %dma_start3A_47 = tpu.memref_slice %arg1[%dma_start3A_44, %dma_start3A_46] : memref<8x76928xf32, #tpu.memory_space<vmem>> -> memref<1x76928xf32, #tpu.memory_space<vmem>>
    %dma_start3A_48 = tpu.memref_squeeze %dma_start3A_47 : memref<1x76928xf32, #tpu.memory_space<vmem>> -> memref<76928xf32, #tpu.memory_space<vmem>>
    tpu.enqueue_dma source(%dma_start3A_48 : memref<76928xf32, #tpu.memory_space<vmem>>) target(%dma_start3A_45 : memref<76928xf32, #tpu.memory_space<any>>) target_semaphore(%arg3 : memref<!tpu.dma_semaphore, #tpu.memory_space<semaphore_mem>>)
    %dma_start3A_49 = arith.constant 4 : i32
    %dma_start3A_50 = tpu.memref_slice %arg2[%add3A_17] : memref<8000512xf32, #tpu.memory_space<any>> -> memref<76928xf32, #tpu.memory_space<any>>
    %dma_start3A_51 = arith.constant 0 : i32
    %dma_start3A_52 = tpu.memref_slice %arg1[%dma_start3A_49, %dma_start3A_51] : memref<8x76928xf32, #tpu.memory_space<vmem>> -> memref<1x76928xf32, #tpu.memory_space<vmem>>
    %dma_start3A_53 = tpu.memref_squeeze %dma_start3A_52 : memref<1x76928xf32, #tpu.memory_space<vmem>> -> memref<76928xf32, #tpu.memory_space<vmem>>
    tpu.enqueue_dma source(%dma_start3A_53 : memref<76928xf32, #tpu.memory_space<vmem>>) target(%dma_start3A_50 : memref<76928xf32, #tpu.memory_space<any>>) target_semaphore(%arg3 : memref<!tpu.dma_semaphore, #tpu.memory_space<semaphore_mem>>)
    %dma_start3A_54 = arith.constant 5 : i32
    %dma_start3A_55 = tpu.memref_slice %arg2[%add3A_21] : memref<8000512xf32, #tpu.memory_space<any>> -> memref<76928xf32, #tpu.memory_space<any>>
    %dma_start3A_56 = arith.constant 0 : i32
    %dma_start3A_57 = tpu.memref_slice %arg1[%dma_start3A_54, %dma_start3A_56] : memref<8x76928xf32, #tpu.memory_space<vmem>> -> memref<1x76928xf32, #tpu.memory_space<vmem>>
    %dma_start3A_58 = tpu.memref_squeeze %dma_start3A_57 : memref<1x76928xf32, #tpu.memory_space<vmem>> -> memref<76928xf32, #tpu.memory_space<vmem>>
    tpu.enqueue_dma source(%dma_start3A_58 : memref<76928xf32, #tpu.memory_space<vmem>>) target(%dma_start3A_55 : memref<76928xf32, #tpu.memory_space<any>>) target_semaphore(%arg3 : memref<!tpu.dma_semaphore, #tpu.memory_space<semaphore_mem>>)
    %dma_start3A_59 = arith.constant 6 : i32
    %dma_start3A_60 = tpu.memref_slice %arg2[%add3A_25] : memref<8000512xf32, #tpu.memory_space<any>> -> memref<76928xf32, #tpu.memory_space<any>>
    %dma_start3A_61 = arith.constant 0 : i32
    %dma_start3A_62 = tpu.memref_slice %arg1[%dma_start3A_59, %dma_start3A_61] : memref<8x76928xf32, #tpu.memory_space<vmem>> -> memref<1x76928xf32, #tpu.memory_space<vmem>>
    %dma_start3A_63 = tpu.memref_squeeze %dma_start3A_62 : memref<1x76928xf32, #tpu.memory_space<vmem>> -> memref<76928xf32, #tpu.memory_space<vmem>>
    tpu.enqueue_dma source(%dma_start3A_63 : memref<76928xf32, #tpu.memory_space<vmem>>) target(%dma_start3A_60 : memref<76928xf32, #tpu.memory_space<any>>) target_semaphore(%arg3 : memref<!tpu.dma_semaphore, #tpu.memory_space<semaphore_mem>>)
    %dma_start3A_64 = arith.constant 7 : i32
    %dma_start3A_65 = tpu.memref_slice %arg2[%add3A_29] : memref<8000512xf32, #tpu.memory_space<any>> -> memref<76928xf32, #tpu.memory_space<any>>
    %dma_start3A_66 = arith.constant 0 : i32
    %dma_start3A_67 = tpu.memref_slice %arg1[%dma_start3A_64, %dma_start3A_66] : memref<8x76928xf32, #tpu.memory_space<vmem>> -> memref<1x76928xf32, #tpu.memory_space<vmem>>
    %dma_start3A_68 = tpu.memref_squeeze %dma_start3A_67 : memref<1x76928xf32, #tpu.memory_space<vmem>> -> memref<76928xf32, #tpu.memory_space<vmem>>
    tpu.enqueue_dma source(%dma_start3A_68 : memref<76928xf32, #tpu.memory_space<vmem>>) target(%dma_start3A_65 : memref<76928xf32, #tpu.memory_space<any>>) target_semaphore(%arg3 : memref<!tpu.dma_semaphore, #tpu.memory_space<semaphore_mem>>)
    %dma_wait3A = arith.constant 0 : i32
    %dma_wait3A_69 = tpu.memref_slice %arg2[%add3A_1] : memref<8000512xf32, #tpu.memory_space<any>> -> memref<76928xf32, #tpu.memory_space<any>>
    %dma_wait3A_70 = arith.constant 0 : i32
    %dma_wait3A_71 = tpu.memref_slice %arg1[%dma_wait3A, %dma_wait3A_70] : memref<8x76928xf32, #tpu.memory_space<vmem>> -> memref<1x76928xf32, #tpu.memory_space<vmem>>
    %dma_wait3A_72 = tpu.memref_squeeze %dma_wait3A_71 : memref<1x76928xf32, #tpu.memory_space<vmem>> -> memref<76928xf32, #tpu.memory_space<vmem>>
    tpu.wait_dma2 semaphore(%arg3 : memref<!tpu.dma_semaphore, #tpu.memory_space<semaphore_mem>>) src(%dma_wait3A_72 : memref<76928xf32, #tpu.memory_space<vmem>>) dst(%dma_wait3A_69 : memref<76928xf32, #tpu.memory_space<any>>)
    %dma_wait3A_73 = arith.constant 1 : i32
    %dma_wait3A_74 = tpu.memref_slice %arg2[%add3A_5] : memref<8000512xf32, #tpu.memory_space<any>> -> memref<76928xf32, #tpu.memory_space<any>>
    %dma_wait3A_75 = arith.constant 0 : i32
    %dma_wait3A_76 = tpu.memref_slice %arg1[%dma_wait3A_73, %dma_wait3A_75] : memref<8x76928xf32, #tpu.memory_space<vmem>> -> memref<1x76928xf32, #tpu.memory_space<vmem>>
    %dma_wait3A_77 = tpu.memref_squeeze %dma_wait3A_76 : memref<1x76928xf32, #tpu.memory_space<vmem>> -> memref<76928xf32, #tpu.memory_space<vmem>>
    tpu.wait_dma2 semaphore(%arg3 : memref<!tpu.dma_semaphore, #tpu.memory_space<semaphore_mem>>) src(%dma_wait3A_77 : memref<76928xf32, #tpu.memory_space<vmem>>) dst(%dma_wait3A_74 : memref<76928xf32, #tpu.memory_space<any>>)
    %dma_wait3A_78 = arith.constant 2 : i32
    %dma_wait3A_79 = tpu.memref_slice %arg2[%add3A_9] : memref<8000512xf32, #tpu.memory_space<any>> -> memref<76928xf32, #tpu.memory_space<any>>
    %dma_wait3A_80 = arith.constant 0 : i32
    %dma_wait3A_81 = tpu.memref_slice %arg1[%dma_wait3A_78, %dma_wait3A_80] : memref<8x76928xf32, #tpu.memory_space<vmem>> -> memref<1x76928xf32, #tpu.memory_space<vmem>>
    %dma_wait3A_82 = tpu.memref_squeeze %dma_wait3A_81 : memref<1x76928xf32, #tpu.memory_space<vmem>> -> memref<76928xf32, #tpu.memory_space<vmem>>
    tpu.wait_dma2 semaphore(%arg3 : memref<!tpu.dma_semaphore, #tpu.memory_space<semaphore_mem>>) src(%dma_wait3A_82 : memref<76928xf32, #tpu.memory_space<vmem>>) dst(%dma_wait3A_79 : memref<76928xf32, #tpu.memory_space<any>>)
    %dma_wait3A_83 = arith.constant 3 : i32
    %dma_wait3A_84 = tpu.memref_slice %arg2[%add3A_13] : memref<8000512xf32, #tpu.memory_space<any>> -> memref<76928xf32, #tpu.memory_space<any>>
    %dma_wait3A_85 = arith.constant 0 : i32
    %dma_wait3A_86 = tpu.memref_slice %arg1[%dma_wait3A_83, %dma_wait3A_85] : memref<8x76928xf32, #tpu.memory_space<vmem>> -> memref<1x76928xf32, #tpu.memory_space<vmem>>
    %dma_wait3A_87 = tpu.memref_squeeze %dma_wait3A_86 : memref<1x76928xf32, #tpu.memory_space<vmem>> -> memref<76928xf32, #tpu.memory_space<vmem>>
    tpu.wait_dma2 semaphore(%arg3 : memref<!tpu.dma_semaphore, #tpu.memory_space<semaphore_mem>>) src(%dma_wait3A_87 : memref<76928xf32, #tpu.memory_space<vmem>>) dst(%dma_wait3A_84 : memref<76928xf32, #tpu.memory_space<any>>)
    %dma_wait3A_88 = arith.constant 4 : i32
    %dma_wait3A_89 = tpu.memref_slice %arg2[%add3A_17] : memref<8000512xf32, #tpu.memory_space<any>> -> memref<76928xf32, #tpu.memory_space<any>>
    %dma_wait3A_90 = arith.constant 0 : i32
    %dma_wait3A_91 = tpu.memref_slice %arg1[%dma_wait3A_88, %dma_wait3A_90] : memref<8x76928xf32, #tpu.memory_space<vmem>> -> memref<1x76928xf32, #tpu.memory_space<vmem>>
    %dma_wait3A_92 = tpu.memref_squeeze %dma_wait3A_91 : memref<1x76928xf32, #tpu.memory_space<vmem>> -> memref<76928xf32, #tpu.memory_space<vmem>>
    tpu.wait_dma2 semaphore(%arg3 : memref<!tpu.dma_semaphore, #tpu.memory_space<semaphore_mem>>) src(%dma_wait3A_92 : memref<76928xf32, #tpu.memory_space<vmem>>) dst(%dma_wait3A_89 : memref<76928xf32, #tpu.memory_space<any>>)
    %dma_wait3A_93 = arith.constant 5 : i32
    %dma_wait3A_94 = tpu.memref_slice %arg2[%add3A_21] : memref<8000512xf32, #tpu.memory_space<any>> -> memref<76928xf32, #tpu.memory_space<any>>
    %dma_wait3A_95 = arith.constant 0 : i32
    %dma_wait3A_96 = tpu.memref_slice %arg1[%dma_wait3A_93, %dma_wait3A_95] : memref<8x76928xf32, #tpu.memory_space<vmem>> -> memref<1x76928xf32, #tpu.memory_space<vmem>>
    %dma_wait3A_97 = tpu.memref_squeeze %dma_wait3A_96 : memref<1x76928xf32, #tpu.memory_space<vmem>> -> memref<76928xf32, #tpu.memory_space<vmem>>
    tpu.wait_dma2 semaphore(%arg3 : memref<!tpu.dma_semaphore, #tpu.memory_space<semaphore_mem>>) src(%dma_wait3A_97 : memref<76928xf32, #tpu.memory_space<vmem>>) dst(%dma_wait3A_94 : memref<76928xf32, #tpu.memory_space<any>>)
    %dma_wait3A_98 = arith.constant 6 : i32
    %dma_wait3A_99 = tpu.memref_slice %arg2[%add3A_25] : memref<8000512xf32, #tpu.memory_space<any>> -> memref<76928xf32, #tpu.memory_space<any>>
    %dma_wait3A_100 = arith.constant 0 : i32
    %dma_wait3A_101 = tpu.memref_slice %arg1[%dma_wait3A_98, %dma_wait3A_100] : memref<8x76928xf32, #tpu.memory_space<vmem>> -> memref<1x76928xf32, #tpu.memory_space<vmem>>
    %dma_wait3A_102 = tpu.memref_squeeze %dma_wait3A_101 : memref<1x76928xf32, #tpu.memory_space<vmem>> -> memref<76928xf32, #tpu.memory_space<vmem>>
    tpu.wait_dma2 semaphore(%arg3 : memref<!tpu.dma_semaphore, #tpu.memory_space<semaphore_mem>>) src(%dma_wait3A_102 : memref<76928xf32, #tpu.memory_space<vmem>>) dst(%dma_wait3A_99 : memref<76928xf32, #tpu.memory_space<any>>)
    %dma_wait3A_103 = arith.constant 7 : i32
    %dma_wait3A_104 = tpu.memref_slice %arg2[%add3A_29] : memref<8000512xf32, #tpu.memory_space<any>> -> memref<76928xf32, #tpu.memory_space<any>>
    %dma_wait3A_105 = arith.constant 0 : i32
    %dma_wait3A_106 = tpu.memref_slice %arg1[%dma_wait3A_103, %dma_wait3A_105] : memref<8x76928xf32, #tpu.memory_space<vmem>> -> memref<1x76928xf32, #tpu.memory_space<vmem>>
    %dma_wait3A_107 = tpu.memref_squeeze %dma_wait3A_106 : memref<1x76928xf32, #tpu.memory_space<vmem>> -> memref<76928xf32, #tpu.memory_space<vmem>>
    tpu.wait_dma2 semaphore(%arg3 : memref<!tpu.dma_semaphore, #tpu.memory_space<semaphore_mem>>) src(%dma_wait3A_107 : memref<76928xf32, #tpu.memory_space<vmem>>) dst(%dma_wait3A_104 : memref<76928xf32, #tpu.memory_space<any>>)
    return
  }
  func.func @transform_0(%arg0: i32) -> (i32, i32) {
    %c2_i32 = arith.constant 2 : i32
    %c0_i32 = arith.constant 0 : i32
    return %c2_i32, %arg0 : i32, i32
  }
}

module attributes {stable_mosaic.version = 14 : i64} {
  func.func @body(%arg0: i32, %arg1: memref<8x76928xf32, #tpu.memory_space<vmem>>, %arg2: memref<8000512xf32, #tpu.memory_space<any>>, %arg3: memref<!tpu.dma_semaphore, #tpu.memory_space<semaphore_mem>>) attributes {dimension_semantics = [#tpu.dimension_semantics<arbitrary>], iteration_bounds = array<i64: 13>, scalar_prefetch = 0 : i64, scratch_operands = 1 : i64, tpu.core_type = #tpu.core_type<tc>, window_params = [{transform_indices = @transform_0, window_bounds = array<i64: 8, 76928>}, {}]} {
    %mul3A = arith.constant 76928 : i32
    %mul3A_0 = arith.muli %arg0, %mul3A : i32
    %add3A = arith.constant 0 : i32
    %add3A_1 = arith.addi %add3A, %mul3A_0 : i32
    %mul3A_2 = arith.constant 76928 : i32
    %mul3A_3 = arith.muli %arg0, %mul3A_2 : i32
    %add3A_4 = arith.constant 1000064 : i32
    %add3A_5 = arith.addi %add3A_4, %mul3A_3 : i32
    %mul3A_6 = arith.constant 76928 : i32
    %mul3A_7 = arith.muli %arg0, %mul3A_6 : i32
    %add3A_8 = arith.constant 2000128 : i32
    %add3A_9 = arith.addi %add3A_8, %mul3A_7 : i32
    %mul3A_10 = arith.constant 76928 : i32
    %mul3A_11 = arith.muli %arg0, %mul3A_10 : i32
    %add3A_12 = arith.constant 3000192 : i32
    %add3A_13 = arith.addi %add3A_12, %mul3A_11 : i32
    %mul3A_14 = arith.constant 76928 : i32
    %mul3A_15 = arith.muli %arg0, %mul3A_14 : i32
    %add3A_16 = arith.constant 4000256 : i32
    %add3A_17 = arith.addi %add3A_16, %mul3A_15 : i32
    %mul3A_18 = arith.constant 76928 : i32
    %mul3A_19 = arith.muli %arg0, %mul3A_18 : i32
    %add3A_20 = arith.constant 5000320 : i32
    %add3A_21 = arith.addi %add3A_20, %mul3A_19 : i32
    %mul3A_22 = arith.constant 76928 : i32
    %mul3A_23 = arith.muli %arg0, %mul3A_22 : i32
    %add3A_24 = arith.constant 6000384 : i32
    %add3A_25 = arith.addi %add3A_24, %mul3A_23 : i32
    %mul3A_26 = arith.constant 76928 : i32
    %mul3A_27 = arith.muli %arg0, %mul3A_26 : i32
    %add3A_28 = arith.constant 7000448 : i32
    %add3A_29 = arith.addi %add3A_28, %mul3A_27 : i32
    %dma_start3A = arith.constant 0 : i32
    %dma_start3A_30 = tpu.memref_slice %arg2[%add3A_1] : memref<8000512xf32, #tpu.memory_space<any>> -> memref<76928xf32, #tpu.memory_space<any>>
    %dma_start3A_31 = arith.constant 0 : i32
    %dma_start3A_32 = tpu.memref_slice %arg1[%dma_start3A, %dma_start3A_31] : memref<8x76928xf32, #tpu.memory_space<vmem>> -> memref<1x76928xf32, #tpu.memory_space<vmem>>
    %dma_start3A_33 = tpu.memref_squeeze %dma_start3A_32 : memref<1x76928xf32, #tpu.memory_space<vmem>> -> memref<76928xf32, #tpu.memory_space<vmem>>
    tpu.enqueue_dma source(%dma_start3A_33 : memref<76928xf32, #tpu.memory_space<vmem>>) target(%dma_start3A_30 : memref<76928xf32, #tpu.memory_space<any>>) target_semaphore(%arg3 : memref<!tpu.dma_semaphore, #tpu.memory_space<semaphore_mem>>)
    %dma_start3A_34 = arith.constant 1 : i32
    %dma_start3A_35 = tpu.memref_slice %arg2[%add3A_5] : memref<8000512xf32, #tpu.memory_space<any>> -> memref<76928xf32, #tpu.memory_space<any>>
    %dma_start3A_36 = arith.constant 0 : i32
    %dma_start3A_37 = tpu.memref_slice %arg1[%dma_start3A_34, %dma_start3A_36] : memref<8x76928xf32, #tpu.memory_space<vmem>> -> memref<1x76928xf32, #tpu.memory_space<vmem>>
    %dma_start3A_38 = tpu.memref_squeeze %dma_start3A_37 : memref<1x76928xf32, #tpu.memory_space<vmem>> -> memref<76928xf32, #tpu.memory_space<vmem>>
    tpu.enqueue_dma source(%dma_start3A_38 : memref<76928xf32, #tpu.memory_space<vmem>>) target(%dma_start3A_35 : memref<76928xf32, #tpu.memory_space<any>>) target_semaphore(%arg3 : memref<!tpu.dma_semaphore, #tpu.memory_space<semaphore_mem>>)
    %dma_start3A_39 = arith.constant 2 : i32
    %dma_start3A_40 = tpu.memref_slice %arg2[%add3A_9] : memref<8000512xf32, #tpu.memory_space<any>> -> memref<76928xf32, #tpu.memory_space<any>>
    %dma_start3A_41 = arith.constant 0 : i32
    %dma_start3A_42 = tpu.memref_slice %arg1[%dma_start3A_39, %dma_start3A_41] : memref<8x76928xf32, #tpu.memory_space<vmem>> -> memref<1x76928xf32, #tpu.memory_space<vmem>>
    %dma_start3A_43 = tpu.memref_squeeze %dma_start3A_42 : memref<1x76928xf32, #tpu.memory_space<vmem>> -> memref<76928xf32, #tpu.memory_space<vmem>>
    tpu.enqueue_dma source(%dma_start3A_43 : memref<76928xf32, #tpu.memory_space<vmem>>) target(%dma_start3A_40 : memref<76928xf32, #tpu.memory_space<any>>) target_semaphore(%arg3 : memref<!tpu.dma_semaphore, #tpu.memory_space<semaphore_mem>>)
    %dma_start3A_44 = arith.constant 3 : i32
    %dma_start3A_45 = tpu.memref_slice %arg2[%add3A_13] : memref<8000512xf32, #tpu.memory_space<any>> -> memref<76928xf32, #tpu.memory_space<any>>
    %dma_start3A_46 = arith.constant 0 : i32
    %dma_start3A_47 = tpu.memref_slice %arg1[%dma_start3A_44, %dma_start3A_46] : memref<8x76928xf32, #tpu.memory_space<vmem>> -> memref<1x76928xf32, #tpu.memory_space<vmem>>
    %dma_start3A_48 = tpu.memref_squeeze %dma_start3A_47 : memref<1x76928xf32, #tpu.memory_space<vmem>> -> memref<76928xf32, #tpu.memory_space<vmem>>
    tpu.enqueue_dma source(%dma_start3A_48 : memref<76928xf32, #tpu.memory_space<vmem>>) target(%dma_start3A_45 : memref<76928xf32, #tpu.memory_space<any>>) target_semaphore(%arg3 : memref<!tpu.dma_semaphore, #tpu.memory_space<semaphore_mem>>)
    %dma_start3A_49 = arith.constant 4 : i32
    %dma_start3A_50 = tpu.memref_slice %arg2[%add3A_17] : memref<8000512xf32, #tpu.memory_space<any>> -> memref<76928xf32, #tpu.memory_space<any>>
    %dma_start3A_51 = arith.constant 0 : i32
    %dma_start3A_52 = tpu.memref_slice %arg1[%dma_start3A_49, %dma_start3A_51] : memref<8x76928xf32, #tpu.memory_space<vmem>> -> memref<1x76928xf32, #tpu.memory_space<vmem>>
    %dma_start3A_53 = tpu.memref_squeeze %dma_start3A_52 : memref<1x76928xf32, #tpu.memory_space<vmem>> -> memref<76928xf32, #tpu.memory_space<vmem>>
    tpu.enqueue_dma source(%dma_start3A_53 : memref<76928xf32, #tpu.memory_space<vmem>>) target(%dma_start3A_50 : memref<76928xf32, #tpu.memory_space<any>>) target_semaphore(%arg3 : memref<!tpu.dma_semaphore, #tpu.memory_space<semaphore_mem>>)
    %dma_start3A_54 = arith.constant 5 : i32
    %dma_start3A_55 = tpu.memref_slice %arg2[%add3A_21] : memref<8000512xf32, #tpu.memory_space<any>> -> memref<76928xf32, #tpu.memory_space<any>>
    %dma_start3A_56 = arith.constant 0 : i32
    %dma_start3A_57 = tpu.memref_slice %arg1[%dma_start3A_54, %dma_start3A_56] : memref<8x76928xf32, #tpu.memory_space<vmem>> -> memref<1x76928xf32, #tpu.memory_space<vmem>>
    %dma_start3A_58 = tpu.memref_squeeze %dma_start3A_57 : memref<1x76928xf32, #tpu.memory_space<vmem>> -> memref<76928xf32, #tpu.memory_space<vmem>>
    tpu.enqueue_dma source(%dma_start3A_58 : memref<76928xf32, #tpu.memory_space<vmem>>) target(%dma_start3A_55 : memref<76928xf32, #tpu.memory_space<any>>) target_semaphore(%arg3 : memref<!tpu.dma_semaphore, #tpu.memory_space<semaphore_mem>>)
    %dma_start3A_59 = arith.constant 6 : i32
    %dma_start3A_60 = tpu.memref_slice %arg2[%add3A_25] : memref<8000512xf32, #tpu.memory_space<any>> -> memref<76928xf32, #tpu.memory_space<any>>
    %dma_start3A_61 = arith.constant 0 : i32
    %dma_start3A_62 = tpu.memref_slice %arg1[%dma_start3A_59, %dma_start3A_61] : memref<8x76928xf32, #tpu.memory_space<vmem>> -> memref<1x76928xf32, #tpu.memory_space<vmem>>
    %dma_start3A_63 = tpu.memref_squeeze %dma_start3A_62 : memref<1x76928xf32, #tpu.memory_space<vmem>> -> memref<76928xf32, #tpu.memory_space<vmem>>
    tpu.enqueue_dma source(%dma_start3A_63 : memref<76928xf32, #tpu.memory_space<vmem>>) target(%dma_start3A_60 : memref<76928xf32, #tpu.memory_space<any>>) target_semaphore(%arg3 : memref<!tpu.dma_semaphore, #tpu.memory_space<semaphore_mem>>)
    %dma_start3A_64 = arith.constant 7 : i32
    %dma_start3A_65 = tpu.memref_slice %arg2[%add3A_29] : memref<8000512xf32, #tpu.memory_space<any>> -> memref<76928xf32, #tpu.memory_space<any>>
    %dma_start3A_66 = arith.constant 0 : i32
    %dma_start3A_67 = tpu.memref_slice %arg1[%dma_start3A_64, %dma_start3A_66] : memref<8x76928xf32, #tpu.memory_space<vmem>> -> memref<1x76928xf32, #tpu.memory_space<vmem>>
    %dma_start3A_68 = tpu.memref_squeeze %dma_start3A_67 : memref<1x76928xf32, #tpu.memory_space<vmem>> -> memref<76928xf32, #tpu.memory_space<vmem>>
    tpu.enqueue_dma source(%dma_start3A_68 : memref<76928xf32, #tpu.memory_space<vmem>>) target(%dma_start3A_65 : memref<76928xf32, #tpu.memory_space<any>>) target_semaphore(%arg3 : memref<!tpu.dma_semaphore, #tpu.memory_space<semaphore_mem>>)
    %dma_wait3A = arith.constant 0 : i32
    %dma_wait3A_69 = tpu.memref_slice %arg2[%add3A_1] : memref<8000512xf32, #tpu.memory_space<any>> -> memref<76928xf32, #tpu.memory_space<any>>
    %dma_wait3A_70 = arith.constant 0 : i32
    %dma_wait3A_71 = tpu.memref_slice %arg1[%dma_wait3A, %dma_wait3A_70] : memref<8x76928xf32, #tpu.memory_space<vmem>> -> memref<1x76928xf32, #tpu.memory_space<vmem>>
    %dma_wait3A_72 = tpu.memref_squeeze %dma_wait3A_71 : memref<1x76928xf32, #tpu.memory_space<vmem>> -> memref<76928xf32, #tpu.memory_space<vmem>>
    tpu.wait_dma2 semaphore(%arg3 : memref<!tpu.dma_semaphore, #tpu.memory_space<semaphore_mem>>) src(%dma_wait3A_72 : memref<76928xf32, #tpu.memory_space<vmem>>) dst(%dma_wait3A_69 : memref<76928xf32, #tpu.memory_space<any>>)
    %dma_wait3A_73 = arith.constant 1 : i32
    %dma_wait3A_74 = tpu.memref_slice %arg2[%add3A_5] : memref<8000512xf32, #tpu.memory_space<any>> -> memref<76928xf32, #tpu.memory_space<any>>
    %dma_wait3A_75 = arith.constant 0 : i32
    %dma_wait3A_76 = tpu.memref_slice %arg1[%dma_wait3A_73, %dma_wait3A_75] : memref<8x76928xf32, #tpu.memory_space<vmem>> -> memref<1x76928xf32, #tpu.memory_space<vmem>>
    %dma_wait3A_77 = tpu.memref_squeeze %dma_wait3A_76 : memref<1x76928xf32, #tpu.memory_space<vmem>> -> memref<76928xf32, #tpu.memory_space<vmem>>
    tpu.wait_dma2 semaphore(%arg3 : memref<!tpu.dma_semaphore, #tpu.memory_space<semaphore_mem>>) src(%dma_wait3A_77 : memref<76928xf32, #tpu.memory_space<vmem>>) dst(%dma_wait3A_74 : memref<76928xf32, #tpu.memory_space<any>>)
    %dma_wait3A_78 = arith.constant 2 : i32
    %dma_wait3A_79 = tpu.memref_slice %arg2[%add3A_9] : memref<8000512xf32, #tpu.memory_space<any>> -> memref<76928xf32, #tpu.memory_space<any>>
    %dma_wait3A_80 = arith.constant 0 : i32
    %dma_wait3A_81 = tpu.memref_slice %arg1[%dma_wait3A_78, %dma_wait3A_80] : memref<8x76928xf32, #tpu.memory_space<vmem>> -> memref<1x76928xf32, #tpu.memory_space<vmem>>
    %dma_wait3A_82 = tpu.memref_squeeze %dma_wait3A_81 : memref<1x76928xf32, #tpu.memory_space<vmem>> -> memref<76928xf32, #tpu.memory_space<vmem>>
    tpu.wait_dma2 semaphore(%arg3 : memref<!tpu.dma_semaphore, #tpu.memory_space<semaphore_mem>>) src(%dma_wait3A_82 : memref<76928xf32, #tpu.memory_space<vmem>>) dst(%dma_wait3A_79 : memref<76928xf32, #tpu.memory_space<any>>)
    %dma_wait3A_83 = arith.constant 3 : i32
    %dma_wait3A_84 = tpu.memref_slice %arg2[%add3A_13] : memref<8000512xf32, #tpu.memory_space<any>> -> memref<76928xf32, #tpu.memory_space<any>>
    %dma_wait3A_85 = arith.constant 0 : i32
    %dma_wait3A_86 = tpu.memref_slice %arg1[%dma_wait3A_83, %dma_wait3A_85] : memref<8x76928xf32, #tpu.memory_space<vmem>> -> memref<1x76928xf32, #tpu.memory_space<vmem>>
    %dma_wait3A_87 = tpu.memref_squeeze %dma_wait3A_86 : memref<1x76928xf32, #tpu.memory_space<vmem>> -> memref<76928xf32, #tpu.memory_space<vmem>>
    tpu.wait_dma2 semaphore(%arg3 : memref<!tpu.dma_semaphore, #tpu.memory_space<semaphore_mem>>) src(%dma_wait3A_87 : memref<76928xf32, #tpu.memory_space<vmem>>) dst(%dma_wait3A_84 : memref<76928xf32, #tpu.memory_space<any>>)
    %dma_wait3A_88 = arith.constant 4 : i32
    %dma_wait3A_89 = tpu.memref_slice %arg2[%add3A_17] : memref<8000512xf32, #tpu.memory_space<any>> -> memref<76928xf32, #tpu.memory_space<any>>
    %dma_wait3A_90 = arith.constant 0 : i32
    %dma_wait3A_91 = tpu.memref_slice %arg1[%dma_wait3A_88, %dma_wait3A_90] : memref<8x76928xf32, #tpu.memory_space<vmem>> -> memref<1x76928xf32, #tpu.memory_space<vmem>>
    %dma_wait3A_92 = tpu.memref_squeeze %dma_wait3A_91 : memref<1x76928xf32, #tpu.memory_space<vmem>> -> memref<76928xf32, #tpu.memory_space<vmem>>
    tpu.wait_dma2 semaphore(%arg3 : memref<!tpu.dma_semaphore, #tpu.memory_space<semaphore_mem>>) src(%dma_wait3A_92 : memref<76928xf32, #tpu.memory_space<vmem>>) dst(%dma_wait3A_89 : memref<76928xf32, #tpu.memory_space<any>>)
    %dma_wait3A_93 = arith.constant 5 : i32
    %dma_wait3A_94 = tpu.memref_slice %arg2[%add3A_21] : memref<8000512xf32, #tpu.memory_space<any>> -> memref<76928xf32, #tpu.memory_space<any>>
    %dma_wait3A_95 = arith.constant 0 : i32
    %dma_wait3A_96 = tpu.memref_slice %arg1[%dma_wait3A_93, %dma_wait3A_95] : memref<8x76928xf32, #tpu.memory_space<vmem>> -> memref<1x76928xf32, #tpu.memory_space<vmem>>
    %dma_wait3A_97 = tpu.memref_squeeze %dma_wait3A_96 : memref<1x76928xf32, #tpu.memory_space<vmem>> -> memref<76928xf32, #tpu.memory_space<vmem>>
    tpu.wait_dma2 semaphore(%arg3 : memref<!tpu.dma_semaphore, #tpu.memory_space<semaphore_mem>>) src(%dma_wait3A_97 : memref<76928xf32, #tpu.memory_space<vmem>>) dst(%dma_wait3A_94 : memref<76928xf32, #tpu.memory_space<any>>)
    %dma_wait3A_98 = arith.constant 6 : i32
    %dma_wait3A_99 = tpu.memref_slice %arg2[%add3A_25] : memref<8000512xf32, #tpu.memory_space<any>> -> memref<76928xf32, #tpu.memory_space<any>>
    %dma_wait3A_100 = arith.constant 0 : i32
    %dma_wait3A_101 = tpu.memref_slice %arg1[%dma_wait3A_98, %dma_wait3A_100] : memref<8x76928xf32, #tpu.memory_space<vmem>> -> memref<1x76928xf32, #tpu.memory_space<vmem>>
    %dma_wait3A_102 = tpu.memref_squeeze %dma_wait3A_101 : memref<1x76928xf32, #tpu.memory_space<vmem>> -> memref<76928xf32, #tpu.memory_space<vmem>>
    tpu.wait_dma2 semaphore(%arg3 : memref<!tpu.dma_semaphore, #tpu.memory_space<semaphore_mem>>) src(%dma_wait3A_102 : memref<76928xf32, #tpu.memory_space<vmem>>) dst(%dma_wait3A_99 : memref<76928xf32, #tpu.memory_space<any>>)
    %dma_wait3A_103 = arith.constant 7 : i32
    %dma_wait3A_104 = tpu.memref_slice %arg2[%add3A_29] : memref<8000512xf32, #tpu.memory_space<any>> -> memref<76928xf32, #tpu.memory_space<any>>
    %dma_wait3A_105 = arith.constant 0 : i32
    %dma_wait3A_106 = tpu.memref_slice %arg1[%dma_wait3A_103, %dma_wait3A_105] : memref<8x76928xf32, #tpu.memory_space<vmem>> -> memref<1x76928xf32, #tpu.memory_space<vmem>>
    %dma_wait3A_107 = tpu.memref_squeeze %dma_wait3A_106 : memref<1x76928xf32, #tpu.memory_space<vmem>> -> memref<76928xf32, #tpu.memory_space<vmem>>
    tpu.wait_dma2 semaphore(%arg3 : memref<!tpu.dma_semaphore, #tpu.memory_space<semaphore_mem>>) src(%dma_wait3A_107 : memref<76928xf32, #tpu.memory_space<vmem>>) dst(%dma_wait3A_104 : memref<76928xf32, #tpu.memory_space<any>>)
    return
  }
  func.func @transform_0(%arg0: i32) -> (i32, i32) {
    %c1_i32 = arith.constant 1 : i32
    %c0_i32 = arith.constant 0 : i32
    return %c1_i32, %arg0 : i32, i32
  }
}

module attributes {stable_mosaic.version = 14 : i64} {
  func.func @body(%arg0: i32, %arg1: memref<8x76928xf32, #tpu.memory_space<vmem>>, %arg2: memref<8000512xf32, #tpu.memory_space<any>>, %arg3: memref<!tpu.dma_semaphore, #tpu.memory_space<semaphore_mem>>) attributes {dimension_semantics = [#tpu.dimension_semantics<arbitrary>], iteration_bounds = array<i64: 13>, scalar_prefetch = 0 : i64, scratch_operands = 1 : i64, tpu.core_type = #tpu.core_type<tc>, window_params = [{transform_indices = @transform_0, window_bounds = array<i64: 8, 76928>}, {}]} {
    %mul3A = arith.constant 76928 : i32
    %mul3A_0 = arith.muli %arg0, %mul3A : i32
    %add3A = arith.constant 0 : i32
    %add3A_1 = arith.addi %add3A, %mul3A_0 : i32
    %mul3A_2 = arith.constant 76928 : i32
    %mul3A_3 = arith.muli %arg0, %mul3A_2 : i32
    %add3A_4 = arith.constant 1000064 : i32
    %add3A_5 = arith.addi %add3A_4, %mul3A_3 : i32
    %mul3A_6 = arith.constant 76928 : i32
    %mul3A_7 = arith.muli %arg0, %mul3A_6 : i32
    %add3A_8 = arith.constant 2000128 : i32
    %add3A_9 = arith.addi %add3A_8, %mul3A_7 : i32
    %mul3A_10 = arith.constant 76928 : i32
    %mul3A_11 = arith.muli %arg0, %mul3A_10 : i32
    %add3A_12 = arith.constant 3000192 : i32
    %add3A_13 = arith.addi %add3A_12, %mul3A_11 : i32
    %mul3A_14 = arith.constant 76928 : i32
    %mul3A_15 = arith.muli %arg0, %mul3A_14 : i32
    %add3A_16 = arith.constant 4000256 : i32
    %add3A_17 = arith.addi %add3A_16, %mul3A_15 : i32
    %mul3A_18 = arith.constant 76928 : i32
    %mul3A_19 = arith.muli %arg0, %mul3A_18 : i32
    %add3A_20 = arith.constant 5000320 : i32
    %add3A_21 = arith.addi %add3A_20, %mul3A_19 : i32
    %mul3A_22 = arith.constant 76928 : i32
    %mul3A_23 = arith.muli %arg0, %mul3A_22 : i32
    %add3A_24 = arith.constant 6000384 : i32
    %add3A_25 = arith.addi %add3A_24, %mul3A_23 : i32
    %mul3A_26 = arith.constant 76928 : i32
    %mul3A_27 = arith.muli %arg0, %mul3A_26 : i32
    %add3A_28 = arith.constant 7000448 : i32
    %add3A_29 = arith.addi %add3A_28, %mul3A_27 : i32
    %dma_start3A = arith.constant 0 : i32
    %dma_start3A_30 = tpu.memref_slice %arg2[%add3A_1] : memref<8000512xf32, #tpu.memory_space<any>> -> memref<76928xf32, #tpu.memory_space<any>>
    %dma_start3A_31 = arith.constant 0 : i32
    %dma_start3A_32 = tpu.memref_slice %arg1[%dma_start3A, %dma_start3A_31] : memref<8x76928xf32, #tpu.memory_space<vmem>> -> memref<1x76928xf32, #tpu.memory_space<vmem>>
    %dma_start3A_33 = tpu.memref_squeeze %dma_start3A_32 : memref<1x76928xf32, #tpu.memory_space<vmem>> -> memref<76928xf32, #tpu.memory_space<vmem>>
    tpu.enqueue_dma source(%dma_start3A_33 : memref<76928xf32, #tpu.memory_space<vmem>>) target(%dma_start3A_30 : memref<76928xf32, #tpu.memory_space<any>>) target_semaphore(%arg3 : memref<!tpu.dma_semaphore, #tpu.memory_space<semaphore_mem>>)
    %dma_start3A_34 = arith.constant 1 : i32
    %dma_start3A_35 = tpu.memref_slice %arg2[%add3A_5] : memref<8000512xf32, #tpu.memory_space<any>> -> memref<76928xf32, #tpu.memory_space<any>>
    %dma_start3A_36 = arith.constant 0 : i32
    %dma_start3A_37 = tpu.memref_slice %arg1[%dma_start3A_34, %dma_start3A_36] : memref<8x76928xf32, #tpu.memory_space<vmem>> -> memref<1x76928xf32, #tpu.memory_space<vmem>>
    %dma_start3A_38 = tpu.memref_squeeze %dma_start3A_37 : memref<1x76928xf32, #tpu.memory_space<vmem>> -> memref<76928xf32, #tpu.memory_space<vmem>>
    tpu.enqueue_dma source(%dma_start3A_38 : memref<76928xf32, #tpu.memory_space<vmem>>) target(%dma_start3A_35 : memref<76928xf32, #tpu.memory_space<any>>) target_semaphore(%arg3 : memref<!tpu.dma_semaphore, #tpu.memory_space<semaphore_mem>>)
    %dma_start3A_39 = arith.constant 2 : i32
    %dma_start3A_40 = tpu.memref_slice %arg2[%add3A_9] : memref<8000512xf32, #tpu.memory_space<any>> -> memref<76928xf32, #tpu.memory_space<any>>
    %dma_start3A_41 = arith.constant 0 : i32
    %dma_start3A_42 = tpu.memref_slice %arg1[%dma_start3A_39, %dma_start3A_41] : memref<8x76928xf32, #tpu.memory_space<vmem>> -> memref<1x76928xf32, #tpu.memory_space<vmem>>
    %dma_start3A_43 = tpu.memref_squeeze %dma_start3A_42 : memref<1x76928xf32, #tpu.memory_space<vmem>> -> memref<76928xf32, #tpu.memory_space<vmem>>
    tpu.enqueue_dma source(%dma_start3A_43 : memref<76928xf32, #tpu.memory_space<vmem>>) target(%dma_start3A_40 : memref<76928xf32, #tpu.memory_space<any>>) target_semaphore(%arg3 : memref<!tpu.dma_semaphore, #tpu.memory_space<semaphore_mem>>)
    %dma_start3A_44 = arith.constant 3 : i32
    %dma_start3A_45 = tpu.memref_slice %arg2[%add3A_13] : memref<8000512xf32, #tpu.memory_space<any>> -> memref<76928xf32, #tpu.memory_space<any>>
    %dma_start3A_46 = arith.constant 0 : i32
    %dma_start3A_47 = tpu.memref_slice %arg1[%dma_start3A_44, %dma_start3A_46] : memref<8x76928xf32, #tpu.memory_space<vmem>> -> memref<1x76928xf32, #tpu.memory_space<vmem>>
    %dma_start3A_48 = tpu.memref_squeeze %dma_start3A_47 : memref<1x76928xf32, #tpu.memory_space<vmem>> -> memref<76928xf32, #tpu.memory_space<vmem>>
    tpu.enqueue_dma source(%dma_start3A_48 : memref<76928xf32, #tpu.memory_space<vmem>>) target(%dma_start3A_45 : memref<76928xf32, #tpu.memory_space<any>>) target_semaphore(%arg3 : memref<!tpu.dma_semaphore, #tpu.memory_space<semaphore_mem>>)
    %dma_start3A_49 = arith.constant 4 : i32
    %dma_start3A_50 = tpu.memref_slice %arg2[%add3A_17] : memref<8000512xf32, #tpu.memory_space<any>> -> memref<76928xf32, #tpu.memory_space<any>>
    %dma_start3A_51 = arith.constant 0 : i32
    %dma_start3A_52 = tpu.memref_slice %arg1[%dma_start3A_49, %dma_start3A_51] : memref<8x76928xf32, #tpu.memory_space<vmem>> -> memref<1x76928xf32, #tpu.memory_space<vmem>>
    %dma_start3A_53 = tpu.memref_squeeze %dma_start3A_52 : memref<1x76928xf32, #tpu.memory_space<vmem>> -> memref<76928xf32, #tpu.memory_space<vmem>>
    tpu.enqueue_dma source(%dma_start3A_53 : memref<76928xf32, #tpu.memory_space<vmem>>) target(%dma_start3A_50 : memref<76928xf32, #tpu.memory_space<any>>) target_semaphore(%arg3 : memref<!tpu.dma_semaphore, #tpu.memory_space<semaphore_mem>>)
    %dma_start3A_54 = arith.constant 5 : i32
    %dma_start3A_55 = tpu.memref_slice %arg2[%add3A_21] : memref<8000512xf32, #tpu.memory_space<any>> -> memref<76928xf32, #tpu.memory_space<any>>
    %dma_start3A_56 = arith.constant 0 : i32
    %dma_start3A_57 = tpu.memref_slice %arg1[%dma_start3A_54, %dma_start3A_56] : memref<8x76928xf32, #tpu.memory_space<vmem>> -> memref<1x76928xf32, #tpu.memory_space<vmem>>
    %dma_start3A_58 = tpu.memref_squeeze %dma_start3A_57 : memref<1x76928xf32, #tpu.memory_space<vmem>> -> memref<76928xf32, #tpu.memory_space<vmem>>
    tpu.enqueue_dma source(%dma_start3A_58 : memref<76928xf32, #tpu.memory_space<vmem>>) target(%dma_start3A_55 : memref<76928xf32, #tpu.memory_space<any>>) target_semaphore(%arg3 : memref<!tpu.dma_semaphore, #tpu.memory_space<semaphore_mem>>)
    %dma_start3A_59 = arith.constant 6 : i32
    %dma_start3A_60 = tpu.memref_slice %arg2[%add3A_25] : memref<8000512xf32, #tpu.memory_space<any>> -> memref<76928xf32, #tpu.memory_space<any>>
    %dma_start3A_61 = arith.constant 0 : i32
    %dma_start3A_62 = tpu.memref_slice %arg1[%dma_start3A_59, %dma_start3A_61] : memref<8x76928xf32, #tpu.memory_space<vmem>> -> memref<1x76928xf32, #tpu.memory_space<vmem>>
    %dma_start3A_63 = tpu.memref_squeeze %dma_start3A_62 : memref<1x76928xf32, #tpu.memory_space<vmem>> -> memref<76928xf32, #tpu.memory_space<vmem>>
    tpu.enqueue_dma source(%dma_start3A_63 : memref<76928xf32, #tpu.memory_space<vmem>>) target(%dma_start3A_60 : memref<76928xf32, #tpu.memory_space<any>>) target_semaphore(%arg3 : memref<!tpu.dma_semaphore, #tpu.memory_space<semaphore_mem>>)
    %dma_start3A_64 = arith.constant 7 : i32
    %dma_start3A_65 = tpu.memref_slice %arg2[%add3A_29] : memref<8000512xf32, #tpu.memory_space<any>> -> memref<76928xf32, #tpu.memory_space<any>>
    %dma_start3A_66 = arith.constant 0 : i32
    %dma_start3A_67 = tpu.memref_slice %arg1[%dma_start3A_64, %dma_start3A_66] : memref<8x76928xf32, #tpu.memory_space<vmem>> -> memref<1x76928xf32, #tpu.memory_space<vmem>>
    %dma_start3A_68 = tpu.memref_squeeze %dma_start3A_67 : memref<1x76928xf32, #tpu.memory_space<vmem>> -> memref<76928xf32, #tpu.memory_space<vmem>>
    tpu.enqueue_dma source(%dma_start3A_68 : memref<76928xf32, #tpu.memory_space<vmem>>) target(%dma_start3A_65 : memref<76928xf32, #tpu.memory_space<any>>) target_semaphore(%arg3 : memref<!tpu.dma_semaphore, #tpu.memory_space<semaphore_mem>>)
    %dma_wait3A = arith.constant 0 : i32
    %dma_wait3A_69 = tpu.memref_slice %arg2[%add3A_1] : memref<8000512xf32, #tpu.memory_space<any>> -> memref<76928xf32, #tpu.memory_space<any>>
    %dma_wait3A_70 = arith.constant 0 : i32
    %dma_wait3A_71 = tpu.memref_slice %arg1[%dma_wait3A, %dma_wait3A_70] : memref<8x76928xf32, #tpu.memory_space<vmem>> -> memref<1x76928xf32, #tpu.memory_space<vmem>>
    %dma_wait3A_72 = tpu.memref_squeeze %dma_wait3A_71 : memref<1x76928xf32, #tpu.memory_space<vmem>> -> memref<76928xf32, #tpu.memory_space<vmem>>
    tpu.wait_dma2 semaphore(%arg3 : memref<!tpu.dma_semaphore, #tpu.memory_space<semaphore_mem>>) src(%dma_wait3A_72 : memref<76928xf32, #tpu.memory_space<vmem>>) dst(%dma_wait3A_69 : memref<76928xf32, #tpu.memory_space<any>>)
    %dma_wait3A_73 = arith.constant 1 : i32
    %dma_wait3A_74 = tpu.memref_slice %arg2[%add3A_5] : memref<8000512xf32, #tpu.memory_space<any>> -> memref<76928xf32, #tpu.memory_space<any>>
    %dma_wait3A_75 = arith.constant 0 : i32
    %dma_wait3A_76 = tpu.memref_slice %arg1[%dma_wait3A_73, %dma_wait3A_75] : memref<8x76928xf32, #tpu.memory_space<vmem>> -> memref<1x76928xf32, #tpu.memory_space<vmem>>
    %dma_wait3A_77 = tpu.memref_squeeze %dma_wait3A_76 : memref<1x76928xf32, #tpu.memory_space<vmem>> -> memref<76928xf32, #tpu.memory_space<vmem>>
    tpu.wait_dma2 semaphore(%arg3 : memref<!tpu.dma_semaphore, #tpu.memory_space<semaphore_mem>>) src(%dma_wait3A_77 : memref<76928xf32, #tpu.memory_space<vmem>>) dst(%dma_wait3A_74 : memref<76928xf32, #tpu.memory_space<any>>)
    %dma_wait3A_78 = arith.constant 2 : i32
    %dma_wait3A_79 = tpu.memref_slice %arg2[%add3A_9] : memref<8000512xf32, #tpu.memory_space<any>> -> memref<76928xf32, #tpu.memory_space<any>>
    %dma_wait3A_80 = arith.constant 0 : i32
    %dma_wait3A_81 = tpu.memref_slice %arg1[%dma_wait3A_78, %dma_wait3A_80] : memref<8x76928xf32, #tpu.memory_space<vmem>> -> memref<1x76928xf32, #tpu.memory_space<vmem>>
    %dma_wait3A_82 = tpu.memref_squeeze %dma_wait3A_81 : memref<1x76928xf32, #tpu.memory_space<vmem>> -> memref<76928xf32, #tpu.memory_space<vmem>>
    tpu.wait_dma2 semaphore(%arg3 : memref<!tpu.dma_semaphore, #tpu.memory_space<semaphore_mem>>) src(%dma_wait3A_82 : memref<76928xf32, #tpu.memory_space<vmem>>) dst(%dma_wait3A_79 : memref<76928xf32, #tpu.memory_space<any>>)
    %dma_wait3A_83 = arith.constant 3 : i32
    %dma_wait3A_84 = tpu.memref_slice %arg2[%add3A_13] : memref<8000512xf32, #tpu.memory_space<any>> -> memref<76928xf32, #tpu.memory_space<any>>
    %dma_wait3A_85 = arith.constant 0 : i32
    %dma_wait3A_86 = tpu.memref_slice %arg1[%dma_wait3A_83, %dma_wait3A_85] : memref<8x76928xf32, #tpu.memory_space<vmem>> -> memref<1x76928xf32, #tpu.memory_space<vmem>>
    %dma_wait3A_87 = tpu.memref_squeeze %dma_wait3A_86 : memref<1x76928xf32, #tpu.memory_space<vmem>> -> memref<76928xf32, #tpu.memory_space<vmem>>
    tpu.wait_dma2 semaphore(%arg3 : memref<!tpu.dma_semaphore, #tpu.memory_space<semaphore_mem>>) src(%dma_wait3A_87 : memref<76928xf32, #tpu.memory_space<vmem>>) dst(%dma_wait3A_84 : memref<76928xf32, #tpu.memory_space<any>>)
    %dma_wait3A_88 = arith.constant 4 : i32
    %dma_wait3A_89 = tpu.memref_slice %arg2[%add3A_17] : memref<8000512xf32, #tpu.memory_space<any>> -> memref<76928xf32, #tpu.memory_space<any>>
    %dma_wait3A_90 = arith.constant 0 : i32
    %dma_wait3A_91 = tpu.memref_slice %arg1[%dma_wait3A_88, %dma_wait3A_90] : memref<8x76928xf32, #tpu.memory_space<vmem>> -> memref<1x76928xf32, #tpu.memory_space<vmem>>
    %dma_wait3A_92 = tpu.memref_squeeze %dma_wait3A_91 : memref<1x76928xf32, #tpu.memory_space<vmem>> -> memref<76928xf32, #tpu.memory_space<vmem>>
    tpu.wait_dma2 semaphore(%arg3 : memref<!tpu.dma_semaphore, #tpu.memory_space<semaphore_mem>>) src(%dma_wait3A_92 : memref<76928xf32, #tpu.memory_space<vmem>>) dst(%dma_wait3A_89 : memref<76928xf32, #tpu.memory_space<any>>)
    %dma_wait3A_93 = arith.constant 5 : i32
    %dma_wait3A_94 = tpu.memref_slice %arg2[%add3A_21] : memref<8000512xf32, #tpu.memory_space<any>> -> memref<76928xf32, #tpu.memory_space<any>>
    %dma_wait3A_95 = arith.constant 0 : i32
    %dma_wait3A_96 = tpu.memref_slice %arg1[%dma_wait3A_93, %dma_wait3A_95] : memref<8x76928xf32, #tpu.memory_space<vmem>> -> memref<1x76928xf32, #tpu.memory_space<vmem>>
    %dma_wait3A_97 = tpu.memref_squeeze %dma_wait3A_96 : memref<1x76928xf32, #tpu.memory_space<vmem>> -> memref<76928xf32, #tpu.memory_space<vmem>>
    tpu.wait_dma2 semaphore(%arg3 : memref<!tpu.dma_semaphore, #tpu.memory_space<semaphore_mem>>) src(%dma_wait3A_97 : memref<76928xf32, #tpu.memory_space<vmem>>) dst(%dma_wait3A_94 : memref<76928xf32, #tpu.memory_space<any>>)
    %dma_wait3A_98 = arith.constant 6 : i32
    %dma_wait3A_99 = tpu.memref_slice %arg2[%add3A_25] : memref<8000512xf32, #tpu.memory_space<any>> -> memref<76928xf32, #tpu.memory_space<any>>
    %dma_wait3A_100 = arith.constant 0 : i32
    %dma_wait3A_101 = tpu.memref_slice %arg1[%dma_wait3A_98, %dma_wait3A_100] : memref<8x76928xf32, #tpu.memory_space<vmem>> -> memref<1x76928xf32, #tpu.memory_space<vmem>>
    %dma_wait3A_102 = tpu.memref_squeeze %dma_wait3A_101 : memref<1x76928xf32, #tpu.memory_space<vmem>> -> memref<76928xf32, #tpu.memory_space<vmem>>
    tpu.wait_dma2 semaphore(%arg3 : memref<!tpu.dma_semaphore, #tpu.memory_space<semaphore_mem>>) src(%dma_wait3A_102 : memref<76928xf32, #tpu.memory_space<vmem>>) dst(%dma_wait3A_99 : memref<76928xf32, #tpu.memory_space<any>>)
    %dma_wait3A_103 = arith.constant 7 : i32
    %dma_wait3A_104 = tpu.memref_slice %arg2[%add3A_29] : memref<8000512xf32, #tpu.memory_space<any>> -> memref<76928xf32, #tpu.memory_space<any>>
    %dma_wait3A_105 = arith.constant 0 : i32
    %dma_wait3A_106 = tpu.memref_slice %arg1[%dma_wait3A_103, %dma_wait3A_105] : memref<8x76928xf32, #tpu.memory_space<vmem>> -> memref<1x76928xf32, #tpu.memory_space<vmem>>
    %dma_wait3A_107 = tpu.memref_squeeze %dma_wait3A_106 : memref<1x76928xf32, #tpu.memory_space<vmem>> -> memref<76928xf32, #tpu.memory_space<vmem>>
    tpu.wait_dma2 semaphore(%arg3 : memref<!tpu.dma_semaphore, #tpu.memory_space<semaphore_mem>>) src(%dma_wait3A_107 : memref<76928xf32, #tpu.memory_space<vmem>>) dst(%dma_wait3A_104 : memref<76928xf32, #tpu.memory_space<any>>)
    return
  }
  func.func @transform_0(%arg0: i32) -> (i32, i32) {
    %c0_i32 = arith.constant 0 : i32
    %c0_i32_0 = arith.constant 0 : i32
    return %c0_i32, %arg0 : i32, i32
  }
}

</mosaic_0001>

<sc_bundles>
// kernel: kernel.10.cloned.1.call-start
scs
__scs_entry_jumppad:
0x0: {  	(pc) =	sbr.rel $0x88, $3  }
0x1: {  	(tag) =	ssettag $0x0;
	lr =	simm.s32 $0x1  }
0x2: {  	[smem:$0x3F9E] =	sst lr;
	_ =	strace $0xD0000000  }
0x3: {  	_ = 	snop  }
0x4: {  	_ = 	snop  }
0x5: {  	_ = 	snop  }
0x6: {  	_ = 	snop  }
0x7: {  	_ = 	snop  }
__scs_overlays_trampoline_lowered:
0x8: {  	[smem:$0x3FAD] =	sst s0  }
0x9: {  	[smem:$0x3FAE] =	sst s1  }
0xa: {  	[smem:$0x3FAF] =	sst s2  }
0xb: {  	[smem:$0x3FB0] =	sst s3  }
0xc: {  	[smem:$0x3FB1] =	sst s4  }
0xd: {  	[smem:$0x3FB2] =	sst s5  }
0xe: {  	[smem:$0x3FB3] =	sst s6  }
0xf: {  	[smem:$0x3FB4] =	sst s7  }
0x10: {  	[smem:$0x3FB5] =	sst s8  }
0x11: {  	[smem:$0x3FB6] =	sst s9;
	s0 =	simm.s32 @!p0 $0x0  }
0x12: {  	s1 =	sld [smem:$0x3F9C];
	s0 =	simm.s32 @p0 $0x1  }
0x13: {  	[smem:$0x3FB7] =	sst s0;
	s0 =	simm.s32 @!p1 $0x0  }
0x14: {  	s2 =	sld [smem:$0x3F9B];
	s0 =	simm.s32 @p1 $0x1  }
0x15: {  	[smem:$0x3FB8] =	sst s0;
	s0 =	simm.s32 @!p2 $0x0  }
0x16: {  	s3 =	sld [smem:$0x3FDB];
	s0 =	simm.s32 @p2 $0x1  }
0x17: {  	s4 =	simm.s32 $0x1BF5;
	[smem:$0x3FBA] =	sst s0  }
0x18: {  	s0 =	sld [smem:$0x3F9D];
	_ =	swait.ge [sflag:s4], $0x0  }
0x19: {  	s7 =	sld [smem:$0x3F9E]  }
0x1a: {  	s8 =	sadd.s32 $0xFFFFE003, lr  }
0x1b: {  	s9 =	sadd.s32 $0xFFFFFEF7, lr;
	s5 =	simm.s32 $0xFFFFFFFF;
	p2 =	slt.u32 s8, $0xFFFFF086  }
0x1c: {  	p1 =	slt.u32 s9, $0xF7A;
	s5 =	simm.s32 @!p2 $0x0  }
0x1d: {  	s5 =	simm.s32 @p1 $0x1;
	p0 =	seq.s32 s7, s2  }
0x1e: {  	s7 =	smul.u32 @!p0 $0xF7A, s2;
	p2 =	seq.s32 @!p0 s5, $0x0  }
0x1f: {  	s9 =	smul.u32 $0xF7A, s1;
	s8 =	simm.s32 @!p0 $0x1BF5;
	p2 =	por !p2, p0  }
0x20: {  	[sflag:s8] =	ssyncset.s32 @!p0 $0xFFFFF086;
	s6 =	sadd.s32 @!p0 s3, s7;
	s7 =	simm.s32 @!p0 $0x108  }
0x21: {  	s3 =	sadd.s32 s3, s9;
	s6 =	sadd.s32 @!p0 $0x88, s6;
	s7 =	simm.s32 @p2 $0x1082  }
0x22: {  	[simem:s7], [sflag:s8] =	dma.local @!p0 [hbm:s6], $0xF7A  }
0x23: {  	s9 =	sor.u32 $0xD0000000, s2;
	s6 =	simm.s32 $0x108;
	_ =	swait.ge @!p0 [sflag:s8], $0x0  }
0x24: {  	s3 =	sadd.s32 $0x88, s3;
	s6 =	simm.s32 @!p1 $0x1082;
	[sflag:s4] =	ssyncset.s32 $0xFFFFF086  }
0x25: {  	[simem:s6], [sflag:s4] =	dma.local [hbm:s3], $0xF7A  }
0x26: {  	[smem:$0x3F9E] =	sst s1;
	(tag) =	ssettag s2;
	_ =	strace s9  }
0x27: {  	s1 =	sld [smem:$0x3FAE]  }
0x28: {  	s2 =	sld [smem:$0x3FAF]  }
0x29: {  	s4 =	sld [smem:$0x3FB1]  }
0x2a: {  	p0 =	seq.s32 s5, $0x0;
	s5 =	sld [smem:$0x3FB2]  }
0x2b: {  	s6 =	sld [smem:$0x3FB3]  }
0x2c: {  	s7 =	sld [smem:$0x3FB4]  }
0x2d: {  	s3 =	simm.s32 $0x108;
	s8 =	sld [smem:$0x3FB5]  }
0x2e: {  	s3 =	simm.s32 @!p0 $0x1082;
	s9 =	sld [smem:$0x3FB6]  }
0x2f: {  	lr =	sadd.s32 s0, s3;
	s0 =	sld [smem:$0x3FAD]  }
0x30: {  	s3 =	sld [smem:$0x3FB0]  }
0x31: {  	[smem:$0x3FB9] =	sst s10  }
0x32: {  	s10 =	sld [smem:$0x3FB7];
	_ =	sdelay $0x3  }
0x33: {  	p0 =	seq.s32 s10, $0x1;
	s10 =	sld [smem:$0x3FB9];
	_ =	sdelay $0x3  }
0x34: {  	[smem:$0x3FB9] =	sst s10  }
0x35: {  	s10 =	sld [smem:$0x3FB8];
	_ =	sdelay $0x3  }
0x36: {  	p1 =	seq.s32 s10, $0x1;
	s10 =	sld [smem:$0x3FB9];
	_ =	sdelay $0x3  }
0x37: {  	[smem:$0x3FB9] =	sst s10  }
0x38: {  	s10 =	sld [smem:$0x3FBA]  }
0x39: {  	_ = 	snop;
	(pc) =	sbr.ind lr, $3  }
0x3a: {  	_ = 	snop  }
0x3b: {  	_ = 	snop  }
0x3c: {  	p2 =	seq.s32 s10, $0x1;
	s10 =	sld [smem:$0x3FB9]  }
0x3d: {  	_ =	shalt  }
0x3e: {  	_ =	shalt  }
0x3f: {  	_ =	shalt  }
0x40: {  	_ =	shalt  }
0x41: {  	_ =	shalt  }
0x42: {  	_ =	shalt  }
0x43: {  	_ =	shalt  }
0x44: {  	_ =	shalt  }
0x45: {  	_ =	shalt  }
0x46: {  	_ =	shalt  }
0x47: {  	_ =	shalt  }
0x48: {  	_ =	shalt  }
0x49: {  	_ =	shalt  }
0x4a: {  	_ =	shalt  }
0x4b: {  	_ =	shalt  }
0x4c: {  	_ =	shalt  }
0x4d: {  	_ =	shalt  }
0x4e: {  	_ =	shalt  }
0x4f: {  	_ =	shalt  }
0x50: {  	_ =	shalt  }
0x51: {  	_ =	shalt  }
0x52: {  	_ =	shalt  }
0x53: {  	_ =	shalt  }
0x54: {  	_ =	shalt  }
0x55: {  	_ =	shalt  }
0x56: {  	_ =	shalt  }
0x57: {  	_ =	shalt  }
0x58: {  	_ =	shalt  }
0x59: {  	_ =	shalt  }
0x5a: {  	_ =	shalt  }
0x5b: {  	_ =	shalt  }
0x5c: {  	_ =	shalt  }
0x5d: {  	_ =	shalt  }
0x5e: {  	_ =	shalt  }
0x5f: {  	_ =	shalt  }
0x60: {  	_ =	shalt  }
0x61: {  	_ =	shalt  }
0x62: {  	_ =	shalt  }
0x63: {  	_ =	shalt  }
0x64: {  	_ =	shalt  }
0x65: {  	_ =	shalt  }
0x66: {  	_ =	shalt  }
0x67: {  	_ =	shalt  }
0x68: {  	_ =	shalt  }
0x69: {  	_ =	shalt  }
0x6a: {  	_ =	shalt  }
0x6b: {  	_ =	shalt  }
0x6c: {  	_ =	shalt  }
0x6d: {  	_ =	shalt  }
0x6e: {  	_ =	shalt  }
0x6f: {  	_ =	shalt  }
0x70: {  	_ =	shalt  }
0x71: {  	_ =	shalt  }
0x72: {  	_ =	shalt  }
0x73: {  	_ =	shalt  }
0x74: {  	_ =	shalt  }
0x75: {  	_ =	shalt  }
0x76: {  	_ =	shalt  }
0x77: {  	_ =	shalt  }
0x78: {  	_ =	shalt  }
0x79: {  	_ =	shalt  }
0x7a: {  	_ =	shalt  }
0x7b: {  	_ =	shalt  }
0x7c: {  	_ =	shalt  }
0x7d: {  	_ =	shalt  }
0x7e: {  	_ =	shalt  }
0x7f: {  	_ =	shalt  }
0x80: {  	_ =	shalt  }
0x81: {  	_ =	shalt  }
0x82: {  	_ =	shalt  }
0x83: {  	_ =	shalt  }
0x84: {  	_ =	shalt  }
0x85: {  	_ =	shalt  }
0x86: {  	_ =	shalt  }
0x87: {  	_ =	shalt  }
.Lfunc_end0:
.L_simem_size_0:
called_computation_lowered:
.L_overlay_start_0:
0x88: {  	s2 =	sld [smem:$0x3FD9]  }
0x89: {  	s3 =	sld [smem:$0x3FFE];
	_ =	sdelay $0x1  }
0x8a: {  	s1 =	srdreg.scid  }
0x8b: {  	s0 =	sand.u32 $0x1, s1  }
0x8c: {  	s17 =	sshll.u32 s0, $0xA;
	s2 =	sadd.s32 s3, s2  }
0x8d: {  	s2 =	sadd.s32 s2, s17  }
0x8e: {  	[smem:$0x3FC5] =	sst s2  }
0x8f: {  	_ = 	snop  }
0x90: {  	s18 =	sld [smem:$0x3FD0];
	(tm) =	ssettm $0x1  }
0x91: {  	s19 =	sld [smem:$0x3FFB];
	_ =	sdelay $0x3  }
0x92: {  	_ =	strace s19  }
0x93: {  	s2 =	sld [smem:$0x3FFC];
	_ =	sdelay $0x3  }
0x94: {  	_ =	strace s2  }
0x95: {  	s2 =	sld [smem:$0x3FFD];
	_ =	sdelay $0x3  }
0x96: {  	_ =	strace s2  }
0x97: {  	_ =	strace $0x8FFFFFFF  }
0x98: {  	s20 =	sld [smem:$0x3FDB];
	_ =	sdelay $0x1  }
0x99: {  	s4 =	simm.s32 $_scs_section_size  }
0x9a: {  	s5 =	simm.s32 $_size__tile_overlayer_lowered;
	s6 =	simm.s32 $_tile_overlayer_lowered  }
0x9b: {  	s7 =	simm.s32 $0x1BFF;
	s21 =	sshll.u32 s6, $0x1;
	s4 =	sadd.s32 s4, s20  }
0x9c: {  	s22 =	simm.s32 $0x0;
	s5 =	sshll.u32 s5, $0x1;
	s6 =	sadd.s32 s21, s4  }
0x9d: {  	[timem:s22], [sflag:s7] =	dma.local [hbm:s6], s5  }
0x9e: {  	_ =	swait.ge [sflag:s7], s5  }
0x9f: {  	s5 =	ssub.s32 $0x0, s5;
	[sflag:s7] =	ssyncset.done $0x0  }
0xa0: {  	[sflag:s7] =	ssyncadd.s32 s5;
	_ =	sdelay $0x1  }
0xa1: {  	s23 =	simm.s32 $0x1B8B  }
0xa2: {  	_ =	swait.ge [sflag:s23], $0x1  }
0xa3: {  	[sflag:s23] =	ssyncset.done $0x0  }
0xa4: {  	[sflag:s23] =	ssyncadd.s32 $0xFFFFFFFF  }
0xa5: {  	s5 =	sld [smem:$0x0]  }
0xa6: {  	s6 =	sand.u32 $0xFFFFFFFE, s1  }
0xa7: {  	p0 =	sne.s32 s1, s6  }
0xa8: {  	s6 =	sshll.u32 @p0 s6, $0xE  }
0xa9: {  	s6 =	sadd.s32 @p0 $0x11B8D, s6;
	s7 =	sshll.u32 @p0 s5, $0x11  }
0xaa: {  	s6 =	sor.u32 @p0 s7, s6  }
0xab: {  	[sflag:s6] =	ssyncadd.remote.s32 @p0 $0x1;
	_ =	sdelay $0x1  }
0xac: {  	s6 =	simm.s32 @p0 $0x1B8D  }
0xad: {  	_ =	swait.eq @p0 [sflag:s6], $0x1  }
0xae: {  	[sflag:s6] =	ssyncadd.s32 @p0 $0xFFFFFFFF  }
0xaf: {  	s7 =	sshll.u32 @!p0 s1, $0xE  }
0xb0: {  	s7 =	sor.u32 @!p0 $0x4000, s7;
	s6 =	simm.s32 @!p0 $0x1B8D  }
0xb1: {  	s5 =	sshll.u32 @!p0 s5, $0x11;
	s7 =	sadd.s32 @!p0 $0x11B8D, s7;
	_ =	swait.eq @!p0 [sflag:s6], $0x1  }
0xb2: {  	s5 =	sor.u32 @!p0 s5, s7;
	[sflag:s6] =	ssyncadd.s32 @!p0 $0xFFFFFFFF  }
0xb3: {  	s25 =	simm.s32 $0x1B8E;
	s24 =	sld [smem:$0x3FFE];
	[sflag:s5] =	ssyncadd.remote.s32 @!p0 $0x1  }
0xb4: {  	s26 =	simm.s32 $execute0_lowered;
	[smem:$0x3FD2] =	sst s25  }
0xb5: {  	s6 =	sshll.u32 s26, $0x1;
	_ =	strace $0x8000004F;
	[dreg:$0x1] =	wrdreg $0xFFFFFFFF  }
0xb6: {  	s28 =	simm.s32 $_size_execute0_lowered;
	s4 =	sadd.s32 s4, s6;
	[dreg:$0x0] =	wrdreg $0x0  }
0xb7: {  	s6 =	sshll.u32 s28, $0x1;
	[dreg:$0x2] =	wrdreg s4  }
0xb8: {  	[dreg:$0x3] =	wrdreg s6  }
0xb9: {  	[dreg:$0x4] =	wrdreg $0xC0  }
0xba: {  	_ =	task [dreg:s22], $0x5FFFF  }
0xbb: {  	[dreg:$0x1] =	wrdreg $0xFFFFFFFF  }
0xbc: {  	[dreg:$0x0] =	wrdreg $0x60  }
0xbd: {  	[dreg:$0x2] =	wrdreg s24  }
0xbe: {  	[dreg:$0x3] =	wrdreg s18  }
0xbf: {  	[dreg:$0x4] =	wrdreg $0x9  }
0xc0: {  	_ =	task.clear_ibuf [dreg:s22], $0x5FFFF;
	_ =	strace $0x9000004F  }
0xc1: {  	s29 =	simm.s32 $0x9;
	_ =	strace $0x80000051  }
0xc2: {  	_ =	swait.ge [sflag:s29], $0x1  }
0xc3: {  	[sflag:s29] =	ssyncadd.s32 $0xFFFFFFFF  }
0xc4: {  	_ =	strace $0x90000051  }
0xc5: {  	_ =	sfence  }
0xc6: {  	s30 =	sld [smem:$0x0];
	_ =	sdelay $0x2  }
0xc7: {  	s31 =	sshll.u32 s1, $0xD;
	s1 =	sshrl.u32 s1, $0x2  }
0xc8: {  	s4 =	sand.u32 $0x4000, s31;
	s1 =	sadd.s32 s1, s30  }
0xc9: {  	s0 =	sor.u32 s4, s0;
	s1 =	sshll.u32 s1, $0x11  }
0xca: {  	s0 =	sor.u32 s1, s0  }
0xcb: {  	s0 =	sadd.s32 $0x8F2B, s0  }
0xcc: {  	[sflag:s0] =	ssyncadd.remote.s32 $0x1  }
0xcd: {  	_ =	sfence.sel $0xFFFF  }
0xce: {  	[dreg:$0x0] =	wrdreg $0xFFFFFFFF;
	(pc) =	sbr.abs _section_cstart, $3  }
0xcf: {  	[dreg:$0x1] =	wrdreg $0xFFFFFFFF  }
0xd0: {  	_ =	task.clear_ibuf [dreg:s22], $0x2FFFF;
	_ =	strace $0x9FFFFFFF  }
0xd1: {  	(tm) =	ssettm $0x7FFFFFFF  }
tec
execute0_lowered:
.L_overlay_start_1:
0x0: {  	(tag) =	ssettag $0x1  }
0x1: {  	s0 =	rddreg [dreg:$0x0]  }
0x2: {  	s1 =	rddreg [dreg:$0x1]  }
0x3: {  	s3 =	srdreg.scid;
	s4 =	stileid.u32;
	s2 =	simm.s32 $0x0  }
0x4: {  	s12 =	simm.s32 $0x80;
	s30 =	simm.s32 $0x1;
	s23 =	simm.s32 $0x1D00  }
0x5: {  	s28 =	simm.s32 $0x1E00;
	s29 =	simm.s32 $0x2E00;
	s31 =	simm.s32 $0x1E80  }
0x6: {  	s10 =	simm.s32 $0x2F00;
	s11 =	simm.s32 $0x1F80;
	s13 =	simm.s32 $0x2F80  }
0x7: {  	s14 =	simm.s32 $0x5800;
	s3 =	sand.u32 $0x1, s3;
	s4 =	sshll.u32 s4, $0x1  }
0x8: {  	s15 =	simm.s32 $0x0;
	[smem:$0x7FF] =	sst s2;
	s5 =	sor.u32 s3, s4  }
0x9: {  	_ =	strace $0x80000050;
	s7 =	ssub.s32 $0x2, s3;
	s3 =	sadd.s32 $0x23DE00, s0  }
0xa: {  	s4 =	sshll.u32 s5, $0x9;
	s24 =	sshll.u32 s5, $0xA;
	s9 =	sshrl.u32 s7, $0x1  }
0xb: {  	s26 =	sshll.u32 s5, $0x6;
	s6 =	sadd.s32 s4, s0;
	s8 =	sadd.s32 s24, s0  }
0xc: {  	s4 =	sadd.s32 $0x47C00, s0;
	s25 =	ssub.s32 s7, s9;
	s7 =	sadd.s32 s1, s26  }
0xd: {  	s9 =	simm.s32 $0x2;
	s24 =	simm.s32 $0x2D00;
	s26 =	simm.s32 $0x2D80  }
0xe: {  	s0 =	simm.s32 $0x2E80;
	s1 =	simm.s32 $0x1F00;
	s5 =	sadd.s32 $0x144A00, s6  }
0xf: {  	s6 =	sadd.s32 $0x1A00, s8;
	s8 =	smax.u32 s25, $0x1;
	s25 =	simm.s32 $0x1D80  }
.LBB2_1:
0x10: {  	[tilespmem:s2], [sflag:$0x2] =	stream.linear.gather [hbm4b:s5+s2], $0x1000, $0x38;
	[tilespmem:$0x5A00] =	vst v63  }
0x11: {  	_ =	swait.ge [sflag:s9], $0x1000  }
0x12: {  	[sflag:s9] =	ssyncset.done $0x0  }
0x13: {  	s16 =	simm.s32 $0x3000;
	[sflag:s9] =	ssyncadd.s32 $0xFFFFF000  }
0x14: {  	[tilespmem:s16], [sflag:$0x2] =	stream.linear.gather [hbm4b:s6+s2], $0x2000, $0x38;
	[tilespmem:$0x5A00] =	vst v63  }
0x15: {  	_ =	swait.ge [sflag:s9], $0x2000  }
0x16: {  	[sflag:s9] =	ssyncset.done $0x0  }
0x17: {  	s21 =	simm.s32 $0x5000;
	[sflag:s9] =	ssyncadd.s32 $0xFFFFE000  }
0x18: {  	[tilespmem:s21], [sflag:$0x2] =	stream.linear.gather [hbm4b:s4+s2], $0x680, $0x38;
	[tilespmem:$0x5A00] =	vst v63  }
0x19: {  	_ =	swait.ge [sflag:s9], $0x680  }
0x1a: {  	[sflag:s9] =	ssyncset.done $0x0  }
0x1b: {  	s17 =	simm.s32 $0x40;
	[sflag:s9] =	ssyncadd.s32 $0xFFFFF980  }
0x1c: {  	v0 =	vld [tilespmem:s17+$0xFFFFFFC0];
	_ =	sdelay $0x4  }
0x1d: {  	s22 =	simm.s32 $0x0;
	v0 =	vtrunc.f32 v0  }
0x1e: {  	s18 =	smul.u32 $0xF4280, s22;
	v0 =	vcvt.f32.s32 v0;
	_ =	sdelay $0x1  }
0x1f: {  	s16 =	simm.s32 $0x1040;
	v0 =	vadd.s32 s18, v0  }
0x20: {  	[tilespmem:s16+$0xFFFFFFC0] =	vst v0  }
0x21: {  	v0 =	vld [tilespmem:s17+$0xFFFFFFD0];
	_ =	sdelay $0x4  }
0x22: {  	v0 =	vtrunc.f32 v0  }
0x23: {  	v0 =	vcvt.f32.s32 v0;
	_ =	sdelay $0x1  }
0x24: {  	v0 =	vadd.s32 s18, v0  }
0x25: {  	[tilespmem:s16+$0xFFFFFFD0] =	vst v0  }
0x26: {  	v0 =	vld [tilespmem:s17+$0xFFFFFFE0];
	_ =	sdelay $0x4  }
0x27: {  	v0 =	vtrunc.f32 v0  }
0x28: {  	v0 =	vcvt.f32.s32 v0;
	_ =	sdelay $0x1  }
0x29: {  	v0 =	vadd.s32 s18, v0  }
0x2a: {  	[tilespmem:s16+$0xFFFFFFE0] =	vst v0  }
0x2b: {  	v0 =	vld [tilespmem:s17+$0xFFFFFFF0];
	_ =	sdelay $0x4  }
0x2c: {  	v0 =	vtrunc.f32 v0  }
0x2d: {  	v0 =	vcvt.f32.s32 v0;
	_ =	sdelay $0x1  }
0x2e: {  	v0 =	vadd.s32 s18, v0  }
0x2f: {  	[tilespmem:s16+$0xFFFFFFF0] =	vst v0  }
0x30: {  	v0 =	vld [tilespmem:s17+$0x0];
	_ =	sdelay $0x4  }
0x31: {  	v0 =	vtrunc.f32 v0  }
0x32: {  	v0 =	vcvt.f32.s32 v0;
	_ =	sdelay $0x1  }
0x33: {  	v0 =	vadd.s32 s18, v0  }
0x34: {  	[tilespmem:s16+$0x0] =	vst v0  }
0x35: {  	v0 =	vld [tilespmem:s17+$0x10];
	_ =	sdelay $0x4  }
0x36: {  	v0 =	vtrunc.f32 v0  }
0x37: {  	v0 =	vcvt.f32.s32 v0;
	_ =	sdelay $0x1  }
0x38: {  	v0 =	vadd.s32 s18, v0  }
0x39: {  	[tilespmem:s16+$0x10] =	vst v0  }
0x3a: {  	v0 =	vld [tilespmem:s17+$0x20];
	_ =	sdelay $0x4  }
0x3b: {  	v0 =	vtrunc.f32 v0  }
0x3c: {  	v0 =	vcvt.f32.s32 v0;
	_ =	sdelay $0x1  }
0x3d: {  	v0 =	vadd.s32 s18, v0  }
0x3e: {  	[tilespmem:s16+$0x20] =	vst v0  }
0x3f: {  	v0 =	vld [tilespmem:s17+$0x30];
	_ =	sdelay $0x4  }
0x40: {  	v0 =	vtrunc.f32 v0  }
0x41: {  	v0 =	vcvt.f32.s32 v0;
	_ =	sdelay $0x1  }
0x42: {  	v0 =	vadd.s32 s18, v0  }
0x43: {  	s17 =	simm.s32 $0xC0;
	[tilespmem:s16+$0x30] =	vst v0  }
0x44: {  	s19 =	simm.s32 $0x2;
	s18 =	simm.s32 $0x1;
	v0 =	vld [tilespmem:s17+$0xFFFFFFC0]  }
.LBB2_2:
0x45: {  	p0 =	sne.s32 s19, $0x1F;
	_ =	sdelay $0x3  }
0x46: {  	s20 =	sshrl.u32 s18, $0x2;
	s18 =	smov.u32 s19;
	v0 =	vtrunc.f32 v0  }
0x47: {  	s20 =	smul.u32 $0xF4280, s20;
	v0 =	vcvt.f32.s32 v0;
	_ =	sdelay $0x1  }
0x48: {  	s16 =	sadd.s32 $0x80, s16;
	v0 =	vadd.s32 s20, v0  }
0x49: {  	[tilespmem:s16+$0xFFFFFFC0] =	vst v0  }
0x4a: {  	v0 =	vld [tilespmem:s17+$0xFFFFFFD0];
	_ =	sdelay $0x4  }
0x4b: {  	v0 =	vtrunc.f32 v0  }
0x4c: {  	v0 =	vcvt.f32.s32 v0;
	_ =	sdelay $0x1  }
0x4d: {  	v0 =	vadd.s32 s20, v0  }
0x4e: {  	[tilespmem:s16+$0xFFFFFFD0] =	vst v0  }
0x4f: {  	v0 =	vld [tilespmem:s17+$0xFFFFFFE0];
	_ =	sdelay $0x4  }
0x50: {  	v0 =	vtrunc.f32 v0  }
0x51: {  	v0 =	vcvt.f32.s32 v0;
	_ =	sdelay $0x1  }
0x52: {  	v0 =	vadd.s32 s20, v0  }
0x53: {  	[tilespmem:s16+$0xFFFFFFE0] =	vst v0  }
0x54: {  	v0 =	vld [tilespmem:s17+$0xFFFFFFF0];
	_ =	sdelay $0x4  }
0x55: {  	v0 =	vtrunc.f32 v0  }
0x56: {  	v0 =	vcvt.f32.s32 v0;
	_ =	sdelay $0x1  }
0x57: {  	v0 =	vadd.s32 s20, v0  }
0x58: {  	[tilespmem:s16+$0xFFFFFFF0] =	vst v0  }
0x59: {  	v0 =	vld [tilespmem:s17+$0x0];
	_ =	sdelay $0x4  }
0x5a: {  	v0 =	vtrunc.f32 v0  }
0x5b: {  	v0 =	vcvt.f32.s32 v0;
	_ =	sdelay $0x1  }
0x5c: {  	v0 =	vadd.s32 s20, v0  }
0x5d: {  	[tilespmem:s16+$0x0] =	vst v0  }
0x5e: {  	v0 =	vld [tilespmem:s17+$0x10];
	_ =	sdelay $0x4  }
0x5f: {  	v0 =	vtrunc.f32 v0  }
0x60: {  	v0 =	vcvt.f32.s32 v0;
	_ =	sdelay $0x1  }
0x61: {  	v0 =	vadd.s32 s20, v0  }
0x62: {  	[tilespmem:s16+$0x10] =	vst v0  }
0x63: {  	v0 =	vld [tilespmem:s17+$0x20];
	_ =	sdelay $0x4  }
0x64: {  	v0 =	vtrunc.f32 v0  }
0x65: {  	v0 =	vcvt.f32.s32 v0;
	_ =	sdelay $0x1  }
0x66: {  	v0 =	vadd.s32 s20, v0  }
0x67: {  	[tilespmem:s16+$0x20] =	vst v0  }
0x68: {  	v0 =	vld [tilespmem:s17+$0x30];
	_ =	sdelay $0x4  }
0x69: {  	v0 =	vtrunc.f32 v0  }
.Ltmp0:
0x6a: {  	v0 =	vcvt.f32.s32 v0;
	(pc) =	sbr.rel @p0 .LBB2_2-.Ltmp0, $4  }
0x6b: {  	_ = 	snop  }
0x6c: {  	v0 =	vadd.s32 s20, v0  }
0x6d: {  	s17 =	sadd.s32 $0x80, s17;
	[tilespmem:s16+$0x30] =	vst v0  }
0x6e: {  	s19 =	sadd.s32 $0x1, s19;
	v0 =	vld [tilespmem:s17+$0xFFFFFFC0]  }
0x6f: {  	_ =	sdelay $0x3  }
0x70: {  	s18 =	sshrl.u32 s18, $0x2;
	v0 =	vtrunc.f32 v0  }
0x71: {  	s18 =	smul.u32 $0xF4280, s18;
	v0 =	vcvt.f32.s32 v0;
	_ =	sdelay $0x1  }
0x72: {  	s16 =	sadd.s32 $0x80, s16;
	v0 =	vadd.s32 s18, v0  }
0x73: {  	[tilespmem:s16+$0xFFFFFFC0] =	vst v0  }
0x74: {  	v0 =	vld [tilespmem:s17+$0xFFFFFFD0];
	_ =	sdelay $0x4  }
0x75: {  	v0 =	vtrunc.f32 v0  }
0x76: {  	v0 =	vcvt.f32.s32 v0;
	_ =	sdelay $0x1  }
0x77: {  	v0 =	vadd.s32 s18, v0  }
0x78: {  	[tilespmem:s16+$0xFFFFFFD0] =	vst v0  }
0x79: {  	v0 =	vld [tilespmem:s17+$0xFFFFFFE0];
	_ =	sdelay $0x4  }
0x7a: {  	v0 =	vtrunc.f32 v0  }
0x7b: {  	v0 =	vcvt.f32.s32 v0;
	_ =	sdelay $0x1  }
0x7c: {  	v0 =	vadd.s32 s18, v0  }
0x7d: {  	[tilespmem:s16+$0xFFFFFFE0] =	vst v0  }
0x7e: {  	v0 =	vld [tilespmem:s17+$0xFFFFFFF0];
	_ =	sdelay $0x4  }
0x7f: {  	v0 =	vtrunc.f32 v0  }
0x80: {  	v0 =	vcvt.f32.s32 v0;
	_ =	sdelay $0x1  }
0x81: {  	v0 =	vadd.s32 s18, v0  }
0x82: {  	[tilespmem:s16+$0xFFFFFFF0] =	vst v0  }
0x83: {  	v0 =	vld [tilespmem:s17+$0x0];
	_ =	sdelay $0x4  }
0x84: {  	v0 =	vtrunc.f32 v0  }
0x85: {  	v0 =	vcvt.f32.s32 v0;
	_ =	sdelay $0x1  }
0x86: {  	v0 =	vadd.s32 s18, v0  }
0x87: {  	[tilespmem:s16+$0x0] =	vst v0  }
0x88: {  	v0 =	vld [tilespmem:s17+$0x10];
	_ =	sdelay $0x4  }
0x89: {  	v0 =	vtrunc.f32 v0  }
0x8a: {  	v0 =	vcvt.f32.s32 v0;
	_ =	sdelay $0x1  }
0x8b: {  	v0 =	vadd.s32 s18, v0  }
0x8c: {  	[tilespmem:s16+$0x10] =	vst v0  }
0x8d: {  	v0 =	vld [tilespmem:s17+$0x20];
	_ =	sdelay $0x4  }
0x8e: {  	v0 =	vtrunc.f32 v0  }
0x8f: {  	v0 =	vcvt.f32.s32 v0;
	_ =	sdelay $0x1  }
0x90: {  	v0 =	vadd.s32 s18, v0  }
0x91: {  	[tilespmem:s16+$0x20] =	vst v0  }
0x92: {  	v0 =	vld [tilespmem:s17+$0x30];
	_ =	sdelay $0x4  }
0x93: {  	v0 =	vtrunc.f32 v0  }
0x94: {  	v0 =	vcvt.f32.s32 v0;
	_ =	sdelay $0x1  }
0x95: {  	v0 =	vadd.s32 s18, v0  }
0x96: {  	s17 =	simm.s32 $0x1000;
	s18 =	simm.s32 $0x2000;
	[tilespmem:s16+$0x30] =	vst v0  }
0x97: {  	[tilespmem:s18], [sflag:$0x1] =	stream.indirect.gather [hbm4b:s3+s12], $0x1, s17, s12, $0xb8;
	[tilespmem:$0x5A00] =	vst v63  }
0x98: {  	s19 =	simm.s32 $0x1080;
	s20 =	simm.s32 $0x2080  }
0x99: {  	[tilespmem:s20], [sflag:$0x1] =	stream.indirect.gather [hbm4b:s3+s12], $0x1, s19, s12, $0xb8;
	[tilespmem:$0x5A00] =	vst v63  }
0x9a: {  	s21 =	simm.s32 $0x1100;
	s22 =	simm.s32 $0x2100  }
0x9b: {  	[tilespmem:s22], [sflag:$0x1] =	stream.indirect.gather [hbm4b:s3+s12], $0x1, s21, s12, $0xb8;
	[tilespmem:$0x5A00] =	vst v63  }
0x9c: {  	s17 =	simm.s32 $0x1180;
	s18 =	simm.s32 $0x2180  }
0x9d: {  	[tilespmem:s18], [sflag:$0x1] =	stream.indirect.gather [hbm4b:s3+s12], $0x1, s17, s12, $0xb8;
	[tilespmem:$0x5A00] =	vst v63  }
0x9e: {  	s19 =	simm.s32 $0x1200;
	s20 =	simm.s32 $0x2200  }
0x9f: {  	[tilespmem:s20], [sflag:$0x1] =	stream.indirect.gather [hbm4b:s3+s12], $0x1, s19, s12, $0xb8;
	[tilespmem:$0x5A00] =	vst v63  }
0xa0: {  	s21 =	simm.s32 $0x1280;
	s22 =	simm.s32 $0x2280  }
0xa1: {  	[tilespmem:s22], [sflag:$0x1] =	stream.indirect.gather [hbm4b:s3+s12], $0x1, s21, s12, $0xb8;
	[tilespmem:$0x5A00] =	vst v63  }
0xa2: {  	s17 =	simm.s32 $0x1300;
	s18 =	simm.s32 $0x2300  }
0xa3: {  	[tilespmem:s18], [sflag:$0x1] =	stream.indirect.gather [hbm4b:s3+s12], $0x1, s17, s12, $0xb8;
	[tilespmem:$0x5A00] =	vst v63  }
0xa4: {  	s19 =	simm.s32 $0x1380;
	s20 =	simm.s32 $0x2380  }
0xa5: {  	[tilespmem:s20], [sflag:$0x1] =	stream.indirect.gather [hbm4b:s3+s12], $0x1, s19, s12, $0xb8;
	[tilespmem:$0x5A00] =	vst v63  }
0xa6: {  	_ =	swait.ge [sflag:s30], $0x80  }
0xa7: {  	[sflag:s30] =	ssyncset.done $0x0  }
0xa8: {  	[sflag:s30] =	ssyncadd.s32 $0xFFFFFF80  }
0xa9: {  	_ =	swait.ge [sflag:s30], $0x80  }
0xaa: {  	[sflag:s30] =	ssyncset.done $0x0  }
0xab: {  	[sflag:s30] =	ssyncadd.s32 $0xFFFFFF80  }
0xac: {  	_ =	swait.ge [sflag:s30], $0x80  }
0xad: {  	[sflag:s30] =	ssyncset.done $0x0  }
0xae: {  	[sflag:s30] =	ssyncadd.s32 $0xFFFFFF80  }
0xaf: {  	_ =	swait.ge [sflag:s30], $0x80  }
0xb0: {  	[sflag:s30] =	ssyncset.done $0x0  }
0xb1: {  	[sflag:s30] =	ssyncadd.s32 $0xFFFFFF80  }
0xb2: {  	_ =	swait.ge [sflag:s30], $0x80  }
0xb3: {  	[sflag:s30] =	ssyncset.done $0x0  }
0xb4: {  	[sflag:s30] =	ssyncadd.s32 $0xFFFFFF80  }
0xb5: {  	_ =	swait.ge [sflag:s30], $0x80  }
0xb6: {  	[sflag:s30] =	ssyncset.done $0x0  }
0xb7: {  	[sflag:s30] =	ssyncadd.s32 $0xFFFFFF80  }
0xb8: {  	_ =	swait.ge [sflag:s30], $0x80  }
0xb9: {  	[sflag:s30] =	ssyncset.done $0x0  }
0xba: {  	[sflag:s30] =	ssyncadd.s32 $0xFFFFFF80  }
0xbb: {  	_ =	swait.ge [sflag:s30], $0x80  }
0xbc: {  	[sflag:s30] =	ssyncset.done $0x0  }
0xbd: {  	s21 =	simm.s32 $0x1400;
	s22 =	simm.s32 $0x2400;
	[sflag:s30] =	ssyncadd.s32 $0xFFFFFF80  }
0xbe: {  	[tilespmem:s22], [sflag:$0x1] =	stream.indirect.gather [hbm4b:s3+s12], $0x1, s21, s12, $0xb8;
	[tilespmem:$0x5A00] =	vst v63  }
0xbf: {  	s17 =	simm.s32 $0x1480;
	s18 =	simm.s32 $0x2480  }
0xc0: {  	[tilespmem:s18], [sflag:$0x1] =	stream.indirect.gather [hbm4b:s3+s12], $0x1, s17, s12, $0xb8;
	[tilespmem:$0x5A00] =	vst v63  }
0xc1: {  	s19 =	simm.s32 $0x1500;
	s20 =	simm.s32 $0x2500  }
0xc2: {  	[tilespmem:s20], [sflag:$0x1] =	stream.indirect.gather [hbm4b:s3+s12], $0x1, s19, s12, $0xb8;
	[tilespmem:$0x5A00] =	vst v63  }
0xc3: {  	s21 =	simm.s32 $0x1580;
	s22 =	simm.s32 $0x2580  }
0xc4: {  	[tilespmem:s22], [sflag:$0x1] =	stream.indirect.gather [hbm4b:s3+s12], $0x1, s21, s12, $0xb8;
	[tilespmem:$0x5A00] =	vst v63  }
0xc5: {  	s17 =	simm.s32 $0x1600;
	s18 =	simm.s32 $0x2600  }
0xc6: {  	[tilespmem:s18], [sflag:$0x1] =	stream.indirect.gather [hbm4b:s3+s12], $0x1, s17, s12, $0xb8;
	[tilespmem:$0x5A00] =	vst v63  }
0xc7: {  	s19 =	simm.s32 $0x1680;
	s20 =	simm.s32 $0x2680  }
0xc8: {  	[tilespmem:s20], [sflag:$0x1] =	stream.indirect.gather [hbm4b:s3+s12], $0x1, s19, s12, $0xb8;
	[tilespmem:$0x5A00] =	vst v63  }
0xc9: {  	s21 =	simm.s32 $0x1700;
	s22 =	simm.s32 $0x2700  }
0xca: {  	[tilespmem:s22], [sflag:$0x1] =	stream.indirect.gather [hbm4b:s3+s12], $0x1, s21, s12, $0xb8;
	[tilespmem:$0x5A00] =	vst v63  }
0xcb: {  	s17 =	simm.s32 $0x1780;
	s18 =	simm.s32 $0x2780  }
0xcc: {  	[tilespmem:s18], [sflag:$0x1] =	stream.indirect.gather [hbm4b:s3+s12], $0x1, s17, s12, $0xb8;
	[tilespmem:$0x5A00] =	vst v63  }
0xcd: {  	_ =	swait.ge [sflag:s30], $0x80  }
0xce: {  	[sflag:s30] =	ssyncset.done $0x0  }
0xcf: {  	[sflag:s30] =	ssyncadd.s32 $0xFFFFFF80  }
0xd0: {  	_ =	swait.ge [sflag:s30], $0x80  }
0xd1: {  	[sflag:s30] =	ssyncset.done $0x0  }
0xd2: {  	[sflag:s30] =	ssyncadd.s32 $0xFFFFFF80  }
0xd3: {  	_ =	swait.ge [sflag:s30], $0x80  }
0xd4: {  	[sflag:s30] =	ssyncset.done $0x0  }
0xd5: {  	[sflag:s30] =	ssyncadd.s32 $0xFFFFFF80  }
0xd6: {  	_ =	swait.ge [sflag:s30], $0x80  }
0xd7: {  	[sflag:s30] =	ssyncset.done $0x0  }
0xd8: {  	[sflag:s30] =	ssyncadd.s32 $0xFFFFFF80  }
0xd9: {  	_ =	swait.ge [sflag:s30], $0x80  }
0xda: {  	[sflag:s30] =	ssyncset.done $0x0  }
0xdb: {  	[sflag:s30] =	ssyncadd.s32 $0xFFFFFF80  }
0xdc: {  	_ =	swait.ge [sflag:s30], $0x80  }
0xdd: {  	[sflag:s30] =	ssyncset.done $0x0  }
0xde: {  	[sflag:s30] =	ssyncadd.s32 $0xFFFFFF80  }
0xdf: {  	_ =	swait.ge [sflag:s30], $0x80  }
0xe0: {  	[sflag:s30] =	ssyncset.done $0x0  }
0xe1: {  	[sflag:s30] =	ssyncadd.s32 $0xFFFFFF80  }
0xe2: {  	_ =	swait.ge [sflag:s30], $0x80  }
0xe3: {  	[sflag:s30] =	ssyncset.done $0x0  }
0xe4: {  	s19 =	simm.s32 $0x1800;
	s20 =	simm.s32 $0x2800;
	[sflag:s30] =	ssyncadd.s32 $0xFFFFFF80  }
0xe5: {  	[tilespmem:s20], [sflag:$0x1] =	stream.indirect.gather [hbm4b:s3+s12], $0x1, s19, s12, $0xb8;
	[tilespmem:$0x5A00] =	vst v63  }
0xe6: {  	s21 =	simm.s32 $0x1880;
	s22 =	simm.s32 $0x2880  }
0xe7: {  	[tilespmem:s22], [sflag:$0x1] =	stream.indirect.gather [hbm4b:s3+s12], $0x1, s21, s12, $0xb8;
	[tilespmem:$0x5A00] =	vst v63  }
0xe8: {  	s17 =	simm.s32 $0x1900;
	s18 =	simm.s32 $0x2900  }
0xe9: {  	[tilespmem:s18], [sflag:$0x1] =	stream.indirect.gather [hbm4b:s3+s12], $0x1, s17, s12, $0xb8;
	[tilespmem:$0x5A00] =	vst v63  }
0xea: {  	s19 =	simm.s32 $0x1980;
	s20 =	simm.s32 $0x2980  }
0xeb: {  	[tilespmem:s20], [sflag:$0x1] =	stream.indirect.gather [hbm4b:s3+s12], $0x1, s19, s12, $0xb8;
	[tilespmem:$0x5A00] =	vst v63  }
0xec: {  	s21 =	simm.s32 $0x1A00;
	s22 =	simm.s32 $0x2A00  }
0xed: {  	[tilespmem:s22], [sflag:$0x1] =	stream.indirect.gather [hbm4b:s3+s12], $0x1, s21, s12, $0xb8;
	[tilespmem:$0x5A00] =	vst v63  }
0xee: {  	s17 =	simm.s32 $0x1A80;
	s18 =	simm.s32 $0x2A80  }
0xef: {  	[tilespmem:s18], [sflag:$0x1] =	stream.indirect.gather [hbm4b:s3+s12], $0x1, s17, s12, $0xb8;
	[tilespmem:$0x5A00] =	vst v63  }
0xf0: {  	s19 =	simm.s32 $0x1B00;
	s20 =	simm.s32 $0x2B00  }
0xf1: {  	[tilespmem:s20], [sflag:$0x1] =	stream.indirect.gather [hbm4b:s3+s12], $0x1, s19, s12, $0xb8;
	[tilespmem:$0x5A00] =	vst v63  }
0xf2: {  	s21 =	simm.s32 $0x1B80;
	s22 =	simm.s32 $0x2B80  }
0xf3: {  	[tilespmem:s22], [sflag:$0x1] =	stream.indirect.gather [hbm4b:s3+s12], $0x1, s21, s12, $0xb8;
	[tilespmem:$0x5A00] =	vst v63  }
0xf4: {  	_ =	swait.ge [sflag:s30], $0x80  }
0xf5: {  	[sflag:s30] =	ssyncset.done $0x0  }
0xf6: {  	[sflag:s30] =	ssyncadd.s32 $0xFFFFFF80  }
0xf7: {  	_ =	swait.ge [sflag:s30], $0x80  }
0xf8: {  	[sflag:s30] =	ssyncset.done $0x0  }
0xf9: {  	[sflag:s30] =	ssyncadd.s32 $0xFFFFFF80  }
0xfa: {  	_ =	swait.ge [sflag:s30], $0x80  }
0xfb: {  	[sflag:s30] =	ssyncset.done $0x0  }
0xfc: {  	[sflag:s30] =	ssyncadd.s32 $0xFFFFFF80  }
0xfd: {  	_ =	swait.ge [sflag:s30], $0x80  }
0xfe: {  	[sflag:s30] =	ssyncset.done $0x0  }
0xff: {  	[sflag:s30] =	ssyncadd.s32 $0xFFFFFF80  }
0x100: {  	_ =	swait.ge [sflag:s30], $0x80  }
0x101: {  	[sflag:s30] =	ssyncset.done $0x0  }
0x102: {  	[sflag:s30] =	ssyncadd.s32 $0xFFFFFF80  }
0x103: {  	_ =	swait.ge [sflag:s30], $0x80  }
0x104: {  	[sflag:s30] =	ssyncset.done $0x0  }
0x105: {  	[sflag:s30] =	ssyncadd.s32 $0xFFFFFF80  }
0x106: {  	_ =	swait.ge [sflag:s30], $0x80  }
0x107: {  	[sflag:s30] =	ssyncset.done $0x0  }
0x108: {  	[sflag:s30] =	ssyncadd.s32 $0xFFFFFF80  }
0x109: {  	_ =	swait.ge [sflag:s30], $0x80  }
0x10a: {  	[sflag:s30] =	ssyncset.done $0x0  }
0x10b: {  	s17 =	simm.s32 $0x1C00;
	s18 =	simm.s32 $0x2C00;
	[sflag:s30] =	ssyncadd.s32 $0xFFFFFF80  }
0x10c: {  	[tilespmem:s18], [sflag:$0x1] =	stream.indirect.gather [hbm4b:s3+s12], $0x1, s17, s12, $0xb8;
	[tilespmem:$0x5A00] =	vst v63  }
0x10d: {  	s19 =	simm.s32 $0x1C80;
	s20 =	simm.s32 $0x2C80  }
0x10e: {  	[tilespmem:s20], [sflag:$0x1] =	stream.indirect.gather [hbm4b:s3+s12], $0x1, s19, s12, $0xb8;
	[tilespmem:$0x5A00] =	vst v63  }
0x10f: {  	_ = 	snop  }
0x110: {  	[tilespmem:s24], [sflag:$0x1] =	stream.indirect.gather [hbm4b:s3+s12], $0x1, s23, s12, $0xb8;
	[tilespmem:$0x5A00] =	vst v63  }
0x111: {  	_ = 	snop  }
0x112: {  	[tilespmem:s26], [sflag:$0x1] =	stream.indirect.gather [hbm4b:s3+s12], $0x1, s25, s12, $0xb8;
	[tilespmem:$0x5A00] =	vst v63  }
0x113: {  	_ = 	snop  }
0x114: {  	[tilespmem:s29], [sflag:$0x1] =	stream.indirect.gather [hbm4b:s3+s12], $0x1, s28, s12, $0xb8;
	[tilespmem:$0x5A00] =	vst v63  }
0x115: {  	_ = 	snop  }
0x116: {  	[tilespmem:s0], [sflag:$0x1] =	stream.indirect.gather [hbm4b:s3+s12], $0x1, s31, s12, $0xb8;
	[tilespmem:$0x5A00] =	vst v63  }
0x117: {  	_ = 	snop  }
0x118: {  	[tilespmem:s10], [sflag:$0x1] =	stream.indirect.gather [hbm4b:s3+s12], $0x1, s1, s12, $0xb8;
	[tilespmem:$0x5A00] =	vst v63  }
0x119: {  	_ = 	snop  }
0x11a: {  	[tilespmem:s13], [sflag:$0x1] =	stream.indirect.gather [hbm4b:s3+s12], $0x1, s11, s12, $0xb8;
	[tilespmem:$0x5A00] =	vst v63  }
0x11b: {  	_ =	swait.ge [sflag:s30], $0x80  }
0x11c: {  	[sflag:s30] =	ssyncset.done $0x0  }
0x11d: {  	[sflag:s30] =	ssyncadd.s32 $0xFFFFFF80  }
0x11e: {  	_ =	swait.ge [sflag:s30], $0x80  }
0x11f: {  	[sflag:s30] =	ssyncset.done $0x0  }
0x120: {  	[sflag:s30] =	ssyncadd.s32 $0xFFFFFF80  }
0x121: {  	_ =	swait.ge [sflag:s30], $0x80  }
0x122: {  	[sflag:s30] =	ssyncset.done $0x0  }
0x123: {  	[sflag:s30] =	ssyncadd.s32 $0xFFFFFF80  }
0x124: {  	_ =	swait.ge [sflag:s30], $0x80  }
0x125: {  	[sflag:s30] =	ssyncset.done $0x0  }
0x126: {  	[sflag:s30] =	ssyncadd.s32 $0xFFFFFF80  }
0x127: {  	_ =	swait.ge [sflag:s30], $0x80  }
0x128: {  	[sflag:s30] =	ssyncset.done $0x0  }
0x129: {  	[sflag:s30] =	ssyncadd.s32 $0xFFFFFF80  }
0x12a: {  	_ =	swait.ge [sflag:s30], $0x80  }
0x12b: {  	[sflag:s30] =	ssyncset.done $0x0  }
0x12c: {  	[sflag:s30] =	ssyncadd.s32 $0xFFFFFF80  }
0x12d: {  	_ =	swait.ge [sflag:s30], $0x80  }
0x12e: {  	[sflag:s30] =	ssyncset.done $0x0  }
0x12f: {  	[sflag:s30] =	ssyncadd.s32 $0xFFFFFF80  }
0x130: {  	s16 =	simm.s32 $0x0;
	s21 =	simm.s32 $0x0;
	_ =	swait.ge [sflag:s30], $0x80  }
0x131: {  	s22 =	sand.u32 $0x70, s16;
	s17 =	sand.u32 $0x180, s21;
	[sflag:s30] =	ssyncset.done $0x0  }
0x132: {  	s17 =	sor.u32 s22, s17;
	[sflag:s30] =	ssyncadd.s32 $0xFFFFFF80  }
0x133: {  	v0 =	vld [tilespmem:s17+$0x2200]  }
0x134: {  	v1 =	vld [tilespmem:s17+$0x2000];
	_ =	sdelay $0x1  }
0x135: {  	v2 =	vld [tilespmem:s17+$0x2400];
	_ =	sdelay $0x1  }
0x136: {  	v3 =	vld [tilespmem:s17+$0x2600]  }
0x137: {  	v0 =	vadd.f32 v0, v1  }
0x138: {  	v1 =	vld [tilespmem:s17+$0x2800]  }
0x139: {  	v0 =	vadd.f32 v2, v0  }
0x13a: {  	v2 =	vld [tilespmem:s17+$0x2A00]  }
0x13b: {  	v4 =	vld [tilespmem:s17+$0x2C00];
	v0 =	vadd.f32 v3, v0  }
0x13c: {  	s19 =	sand.u32 $0xC00, s16;
	v5 =	vld [tilespmem:$0x5000]  }
0x13d: {  	s20 =	sor.u32 s22, s19;
	v3 =	vld [tilespmem:s17+$0x2E00];
	v0 =	vadd.f32 v1, v0  }
0x13e: {  	v1 =	vld [tilespmem:s20+$0x3000]  }
0x13f: {  	v6 =	vld [tilespmem:$0x5080];
	v0 =	vadd.f32 v2, v0  }
0x140: {  	v2 =	vld [tilespmem:s20+$0x3080]  }
0x141: {  	v50 =	vld [tilespmem:s20+$0x3100];
	v0 =	vadd.f32 v4, v0  }
0x142: {  	v7 =	vld [tilespmem:$0x5100]  }
0x143: {  	v51 =	vld [tilespmem:$0x5180];
	v1 =	vmul.f32 v5, v1;
	v0 =	vadd.f32 v3, v0  }
0x144: {  	v3 =	vld [tilespmem:s20+$0x3180]  }
0x145: {  	v52 =	vld [tilespmem:$0x5200];
	v0 =	vadd.f32 v1, v0;
	v1 =	vmul.f32 v6, v2  }
0x146: {  	v2 =	vld [tilespmem:s20+$0x3200]  }
0x147: {  	v53 =	vld [tilespmem:s20+$0x3280];
	v0 =	vadd.f32 v1, v0;
	v1 =	vmul.f32 v7, v50  }
0x148: {  	v54 =	vld [tilespmem:$0x5280]  }
0x149: {  	v55 =	vld [tilespmem:$0x5300];
	v0 =	vadd.f32 v1, v0;
	v1 =	vmul.f32 v51, v3  }
0x14a: {  	v3 =	vld [tilespmem:s20+$0x3300]  }
0x14b: {  	v56 =	vld [tilespmem:$0x5380];
	v0 =	vadd.f32 v1, v0;
	v1 =	vmul.f32 v52, v2  }
0x14c: {  	v2 =	vld [tilespmem:s20+$0x3380]  }
0x14d: {  	v57 =	vld [tilespmem:s20+$0x4000];
	v0 =	vadd.f32 v1, v0;
	v1 =	vmul.f32 v54, v53  }
0x14e: {  	v58 =	vld [tilespmem:$0x5400]  }
0x14f: {  	v59 =	vld [tilespmem:$0x5480];
	v0 =	vadd.f32 v1, v0;
	v1 =	vmul.f32 v55, v3  }
0x150: {  	v3 =	vld [tilespmem:s20+$0x4080]  }
0x151: {  	v60 =	vld [tilespmem:$0x5500];
	v0 =	vadd.f32 v1, v0;
	v1 =	vmul.f32 v56, v2  }
0x152: {  	v2 =	vld [tilespmem:s20+$0x4100]  }
0x153: {  	v61 =	vld [tilespmem:s20+$0x4180];
	v0 =	vadd.f32 v1, v0;
	v1 =	vmul.f32 v58, v57  }
0x154: {  	v62 =	vld [tilespmem:$0x5580]  }
0x155: {  	v63 =	vld [tilespmem:$0x5600];
	v0 =	vadd.f32 v1, v0;
	v1 =	vmul.f32 v59, v3  }
0x156: {  	v3 =	vld [tilespmem:s20+$0x4200]  }
0x157: {  	v0 =	vadd.f32 v1, v0;
	v1 =	vmul.f32 v60, v2;
	_ =	sdelay $0x1  }
0x158: {  	v0 =	vadd.f32 v1, v0;
	v1 =	vmul.f32 v62, v61;
	_ =	sdelay $0x1  }
0x159: {  	v0 =	vadd.f32 v1, v0;
	v1 =	vmul.f32 v63, v3  }
0x15a: {  	s21 =	simm.s32 $0x10  }
0x15b: {  	s18 =	simm.s32 $0x20;
	s22 =	simm.s32 $0x10;
	s19 =	simm.s32 $0x0;
	v0 =	vadd.f32 v1, v0  }
0x15c: {  	s17 =	simm.s32 $0x40;
	s20 =	sand.u32 $0x70, s21;
	s21 =	sand.u32 $0x180, s22  }
.LBB2_4:
0x15d: {  	p0 =	sne.s32 s18, $0x1F0;
	s21 =	sor.u32 s20, s21;
	[tilespmem:s19+$0x5800] =	vst v0;
	s19 =	smov.u32 s17  }
0x15e: {  	v0 =	vld [tilespmem:s21+$0x2200]  }
0x15f: {  	v1 =	vld [tilespmem:s21+$0x2000];
	_ =	sdelay $0x1  }
0x160: {  	v2 =	vld [tilespmem:s21+$0x2400];
	_ =	sdelay $0x1  }
0x161: {  	v3 =	vld [tilespmem:s21+$0x2600]  }
0x162: {  	v0 =	vadd.f32 v0, v1  }
0x163: {  	v1 =	vld [tilespmem:s21+$0x2800]  }
0x164: {  	v0 =	vadd.f32 v2, v0  }
0x165: {  	s16 =	sadd.s32 $0x80, s16;
	v2 =	vld [tilespmem:s21+$0x2A00]  }
0x166: {  	s22 =	sand.u32 $0xC00, s16;
	v0 =	vadd.f32 v3, v0;
	v3 =	vld [tilespmem:s21+$0x2E00]  }
0x167: {  	s20 =	sor.u32 s20, s22;
	v4 =	vld [tilespmem:s21+$0x2C00]  }
0x168: {  	v0 =	vadd.f32 v1, v0;
	v1 =	vld [tilespmem:s20+$0x3000]  }
0x169: {  	v5 =	vld [tilespmem:$0x5000]  }
0x16a: {  	v0 =	vadd.f32 v2, v0;
	v2 =	vld [tilespmem:s20+$0x3080]  }
0x16b: {  	v6 =	vld [tilespmem:$0x5080]  }
0x16c: {  	v0 =	vadd.f32 v4, v0;
	v4 =	vld [tilespmem:s20+$0x3100]  }
0x16d: {  	v7 =	vld [tilespmem:$0x5100]  }
0x16e: {  	v0 =	vadd.f32 v3, v0;
	v1 =	vmul.f32 v5, v1;
	v3 =	vld [tilespmem:s20+$0x3180]  }
0x16f: {  	v5 =	vld [tilespmem:$0x5180]  }
0x170: {  	v0 =	vadd.f32 v1, v0;
	v1 =	vmul.f32 v6, v2;
	v2 =	vld [tilespmem:s20+$0x3200]  }
0x171: {  	v6 =	vld [tilespmem:$0x5200]  }
0x172: {  	v0 =	vadd.f32 v1, v0;
	v1 =	vmul.f32 v7, v4;
	v4 =	vld [tilespmem:s20+$0x3280]  }
0x173: {  	v7 =	vld [tilespmem:$0x5280]  }
0x174: {  	v0 =	vadd.f32 v1, v0;
	v1 =	vmul.f32 v5, v3;
	v3 =	vld [tilespmem:s20+$0x3300]  }
0x175: {  	v5 =	vld [tilespmem:$0x5300]  }
0x176: {  	v0 =	vadd.f32 v1, v0;
	v1 =	vmul.f32 v6, v2;
	v2 =	vld [tilespmem:s20+$0x3380]  }
0x177: {  	v6 =	vld [tilespmem:$0x5380]  }
0x178: {  	v0 =	vadd.f32 v1, v0;
	v1 =	vmul.f32 v7, v4;
	v4 =	vld [tilespmem:s20+$0x4000]  }
0x179: {  	v7 =	vld [tilespmem:$0x5400]  }
0x17a: {  	v0 =	vadd.f32 v1, v0;
	v1 =	vmul.f32 v5, v3;
	v3 =	vld [tilespmem:s20+$0x4080]  }
0x17b: {  	v5 =	vld [tilespmem:$0x5480]  }
0x17c: {  	v0 =	vadd.f32 v1, v0;
	v1 =	vmul.f32 v6, v2;
	v2 =	vld [tilespmem:s20+$0x4100]  }
0x17d: {  	v6 =	vld [tilespmem:$0x5500]  }
0x17e: {  	v0 =	vadd.f32 v1, v0;
	v1 =	vmul.f32 v7, v4;
	v4 =	vld [tilespmem:s20+$0x4180]  }
0x17f: {  	v7 =	vld [tilespmem:$0x5580]  }
0x180: {  	v0 =	vadd.f32 v1, v0;
	v1 =	vmul.f32 v5, v3;
	v3 =	vld [tilespmem:s20+$0x4200]  }
0x181: {  	v5 =	vld [tilespmem:$0x5600]  }
0x182: {  	v0 =	vadd.f32 v1, v0;
	v1 =	vmul.f32 v6, v2;
	_ =	sdelay $0x1  }
0x183: {  	v0 =	vadd.f32 v1, v0;
	v1 =	vmul.f32 v7, v4  }
.Ltmp1:
0x184: {  	(pc) =	sbr.rel @p0 .LBB2_4-.Ltmp1, $4  }
0x185: {  	v0 =	vadd.f32 v1, v0;
	v1 =	vmul.f32 v5, v3  }
0x186: {  	s17 =	sadd.s32 $0x40, s17  }
0x187: {  	s21 =	sshrl.u32 s17, $0x2;
	s20 =	sand.u32 $0x70, s18;
	v0 =	vadd.f32 v1, v0  }
0x188: {  	s19 =	sshra.s32 s19, $0x2;
	s21 =	sand.u32 $0x180, s21;
	s18 =	sadd.s32 $0x10, s18  }
0x189: {  	s18 =	sor.u32 s20, s21;
	[tilespmem:s19+$0x5800] =	vst v0  }
0x18a: {  	v0 =	vld [tilespmem:s18+$0x2200]  }
0x18b: {  	v1 =	vld [tilespmem:s18+$0x2000];
	_ =	sdelay $0x1  }
0x18c: {  	v2 =	vld [tilespmem:s18+$0x2400];
	_ =	sdelay $0x1  }
0x18d: {  	v3 =	vld [tilespmem:s18+$0x2600]  }
0x18e: {  	v0 =	vadd.f32 v0, v1  }
0x18f: {  	v26 =	vld [tilespmem:s18+$0x2800]  }
0x190: {  	v0 =	vadd.f32 v2, v0  }
0x191: {  	v27 =	vld [tilespmem:s18+$0x2A00]  }
0x192: {  	s16 =	sadd.s32 $0x80, s16;
	v28 =	vld [tilespmem:s18+$0x2E00];
	v0 =	vadd.f32 v3, v0  }
0x193: {  	s16 =	sand.u32 $0xC00, s16;
	v4 =	vld [tilespmem:s18+$0x2C00]  }
0x194: {  	v5 =	vld [tilespmem:$0x5000];
	s16 =	sor.u32 s20, s16;
	v0 =	vadd.f32 v26, v0  }
0x195: {  	v29 =	vld [tilespmem:s16+$0x3000]  }
0x196: {  	v6 =	vld [tilespmem:$0x5080];
	v0 =	vadd.f32 v27, v0  }
0x197: {  	v30 =	vld [tilespmem:s16+$0x3080]  }
0x198: {  	v7 =	vld [tilespmem:$0x5100];
	v0 =	vadd.f32 v4, v0  }
0x199: {  	v31 =	vld [tilespmem:s16+$0x3100]  }
0x19a: {  	v33 =	vld [tilespmem:$0x5180];
	v1 =	vmul.f32 v5, v29;
	v0 =	vadd.f32 v28, v0  }
0x19b: {  	v32 =	vld [tilespmem:s16+$0x3180]  }
0x19c: {  	v36 =	vld [tilespmem:$0x5200];
	v34 =	vmul.f32 v6, v30;
	v0 =	vadd.f32 v1, v0  }
0x19d: {  	v35 =	vld [tilespmem:s16+$0x3200]  }
0x19e: {  	v39 =	vld [tilespmem:$0x5280];
	v37 =	vmul.f32 v7, v31;
	v0 =	vadd.f32 v34, v0  }
0x19f: {  	v38 =	vld [tilespmem:s16+$0x3280]  }
0x1a0: {  	v42 =	vld [tilespmem:$0x5300];
	v40 =	vmul.f32 v33, v32;
	v0 =	vadd.f32 v37, v0  }
0x1a1: {  	v41 =	vld [tilespmem:s16+$0x3300]  }
0x1a2: {  	v45 =	vld [tilespmem:$0x5380];
	v43 =	vmul.f32 v36, v35;
	v0 =	vadd.f32 v40, v0  }
0x1a3: {  	v44 =	vld [tilespmem:s16+$0x3380]  }
0x1a4: {  	v48 =	vld [tilespmem:$0x5400];
	v46 =	vmul.f32 v39, v38;
	v0 =	vadd.f32 v43, v0  }
0x1a5: {  	v47 =	vld [tilespmem:s16+$0x4000]  }
0x1a6: {  	v51 =	vld [tilespmem:$0x5480];
	v49 =	vmul.f32 v42, v41;
	v0 =	vadd.f32 v46, v0  }
0x1a7: {  	v50 =	vld [tilespmem:s16+$0x4080]  }
0x1a8: {  	v54 =	vld [tilespmem:$0x5500];
	v52 =	vmul.f32 v45, v44;
	v0 =	vadd.f32 v49, v0  }
0x1a9: {  	v53 =	vld [tilespmem:s16+$0x4100]  }
0x1aa: {  	v57 =	vld [tilespmem:$0x5580];
	v55 =	vmul.f32 v48, v47;
	v0 =	vadd.f32 v52, v0  }
0x1ab: {  	v56 =	vld [tilespmem:s16+$0x4180]  }
0x1ac: {  	v60 =	vld [tilespmem:$0x5600];
	v58 =	vmul.f32 v51, v50;
	v0 =	vadd.f32 v55, v0  }
0x1ad: {  	v59 =	vld [tilespmem:s16+$0x4200]  }
0x1ae: {  	v61 =	vmul.f32 v54, v53;
	v0 =	vadd.f32 v58, v0;
	_ =	sdelay $0x1  }
0x1af: {  	v62 =	vmul.f32 v57, v56;
	v0 =	vadd.f32 v61, v0;
	_ =	sdelay $0x1  }
0x1b0: {  	v63 =	vmul.f32 v60, v59;
	v0 =	vadd.f32 v62, v0;
	_ =	sdelay $0x1  }
0x1b1: {  	s15 =	sadd.s32 $0x1, s15;
	v0 =	vadd.f32 v63, v0  }
0x1b2: {  	s22 =	sshra.s32 s17, $0x2;
	p0 =	sne.s32 s15, s8  }
.Ltmp2:
0x1b3: {  	[tilespmem:s22+$0x5800] =	vst v0;
	(pc) =	sbr.rel @p0 .LBB2_1-.Ltmp2, $4  }
0x1b4: {  	[hbm4b:s7+s2] =	stream.linear.scatter [tilespmem:s14], [sflag:$0x2], $0x200, $0x38;
	[tilespmem:$0x5A00] =	vst v63  }
0x1b5: {  	_ =	swait.ge [sflag:s9], $0x200  }
0x1b6: {  	[sflag:s9] =	ssyncset.done $0x0  }
0x1b7: {  	[sflag:s9] =	ssyncadd.s32 $0xFFFFFE00  }
0x1b8: {  	_ =	sfence.sel $0x180000  }
0x1b9: {  	[bflag:$0x0] =	sbarrier.arrive $0xFFFF  }
0x1ba: {  	_ =	strace $0x90000050  }
0x1bb: {  	s0 =	stileid.u32;
	[bflag:$0x2] =	sbarrier.arrive $0xFFFF  }
0x1bc: {  	p0 =	sne.s32 s0, $0x0;
	s0 =	rddreg [dreg:$0x2]  }
0x1bd: {  	s0 =	sadd.s32 @!p0 $0x100000, s0  }
0x1be: {  	[sflag:s0] =	ssyncadd.tile.s32 @!p0 $0x1;
	_ =	shalt  }
.Lfunc_end2:
_tile_overlayer_lowered:
.L_overlay_start_2:
0x1bf: {  	(tag) =	ssettag $0x2  }
0x1c0: {  	s0 =	rddreg [dreg:$0x0];
	s2 =	stileid.u32  }
0x1c1: {  	s1 =	rddreg [dreg:$0x1];
	p0 =	sne.s32 s2, $0x0  }
0x1c2: {  	s3 =	rddreg [dreg:$0x2];
	[bflag:$0x3] =	sbarrier.arrive $0xFFFF;
	s2 =	simm.s32 @!p0 $0x1C02  }
0x1c3: {  	[timem:s3], [sflag:s2] =	dma.local @!p0 [hbm:s0], s1  }
0x1c4: {  	s0 =	simm.s32 @!p0 $0x2  }
0x1c5: {  	_ =	swait.ge @!p0 [sflag:s0], s1  }
0x1c6: {  	s1 =	ssub.s32 @!p0 $0x0, s1;
	[sflag:s0] =	ssyncset.done @!p0 $0x0  }
0x1c7: {  	[sflag:s0] =	ssyncadd.s32 @!p0 s1  }
0x1c8: {  	[bflag:$0x3] =	sbarrier.arrive $0xFFFF  }
0x1c9: {  	_ =	shalt  }

// kernel: kernel.13.cloned.1.call-start
scs
__scs_entry_jumppad:
0x0: {  	(pc) =	sbr.rel $0x88, $3  }
0x1: {  	(tag) =	ssettag $0x0;
	lr =	simm.s32 $0x1  }
0x2: {  	[smem:$0x3F9E] =	sst lr;
	_ =	strace $0xD0000000  }
0x3: {  	_ = 	snop  }
0x4: {  	_ = 	snop  }
0x5: {  	_ = 	snop  }
0x6: {  	_ = 	snop  }
0x7: {  	_ = 	snop  }
__scs_overlays_trampoline_lowered:
0x8: {  	[smem:$0x3FAD] =	sst s0  }
0x9: {  	[smem:$0x3FAE] =	sst s1  }
0xa: {  	[smem:$0x3FAF] =	sst s2  }
0xb: {  	[smem:$0x3FB0] =	sst s3  }
0xc: {  	[smem:$0x3FB1] =	sst s4  }
0xd: {  	[smem:$0x3FB2] =	sst s5  }
0xe: {  	[smem:$0x3FB3] =	sst s6  }
0xf: {  	[smem:$0x3FB4] =	sst s7  }
0x10: {  	[smem:$0x3FB5] =	sst s8  }
0x11: {  	[smem:$0x3FB6] =	sst s9;
	s0 =	simm.s32 @!p0 $0x0  }
0x12: {  	s1 =	sld [smem:$0x3F9C];
	s0 =	simm.s32 @p0 $0x1  }
0x13: {  	[smem:$0x3FB7] =	sst s0;
	s0 =	simm.s32 @!p1 $0x0  }
0x14: {  	s2 =	sld [smem:$0x3F9B];
	s0 =	simm.s32 @p1 $0x1  }
0x15: {  	[smem:$0x3FB8] =	sst s0;
	s0 =	simm.s32 @!p2 $0x0  }
0x16: {  	s3 =	sld [smem:$0x3FDB];
	s0 =	simm.s32 @p2 $0x1  }
0x17: {  	s4 =	simm.s32 $0x1BF5;
	[smem:$0x3FBA] =	sst s0  }
0x18: {  	s0 =	sld [smem:$0x3F9D];
	_ =	swait.ge [sflag:s4], $0x0  }
0x19: {  	s7 =	sld [smem:$0x3F9E]  }
0x1a: {  	s8 =	sadd.s32 $0xFFFFE003, lr  }
0x1b: {  	s9 =	sadd.s32 $0xFFFFFEF7, lr;
	s5 =	simm.s32 $0xFFFFFFFF;
	p2 =	slt.u32 s8, $0xFFFFF086  }
0x1c: {  	p1 =	slt.u32 s9, $0xF7A;
	s5 =	simm.s32 @!p2 $0x0  }
0x1d: {  	s5 =	simm.s32 @p1 $0x1;
	p0 =	seq.s32 s7, s2  }
0x1e: {  	s7 =	smul.u32 @!p0 $0xF7A, s2;
	p2 =	seq.s32 @!p0 s5, $0x0  }
0x1f: {  	s9 =	smul.u32 $0xF7A, s1;
	s8 =	simm.s32 @!p0 $0x1BF5;
	p2 =	por !p2, p0  }
0x20: {  	[sflag:s8] =	ssyncset.s32 @!p0 $0xFFFFF086;
	s6 =	sadd.s32 @!p0 s3, s7;
	s7 =	simm.s32 @!p0 $0x108  }
0x21: {  	s3 =	sadd.s32 s3, s9;
	s6 =	sadd.s32 @!p0 $0x88, s6;
	s7 =	simm.s32 @p2 $0x1082  }
0x22: {  	[simem:s7], [sflag:s8] =	dma.local @!p0 [hbm:s6], $0xF7A  }
0x23: {  	s9 =	sor.u32 $0xD0000000, s2;
	s6 =	simm.s32 $0x108;
	_ =	swait.ge @!p0 [sflag:s8], $0x0  }
0x24: {  	s3 =	sadd.s32 $0x88, s3;
	s6 =	simm.s32 @!p1 $0x1082;
	[sflag:s4] =	ssyncset.s32 $0xFFFFF086  }
0x25: {  	[simem:s6], [sflag:s4] =	dma.local [hbm:s3], $0xF7A  }
0x26: {  	[smem:$0x3F9E] =	sst s1;
	(tag) =	ssettag s2;
	_ =	strace s9  }
0x27: {  	s1 =	sld [smem:$0x3FAE]  }
0x28: {  	s2 =	sld [smem:$0x3FAF]  }
0x29: {  	s4 =	sld [smem:$0x3FB1]  }
0x2a: {  	p0 =	seq.s32 s5, $0x0;
	s5 =	sld [smem:$0x3FB2]  }
0x2b: {  	s6 =	sld [smem:$0x3FB3]  }
0x2c: {  	s7 =	sld [smem:$0x3FB4]  }
0x2d: {  	s3 =	simm.s32 $0x108;
	s8 =	sld [smem:$0x3FB5]  }
0x2e: {  	s3 =	simm.s32 @!p0 $0x1082;
	s9 =	sld [smem:$0x3FB6]  }
0x2f: {  	lr =	sadd.s32 s0, s3;
	s0 =	sld [smem:$0x3FAD]  }
0x30: {  	s3 =	sld [smem:$0x3FB0]  }
0x31: {  	[smem:$0x3FB9] =	sst s10  }
0x32: {  	s10 =	sld [smem:$0x3FB7];
	_ =	sdelay $0x3  }
0x33: {  	p0 =	seq.s32 s10, $0x1;
	s10 =	sld [smem:$0x3FB9];
	_ =	sdelay $0x3  }
0x34: {  	[smem:$0x3FB9] =	sst s10  }
0x35: {  	s10 =	sld [smem:$0x3FB8];
	_ =	sdelay $0x3  }
0x36: {  	p1 =	seq.s32 s10, $0x1;
	s10 =	sld [smem:$0x3FB9];
	_ =	sdelay $0x3  }
0x37: {  	[smem:$0x3FB9] =	sst s10  }
0x38: {  	s10 =	sld [smem:$0x3FBA]  }
0x39: {  	_ = 	snop;
	(pc) =	sbr.ind lr, $3  }
0x3a: {  	_ = 	snop  }
0x3b: {  	_ = 	snop  }
0x3c: {  	p2 =	seq.s32 s10, $0x1;
	s10 =	sld [smem:$0x3FB9]  }
0x3d: {  	_ =	shalt  }
0x3e: {  	_ =	shalt  }
0x3f: {  	_ =	shalt  }
0x40: {  	_ =	shalt  }
0x41: {  	_ =	shalt  }
0x42: {  	_ =	shalt  }
0x43: {  	_ =	shalt  }
0x44: {  	_ =	shalt  }
0x45: {  	_ =	shalt  }
0x46: {  	_ =	shalt  }
0x47: {  	_ =	shalt  }
0x48: {  	_ =	shalt  }
0x49: {  	_ =	shalt  }
0x4a: {  	_ =	shalt  }
0x4b: {  	_ =	shalt  }
0x4c: {  	_ =	shalt  }
0x4d: {  	_ =	shalt  }
0x4e: {  	_ =	shalt  }
0x4f: {  	_ =	shalt  }
0x50: {  	_ =	shalt  }
0x51: {  	_ =	shalt  }
0x52: {  	_ =	shalt  }
0x53: {  	_ =	shalt  }
0x54: {  	_ =	shalt  }
0x55: {  	_ =	shalt  }
0x56: {  	_ =	shalt  }
0x57: {  	_ =	shalt  }
0x58: {  	_ =	shalt  }
0x59: {  	_ =	shalt  }
0x5a: {  	_ =	shalt  }
0x5b: {  	_ =	shalt  }
0x5c: {  	_ =	shalt  }
0x5d: {  	_ =	shalt  }
0x5e: {  	_ =	shalt  }
0x5f: {  	_ =	shalt  }
0x60: {  	_ =	shalt  }
0x61: {  	_ =	shalt  }
0x62: {  	_ =	shalt  }
0x63: {  	_ =	shalt  }
0x64: {  	_ =	shalt  }
0x65: {  	_ =	shalt  }
0x66: {  	_ =	shalt  }
0x67: {  	_ =	shalt  }
0x68: {  	_ =	shalt  }
0x69: {  	_ =	shalt  }
0x6a: {  	_ =	shalt  }
0x6b: {  	_ =	shalt  }
0x6c: {  	_ =	shalt  }
0x6d: {  	_ =	shalt  }
0x6e: {  	_ =	shalt  }
0x6f: {  	_ =	shalt  }
0x70: {  	_ =	shalt  }
0x71: {  	_ =	shalt  }
0x72: {  	_ =	shalt  }
0x73: {  	_ =	shalt  }
0x74: {  	_ =	shalt  }
0x75: {  	_ =	shalt  }
0x76: {  	_ =	shalt  }
0x77: {  	_ =	shalt  }
0x78: {  	_ =	shalt  }
0x79: {  	_ =	shalt  }
0x7a: {  	_ =	shalt  }
0x7b: {  	_ =	shalt  }
0x7c: {  	_ =	shalt  }
0x7d: {  	_ =	shalt  }
0x7e: {  	_ =	shalt  }
0x7f: {  	_ =	shalt  }
0x80: {  	_ =	shalt  }
0x81: {  	_ =	shalt  }
0x82: {  	_ =	shalt  }
0x83: {  	_ =	shalt  }
0x84: {  	_ =	shalt  }
0x85: {  	_ =	shalt  }
0x86: {  	_ =	shalt  }
0x87: {  	_ =	shalt  }
.Lfunc_end0:
.L_simem_size_0:
called_computation.1_lowered:
.L_overlay_start_0:
0x88: {  	s2 =	sld [smem:$0x3FD9]  }
0x89: {  	s3 =	sld [smem:$0x3FFE];
	_ =	sdelay $0x1  }
0x8a: {  	s1 =	srdreg.scid  }
0x8b: {  	s0 =	sand.u32 $0x1, s1  }
0x8c: {  	s17 =	sshll.u32 s0, $0xA;
	s2 =	sadd.s32 s3, s2  }
0x8d: {  	s2 =	sadd.s32 s2, s17  }
0x8e: {  	[smem:$0x3FC5] =	sst s2  }
0x8f: {  	_ = 	snop  }
0x90: {  	(tm) =	ssettm $0x1  }
0x91: {  	s18 =	sld [smem:$0x3FFB];
	_ =	sdelay $0x3  }
0x92: {  	_ =	strace s18  }
0x93: {  	s2 =	sld [smem:$0x3FFC];
	_ =	sdelay $0x3  }
0x94: {  	_ =	strace s2  }
0x95: {  	s2 =	sld [smem:$0x3FFD];
	_ =	sdelay $0x3  }
0x96: {  	_ =	strace s2  }
0x97: {  	_ =	strace $0x8FFFFFFF  }
0x98: {  	s19 =	sld [smem:$0x3FDB];
	_ =	sdelay $0x1  }
0x99: {  	s20 =	simm.s32 $_scs_section_size  }
0x9a: {  	s4 =	simm.s32 $_size__tile_overlayer_lowered;
	s5 =	simm.s32 $_tile_overlayer_lowered  }
0x9b: {  	s6 =	simm.s32 $0x1BFF;
	s21 =	sshll.u32 s5, $0x1;
	s3 =	sadd.s32 s20, s19  }
0x9c: {  	s22 =	simm.s32 $0x0;
	s4 =	sshll.u32 s4, $0x1;
	s5 =	sadd.s32 s21, s3  }
0x9d: {  	[timem:s22], [sflag:s6] =	dma.local [hbm:s5], s4  }
0x9e: {  	_ =	swait.ge [sflag:s6], s4  }
0x9f: {  	s4 =	ssub.s32 $0x0, s4;
	[sflag:s6] =	ssyncset.done $0x0  }
0xa0: {  	[sflag:s6] =	ssyncadd.s32 s4;
	_ =	sdelay $0x1  }
0xa1: {  	s23 =	simm.s32 $0x1B8B  }
0xa2: {  	_ =	swait.ge [sflag:s23], $0x1  }
0xa3: {  	[sflag:s23] =	ssyncset.done $0x0  }
0xa4: {  	[sflag:s23] =	ssyncadd.s32 $0xFFFFFFFF  }
0xa5: {  	s4 =	sld [smem:$0x0]  }
0xa6: {  	s5 =	sand.u32 $0xFFFFFFFE, s1  }
0xa7: {  	p0 =	sne.s32 s1, s5  }
0xa8: {  	s5 =	sshll.u32 @p0 s5, $0xE  }
0xa9: {  	s5 =	sadd.s32 @p0 $0x11B8D, s5;
	s6 =	sshll.u32 @p0 s4, $0x11  }
0xaa: {  	s5 =	sor.u32 @p0 s6, s5  }
0xab: {  	[sflag:s5] =	ssyncadd.remote.s32 @p0 $0x1;
	_ =	sdelay $0x1  }
0xac: {  	s5 =	simm.s32 @p0 $0x1B8D  }
0xad: {  	_ =	swait.eq @p0 [sflag:s5], $0x1  }
0xae: {  	[sflag:s5] =	ssyncadd.s32 @p0 $0xFFFFFFFF  }
0xaf: {  	s6 =	sshll.u32 @!p0 s1, $0xE  }
0xb0: {  	s6 =	sor.u32 @!p0 $0x4000, s6;
	s5 =	simm.s32 @!p0 $0x1B8D  }
0xb1: {  	s4 =	sshll.u32 @!p0 s4, $0x11;
	s6 =	sadd.s32 @!p0 $0x11B8D, s6;
	_ =	swait.eq @!p0 [sflag:s5], $0x1  }
0xb2: {  	s4 =	sor.u32 @!p0 s4, s6;
	[sflag:s5] =	ssyncadd.s32 @!p0 $0xFFFFFFFF  }
0xb3: {  	s25 =	simm.s32 $0x1B8E;
	s24 =	sld [smem:$0x3FFE];
	[sflag:s4] =	ssyncadd.remote.s32 @!p0 $0x1  }
0xb4: {  	s26 =	simm.s32 $execute0_lowered;
	[smem:$0x3FD2] =	sst s25  }
0xb5: {  	s5 =	sshll.u32 s26, $0x1;
	_ =	strace $0x8000004C;
	[dreg:$0x1] =	wrdreg $0xFFFFFFFF  }
0xb6: {  	s28 =	simm.s32 $_size_execute0_lowered;
	s3 =	sadd.s32 s3, s5;
	[dreg:$0x0] =	wrdreg $0x0  }
0xb7: {  	s5 =	sshll.u32 s28, $0x1;
	[dreg:$0x2] =	wrdreg s3  }
0xb8: {  	[dreg:$0x3] =	wrdreg s5  }
0xb9: {  	[dreg:$0x4] =	wrdreg $0xC0  }
0xba: {  	_ =	task [dreg:s22], $0x5FFFF  }
0xbb: {  	[dreg:$0x1] =	wrdreg $0xFFFFFFFF  }
0xbc: {  	[dreg:$0x0] =	wrdreg $0x60  }
0xbd: {  	[dreg:$0x2] =	wrdreg s24  }
0xbe: {  	[dreg:$0x3] =	wrdreg $0xA  }
0xbf: {  	_ =	task.clear_ibuf [dreg:s22], $0x4FFFF;
	_ =	strace $0x9000004C  }
0xc0: {  	s29 =	simm.s32 $0xA;
	_ =	strace $0x8000004E  }
0xc1: {  	_ =	swait.ge [sflag:s29], $0x1  }
0xc2: {  	[sflag:s29] =	ssyncadd.s32 $0xFFFFFFFF  }
0xc3: {  	_ =	strace $0x9000004E  }
0xc4: {  	_ =	sfence  }
0xc5: {  	s30 =	sld [smem:$0x0];
	_ =	sdelay $0x2  }
0xc6: {  	s31 =	sshll.u32 s1, $0xD;
	s1 =	sshrl.u32 s1, $0x2  }
0xc7: {  	s4 =	sand.u32 $0x4000, s31;
	s1 =	sadd.s32 s1, s30  }
0xc8: {  	s0 =	sor.u32 s4, s0;
	s1 =	sshll.u32 s1, $0x11  }
0xc9: {  	s0 =	sor.u32 s1, s0  }
0xca: {  	s0 =	sadd.s32 $0x8F2B, s0  }
0xcb: {  	[sflag:s0] =	ssyncadd.remote.s32 $0x1  }
0xcc: {  	_ =	sfence.sel $0xFFFF  }
0xcd: {  	[dreg:$0x0] =	wrdreg $0xFFFFFFFF;
	(pc) =	sbr.abs _section_cstart, $3  }
0xce: {  	[dreg:$0x1] =	wrdreg $0xFFFFFFFF  }
0xcf: {  	_ =	task.clear_ibuf [dreg:s22], $0x2FFFF;
	_ =	strace $0x9FFFFFFF  }
0xd0: {  	(tm) =	ssettm $0x7FFFFFFF  }
0xd1: {  	_ =	shalt  }
tec
execute0_lowered:
.L_overlay_start_1:
0x0: {  	(tag) =	ssettag $0x1  }
0x1: {  	s0 =	rddreg [dreg:$0x0]  }
0x2: {  	s1 =	srdreg.scid;
	s3 =	stileid.u32;
	s2 =	simm.s32 $0x0  }
0x3: {  	s7 =	simm.s32 $0x2;
	s8 =	simm.s32 $0x80;
	s25 =	simm.s32 $0x1  }
0x4: {  	s12 =	simm.s32 $0x2C00;
	s13 =	simm.s32 $0x1C80;
	s14 =	simm.s32 $0x2C80  }
0x5: {  	s15 =	simm.s32 $0x1D00;
	s16 =	simm.s32 $0x2D00;
	s17 =	simm.s32 $0x1D80  }
0x6: {  	s18 =	simm.s32 $0x2D80;
	s19 =	simm.s32 $0x1E00;
	s20 =	simm.s32 $0x2E00  }
0x7: {  	s21 =	simm.s32 $0x1E80;
	s22 =	simm.s32 $0x2E80;
	s23 =	simm.s32 $0x1F00  }
0x8: {  	s24 =	simm.s32 $0x2F00;
	s26 =	simm.s32 $0x1F80;
	s28 =	simm.s32 $0x2F80  }
0x9: {  	s29 =	simm.s32 $0x3000;
	s1 =	sand.u32 $0x1, s1;
	s3 =	sshll.u32 s3, $0x1  }
0xa: {  	s30 =	simm.s32 $0x0;
	[smem:$0x7FF] =	sst s2;
	s3 =	sor.u32 s1, s3  }
0xb: {  	_ =	strace $0x8000004D;
	s1 =	ssub.s32 $0x2, s1;
	s4 =	sshll.u32 s3, $0x9  }
0xc: {  	s5 =	sshll.u32 s3, $0x6;
	s6 =	sshrl.u32 s1, $0x1;
	s3 =	sadd.s32 $0x149200, s0  }
0xd: {  	s4 =	sadd.s32 s4, s0;
	s0 =	sadd.s32 s5, s0;
	s1 =	ssub.s32 s1, s6  }
0xe: {  	s4 =	sadd.s32 $0x140A00, s4;
	s5 =	sadd.s32 $0x23D600, s0;
	s6 =	smax.u32 s1, $0x1  }
.LBB2_1:
0xf: {  	[tilespmem:s2], [sflag:$0x2] =	stream.linear.gather [hbm4b:s4+s2], $0x1000, $0x38;
	[tilespmem:$0x3200] =	vst v63  }
0x10: {  	_ =	swait.ge [sflag:s7], $0x1000  }
0x11: {  	[sflag:s7] =	ssyncset.done $0x0  }
0x12: {  	s0 =	simm.s32 $0x40;
	[sflag:s7] =	ssyncadd.s32 $0xFFFFF000  }
0x13: {  	v0 =	vld [tilespmem:s0+$0xFFFFFFC0];
	_ =	sdelay $0x4  }
0x14: {  	s1 =	simm.s32 $0x0;
	v0 =	vtrunc.f32 v0  }
0x15: {  	s1 =	smul.u32 $0xF4280, s1;
	v0 =	vcvt.f32.s32 v0;
	_ =	sdelay $0x1  }
0x16: {  	s31 =	simm.s32 $0x1040;
	v0 =	vadd.s32 s1, v0  }
0x17: {  	[tilespmem:s31+$0xFFFFFFC0] =	vst v0  }
0x18: {  	v0 =	vld [tilespmem:s0+$0xFFFFFFD0];
	_ =	sdelay $0x4  }
0x19: {  	v0 =	vtrunc.f32 v0  }
0x1a: {  	v0 =	vcvt.f32.s32 v0;
	_ =	sdelay $0x1  }
0x1b: {  	v0 =	vadd.s32 s1, v0  }
0x1c: {  	[tilespmem:s31+$0xFFFFFFD0] =	vst v0  }
0x1d: {  	v0 =	vld [tilespmem:s0+$0xFFFFFFE0];
	_ =	sdelay $0x4  }
0x1e: {  	v0 =	vtrunc.f32 v0  }
0x1f: {  	v0 =	vcvt.f32.s32 v0;
	_ =	sdelay $0x1  }
0x20: {  	v0 =	vadd.s32 s1, v0  }
0x21: {  	[tilespmem:s31+$0xFFFFFFE0] =	vst v0  }
0x22: {  	v0 =	vld [tilespmem:s0+$0xFFFFFFF0];
	_ =	sdelay $0x4  }
0x23: {  	v0 =	vtrunc.f32 v0  }
0x24: {  	v0 =	vcvt.f32.s32 v0;
	_ =	sdelay $0x1  }
0x25: {  	v0 =	vadd.s32 s1, v0  }
0x26: {  	[tilespmem:s31+$0xFFFFFFF0] =	vst v0  }
0x27: {  	v0 =	vld [tilespmem:s0+$0x0];
	_ =	sdelay $0x4  }
0x28: {  	v0 =	vtrunc.f32 v0  }
0x29: {  	v0 =	vcvt.f32.s32 v0;
	_ =	sdelay $0x1  }
0x2a: {  	v0 =	vadd.s32 s1, v0  }
0x2b: {  	[tilespmem:s31+$0x0] =	vst v0  }
0x2c: {  	v0 =	vld [tilespmem:s0+$0x10];
	_ =	sdelay $0x4  }
0x2d: {  	v0 =	vtrunc.f32 v0  }
0x2e: {  	v0 =	vcvt.f32.s32 v0;
	_ =	sdelay $0x1  }
0x2f: {  	v0 =	vadd.s32 s1, v0  }
0x30: {  	[tilespmem:s31+$0x10] =	vst v0  }
0x31: {  	v0 =	vld [tilespmem:s0+$0x20];
	_ =	sdelay $0x4  }
0x32: {  	v0 =	vtrunc.f32 v0  }
0x33: {  	v0 =	vcvt.f32.s32 v0;
	_ =	sdelay $0x1  }
0x34: {  	v0 =	vadd.s32 s1, v0  }
0x35: {  	[tilespmem:s31+$0x20] =	vst v0  }
0x36: {  	v0 =	vld [tilespmem:s0+$0x30];
	_ =	sdelay $0x4  }
0x37: {  	v0 =	vtrunc.f32 v0  }
0x38: {  	v0 =	vcvt.f32.s32 v0;
	_ =	sdelay $0x1  }
0x39: {  	v0 =	vadd.s32 s1, v0  }
0x3a: {  	s0 =	simm.s32 $0xC0;
	[tilespmem:s31+$0x30] =	vst v0  }
0x3b: {  	s9 =	simm.s32 $0x2;
	s1 =	simm.s32 $0x1;
	v0 =	vld [tilespmem:s0+$0xFFFFFFC0]  }
.LBB2_2:
0x3c: {  	p0 =	sne.s32 s9, $0x1F;
	_ =	sdelay $0x3  }
0x3d: {  	s10 =	sshrl.u32 s1, $0x2;
	s1 =	smov.u32 s9;
	v0 =	vtrunc.f32 v0  }
0x3e: {  	s10 =	smul.u32 $0xF4280, s10;
	v0 =	vcvt.f32.s32 v0;
	_ =	sdelay $0x1  }
0x3f: {  	s31 =	sadd.s32 $0x80, s31;
	v0 =	vadd.s32 s10, v0  }
0x40: {  	[tilespmem:s31+$0xFFFFFFC0] =	vst v0  }
0x41: {  	v0 =	vld [tilespmem:s0+$0xFFFFFFD0];
	_ =	sdelay $0x4  }
0x42: {  	v0 =	vtrunc.f32 v0  }
0x43: {  	v0 =	vcvt.f32.s32 v0;
	_ =	sdelay $0x1  }
0x44: {  	v0 =	vadd.s32 s10, v0  }
0x45: {  	[tilespmem:s31+$0xFFFFFFD0] =	vst v0  }
0x46: {  	v0 =	vld [tilespmem:s0+$0xFFFFFFE0];
	_ =	sdelay $0x4  }
0x47: {  	v0 =	vtrunc.f32 v0  }
0x48: {  	v0 =	vcvt.f32.s32 v0;
	_ =	sdelay $0x1  }
0x49: {  	v0 =	vadd.s32 s10, v0  }
0x4a: {  	[tilespmem:s31+$0xFFFFFFE0] =	vst v0  }
0x4b: {  	v0 =	vld [tilespmem:s0+$0xFFFFFFF0];
	_ =	sdelay $0x4  }
0x4c: {  	v0 =	vtrunc.f32 v0  }
0x4d: {  	v0 =	vcvt.f32.s32 v0;
	_ =	sdelay $0x1  }
0x4e: {  	v0 =	vadd.s32 s10, v0  }
0x4f: {  	[tilespmem:s31+$0xFFFFFFF0] =	vst v0  }
0x50: {  	v0 =	vld [tilespmem:s0+$0x0];
	_ =	sdelay $0x4  }
0x51: {  	v0 =	vtrunc.f32 v0  }
0x52: {  	v0 =	vcvt.f32.s32 v0;
	_ =	sdelay $0x1  }
0x53: {  	v0 =	vadd.s32 s10, v0  }
0x54: {  	[tilespmem:s31+$0x0] =	vst v0  }
0x55: {  	v0 =	vld [tilespmem:s0+$0x10];
	_ =	sdelay $0x4  }
0x56: {  	v0 =	vtrunc.f32 v0  }
0x57: {  	v0 =	vcvt.f32.s32 v0;
	_ =	sdelay $0x1  }
0x58: {  	v0 =	vadd.s32 s10, v0  }
0x59: {  	[tilespmem:s31+$0x10] =	vst v0  }
0x5a: {  	v0 =	vld [tilespmem:s0+$0x20];
	_ =	sdelay $0x4  }
0x5b: {  	v0 =	vtrunc.f32 v0  }
0x5c: {  	v0 =	vcvt.f32.s32 v0;
	_ =	sdelay $0x1  }
0x5d: {  	v0 =	vadd.s32 s10, v0  }
0x5e: {  	[tilespmem:s31+$0x20] =	vst v0  }
0x5f: {  	v0 =	vld [tilespmem:s0+$0x30];
	_ =	sdelay $0x4  }
0x60: {  	v0 =	vtrunc.f32 v0  }
.Ltmp0:
0x61: {  	v0 =	vcvt.f32.s32 v0;
	(pc) =	sbr.rel @p0 .LBB2_2-.Ltmp0, $4  }
0x62: {  	_ = 	snop  }
0x63: {  	v0 =	vadd.s32 s10, v0  }
0x64: {  	s0 =	sadd.s32 $0x80, s0;
	[tilespmem:s31+$0x30] =	vst v0  }
0x65: {  	s9 =	sadd.s32 $0x1, s9;
	v0 =	vld [tilespmem:s0+$0xFFFFFFC0]  }
0x66: {  	_ =	sdelay $0x3  }
0x67: {  	s1 =	sshrl.u32 s1, $0x2;
	v0 =	vtrunc.f32 v0  }
0x68: {  	s1 =	smul.u32 $0xF4280, s1;
	v0 =	vcvt.f32.s32 v0;
	_ =	sdelay $0x1  }
0x69: {  	s9 =	sadd.s32 $0x80, s31;
	v0 =	vadd.s32 s1, v0  }
0x6a: {  	[tilespmem:s9+$0xFFFFFFC0] =	vst v0  }
0x6b: {  	v0 =	vld [tilespmem:s0+$0xFFFFFFD0];
	_ =	sdelay $0x4  }
0x6c: {  	v0 =	vtrunc.f32 v0  }
0x6d: {  	v0 =	vcvt.f32.s32 v0;
	_ =	sdelay $0x1  }
0x6e: {  	v0 =	vadd.s32 s1, v0  }
0x6f: {  	[tilespmem:s9+$0xFFFFFFD0] =	vst v0  }
0x70: {  	v0 =	vld [tilespmem:s0+$0xFFFFFFE0];
	_ =	sdelay $0x4  }
0x71: {  	v0 =	vtrunc.f32 v0  }
0x72: {  	v0 =	vcvt.f32.s32 v0;
	_ =	sdelay $0x1  }
0x73: {  	v0 =	vadd.s32 s1, v0  }
0x74: {  	[tilespmem:s9+$0xFFFFFFE0] =	vst v0  }
0x75: {  	v0 =	vld [tilespmem:s0+$0xFFFFFFF0];
	_ =	sdelay $0x4  }
0x76: {  	v0 =	vtrunc.f32 v0  }
0x77: {  	v0 =	vcvt.f32.s32 v0;
	_ =	sdelay $0x1  }
0x78: {  	v0 =	vadd.s32 s1, v0  }
0x79: {  	[tilespmem:s9+$0xFFFFFFF0] =	vst v0  }
0x7a: {  	v0 =	vld [tilespmem:s0+$0x0];
	_ =	sdelay $0x4  }
0x7b: {  	v0 =	vtrunc.f32 v0  }
0x7c: {  	v0 =	vcvt.f32.s32 v0;
	_ =	sdelay $0x1  }
0x7d: {  	v0 =	vadd.s32 s1, v0  }
0x7e: {  	[tilespmem:s9+$0x0] =	vst v0  }
0x7f: {  	v0 =	vld [tilespmem:s0+$0x10];
	_ =	sdelay $0x4  }
0x80: {  	v0 =	vtrunc.f32 v0  }
0x81: {  	v0 =	vcvt.f32.s32 v0;
	_ =	sdelay $0x1  }
0x82: {  	v0 =	vadd.s32 s1, v0  }
0x83: {  	[tilespmem:s9+$0x10] =	vst v0  }
0x84: {  	v0 =	vld [tilespmem:s0+$0x20];
	_ =	sdelay $0x4  }
0x85: {  	v0 =	vtrunc.f32 v0  }
0x86: {  	v0 =	vcvt.f32.s32 v0;
	_ =	sdelay $0x1  }
0x87: {  	v0 =	vadd.s32 s1, v0  }
0x88: {  	[tilespmem:s9+$0x20] =	vst v0  }
0x89: {  	v0 =	vld [tilespmem:s0+$0x30];
	_ =	sdelay $0x4  }
0x8a: {  	v0 =	vtrunc.f32 v0  }
0x8b: {  	v0 =	vcvt.f32.s32 v0;
	_ =	sdelay $0x1  }
0x8c: {  	v0 =	vadd.s32 s1, v0  }
0x8d: {  	s1 =	simm.s32 $0x1000;
	[tilespmem:s9+$0x30] =	vst v0;
	s9 =	simm.s32 $0x2000  }
0x8e: {  	[tilespmem:s9], [sflag:$0x1] =	stream.indirect.gather [hbm4b:s3+s8], $0x1, s1, s8, $0xb8;
	[tilespmem:$0x3200] =	vst v63  }
0x8f: {  	s10 =	simm.s32 $0x1080;
	s11 =	simm.s32 $0x2080  }
0x90: {  	[tilespmem:s11], [sflag:$0x1] =	stream.indirect.gather [hbm4b:s3+s8], $0x1, s10, s8, $0xb8;
	[tilespmem:$0x3200] =	vst v63  }
0x91: {  	s1 =	simm.s32 $0x1100;
	s9 =	simm.s32 $0x2100  }
0x92: {  	[tilespmem:s9], [sflag:$0x1] =	stream.indirect.gather [hbm4b:s3+s8], $0x1, s1, s8, $0xb8;
	[tilespmem:$0x3200] =	vst v63  }
0x93: {  	s10 =	simm.s32 $0x1180;
	s11 =	simm.s32 $0x2180  }
0x94: {  	[tilespmem:s11], [sflag:$0x1] =	stream.indirect.gather [hbm4b:s3+s8], $0x1, s10, s8, $0xb8;
	[tilespmem:$0x3200] =	vst v63  }
0x95: {  	s1 =	simm.s32 $0x1200;
	s9 =	simm.s32 $0x2200  }
0x96: {  	[tilespmem:s9], [sflag:$0x1] =	stream.indirect.gather [hbm4b:s3+s8], $0x1, s1, s8, $0xb8;
	[tilespmem:$0x3200] =	vst v63  }
0x97: {  	s10 =	simm.s32 $0x1280;
	s11 =	simm.s32 $0x2280  }
0x98: {  	[tilespmem:s11], [sflag:$0x1] =	stream.indirect.gather [hbm4b:s3+s8], $0x1, s10, s8, $0xb8;
	[tilespmem:$0x3200] =	vst v63  }
0x99: {  	s1 =	simm.s32 $0x1300;
	s9 =	simm.s32 $0x2300  }
0x9a: {  	[tilespmem:s9], [sflag:$0x1] =	stream.indirect.gather [hbm4b:s3+s8], $0x1, s1, s8, $0xb8;
	[tilespmem:$0x3200] =	vst v63  }
0x9b: {  	s10 =	simm.s32 $0x1380;
	s11 =	simm.s32 $0x2380  }
0x9c: {  	[tilespmem:s11], [sflag:$0x1] =	stream.indirect.gather [hbm4b:s3+s8], $0x1, s10, s8, $0xb8;
	[tilespmem:$0x3200] =	vst v63  }
0x9d: {  	_ =	swait.ge [sflag:s25], $0x80  }
0x9e: {  	[sflag:s25] =	ssyncset.done $0x0  }
0x9f: {  	[sflag:s25] =	ssyncadd.s32 $0xFFFFFF80  }
0xa0: {  	_ =	swait.ge [sflag:s25], $0x80  }
0xa1: {  	[sflag:s25] =	ssyncset.done $0x0  }
0xa2: {  	[sflag:s25] =	ssyncadd.s32 $0xFFFFFF80  }
0xa3: {  	_ =	swait.ge [sflag:s25], $0x80  }
0xa4: {  	[sflag:s25] =	ssyncset.done $0x0  }
0xa5: {  	[sflag:s25] =	ssyncadd.s32 $0xFFFFFF80  }
0xa6: {  	_ =	swait.ge [sflag:s25], $0x80  }
0xa7: {  	[sflag:s25] =	ssyncset.done $0x0  }
0xa8: {  	[sflag:s25] =	ssyncadd.s32 $0xFFFFFF80  }
0xa9: {  	_ =	swait.ge [sflag:s25], $0x80  }
0xaa: {  	[sflag:s25] =	ssyncset.done $0x0  }
0xab: {  	[sflag:s25] =	ssyncadd.s32 $0xFFFFFF80  }
0xac: {  	_ =	swait.ge [sflag:s25], $0x80  }
0xad: {  	[sflag:s25] =	ssyncset.done $0x0  }
0xae: {  	[sflag:s25] =	ssyncadd.s32 $0xFFFFFF80  }
0xaf: {  	_ =	swait.ge [sflag:s25], $0x80  }
0xb0: {  	[sflag:s25] =	ssyncset.done $0x0  }
0xb1: {  	[sflag:s25] =	ssyncadd.s32 $0xFFFFFF80  }
0xb2: {  	_ =	swait.ge [sflag:s25], $0x80  }
0xb3: {  	[sflag:s25] =	ssyncset.done $0x0  }
0xb4: {  	s1 =	simm.s32 $0x1400;
	s9 =	simm.s32 $0x2400;
	[sflag:s25] =	ssyncadd.s32 $0xFFFFFF80  }
0xb5: {  	[tilespmem:s9], [sflag:$0x1] =	stream.indirect.gather [hbm4b:s3+s8], $0x1, s1, s8, $0xb8;
	[tilespmem:$0x3200] =	vst v63  }
0xb6: {  	s10 =	simm.s32 $0x1480;
	s11 =	simm.s32 $0x2480  }
0xb7: {  	[tilespmem:s11], [sflag:$0x1] =	stream.indirect.gather [hbm4b:s3+s8], $0x1, s10, s8, $0xb8;
	[tilespmem:$0x3200] =	vst v63  }
0xb8: {  	s1 =	simm.s32 $0x1500;
	s9 =	simm.s32 $0x2500  }
0xb9: {  	[tilespmem:s9], [sflag:$0x1] =	stream.indirect.gather [hbm4b:s3+s8], $0x1, s1, s8, $0xb8;
	[tilespmem:$0x3200] =	vst v63  }
0xba: {  	s10 =	simm.s32 $0x1580;
	s11 =	simm.s32 $0x2580  }
0xbb: {  	[tilespmem:s11], [sflag:$0x1] =	stream.indirect.gather [hbm4b:s3+s8], $0x1, s10, s8, $0xb8;
	[tilespmem:$0x3200] =	vst v63  }
0xbc: {  	s1 =	simm.s32 $0x1600;
	s9 =	simm.s32 $0x2600  }
0xbd: {  	[tilespmem:s9], [sflag:$0x1] =	stream.indirect.gather [hbm4b:s3+s8], $0x1, s1, s8, $0xb8;
	[tilespmem:$0x3200] =	vst v63  }
0xbe: {  	s10 =	simm.s32 $0x1680;
	s11 =	simm.s32 $0x2680  }
0xbf: {  	[tilespmem:s11], [sflag:$0x1] =	stream.indirect.gather [hbm4b:s3+s8], $0x1, s10, s8, $0xb8;
	[tilespmem:$0x3200] =	vst v63  }
0xc0: {  	s1 =	simm.s32 $0x1700;
	s9 =	simm.s32 $0x2700  }
0xc1: {  	[tilespmem:s9], [sflag:$0x1] =	stream.indirect.gather [hbm4b:s3+s8], $0x1, s1, s8, $0xb8;
	[tilespmem:$0x3200] =	vst v63  }
0xc2: {  	s10 =	simm.s32 $0x1780;
	s11 =	simm.s32 $0x2780  }
0xc3: {  	[tilespmem:s11], [sflag:$0x1] =	stream.indirect.gather [hbm4b:s3+s8], $0x1, s10, s8, $0xb8;
	[tilespmem:$0x3200] =	vst v63  }
0xc4: {  	_ =	swait.ge [sflag:s25], $0x80  }
0xc5: {  	[sflag:s25] =	ssyncset.done $0x0  }
0xc6: {  	[sflag:s25] =	ssyncadd.s32 $0xFFFFFF80  }
0xc7: {  	_ =	swait.ge [sflag:s25], $0x80  }
0xc8: {  	[sflag:s25] =	ssyncset.done $0x0  }
0xc9: {  	[sflag:s25] =	ssyncadd.s32 $0xFFFFFF80  }
0xca: {  	_ =	swait.ge [sflag:s25], $0x80  }
0xcb: {  	[sflag:s25] =	ssyncset.done $0x0  }
0xcc: {  	[sflag:s25] =	ssyncadd.s32 $0xFFFFFF80  }
0xcd: {  	_ =	swait.ge [sflag:s25], $0x80  }
0xce: {  	[sflag:s25] =	ssyncset.done $0x0  }
0xcf: {  	[sflag:s25] =	ssyncadd.s32 $0xFFFFFF80  }
0xd0: {  	_ =	swait.ge [sflag:s25], $0x80  }
0xd1: {  	[sflag:s25] =	ssyncset.done $0x0  }
0xd2: {  	[sflag:s25] =	ssyncadd.s32 $0xFFFFFF80  }
0xd3: {  	_ =	swait.ge [sflag:s25], $0x80  }
0xd4: {  	[sflag:s25] =	ssyncset.done $0x0  }
0xd5: {  	[sflag:s25] =	ssyncadd.s32 $0xFFFFFF80  }
0xd6: {  	_ =	swait.ge [sflag:s25], $0x80  }
0xd7: {  	[sflag:s25] =	ssyncset.done $0x0  }
0xd8: {  	[sflag:s25] =	ssyncadd.s32 $0xFFFFFF80  }
0xd9: {  	_ =	swait.ge [sflag:s25], $0x80  }
0xda: {  	[sflag:s25] =	ssyncset.done $0x0  }
0xdb: {  	s1 =	simm.s32 $0x1800;
	s9 =	simm.s32 $0x2800;
	[sflag:s25] =	ssyncadd.s32 $0xFFFFFF80  }
0xdc: {  	[tilespmem:s9], [sflag:$0x1] =	stream.indirect.gather [hbm4b:s3+s8], $0x1, s1, s8, $0xb8;
	[tilespmem:$0x3200] =	vst v63  }
0xdd: {  	s10 =	simm.s32 $0x1880;
	s11 =	simm.s32 $0x2880  }
0xde: {  	[tilespmem:s11], [sflag:$0x1] =	stream.indirect.gather [hbm4b:s3+s8], $0x1, s10, s8, $0xb8;
	[tilespmem:$0x3200] =	vst v63  }
0xdf: {  	s1 =	simm.s32 $0x1900;
	s9 =	simm.s32 $0x2900  }
0xe0: {  	[tilespmem:s9], [sflag:$0x1] =	stream.indirect.gather [hbm4b:s3+s8], $0x1, s1, s8, $0xb8;
	[tilespmem:$0x3200] =	vst v63  }
0xe1: {  	s10 =	simm.s32 $0x1980;
	s11 =	simm.s32 $0x2980  }
0xe2: {  	[tilespmem:s11], [sflag:$0x1] =	stream.indirect.gather [hbm4b:s3+s8], $0x1, s10, s8, $0xb8;
	[tilespmem:$0x3200] =	vst v63  }
0xe3: {  	s1 =	simm.s32 $0x1A00;
	s9 =	simm.s32 $0x2A00  }
0xe4: {  	[tilespmem:s9], [sflag:$0x1] =	stream.indirect.gather [hbm4b:s3+s8], $0x1, s1, s8, $0xb8;
	[tilespmem:$0x3200] =	vst v63  }
0xe5: {  	s10 =	simm.s32 $0x1A80;
	s11 =	simm.s32 $0x2A80  }
0xe6: {  	[tilespmem:s11], [sflag:$0x1] =	stream.indirect.gather [hbm4b:s3+s8], $0x1, s10, s8, $0xb8;
	[tilespmem:$0x3200] =	vst v63  }
0xe7: {  	s1 =	simm.s32 $0x1B00;
	s9 =	simm.s32 $0x2B00  }
0xe8: {  	[tilespmem:s9], [sflag:$0x1] =	stream.indirect.gather [hbm4b:s3+s8], $0x1, s1, s8, $0xb8;
	[tilespmem:$0x3200] =	vst v63  }
0xe9: {  	s10 =	simm.s32 $0x1B80;
	s11 =	simm.s32 $0x2B80  }
0xea: {  	[tilespmem:s11], [sflag:$0x1] =	stream.indirect.gather [hbm4b:s3+s8], $0x1, s10, s8, $0xb8;
	[tilespmem:$0x3200] =	vst v63  }
0xeb: {  	_ =	swait.ge [sflag:s25], $0x80  }
0xec: {  	[sflag:s25] =	ssyncset.done $0x0  }
0xed: {  	[sflag:s25] =	ssyncadd.s32 $0xFFFFFF80  }
0xee: {  	_ =	swait.ge [sflag:s25], $0x80  }
0xef: {  	[sflag:s25] =	ssyncset.done $0x0  }
0xf0: {  	[sflag:s25] =	ssyncadd.s32 $0xFFFFFF80  }
0xf1: {  	_ =	swait.ge [sflag:s25], $0x80  }
0xf2: {  	[sflag:s25] =	ssyncset.done $0x0  }
0xf3: {  	[sflag:s25] =	ssyncadd.s32 $0xFFFFFF80  }
0xf4: {  	_ =	swait.ge [sflag:s25], $0x80  }
0xf5: {  	[sflag:s25] =	ssyncset.done $0x0  }
0xf6: {  	[sflag:s25] =	ssyncadd.s32 $0xFFFFFF80  }
0xf7: {  	_ =	swait.ge [sflag:s25], $0x80  }
0xf8: {  	[sflag:s25] =	ssyncset.done $0x0  }
0xf9: {  	[sflag:s25] =	ssyncadd.s32 $0xFFFFFF80  }
0xfa: {  	_ =	swait.ge [sflag:s25], $0x80  }
0xfb: {  	[sflag:s25] =	ssyncset.done $0x0  }
0xfc: {  	[sflag:s25] =	ssyncadd.s32 $0xFFFFFF80  }
0xfd: {  	_ =	swait.ge [sflag:s25], $0x80  }
0xfe: {  	[sflag:s25] =	ssyncset.done $0x0  }
0xff: {  	[sflag:s25] =	ssyncadd.s32 $0xFFFFFF80  }
0x100: {  	_ =	swait.ge [sflag:s25], $0x80  }
0x101: {  	[sflag:s25] =	ssyncset.done $0x0  }
0x102: {  	s1 =	simm.s32 $0x1C00;
	[sflag:s25] =	ssyncadd.s32 $0xFFFFFF80  }
0x103: {  	[tilespmem:s12], [sflag:$0x1] =	stream.indirect.gather [hbm4b:s3+s8], $0x1, s1, s8, $0xb8;
	[tilespmem:$0x3200] =	vst v63  }
0x104: {  	_ = 	snop  }
0x105: {  	[tilespmem:s14], [sflag:$0x1] =	stream.indirect.gather [hbm4b:s3+s8], $0x1, s13, s8, $0xb8;
	[tilespmem:$0x3200] =	vst v63  }
0x106: {  	_ = 	snop  }
0x107: {  	[tilespmem:s16], [sflag:$0x1] =	stream.indirect.gather [hbm4b:s3+s8], $0x1, s15, s8, $0xb8;
	[tilespmem:$0x3200] =	vst v63  }
0x108: {  	_ = 	snop  }
0x109: {  	[tilespmem:s18], [sflag:$0x1] =	stream.indirect.gather [hbm4b:s3+s8], $0x1, s17, s8, $0xb8;
	[tilespmem:$0x3200] =	vst v63  }
0x10a: {  	_ = 	snop  }
0x10b: {  	[tilespmem:s20], [sflag:$0x1] =	stream.indirect.gather [hbm4b:s3+s8], $0x1, s19, s8, $0xb8;
	[tilespmem:$0x3200] =	vst v63  }
0x10c: {  	_ = 	snop  }
0x10d: {  	[tilespmem:s22], [sflag:$0x1] =	stream.indirect.gather [hbm4b:s3+s8], $0x1, s21, s8, $0xb8;
	[tilespmem:$0x3200] =	vst v63  }
0x10e: {  	_ = 	snop  }
0x10f: {  	[tilespmem:s24], [sflag:$0x1] =	stream.indirect.gather [hbm4b:s3+s8], $0x1, s23, s8, $0xb8;
	[tilespmem:$0x3200] =	vst v63  }
0x110: {  	_ = 	snop  }
0x111: {  	[tilespmem:s28], [sflag:$0x1] =	stream.indirect.gather [hbm4b:s3+s8], $0x1, s26, s8, $0xb8;
	[tilespmem:$0x3200] =	vst v63  }
0x112: {  	_ =	swait.ge [sflag:s25], $0x80  }
0x113: {  	[sflag:s25] =	ssyncset.done $0x0  }
0x114: {  	[sflag:s25] =	ssyncadd.s32 $0xFFFFFF80  }
0x115: {  	_ =	swait.ge [sflag:s25], $0x80  }
0x116: {  	[sflag:s25] =	ssyncset.done $0x0  }
0x117: {  	[sflag:s25] =	ssyncadd.s32 $0xFFFFFF80  }
0x118: {  	_ =	swait.ge [sflag:s25], $0x80  }
0x119: {  	[sflag:s25] =	ssyncset.done $0x0  }
0x11a: {  	[sflag:s25] =	ssyncadd.s32 $0xFFFFFF80  }
0x11b: {  	_ =	swait.ge [sflag:s25], $0x80  }
0x11c: {  	[sflag:s25] =	ssyncset.done $0x0  }
0x11d: {  	[sflag:s25] =	ssyncadd.s32 $0xFFFFFF80  }
0x11e: {  	_ =	swait.ge [sflag:s25], $0x80  }
0x11f: {  	[sflag:s25] =	ssyncset.done $0x0  }
0x120: {  	[sflag:s25] =	ssyncadd.s32 $0xFFFFFF80  }
0x121: {  	_ =	swait.ge [sflag:s25], $0x80  }
0x122: {  	[sflag:s25] =	ssyncset.done $0x0  }
0x123: {  	[sflag:s25] =	ssyncadd.s32 $0xFFFFFF80  }
0x124: {  	_ =	swait.ge [sflag:s25], $0x80  }
0x125: {  	[sflag:s25] =	ssyncset.done $0x0  }
0x126: {  	[sflag:s25] =	ssyncadd.s32 $0xFFFFFF80  }
0x127: {  	s9 =	simm.s32 $0x0;
	s10 =	simm.s32 $0x0;
	_ =	swait.ge [sflag:s25], $0x80  }
0x128: {  	s0 =	sand.u32 $0x70, s9;
	s1 =	sand.u32 $0x180, s10;
	[sflag:s25] =	ssyncset.done $0x0  }
0x129: {  	s0 =	sor.u32 s0, s1;
	[sflag:s25] =	ssyncadd.s32 $0xFFFFFF80  }
0x12a: {  	v0 =	vld [tilespmem:s0+$0x2200]  }
0x12b: {  	v1 =	vld [tilespmem:s0+$0x2000];
	_ =	sdelay $0x1  }
0x12c: {  	v2 =	vld [tilespmem:s0+$0x2400];
	_ =	sdelay $0x1  }
0x12d: {  	v3 =	vld [tilespmem:s0+$0x2600]  }
0x12e: {  	v0 =	vadd.f32 v0, v1  }
0x12f: {  	v1 =	vld [tilespmem:s0+$0x2800]  }
0x130: {  	v0 =	vadd.f32 v2, v0  }
0x131: {  	v2 =	vld [tilespmem:s0+$0x2A00]  }
0x132: {  	v0 =	vadd.f32 v3, v0  }
0x133: {  	v3 =	vld [tilespmem:s0+$0x2C00]  }
0x134: {  	v0 =	vadd.f32 v1, v0  }
0x135: {  	v1 =	vld [tilespmem:s0+$0x2E00]  }
0x136: {  	v0 =	vadd.f32 v2, v0;
	_ =	sdelay $0x1  }
0x137: {  	v0 =	vadd.f32 v3, v0  }
0x138: {  	s11 =	simm.s32 $0x10  }
0x139: {  	s9 =	simm.s32 $0x80;
	s11 =	sand.u32 $0x180, s11;
	s1 =	simm.s32 $0x10;
	v0 =	vadd.f32 v1, v0  }
0x13a: {  	s10 =	simm.s32 $0x0;
	s31 =	sand.u32 $0x70, s1;
	s0 =	simm.s32 $0x40  }
.LBB2_4:
0x13b: {  	p0 =	sne.s32 s9, $0x7C0;
	s11 =	sor.u32 s31, s11;
	[tilespmem:s10+$0x3000] =	vst v0;
	s10 =	smov.u32 s0  }
0x13c: {  	s0 =	smov.u32 s9;
	v0 =	vld [tilespmem:s11+$0x2200]  }
0x13d: {  	v1 =	vld [tilespmem:s11+$0x2000];
	_ =	sdelay $0x1  }
0x13e: {  	v2 =	vld [tilespmem:s11+$0x2400];
	_ =	sdelay $0x1  }
0x13f: {  	v3 =	vld [tilespmem:s11+$0x2600]  }
0x140: {  	v0 =	vadd.f32 v0, v1  }
0x141: {  	v1 =	vld [tilespmem:s11+$0x2800]  }
0x142: {  	v0 =	vadd.f32 v2, v0  }
0x143: {  	v2 =	vld [tilespmem:s11+$0x2A00]  }
0x144: {  	v0 =	vadd.f32 v3, v0  }
0x145: {  	v3 =	vld [tilespmem:s11+$0x2C00]  }
0x146: {  	v0 =	vadd.f32 v1, v0  }
0x147: {  	v1 =	vld [tilespmem:s11+$0x2E00]  }
0x148: {  	v0 =	vadd.f32 v2, v0  }
.Ltmp1:
0x149: {  	(pc) =	sbr.rel @p0 .LBB2_4-.Ltmp1, $3  }
0x14a: {  	v0 =	vadd.f32 v3, v0;
	_ =	sdelay $0x1  }
0x14b: {  	s1 =	sadd.s32 $0x10, s1;
	s10 =	sshra.s32 s10, $0x2;
	s11 =	sshrl.u32 s9, $0x2;
	v0 =	vadd.f32 v1, v0  }
0x14c: {  	s31 =	sand.u32 $0x70, s1;
	s9 =	sadd.s32 $0x40, s9;
	s11 =	sand.u32 $0x180, s11  }
0x14d: {  	s1 =	sor.u32 s31, s11;
	[tilespmem:s10+$0x3000] =	vst v0  }
0x14e: {  	v0 =	vld [tilespmem:s1+$0x2200]  }
0x14f: {  	v1 =	vld [tilespmem:s1+$0x2000];
	_ =	sdelay $0x1  }
0x150: {  	v2 =	vld [tilespmem:s1+$0x2400];
	_ =	sdelay $0x1  }
0x151: {  	v3 =	vld [tilespmem:s1+$0x2600]  }
0x152: {  	v0 =	vadd.f32 v0, v1  }
0x153: {  	v60 =	vld [tilespmem:s1+$0x2800]  }
0x154: {  	v0 =	vadd.f32 v2, v0  }
0x155: {  	v61 =	vld [tilespmem:s1+$0x2A00]  }
0x156: {  	v0 =	vadd.f32 v3, v0  }
0x157: {  	v62 =	vld [tilespmem:s1+$0x2C00]  }
0x158: {  	v0 =	vadd.f32 v60, v0  }
0x159: {  	v63 =	vld [tilespmem:s1+$0x2E00]  }
0x15a: {  	v0 =	vadd.f32 v61, v0;
	_ =	sdelay $0x1  }
0x15b: {  	v0 =	vadd.f32 v62, v0;
	_ =	sdelay $0x1  }
0x15c: {  	s30 =	sadd.s32 $0x1, s30;
	v0 =	vadd.f32 v63, v0  }
0x15d: {  	s0 =	sshra.s32 s0, $0x2;
	p0 =	sne.s32 s30, s6  }
.Ltmp2:
0x15e: {  	[tilespmem:s0+$0x3000] =	vst v0;
	(pc) =	sbr.rel @p0 .LBB2_1-.Ltmp2, $4  }
0x15f: {  	[hbm4b:s5+s2] =	stream.linear.scatter [tilespmem:s29], [sflag:$0x2], $0x200, $0x38;
	[tilespmem:$0x3200] =	vst v63  }
0x160: {  	_ =	swait.ge [sflag:s7], $0x200  }
0x161: {  	[sflag:s7] =	ssyncset.done $0x0  }
0x162: {  	[sflag:s7] =	ssyncadd.s32 $0xFFFFFE00  }
0x163: {  	_ =	sfence.sel $0x180000  }
0x164: {  	[bflag:$0x0] =	sbarrier.arrive $0xFFFF  }
0x165: {  	_ =	strace $0x9000004D  }
0x166: {  	s0 =	stileid.u32;
	[bflag:$0x2] =	sbarrier.arrive $0xFFFF  }
0x167: {  	p0 =	sne.s32 s0, $0x0;
	s0 =	rddreg [dreg:$0x1]  }
0x168: {  	s0 =	sadd.s32 @!p0 $0x100000, s0  }
0x169: {  	[sflag:s0] =	ssyncadd.tile.s32 @!p0 $0x1;
	_ =	shalt  }
.Lfunc_end2:
_tile_overlayer_lowered:
.L_overlay_start_2:
0x16a: {  	(tag) =	ssettag $0x2  }
0x16b: {  	s0 =	rddreg [dreg:$0x0];
	s2 =	stileid.u32  }
0x16c: {  	s1 =	rddreg [dreg:$0x1];
	p0 =	sne.s32 s2, $0x0  }
0x16d: {  	s3 =	rddreg [dreg:$0x2];
	[bflag:$0x3] =	sbarrier.arrive $0xFFFF;
	s2 =	simm.s32 @!p0 $0x1C02  }
0x16e: {  	[timem:s3], [sflag:s2] =	dma.local @!p0 [hbm:s0], s1  }
0x16f: {  	s0 =	simm.s32 @!p0 $0x2  }
0x170: {  	_ =	swait.ge @!p0 [sflag:s0], s1  }
0x171: {  	s1 =	ssub.s32 @!p0 $0x0, s1;
	[sflag:s0] =	ssyncset.done @!p0 $0x0  }
0x172: {  	[sflag:s0] =	ssyncadd.s32 @!p0 s1  }
0x173: {  	[bflag:$0x3] =	sbarrier.arrive $0xFFFF  }
0x174: {  	_ =	shalt  }

// kernel: kernel.16.cloned.1.call-start
scs
__scs_entry_jumppad:
0x0: {  	(pc) =	sbr.rel $0x88, $3  }
0x1: {  	(tag) =	ssettag $0x0;
	lr =	simm.s32 $0x1  }
0x2: {  	[smem:$0x3F9E] =	sst lr;
	_ =	strace $0xD0000000  }
0x3: {  	_ = 	snop  }
0x4: {  	_ = 	snop  }
0x5: {  	_ = 	snop  }
0x6: {  	_ = 	snop  }
0x7: {  	_ = 	snop  }
__scs_overlays_trampoline_lowered:
0x8: {  	[smem:$0x3FAD] =	sst s0  }
0x9: {  	[smem:$0x3FAE] =	sst s1  }
0xa: {  	[smem:$0x3FAF] =	sst s2  }
0xb: {  	[smem:$0x3FB0] =	sst s3  }
0xc: {  	[smem:$0x3FB1] =	sst s4  }
0xd: {  	[smem:$0x3FB2] =	sst s5  }
0xe: {  	[smem:$0x3FB3] =	sst s6  }
0xf: {  	[smem:$0x3FB4] =	sst s7  }
0x10: {  	[smem:$0x3FB5] =	sst s8  }
0x11: {  	[smem:$0x3FB6] =	sst s9;
	s0 =	simm.s32 @!p0 $0x0  }
0x12: {  	s1 =	sld [smem:$0x3F9C];
	s0 =	simm.s32 @p0 $0x1  }
0x13: {  	[smem:$0x3FB7] =	sst s0;
	s0 =	simm.s32 @!p1 $0x0  }
0x14: {  	s2 =	sld [smem:$0x3F9B];
	s0 =	simm.s32 @p1 $0x1  }
0x15: {  	[smem:$0x3FB8] =	sst s0;
	s0 =	simm.s32 @!p2 $0x0  }
0x16: {  	s3 =	sld [smem:$0x3FDB];
	s0 =	simm.s32 @p2 $0x1  }
0x17: {  	s4 =	simm.s32 $0x1BF5;
	[smem:$0x3FBA] =	sst s0  }
0x18: {  	s0 =	sld [smem:$0x3F9D];
	_ =	swait.ge [sflag:s4], $0x0  }
0x19: {  	s7 =	sld [smem:$0x3F9E]  }
0x1a: {  	s8 =	sadd.s32 $0xFFFFE003, lr  }
0x1b: {  	s9 =	sadd.s32 $0xFFFFFEF7, lr;
	s5 =	simm.s32 $0xFFFFFFFF;
	p2 =	slt.u32 s8, $0xFFFFF086  }
0x1c: {  	p1 =	slt.u32 s9, $0xF7A;
	s5 =	simm.s32 @!p2 $0x0  }
0x1d: {  	s5 =	simm.s32 @p1 $0x1;
	p0 =	seq.s32 s7, s2  }
0x1e: {  	s7 =	smul.u32 @!p0 $0xF7A, s2;
	p2 =	seq.s32 @!p0 s5, $0x0  }
0x1f: {  	s9 =	smul.u32 $0xF7A, s1;
	s8 =	simm.s32 @!p0 $0x1BF5;
	p2 =	por !p2, p0  }
0x20: {  	[sflag:s8] =	ssyncset.s32 @!p0 $0xFFFFF086;
	s6 =	sadd.s32 @!p0 s3, s7;
	s7 =	simm.s32 @!p0 $0x108  }
0x21: {  	s3 =	sadd.s32 s3, s9;
	s6 =	sadd.s32 @!p0 $0x88, s6;
	s7 =	simm.s32 @p2 $0x1082  }
0x22: {  	[simem:s7], [sflag:s8] =	dma.local @!p0 [hbm:s6], $0xF7A  }
0x23: {  	s9 =	sor.u32 $0xD0000000, s2;
	s6 =	simm.s32 $0x108;
	_ =	swait.ge @!p0 [sflag:s8], $0x0  }
0x24: {  	s3 =	sadd.s32 $0x88, s3;
	s6 =	simm.s32 @!p1 $0x1082;
	[sflag:s4] =	ssyncset.s32 $0xFFFFF086  }
0x25: {  	[simem:s6], [sflag:s4] =	dma.local [hbm:s3], $0xF7A  }
0x26: {  	[smem:$0x3F9E] =	sst s1;
	(tag) =	ssettag s2;
	_ =	strace s9  }
0x27: {  	s1 =	sld [smem:$0x3FAE]  }
0x28: {  	s2 =	sld [smem:$0x3FAF]  }
0x29: {  	s4 =	sld [smem:$0x3FB1]  }
0x2a: {  	p0 =	seq.s32 s5, $0x0;
	s5 =	sld [smem:$0x3FB2]  }
0x2b: {  	s6 =	sld [smem:$0x3FB3]  }
0x2c: {  	s7 =	sld [smem:$0x3FB4]  }
0x2d: {  	s3 =	simm.s32 $0x108;
	s8 =	sld [smem:$0x3FB5]  }
0x2e: {  	s3 =	simm.s32 @!p0 $0x1082;
	s9 =	sld [smem:$0x3FB6]  }
0x2f: {  	lr =	sadd.s32 s0, s3;
	s0 =	sld [smem:$0x3FAD]  }
0x30: {  	s3 =	sld [smem:$0x3FB0]  }
0x31: {  	[smem:$0x3FB9] =	sst s10  }
0x32: {  	s10 =	sld [smem:$0x3FB7];
	_ =	sdelay $0x3  }
0x33: {  	p0 =	seq.s32 s10, $0x1;
	s10 =	sld [smem:$0x3FB9];
	_ =	sdelay $0x3  }
0x34: {  	[smem:$0x3FB9] =	sst s10  }
0x35: {  	s10 =	sld [smem:$0x3FB8];
	_ =	sdelay $0x3  }
0x36: {  	p1 =	seq.s32 s10, $0x1;
	s10 =	sld [smem:$0x3FB9];
	_ =	sdelay $0x3  }
0x37: {  	[smem:$0x3FB9] =	sst s10  }
0x38: {  	s10 =	sld [smem:$0x3FBA]  }
0x39: {  	_ = 	snop;
	(pc) =	sbr.ind lr, $3  }
0x3a: {  	_ = 	snop  }
0x3b: {  	_ = 	snop  }
0x3c: {  	p2 =	seq.s32 s10, $0x1;
	s10 =	sld [smem:$0x3FB9]  }
0x3d: {  	_ =	shalt  }
0x3e: {  	_ =	shalt  }
0x3f: {  	_ =	shalt  }
0x40: {  	_ =	shalt  }
0x41: {  	_ =	shalt  }
0x42: {  	_ =	shalt  }
0x43: {  	_ =	shalt  }
0x44: {  	_ =	shalt  }
0x45: {  	_ =	shalt  }
0x46: {  	_ =	shalt  }
0x47: {  	_ =	shalt  }
0x48: {  	_ =	shalt  }
0x49: {  	_ =	shalt  }
0x4a: {  	_ =	shalt  }
0x4b: {  	_ =	shalt  }
0x4c: {  	_ =	shalt  }
0x4d: {  	_ =	shalt  }
0x4e: {  	_ =	shalt  }
0x4f: {  	_ =	shalt  }
0x50: {  	_ =	shalt  }
0x51: {  	_ =	shalt  }
0x52: {  	_ =	shalt  }
0x53: {  	_ =	shalt  }
0x54: {  	_ =	shalt  }
0x55: {  	_ =	shalt  }
0x56: {  	_ =	shalt  }
0x57: {  	_ =	shalt  }
0x58: {  	_ =	shalt  }
0x59: {  	_ =	shalt  }
0x5a: {  	_ =	shalt  }
0x5b: {  	_ =	shalt  }
0x5c: {  	_ =	shalt  }
0x5d: {  	_ =	shalt  }
0x5e: {  	_ =	shalt  }
0x5f: {  	_ =	shalt  }
0x60: {  	_ =	shalt  }
0x61: {  	_ =	shalt  }
0x62: {  	_ =	shalt  }
0x63: {  	_ =	shalt  }
0x64: {  	_ =	shalt  }
0x65: {  	_ =	shalt  }
0x66: {  	_ =	shalt  }
0x67: {  	_ =	shalt  }
0x68: {  	_ =	shalt  }
0x69: {  	_ =	shalt  }
0x6a: {  	_ =	shalt  }
0x6b: {  	_ =	shalt  }
0x6c: {  	_ =	shalt  }
0x6d: {  	_ =	shalt  }
0x6e: {  	_ =	shalt  }
0x6f: {  	_ =	shalt  }
0x70: {  	_ =	shalt  }
0x71: {  	_ =	shalt  }
0x72: {  	_ =	shalt  }
0x73: {  	_ =	shalt  }
0x74: {  	_ =	shalt  }
0x75: {  	_ =	shalt  }
0x76: {  	_ =	shalt  }
0x77: {  	_ =	shalt  }
0x78: {  	_ =	shalt  }
0x79: {  	_ =	shalt  }
0x7a: {  	_ =	shalt  }
0x7b: {  	_ =	shalt  }
0x7c: {  	_ =	shalt  }
0x7d: {  	_ =	shalt  }
0x7e: {  	_ =	shalt  }
0x7f: {  	_ =	shalt  }
0x80: {  	_ =	shalt  }
0x81: {  	_ =	shalt  }
0x82: {  	_ =	shalt  }
0x83: {  	_ =	shalt  }
0x84: {  	_ =	shalt  }
0x85: {  	_ =	shalt  }
0x86: {  	_ =	shalt  }
0x87: {  	_ =	shalt  }
.Lfunc_end0:
.L_simem_size_0:
called_computation.2_lowered:
.L_overlay_start_0:
0x88: {  	s2 =	sld [smem:$0x3FD9]  }
0x89: {  	s3 =	sld [smem:$0x3FFE];
	_ =	sdelay $0x1  }
0x8a: {  	s1 =	srdreg.scid  }
0x8b: {  	s0 =	sand.u32 $0x1, s1  }
0x8c: {  	s17 =	sshll.u32 s0, $0xA;
	s2 =	sadd.s32 s3, s2  }
0x8d: {  	s2 =	sadd.s32 s2, s17  }
0x8e: {  	[smem:$0x3FC5] =	sst s2  }
0x8f: {  	_ = 	snop  }
0x90: {  	(tm) =	ssettm $0x1  }
0x91: {  	s18 =	sld [smem:$0x3FFB];
	_ =	sdelay $0x3  }
0x92: {  	_ =	strace s18  }
0x93: {  	s2 =	sld [smem:$0x3FFC];
	_ =	sdelay $0x3  }
0x94: {  	_ =	strace s2  }
0x95: {  	s2 =	sld [smem:$0x3FFD];
	_ =	sdelay $0x3  }
0x96: {  	_ =	strace s2  }
0x97: {  	_ =	strace $0x8FFFFFFF  }
0x98: {  	s19 =	sld [smem:$0x3FDB];
	_ =	sdelay $0x1  }
0x99: {  	s20 =	simm.s32 $_scs_section_size  }
0x9a: {  	s4 =	simm.s32 $_size__tile_overlayer_lowered;
	s5 =	simm.s32 $_tile_overlayer_lowered  }
0x9b: {  	s6 =	simm.s32 $0x1BFF;
	s21 =	sshll.u32 s5, $0x1;
	s3 =	sadd.s32 s20, s19  }
0x9c: {  	s22 =	simm.s32 $0x0;
	s4 =	sshll.u32 s4, $0x1;
	s5 =	sadd.s32 s21, s3  }
0x9d: {  	[timem:s22], [sflag:s6] =	dma.local [hbm:s5], s4  }
0x9e: {  	_ =	swait.ge [sflag:s6], s4  }
0x9f: {  	s4 =	ssub.s32 $0x0, s4;
	[sflag:s6] =	ssyncset.done $0x0  }
0xa0: {  	[sflag:s6] =	ssyncadd.s32 s4;
	_ =	sdelay $0x1  }
0xa1: {  	s23 =	simm.s32 $0x1B8B  }
0xa2: {  	_ =	swait.ge [sflag:s23], $0x1  }
0xa3: {  	[sflag:s23] =	ssyncset.done $0x0  }
0xa4: {  	[sflag:s23] =	ssyncadd.s32 $0xFFFFFFFF  }
0xa5: {  	s4 =	sld [smem:$0x0]  }
0xa6: {  	s5 =	sand.u32 $0xFFFFFFFE, s1  }
0xa7: {  	p0 =	sne.s32 s1, s5  }
0xa8: {  	s5 =	sshll.u32 @p0 s5, $0xE  }
0xa9: {  	s5 =	sadd.s32 @p0 $0x11B8D, s5;
	s6 =	sshll.u32 @p0 s4, $0x11  }
0xaa: {  	s5 =	sor.u32 @p0 s6, s5  }
0xab: {  	[sflag:s5] =	ssyncadd.remote.s32 @p0 $0x1;
	_ =	sdelay $0x1  }
0xac: {  	s5 =	simm.s32 @p0 $0x1B8D  }
0xad: {  	_ =	swait.eq @p0 [sflag:s5], $0x1  }
0xae: {  	[sflag:s5] =	ssyncadd.s32 @p0 $0xFFFFFFFF  }
0xaf: {  	s6 =	sshll.u32 @!p0 s1, $0xE  }
0xb0: {  	s6 =	sor.u32 @!p0 $0x4000, s6;
	s5 =	simm.s32 @!p0 $0x1B8D  }
0xb1: {  	s4 =	sshll.u32 @!p0 s4, $0x11;
	s6 =	sadd.s32 @!p0 $0x11B8D, s6;
	_ =	swait.eq @!p0 [sflag:s5], $0x1  }
0xb2: {  	s4 =	sor.u32 @!p0 s4, s6;
	[sflag:s5] =	ssyncadd.s32 @!p0 $0xFFFFFFFF  }
0xb3: {  	s25 =	simm.s32 $0x1B8E;
	s24 =	sld [smem:$0x3FFE];
	[sflag:s4] =	ssyncadd.remote.s32 @!p0 $0x1  }
0xb4: {  	s26 =	simm.s32 $execute0_lowered;
	[smem:$0x3FD2] =	sst s25  }
0xb5: {  	s5 =	sshll.u32 s26, $0x1;
	_ =	strace $0x80000049;
	[dreg:$0x1] =	wrdreg $0xFFFFFFFF  }
0xb6: {  	s28 =	simm.s32 $_size_execute0_lowered;
	s3 =	sadd.s32 s3, s5;
	[dreg:$0x0] =	wrdreg $0x0  }
0xb7: {  	s5 =	sshll.u32 s28, $0x1;
	[dreg:$0x2] =	wrdreg s3  }
0xb8: {  	[dreg:$0x3] =	wrdreg s5  }
0xb9: {  	[dreg:$0x4] =	wrdreg $0xC0  }
0xba: {  	_ =	task [dreg:s22], $0x5FFFF  }
0xbb: {  	[dreg:$0x1] =	wrdreg $0xFFFFFFFF  }
0xbc: {  	[dreg:$0x0] =	wrdreg $0x60  }
0xbd: {  	[dreg:$0x2] =	wrdreg s24  }
0xbe: {  	[dreg:$0x3] =	wrdreg $0xB  }
0xbf: {  	_ =	task.clear_ibuf [dreg:s22], $0x4FFFF;
	_ =	strace $0x90000049  }
0xc0: {  	s29 =	simm.s32 $0xB;
	_ =	strace $0x8000004B  }
0xc1: {  	_ =	swait.ge [sflag:s29], $0x1  }
0xc2: {  	[sflag:s29] =	ssyncadd.s32 $0xFFFFFFFF  }
0xc3: {  	_ =	strace $0x9000004B  }
0xc4: {  	_ =	sfence  }
0xc5: {  	s30 =	sld [smem:$0x0];
	_ =	sdelay $0x2  }
0xc6: {  	s31 =	sshll.u32 s1, $0xD;
	s1 =	sshrl.u32 s1, $0x2  }
0xc7: {  	s4 =	sand.u32 $0x4000, s31;
	s1 =	sadd.s32 s1, s30  }
0xc8: {  	s0 =	sor.u32 s4, s0;
	s1 =	sshll.u32 s1, $0x11  }
0xc9: {  	s0 =	sor.u32 s1, s0  }
0xca: {  	s0 =	sadd.s32 $0x8F2B, s0  }
0xcb: {  	[sflag:s0] =	ssyncadd.remote.s32 $0x1  }
0xcc: {  	_ =	sfence.sel $0xFFFF  }
0xcd: {  	[dreg:$0x0] =	wrdreg $0xFFFFFFFF;
	(pc) =	sbr.abs _section_cstart, $3  }
0xce: {  	[dreg:$0x1] =	wrdreg $0xFFFFFFFF  }
0xcf: {  	_ =	task.clear_ibuf [dreg:s22], $0x2FFFF;
	_ =	strace $0x9FFFFFFF  }
0xd0: {  	(tm) =	ssettm $0x7FFFFFFF  }
0xd1: {  	_ =	shalt  }
tec
execute0_lowered:
.L_overlay_start_1:
0x0: {  	(tag) =	ssettag $0x1  }
0x1: {  	s0 =	rddreg [dreg:$0x0]  }
0x2: {  	s1 =	srdreg.scid;
	s3 =	stileid.u32;
	s2 =	simm.s32 $0x0  }
0x3: {  	s7 =	simm.s32 $0x2;
	s8 =	simm.s32 $0x80;
	s25 =	simm.s32 $0x1  }
0x4: {  	s12 =	simm.s32 $0x2C00;
	s13 =	simm.s32 $0x1C80;
	s14 =	simm.s32 $0x2C80  }
0x5: {  	s15 =	simm.s32 $0x1D00;
	s16 =	simm.s32 $0x2D00;
	s17 =	simm.s32 $0x1D80  }
0x6: {  	s18 =	simm.s32 $0x2D80;
	s19 =	simm.s32 $0x1E00;
	s20 =	simm.s32 $0x2E00  }
0x7: {  	s21 =	simm.s32 $0x1E80;
	s22 =	simm.s32 $0x2E80;
	s23 =	simm.s32 $0x1F00  }
0x8: {  	s24 =	simm.s32 $0x2F00;
	s26 =	simm.s32 $0x1F80;
	s28 =	simm.s32 $0x2F80  }
0x9: {  	s29 =	simm.s32 $0x3000;
	s1 =	sand.u32 $0x1, s1;
	s3 =	sshll.u32 s3, $0x1  }
0xa: {  	s30 =	simm.s32 $0x0;
	[smem:$0x7FF] =	sst s2;
	s3 =	sor.u32 s1, s3  }
0xb: {  	_ =	strace $0x8000004A;
	s1 =	ssub.s32 $0x2, s1;
	s4 =	sshll.u32 s3, $0x9  }
0xc: {  	s5 =	sshll.u32 s3, $0x6;
	s6 =	sshrl.u32 s1, $0x1;
	s3 =	sadd.s32 $0x48600, s0  }
0xd: {  	s4 =	sadd.s32 s4, s0;
	s0 =	sadd.s32 s5, s0;
	s1 =	ssub.s32 s1, s6  }
0xe: {  	s4 =	sadd.s32 $0x13CA00, s4;
	s5 =	sadd.s32 $0x148A00, s0;
	s6 =	smax.u32 s1, $0x1  }
.LBB2_1:
0xf: {  	[tilespmem:s2], [sflag:$0x2] =	stream.linear.gather [hbm4b:s4+s2], $0x1000, $0x38;
	[tilespmem:$0x3200] =	vst v63  }
0x10: {  	_ =	swait.ge [sflag:s7], $0x1000  }
0x11: {  	[sflag:s7] =	ssyncset.done $0x0  }
0x12: {  	s0 =	simm.s32 $0x40;
	[sflag:s7] =	ssyncadd.s32 $0xFFFFF000  }
0x13: {  	v0 =	vld [tilespmem:s0+$0xFFFFFFC0];
	_ =	sdelay $0x4  }
0x14: {  	s1 =	simm.s32 $0x0;
	v0 =	vtrunc.f32 v0  }
0x15: {  	s1 =	smul.u32 $0xF4280, s1;
	v0 =	vcvt.f32.s32 v0;
	_ =	sdelay $0x1  }
0x16: {  	s31 =	simm.s32 $0x1040;
	v0 =	vadd.s32 s1, v0  }
0x17: {  	[tilespmem:s31+$0xFFFFFFC0] =	vst v0  }
0x18: {  	v0 =	vld [tilespmem:s0+$0xFFFFFFD0];
	_ =	sdelay $0x4  }
0x19: {  	v0 =	vtrunc.f32 v0  }
0x1a: {  	v0 =	vcvt.f32.s32 v0;
	_ =	sdelay $0x1  }
0x1b: {  	v0 =	vadd.s32 s1, v0  }
0x1c: {  	[tilespmem:s31+$0xFFFFFFD0] =	vst v0  }
0x1d: {  	v0 =	vld [tilespmem:s0+$0xFFFFFFE0];
	_ =	sdelay $0x4  }
0x1e: {  	v0 =	vtrunc.f32 v0  }
0x1f: {  	v0 =	vcvt.f32.s32 v0;
	_ =	sdelay $0x1  }
0x20: {  	v0 =	vadd.s32 s1, v0  }
0x21: {  	[tilespmem:s31+$0xFFFFFFE0] =	vst v0  }
0x22: {  	v0 =	vld [tilespmem:s0+$0xFFFFFFF0];
	_ =	sdelay $0x4  }
0x23: {  	v0 =	vtrunc.f32 v0  }
0x24: {  	v0 =	vcvt.f32.s32 v0;
	_ =	sdelay $0x1  }
0x25: {  	v0 =	vadd.s32 s1, v0  }
0x26: {  	[tilespmem:s31+$0xFFFFFFF0] =	vst v0  }
0x27: {  	v0 =	vld [tilespmem:s0+$0x0];
	_ =	sdelay $0x4  }
0x28: {  	v0 =	vtrunc.f32 v0  }
0x29: {  	v0 =	vcvt.f32.s32 v0;
	_ =	sdelay $0x1  }
0x2a: {  	v0 =	vadd.s32 s1, v0  }
0x2b: {  	[tilespmem:s31+$0x0] =	vst v0  }
0x2c: {  	v0 =	vld [tilespmem:s0+$0x10];
	_ =	sdelay $0x4  }
0x2d: {  	v0 =	vtrunc.f32 v0  }
0x2e: {  	v0 =	vcvt.f32.s32 v0;
	_ =	sdelay $0x1  }
0x2f: {  	v0 =	vadd.s32 s1, v0  }
0x30: {  	[tilespmem:s31+$0x10] =	vst v0  }
0x31: {  	v0 =	vld [tilespmem:s0+$0x20];
	_ =	sdelay $0x4  }
0x32: {  	v0 =	vtrunc.f32 v0  }
0x33: {  	v0 =	vcvt.f32.s32 v0;
	_ =	sdelay $0x1  }
0x34: {  	v0 =	vadd.s32 s1, v0  }
0x35: {  	[tilespmem:s31+$0x20] =	vst v0  }
0x36: {  	v0 =	vld [tilespmem:s0+$0x30];
	_ =	sdelay $0x4  }
0x37: {  	v0 =	vtrunc.f32 v0  }
0x38: {  	v0 =	vcvt.f32.s32 v0;
	_ =	sdelay $0x1  }
0x39: {  	v0 =	vadd.s32 s1, v0  }
0x3a: {  	s0 =	simm.s32 $0xC0;
	[tilespmem:s31+$0x30] =	vst v0  }
0x3b: {  	s9 =	simm.s32 $0x2;
	s1 =	simm.s32 $0x1;
	v0 =	vld [tilespmem:s0+$0xFFFFFFC0]  }
.LBB2_2:
0x3c: {  	p0 =	sne.s32 s9, $0x1F;
	_ =	sdelay $0x3  }
0x3d: {  	s10 =	sshrl.u32 s1, $0x2;
	s1 =	smov.u32 s9;
	v0 =	vtrunc.f32 v0  }
0x3e: {  	s10 =	smul.u32 $0xF4280, s10;
	v0 =	vcvt.f32.s32 v0;
	_ =	sdelay $0x1  }
0x3f: {  	s31 =	sadd.s32 $0x80, s31;
	v0 =	vadd.s32 s10, v0  }
0x40: {  	[tilespmem:s31+$0xFFFFFFC0] =	vst v0  }
0x41: {  	v0 =	vld [tilespmem:s0+$0xFFFFFFD0];
	_ =	sdelay $0x4  }
0x42: {  	v0 =	vtrunc.f32 v0  }
0x43: {  	v0 =	vcvt.f32.s32 v0;
	_ =	sdelay $0x1  }
0x44: {  	v0 =	vadd.s32 s10, v0  }
0x45: {  	[tilespmem:s31+$0xFFFFFFD0] =	vst v0  }
0x46: {  	v0 =	vld [tilespmem:s0+$0xFFFFFFE0];
	_ =	sdelay $0x4  }
0x47: {  	v0 =	vtrunc.f32 v0  }
0x48: {  	v0 =	vcvt.f32.s32 v0;
	_ =	sdelay $0x1  }
0x49: {  	v0 =	vadd.s32 s10, v0  }
0x4a: {  	[tilespmem:s31+$0xFFFFFFE0] =	vst v0  }
0x4b: {  	v0 =	vld [tilespmem:s0+$0xFFFFFFF0];
	_ =	sdelay $0x4  }
0x4c: {  	v0 =	vtrunc.f32 v0  }
0x4d: {  	v0 =	vcvt.f32.s32 v0;
	_ =	sdelay $0x1  }
0x4e: {  	v0 =	vadd.s32 s10, v0  }
0x4f: {  	[tilespmem:s31+$0xFFFFFFF0] =	vst v0  }
0x50: {  	v0 =	vld [tilespmem:s0+$0x0];
	_ =	sdelay $0x4  }
0x51: {  	v0 =	vtrunc.f32 v0  }
0x52: {  	v0 =	vcvt.f32.s32 v0;
	_ =	sdelay $0x1  }
0x53: {  	v0 =	vadd.s32 s10, v0  }
0x54: {  	[tilespmem:s31+$0x0] =	vst v0  }
0x55: {  	v0 =	vld [tilespmem:s0+$0x10];
	_ =	sdelay $0x4  }
0x56: {  	v0 =	vtrunc.f32 v0  }
0x57: {  	v0 =	vcvt.f32.s32 v0;
	_ =	sdelay $0x1  }
0x58: {  	v0 =	vadd.s32 s10, v0  }
0x59: {  	[tilespmem:s31+$0x10] =	vst v0  }
0x5a: {  	v0 =	vld [tilespmem:s0+$0x20];
	_ =	sdelay $0x4  }
0x5b: {  	v0 =	vtrunc.f32 v0  }
0x5c: {  	v0 =	vcvt.f32.s32 v0;
	_ =	sdelay $0x1  }
0x5d: {  	v0 =	vadd.s32 s10, v0  }
0x5e: {  	[tilespmem:s31+$0x20] =	vst v0  }
0x5f: {  	v0 =	vld [tilespmem:s0+$0x30];
	_ =	sdelay $0x4  }
0x60: {  	v0 =	vtrunc.f32 v0  }
.Ltmp0:
0x61: {  	v0 =	vcvt.f32.s32 v0;
	(pc) =	sbr.rel @p0 .LBB2_2-.Ltmp0, $4  }
0x62: {  	_ = 	snop  }
0x63: {  	v0 =	vadd.s32 s10, v0  }
0x64: {  	s0 =	sadd.s32 $0x80, s0;
	[tilespmem:s31+$0x30] =	vst v0  }
0x65: {  	s9 =	sadd.s32 $0x1, s9;
	v0 =	vld [tilespmem:s0+$0xFFFFFFC0]  }
0x66: {  	_ =	sdelay $0x3  }
0x67: {  	s1 =	sshrl.u32 s1, $0x2;
	v0 =	vtrunc.f32 v0  }
0x68: {  	s1 =	smul.u32 $0xF4280, s1;
	v0 =	vcvt.f32.s32 v0;
	_ =	sdelay $0x1  }
0x69: {  	s9 =	sadd.s32 $0x80, s31;
	v0 =	vadd.s32 s1, v0  }
0x6a: {  	[tilespmem:s9+$0xFFFFFFC0] =	vst v0  }
0x6b: {  	v0 =	vld [tilespmem:s0+$0xFFFFFFD0];
	_ =	sdelay $0x4  }
0x6c: {  	v0 =	vtrunc.f32 v0  }
0x6d: {  	v0 =	vcvt.f32.s32 v0;
	_ =	sdelay $0x1  }
0x6e: {  	v0 =	vadd.s32 s1, v0  }
0x6f: {  	[tilespmem:s9+$0xFFFFFFD0] =	vst v0  }
0x70: {  	v0 =	vld [tilespmem:s0+$0xFFFFFFE0];
	_ =	sdelay $0x4  }
0x71: {  	v0 =	vtrunc.f32 v0  }
0x72: {  	v0 =	vcvt.f32.s32 v0;
	_ =	sdelay $0x1  }
0x73: {  	v0 =	vadd.s32 s1, v0  }
0x74: {  	[tilespmem:s9+$0xFFFFFFE0] =	vst v0  }
0x75: {  	v0 =	vld [tilespmem:s0+$0xFFFFFFF0];
	_ =	sdelay $0x4  }
0x76: {  	v0 =	vtrunc.f32 v0  }
0x77: {  	v0 =	vcvt.f32.s32 v0;
	_ =	sdelay $0x1  }
0x78: {  	v0 =	vadd.s32 s1, v0  }
0x79: {  	[tilespmem:s9+$0xFFFFFFF0] =	vst v0  }
0x7a: {  	v0 =	vld [tilespmem:s0+$0x0];
	_ =	sdelay $0x4  }
0x7b: {  	v0 =	vtrunc.f32 v0  }
0x7c: {  	v0 =	vcvt.f32.s32 v0;
	_ =	sdelay $0x1  }
0x7d: {  	v0 =	vadd.s32 s1, v0  }
0x7e: {  	[tilespmem:s9+$0x0] =	vst v0  }
0x7f: {  	v0 =	vld [tilespmem:s0+$0x10];
	_ =	sdelay $0x4  }
0x80: {  	v0 =	vtrunc.f32 v0  }
0x81: {  	v0 =	vcvt.f32.s32 v0;
	_ =	sdelay $0x1  }
0x82: {  	v0 =	vadd.s32 s1, v0  }
0x83: {  	[tilespmem:s9+$0x10] =	vst v0  }
0x84: {  	v0 =	vld [tilespmem:s0+$0x20];
	_ =	sdelay $0x4  }
0x85: {  	v0 =	vtrunc.f32 v0  }
0x86: {  	v0 =	vcvt.f32.s32 v0;
	_ =	sdelay $0x1  }
0x87: {  	v0 =	vadd.s32 s1, v0  }
0x88: {  	[tilespmem:s9+$0x20] =	vst v0  }
0x89: {  	v0 =	vld [tilespmem:s0+$0x30];
	_ =	sdelay $0x4  }
0x8a: {  	v0 =	vtrunc.f32 v0  }
0x8b: {  	v0 =	vcvt.f32.s32 v0;
	_ =	sdelay $0x1  }
0x8c: {  	v0 =	vadd.s32 s1, v0  }
0x8d: {  	s1 =	simm.s32 $0x1000;
	[tilespmem:s9+$0x30] =	vst v0;
	s9 =	simm.s32 $0x2000  }
0x8e: {  	[tilespmem:s9], [sflag:$0x1] =	stream.indirect.gather [hbm4b:s3+s8], $0x1, s1, s8, $0xb8;
	[tilespmem:$0x3200] =	vst v63  }
0x8f: {  	s10 =	simm.s32 $0x1080;
	s11 =	simm.s32 $0x2080  }
0x90: {  	[tilespmem:s11], [sflag:$0x1] =	stream.indirect.gather [hbm4b:s3+s8], $0x1, s10, s8, $0xb8;
	[tilespmem:$0x3200] =	vst v63  }
0x91: {  	s1 =	simm.s32 $0x1100;
	s9 =	simm.s32 $0x2100  }
0x92: {  	[tilespmem:s9], [sflag:$0x1] =	stream.indirect.gather [hbm4b:s3+s8], $0x1, s1, s8, $0xb8;
	[tilespmem:$0x3200] =	vst v63  }
0x93: {  	s10 =	simm.s32 $0x1180;
	s11 =	simm.s32 $0x2180  }
0x94: {  	[tilespmem:s11], [sflag:$0x1] =	stream.indirect.gather [hbm4b:s3+s8], $0x1, s10, s8, $0xb8;
	[tilespmem:$0x3200] =	vst v63  }
0x95: {  	s1 =	simm.s32 $0x1200;
	s9 =	simm.s32 $0x2200  }
0x96: {  	[tilespmem:s9], [sflag:$0x1] =	stream.indirect.gather [hbm4b:s3+s8], $0x1, s1, s8, $0xb8;
	[tilespmem:$0x3200] =	vst v63  }
0x97: {  	s10 =	simm.s32 $0x1280;
	s11 =	simm.s32 $0x2280  }
0x98: {  	[tilespmem:s11], [sflag:$0x1] =	stream.indirect.gather [hbm4b:s3+s8], $0x1, s10, s8, $0xb8;
	[tilespmem:$0x3200] =	vst v63  }
0x99: {  	s1 =	simm.s32 $0x1300;
	s9 =	simm.s32 $0x2300  }
0x9a: {  	[tilespmem:s9], [sflag:$0x1] =	stream.indirect.gather [hbm4b:s3+s8], $0x1, s1, s8, $0xb8;
	[tilespmem:$0x3200] =	vst v63  }
0x9b: {  	s10 =	simm.s32 $0x1380;
	s11 =	simm.s32 $0x2380  }
0x9c: {  	[tilespmem:s11], [sflag:$0x1] =	stream.indirect.gather [hbm4b:s3+s8], $0x1, s10, s8, $0xb8;
	[tilespmem:$0x3200] =	vst v63  }
0x9d: {  	_ =	swait.ge [sflag:s25], $0x80  }
0x9e: {  	[sflag:s25] =	ssyncset.done $0x0  }
0x9f: {  	[sflag:s25] =	ssyncadd.s32 $0xFFFFFF80  }
0xa0: {  	_ =	swait.ge [sflag:s25], $0x80  }
0xa1: {  	[sflag:s25] =	ssyncset.done $0x0  }
0xa2: {  	[sflag:s25] =	ssyncadd.s32 $0xFFFFFF80  }
0xa3: {  	_ =	swait.ge [sflag:s25], $0x80  }
0xa4: {  	[sflag:s25] =	ssyncset.done $0x0  }
0xa5: {  	[sflag:s25] =	ssyncadd.s32 $0xFFFFFF80  }
0xa6: {  	_ =	swait.ge [sflag:s25], $0x80  }
0xa7: {  	[sflag:s25] =	ssyncset.done $0x0  }
0xa8: {  	[sflag:s25] =	ssyncadd.s32 $0xFFFFFF80  }
0xa9: {  	_ =	swait.ge [sflag:s25], $0x80  }
0xaa: {  	[sflag:s25] =	ssyncset.done $0x0  }
0xab: {  	[sflag:s25] =	ssyncadd.s32 $0xFFFFFF80  }
0xac: {  	_ =	swait.ge [sflag:s25], $0x80  }
0xad: {  	[sflag:s25] =	ssyncset.done $0x0  }
0xae: {  	[sflag:s25] =	ssyncadd.s32 $0xFFFFFF80  }
0xaf: {  	_ =	swait.ge [sflag:s25], $0x80  }
0xb0: {  	[sflag:s25] =	ssyncset.done $0x0  }
0xb1: {  	[sflag:s25] =	ssyncadd.s32 $0xFFFFFF80  }
0xb2: {  	_ =	swait.ge [sflag:s25], $0x80  }
0xb3: {  	[sflag:s25] =	ssyncset.done $0x0  }
0xb4: {  	s1 =	simm.s32 $0x1400;
	s9 =	simm.s32 $0x2400;
	[sflag:s25] =	ssyncadd.s32 $0xFFFFFF80  }
0xb5: {  	[tilespmem:s9], [sflag:$0x1] =	stream.indirect.gather [hbm4b:s3+s8], $0x1, s1, s8, $0xb8;
	[tilespmem:$0x3200] =	vst v63  }
0xb6: {  	s10 =	simm.s32 $0x1480;
	s11 =	simm.s32 $0x2480  }
0xb7: {  	[tilespmem:s11], [sflag:$0x1] =	stream.indirect.gather [hbm4b:s3+s8], $0x1, s10, s8, $0xb8;
	[tilespmem:$0x3200] =	vst v63  }
0xb8: {  	s1 =	simm.s32 $0x1500;
	s9 =	simm.s32 $0x2500  }
0xb9: {  	[tilespmem:s9], [sflag:$0x1] =	stream.indirect.gather [hbm4b:s3+s8], $0x1, s1, s8, $0xb8;
	[tilespmem:$0x3200] =	vst v63  }
0xba: {  	s10 =	simm.s32 $0x1580;
	s11 =	simm.s32 $0x2580  }
0xbb: {  	[tilespmem:s11], [sflag:$0x1] =	stream.indirect.gather [hbm4b:s3+s8], $0x1, s10, s8, $0xb8;
	[tilespmem:$0x3200] =	vst v63  }
0xbc: {  	s1 =	simm.s32 $0x1600;
	s9 =	simm.s32 $0x2600  }
0xbd: {  	[tilespmem:s9], [sflag:$0x1] =	stream.indirect.gather [hbm4b:s3+s8], $0x1, s1, s8, $0xb8;
	[tilespmem:$0x3200] =	vst v63  }
0xbe: {  	s10 =	simm.s32 $0x1680;
	s11 =	simm.s32 $0x2680  }
0xbf: {  	[tilespmem:s11], [sflag:$0x1] =	stream.indirect.gather [hbm4b:s3+s8], $0x1, s10, s8, $0xb8;
	[tilespmem:$0x3200] =	vst v63  }
0xc0: {  	s1 =	simm.s32 $0x1700;
	s9 =	simm.s32 $0x2700  }
0xc1: {  	[tilespmem:s9], [sflag:$0x1] =	stream.indirect.gather [hbm4b:s3+s8], $0x1, s1, s8, $0xb8;
	[tilespmem:$0x3200] =	vst v63  }
0xc2: {  	s10 =	simm.s32 $0x1780;
	s11 =	simm.s32 $0x2780  }
0xc3: {  	[tilespmem:s11], [sflag:$0x1] =	stream.indirect.gather [hbm4b:s3+s8], $0x1, s10, s8, $0xb8;
	[tilespmem:$0x3200] =	vst v63  }
0xc4: {  	_ =	swait.ge [sflag:s25], $0x80  }
0xc5: {  	[sflag:s25] =	ssyncset.done $0x0  }
0xc6: {  	[sflag:s25] =	ssyncadd.s32 $0xFFFFFF80  }
0xc7: {  	_ =	swait.ge [sflag:s25], $0x80  }
0xc8: {  	[sflag:s25] =	ssyncset.done $0x0  }
0xc9: {  	[sflag:s25] =	ssyncadd.s32 $0xFFFFFF80  }
0xca: {  	_ =	swait.ge [sflag:s25], $0x80  }
0xcb: {  	[sflag:s25] =	ssyncset.done $0x0  }
0xcc: {  	[sflag:s25] =	ssyncadd.s32 $0xFFFFFF80  }
0xcd: {  	_ =	swait.ge [sflag:s25], $0x80  }
0xce: {  	[sflag:s25] =	ssyncset.done $0x0  }
0xcf: {  	[sflag:s25] =	ssyncadd.s32 $0xFFFFFF80  }
0xd0: {  	_ =	swait.ge [sflag:s25], $0x80  }
0xd1: {  	[sflag:s25] =	ssyncset.done $0x0  }
0xd2: {  	[sflag:s25] =	ssyncadd.s32 $0xFFFFFF80  }
0xd3: {  	_ =	swait.ge [sflag:s25], $0x80  }
0xd4: {  	[sflag:s25] =	ssyncset.done $0x0  }
0xd5: {  	[sflag:s25] =	ssyncadd.s32 $0xFFFFFF80  }
0xd6: {  	_ =	swait.ge [sflag:s25], $0x80  }
0xd7: {  	[sflag:s25] =	ssyncset.done $0x0  }
0xd8: {  	[sflag:s25] =	ssyncadd.s32 $0xFFFFFF80  }
0xd9: {  	_ =	swait.ge [sflag:s25], $0x80  }
0xda: {  	[sflag:s25] =	ssyncset.done $0x0  }
0xdb: {  	s1 =	simm.s32 $0x1800;
	s9 =	simm.s32 $0x2800;
	[sflag:s25] =	ssyncadd.s32 $0xFFFFFF80  }
0xdc: {  	[tilespmem:s9], [sflag:$0x1] =	stream.indirect.gather [hbm4b:s3+s8], $0x1, s1, s8, $0xb8;
	[tilespmem:$0x3200] =	vst v63  }
0xdd: {  	s10 =	simm.s32 $0x1880;
	s11 =	simm.s32 $0x2880  }
0xde: {  	[tilespmem:s11], [sflag:$0x1] =	stream.indirect.gather [hbm4b:s3+s8], $0x1, s10, s8, $0xb8;
	[tilespmem:$0x3200] =	vst v63  }
0xdf: {  	s1 =	simm.s32 $0x1900;
	s9 =	simm.s32 $0x2900  }
0xe0: {  	[tilespmem:s9], [sflag:$0x1] =	stream.indirect.gather [hbm4b:s3+s8], $0x1, s1, s8, $0xb8;
	[tilespmem:$0x3200] =	vst v63  }
0xe1: {  	s10 =	simm.s32 $0x1980;
	s11 =	simm.s32 $0x2980  }
0xe2: {  	[tilespmem:s11], [sflag:$0x1] =	stream.indirect.gather [hbm4b:s3+s8], $0x1, s10, s8, $0xb8;
	[tilespmem:$0x3200] =	vst v63  }
0xe3: {  	s1 =	simm.s32 $0x1A00;
	s9 =	simm.s32 $0x2A00  }
0xe4: {  	[tilespmem:s9], [sflag:$0x1] =	stream.indirect.gather [hbm4b:s3+s8], $0x1, s1, s8, $0xb8;
	[tilespmem:$0x3200] =	vst v63  }
0xe5: {  	s10 =	simm.s32 $0x1A80;
	s11 =	simm.s32 $0x2A80  }
0xe6: {  	[tilespmem:s11], [sflag:$0x1] =	stream.indirect.gather [hbm4b:s3+s8], $0x1, s10, s8, $0xb8;
	[tilespmem:$0x3200] =	vst v63  }
0xe7: {  	s1 =	simm.s32 $0x1B00;
	s9 =	simm.s32 $0x2B00  }
0xe8: {  	[tilespmem:s9], [sflag:$0x1] =	stream.indirect.gather [hbm4b:s3+s8], $0x1, s1, s8, $0xb8;
	[tilespmem:$0x3200] =	vst v63  }
0xe9: {  	s10 =	simm.s32 $0x1B80;
	s11 =	simm.s32 $0x2B80  }
0xea: {  	[tilespmem:s11], [sflag:$0x1] =	stream.indirect.gather [hbm4b:s3+s8], $0x1, s10, s8, $0xb8;
	[tilespmem:$0x3200] =	vst v63  }
0xeb: {  	_ =	swait.ge [sflag:s25], $0x80  }
0xec: {  	[sflag:s25] =	ssyncset.done $0x0  }
0xed: {  	[sflag:s25] =	ssyncadd.s32 $0xFFFFFF80  }
0xee: {  	_ =	swait.ge [sflag:s25], $0x80  }
0xef: {  	[sflag:s25] =	ssyncset.done $0x0  }
0xf0: {  	[sflag:s25] =	ssyncadd.s32 $0xFFFFFF80  }
0xf1: {  	_ =	swait.ge [sflag:s25], $0x80  }
0xf2: {  	[sflag:s25] =	ssyncset.done $0x0  }
0xf3: {  	[sflag:s25] =	ssyncadd.s32 $0xFFFFFF80  }
0xf4: {  	_ =	swait.ge [sflag:s25], $0x80  }
0xf5: {  	[sflag:s25] =	ssyncset.done $0x0  }
0xf6: {  	[sflag:s25] =	ssyncadd.s32 $0xFFFFFF80  }
0xf7: {  	_ =	swait.ge [sflag:s25], $0x80  }
0xf8: {  	[sflag:s25] =	ssyncset.done $0x0  }
0xf9: {  	[sflag:s25] =	ssyncadd.s32 $0xFFFFFF80  }
0xfa: {  	_ =	swait.ge [sflag:s25], $0x80  }
0xfb: {  	[sflag:s25] =	ssyncset.done $0x0  }
0xfc: {  	[sflag:s25] =	ssyncadd.s32 $0xFFFFFF80  }
0xfd: {  	_ =	swait.ge [sflag:s25], $0x80  }
0xfe: {  	[sflag:s25] =	ssyncset.done $0x0  }
0xff: {  	[sflag:s25] =	ssyncadd.s32 $0xFFFFFF80  }
0x100: {  	_ =	swait.ge [sflag:s25], $0x80  }
0x101: {  	[sflag:s25] =	ssyncset.done $0x0  }
0x102: {  	s1 =	simm.s32 $0x1C00;
	[sflag:s25] =	ssyncadd.s32 $0xFFFFFF80  }
0x103: {  	[tilespmem:s12], [sflag:$0x1] =	stream.indirect.gather [hbm4b:s3+s8], $0x1, s1, s8, $0xb8;
	[tilespmem:$0x3200] =	vst v63  }
0x104: {  	_ = 	snop  }
0x105: {  	[tilespmem:s14], [sflag:$0x1] =	stream.indirect.gather [hbm4b:s3+s8], $0x1, s13, s8, $0xb8;
	[tilespmem:$0x3200] =	vst v63  }
0x106: {  	_ = 	snop  }
0x107: {  	[tilespmem:s16], [sflag:$0x1] =	stream.indirect.gather [hbm4b:s3+s8], $0x1, s15, s8, $0xb8;
	[tilespmem:$0x3200] =	vst v63  }
0x108: {  	_ = 	snop  }
0x109: {  	[tilespmem:s18], [sflag:$0x1] =	stream.indirect.gather [hbm4b:s3+s8], $0x1, s17, s8, $0xb8;
	[tilespmem:$0x3200] =	vst v63  }
0x10a: {  	_ = 	snop  }
0x10b: {  	[tilespmem:s20], [sflag:$0x1] =	stream.indirect.gather [hbm4b:s3+s8], $0x1, s19, s8, $0xb8;
	[tilespmem:$0x3200] =	vst v63  }
0x10c: {  	_ = 	snop  }
0x10d: {  	[tilespmem:s22], [sflag:$0x1] =	stream.indirect.gather [hbm4b:s3+s8], $0x1, s21, s8, $0xb8;
	[tilespmem:$0x3200] =	vst v63  }
0x10e: {  	_ = 	snop  }
0x10f: {  	[tilespmem:s24], [sflag:$0x1] =	stream.indirect.gather [hbm4b:s3+s8], $0x1, s23, s8, $0xb8;
	[tilespmem:$0x3200] =	vst v63  }
0x110: {  	_ = 	snop  }
0x111: {  	[tilespmem:s28], [sflag:$0x1] =	stream.indirect.gather [hbm4b:s3+s8], $0x1, s26, s8, $0xb8;
	[tilespmem:$0x3200] =	vst v63  }
0x112: {  	_ =	swait.ge [sflag:s25], $0x80  }
0x113: {  	[sflag:s25] =	ssyncset.done $0x0  }
0x114: {  	[sflag:s25] =	ssyncadd.s32 $0xFFFFFF80  }
0x115: {  	_ =	swait.ge [sflag:s25], $0x80  }
0x116: {  	[sflag:s25] =	ssyncset.done $0x0  }
0x117: {  	[sflag:s25] =	ssyncadd.s32 $0xFFFFFF80  }
0x118: {  	_ =	swait.ge [sflag:s25], $0x80  }
0x119: {  	[sflag:s25] =	ssyncset.done $0x0  }
0x11a: {  	[sflag:s25] =	ssyncadd.s32 $0xFFFFFF80  }
0x11b: {  	_ =	swait.ge [sflag:s25], $0x80  }
0x11c: {  	[sflag:s25] =	ssyncset.done $0x0  }
0x11d: {  	[sflag:s25] =	ssyncadd.s32 $0xFFFFFF80  }
0x11e: {  	_ =	swait.ge [sflag:s25], $0x80  }
0x11f: {  	[sflag:s25] =	ssyncset.done $0x0  }
0x120: {  	[sflag:s25] =	ssyncadd.s32 $0xFFFFFF80  }
0x121: {  	_ =	swait.ge [sflag:s25], $0x80  }
0x122: {  	[sflag:s25] =	ssyncset.done $0x0  }
0x123: {  	[sflag:s25] =	ssyncadd.s32 $0xFFFFFF80  }
0x124: {  	_ =	swait.ge [sflag:s25], $0x80  }
0x125: {  	[sflag:s25] =	ssyncset.done $0x0  }
0x126: {  	[sflag:s25] =	ssyncadd.s32 $0xFFFFFF80  }
0x127: {  	s9 =	simm.s32 $0x0;
	s10 =	simm.s32 $0x0;
	_ =	swait.ge [sflag:s25], $0x80  }
0x128: {  	s0 =	sand.u32 $0x70, s9;
	s1 =	sand.u32 $0x180, s10;
	[sflag:s25] =	ssyncset.done $0x0  }
0x129: {  	s0 =	sor.u32 s0, s1;
	[sflag:s25] =	ssyncadd.s32 $0xFFFFFF80  }
0x12a: {  	v0 =	vld [tilespmem:s0+$0x2200]  }
0x12b: {  	v1 =	vld [tilespmem:s0+$0x2000];
	_ =	sdelay $0x1  }
0x12c: {  	v2 =	vld [tilespmem:s0+$0x2400];
	_ =	sdelay $0x1  }
0x12d: {  	v3 =	vld [tilespmem:s0+$0x2600]  }
0x12e: {  	v0 =	vadd.f32 v0, v1  }
0x12f: {  	v1 =	vld [tilespmem:s0+$0x2800]  }
0x130: {  	v0 =	vadd.f32 v2, v0  }
0x131: {  	v2 =	vld [tilespmem:s0+$0x2A00]  }
0x132: {  	v0 =	vadd.f32 v3, v0  }
0x133: {  	v3 =	vld [tilespmem:s0+$0x2C00]  }
0x134: {  	v0 =	vadd.f32 v1, v0  }
0x135: {  	v1 =	vld [tilespmem:s0+$0x2E00]  }
0x136: {  	v0 =	vadd.f32 v2, v0;
	_ =	sdelay $0x1  }
0x137: {  	v0 =	vadd.f32 v3, v0  }
0x138: {  	s11 =	simm.s32 $0x10  }
0x139: {  	s9 =	simm.s32 $0x80;
	s11 =	sand.u32 $0x180, s11;
	s1 =	simm.s32 $0x10;
	v0 =	vadd.f32 v1, v0  }
0x13a: {  	s10 =	simm.s32 $0x0;
	s31 =	sand.u32 $0x70, s1;
	s0 =	simm.s32 $0x40  }
.LBB2_4:
0x13b: {  	p0 =	sne.s32 s9, $0x7C0;
	s11 =	sor.u32 s31, s11;
	[tilespmem:s10+$0x3000] =	vst v0;
	s10 =	smov.u32 s0  }
0x13c: {  	s0 =	smov.u32 s9;
	v0 =	vld [tilespmem:s11+$0x2200]  }
0x13d: {  	v1 =	vld [tilespmem:s11+$0x2000];
	_ =	sdelay $0x1  }
0x13e: {  	v2 =	vld [tilespmem:s11+$0x2400];
	_ =	sdelay $0x1  }
0x13f: {  	v3 =	vld [tilespmem:s11+$0x2600]  }
0x140: {  	v0 =	vadd.f32 v0, v1  }
0x141: {  	v1 =	vld [tilespmem:s11+$0x2800]  }
0x142: {  	v0 =	vadd.f32 v2, v0  }
0x143: {  	v2 =	vld [tilespmem:s11+$0x2A00]  }
0x144: {  	v0 =	vadd.f32 v3, v0  }
0x145: {  	v3 =	vld [tilespmem:s11+$0x2C00]  }
0x146: {  	v0 =	vadd.f32 v1, v0  }
0x147: {  	v1 =	vld [tilespmem:s11+$0x2E00]  }
0x148: {  	v0 =	vadd.f32 v2, v0  }
.Ltmp1:
0x149: {  	(pc) =	sbr.rel @p0 .LBB2_4-.Ltmp1, $3  }
0x14a: {  	v0 =	vadd.f32 v3, v0;
	_ =	sdelay $0x1  }
0x14b: {  	s1 =	sadd.s32 $0x10, s1;
	s10 =	sshra.s32 s10, $0x2;
	s11 =	sshrl.u32 s9, $0x2;
	v0 =	vadd.f32 v1, v0  }
0x14c: {  	s31 =	sand.u32 $0x70, s1;
	s9 =	sadd.s32 $0x40, s9;
	s11 =	sand.u32 $0x180, s11  }
0x14d: {  	s1 =	sor.u32 s31, s11;
	[tilespmem:s10+$0x3000] =	vst v0  }
0x14e: {  	v0 =	vld [tilespmem:s1+$0x2200]  }
0x14f: {  	v1 =	vld [tilespmem:s1+$0x2000];
	_ =	sdelay $0x1  }
0x150: {  	v2 =	vld [tilespmem:s1+$0x2400];
	_ =	sdelay $0x1  }
0x151: {  	v3 =	vld [tilespmem:s1+$0x2600]  }
0x152: {  	v0 =	vadd.f32 v0, v1  }
0x153: {  	v60 =	vld [tilespmem:s1+$0x2800]  }
0x154: {  	v0 =	vadd.f32 v2, v0  }
0x155: {  	v61 =	vld [tilespmem:s1+$0x2A00]  }
0x156: {  	v0 =	vadd.f32 v3, v0  }
0x157: {  	v62 =	vld [tilespmem:s1+$0x2C00]  }
0x158: {  	v0 =	vadd.f32 v60, v0  }
0x159: {  	v63 =	vld [tilespmem:s1+$0x2E00]  }
0x15a: {  	v0 =	vadd.f32 v61, v0;
	_ =	sdelay $0x1  }
0x15b: {  	v0 =	vadd.f32 v62, v0;
	_ =	sdelay $0x1  }
0x15c: {  	s30 =	sadd.s32 $0x1, s30;
	v0 =	vadd.f32 v63, v0  }
0x15d: {  	s0 =	sshra.s32 s0, $0x2;
	p0 =	sne.s32 s30, s6  }
.Ltmp2:
0x15e: {  	[tilespmem:s0+$0x3000] =	vst v0;
	(pc) =	sbr.rel @p0 .LBB2_1-.Ltmp2, $4  }
0x15f: {  	[hbm4b:s5+s2] =	stream.linear.scatter [tilespmem:s29], [sflag:$0x2], $0x200, $0x38;
	[tilespmem:$0x3200] =	vst v63  }
0x160: {  	_ =	swait.ge [sflag:s7], $0x200  }
0x161: {  	[sflag:s7] =	ssyncset.done $0x0  }
0x162: {  	[sflag:s7] =	ssyncadd.s32 $0xFFFFFE00  }
0x163: {  	_ =	sfence.sel $0x180000  }
0x164: {  	[bflag:$0x0] =	sbarrier.arrive $0xFFFF  }
0x165: {  	_ =	strace $0x9000004A  }
0x166: {  	s0 =	stileid.u32;
	[bflag:$0x2] =	sbarrier.arrive $0xFFFF  }
0x167: {  	p0 =	sne.s32 s0, $0x0;
	s0 =	rddreg [dreg:$0x1]  }
0x168: {  	s0 =	sadd.s32 @!p0 $0x100000, s0  }
0x169: {  	[sflag:s0] =	ssyncadd.tile.s32 @!p0 $0x1;
	_ =	shalt  }
.Lfunc_end2:
_tile_overlayer_lowered:
.L_overlay_start_2:
0x16a: {  	(tag) =	ssettag $0x2  }
0x16b: {  	s0 =	rddreg [dreg:$0x0];
	s2 =	stileid.u32  }
0x16c: {  	s1 =	rddreg [dreg:$0x1];
	p0 =	sne.s32 s2, $0x0  }
0x16d: {  	s3 =	rddreg [dreg:$0x2];
	[bflag:$0x3] =	sbarrier.arrive $0xFFFF;
	s2 =	simm.s32 @!p0 $0x1C02  }
0x16e: {  	[timem:s3], [sflag:s2] =	dma.local @!p0 [hbm:s0], s1  }
0x16f: {  	s0 =	simm.s32 @!p0 $0x2  }
0x170: {  	_ =	swait.ge @!p0 [sflag:s0], s1  }
0x171: {  	s1 =	ssub.s32 @!p0 $0x0, s1;
	[sflag:s0] =	ssyncset.done @!p0 $0x0  }
0x172: {  	[sflag:s0] =	ssyncadd.s32 @!p0 s1  }
0x173: {  	[bflag:$0x3] =	sbarrier.arrive $0xFFFF  }
0x174: {  	_ =	shalt  }

// kernel: kernel.19.cloned.1.call-start
scs
__scs_entry_jumppad:
0x0: {  	(pc) =	sbr.rel $0x88, $3  }
0x1: {  	(tag) =	ssettag $0x0;
	lr =	simm.s32 $0x1  }
0x2: {  	[smem:$0x3F9E] =	sst lr;
	_ =	strace $0xD0000000  }
0x3: {  	_ = 	snop  }
0x4: {  	_ = 	snop  }
0x5: {  	_ = 	snop  }
0x6: {  	_ = 	snop  }
0x7: {  	_ = 	snop  }
__scs_overlays_trampoline_lowered:
0x8: {  	[smem:$0x3FAD] =	sst s0  }
0x9: {  	[smem:$0x3FAE] =	sst s1  }
0xa: {  	[smem:$0x3FAF] =	sst s2  }
0xb: {  	[smem:$0x3FB0] =	sst s3  }
0xc: {  	[smem:$0x3FB1] =	sst s4  }
0xd: {  	[smem:$0x3FB2] =	sst s5  }
0xe: {  	[smem:$0x3FB3] =	sst s6  }
0xf: {  	[smem:$0x3FB4] =	sst s7  }
0x10: {  	[smem:$0x3FB5] =	sst s8  }
0x11: {  	[smem:$0x3FB6] =	sst s9;
	s0 =	simm.s32 @!p0 $0x0  }
0x12: {  	s1 =	sld [smem:$0x3F9C];
	s0 =	simm.s32 @p0 $0x1  }
0x13: {  	[smem:$0x3FB7] =	sst s0;
	s0 =	simm.s32 @!p1 $0x0  }
0x14: {  	s2 =	sld [smem:$0x3F9B];
	s0 =	simm.s32 @p1 $0x1  }
0x15: {  	[smem:$0x3FB8] =	sst s0;
	s0 =	simm.s32 @!p2 $0x0  }
0x16: {  	s3 =	sld [smem:$0x3FDB];
	s0 =	simm.s32 @p2 $0x1  }
0x17: {  	s4 =	simm.s32 $0x1BF5;
	[smem:$0x3FBA] =	sst s0  }
0x18: {  	s0 =	sld [smem:$0x3F9D];
	_ =	swait.ge [sflag:s4], $0x0  }
0x19: {  	s7 =	sld [smem:$0x3F9E]  }
0x1a: {  	s8 =	sadd.s32 $0xFFFFE003, lr  }
0x1b: {  	s9 =	sadd.s32 $0xFFFFFEF7, lr;
	s5 =	simm.s32 $0xFFFFFFFF;
	p2 =	slt.u32 s8, $0xFFFFF086  }
0x1c: {  	p1 =	slt.u32 s9, $0xF7A;
	s5 =	simm.s32 @!p2 $0x0  }
0x1d: {  	s5 =	simm.s32 @p1 $0x1;
	p0 =	seq.s32 s7, s2  }
0x1e: {  	s7 =	smul.u32 @!p0 $0xF7A, s2;
	p2 =	seq.s32 @!p0 s5, $0x0  }
0x1f: {  	s9 =	smul.u32 $0xF7A, s1;
	s8 =	simm.s32 @!p0 $0x1BF5;
	p2 =	por !p2, p0  }
0x20: {  	[sflag:s8] =	ssyncset.s32 @!p0 $0xFFFFF086;
	s6 =	sadd.s32 @!p0 s3, s7;
	s7 =	simm.s32 @!p0 $0x108  }
0x21: {  	s3 =	sadd.s32 s3, s9;
	s6 =	sadd.s32 @!p0 $0x88, s6;
	s7 =	simm.s32 @p2 $0x1082  }
0x22: {  	[simem:s7], [sflag:s8] =	dma.local @!p0 [hbm:s6], $0xF7A  }
0x23: {  	s9 =	sor.u32 $0xD0000000, s2;
	s6 =	simm.s32 $0x108;
	_ =	swait.ge @!p0 [sflag:s8], $0x0  }
0x24: {  	s3 =	sadd.s32 $0x88, s3;
	s6 =	simm.s32 @!p1 $0x1082;
	[sflag:s4] =	ssyncset.s32 $0xFFFFF086  }
0x25: {  	[simem:s6], [sflag:s4] =	dma.local [hbm:s3], $0xF7A  }
0x26: {  	[smem:$0x3F9E] =	sst s1;
	(tag) =	ssettag s2;
	_ =	strace s9  }
0x27: {  	s1 =	sld [smem:$0x3FAE]  }
0x28: {  	s2 =	sld [smem:$0x3FAF]  }
0x29: {  	s4 =	sld [smem:$0x3FB1]  }
0x2a: {  	p0 =	seq.s32 s5, $0x0;
	s5 =	sld [smem:$0x3FB2]  }
0x2b: {  	s6 =	sld [smem:$0x3FB3]  }
0x2c: {  	s7 =	sld [smem:$0x3FB4]  }
0x2d: {  	s3 =	simm.s32 $0x108;
	s8 =	sld [smem:$0x3FB5]  }
0x2e: {  	s3 =	simm.s32 @!p0 $0x1082;
	s9 =	sld [smem:$0x3FB6]  }
0x2f: {  	lr =	sadd.s32 s0, s3;
	s0 =	sld [smem:$0x3FAD]  }
0x30: {  	s3 =	sld [smem:$0x3FB0]  }
0x31: {  	[smem:$0x3FB9] =	sst s10  }
0x32: {  	s10 =	sld [smem:$0x3FB7];
	_ =	sdelay $0x3  }
0x33: {  	p0 =	seq.s32 s10, $0x1;
	s10 =	sld [smem:$0x3FB9];
	_ =	sdelay $0x3  }
0x34: {  	[smem:$0x3FB9] =	sst s10  }
0x35: {  	s10 =	sld [smem:$0x3FB8];
	_ =	sdelay $0x3  }
0x36: {  	p1 =	seq.s32 s10, $0x1;
	s10 =	sld [smem:$0x3FB9];
	_ =	sdelay $0x3  }
0x37: {  	[smem:$0x3FB9] =	sst s10  }
0x38: {  	s10 =	sld [smem:$0x3FBA]  }
0x39: {  	_ = 	snop;
	(pc) =	sbr.ind lr, $3  }
0x3a: {  	_ = 	snop  }
0x3b: {  	_ = 	snop  }
0x3c: {  	p2 =	seq.s32 s10, $0x1;
	s10 =	sld [smem:$0x3FB9]  }
0x3d: {  	_ =	shalt  }
0x3e: {  	_ =	shalt  }
0x3f: {  	_ =	shalt  }
0x40: {  	_ =	shalt  }
0x41: {  	_ =	shalt  }
0x42: {  	_ =	shalt  }
0x43: {  	_ =	shalt  }
0x44: {  	_ =	shalt  }
0x45: {  	_ =	shalt  }
0x46: {  	_ =	shalt  }
0x47: {  	_ =	shalt  }
0x48: {  	_ =	shalt  }
0x49: {  	_ =	shalt  }
0x4a: {  	_ =	shalt  }
0x4b: {  	_ =	shalt  }
0x4c: {  	_ =	shalt  }
0x4d: {  	_ =	shalt  }
0x4e: {  	_ =	shalt  }
0x4f: {  	_ =	shalt  }
0x50: {  	_ =	shalt  }
0x51: {  	_ =	shalt  }
0x52: {  	_ =	shalt  }
0x53: {  	_ =	shalt  }
0x54: {  	_ =	shalt  }
0x55: {  	_ =	shalt  }
0x56: {  	_ =	shalt  }
0x57: {  	_ =	shalt  }
0x58: {  	_ =	shalt  }
0x59: {  	_ =	shalt  }
0x5a: {  	_ =	shalt  }
0x5b: {  	_ =	shalt  }
0x5c: {  	_ =	shalt  }
0x5d: {  	_ =	shalt  }
0x5e: {  	_ =	shalt  }
0x5f: {  	_ =	shalt  }
0x60: {  	_ =	shalt  }
0x61: {  	_ =	shalt  }
0x62: {  	_ =	shalt  }
0x63: {  	_ =	shalt  }
0x64: {  	_ =	shalt  }
0x65: {  	_ =	shalt  }
0x66: {  	_ =	shalt  }
0x67: {  	_ =	shalt  }
0x68: {  	_ =	shalt  }
0x69: {  	_ =	shalt  }
0x6a: {  	_ =	shalt  }
0x6b: {  	_ =	shalt  }
0x6c: {  	_ =	shalt  }
0x6d: {  	_ =	shalt  }
0x6e: {  	_ =	shalt  }
0x6f: {  	_ =	shalt  }
0x70: {  	_ =	shalt  }
0x71: {  	_ =	shalt  }
0x72: {  	_ =	shalt  }
0x73: {  	_ =	shalt  }
0x74: {  	_ =	shalt  }
0x75: {  	_ =	shalt  }
0x76: {  	_ =	shalt  }
0x77: {  	_ =	shalt  }
0x78: {  	_ =	shalt  }
0x79: {  	_ =	shalt  }
0x7a: {  	_ =	shalt  }
0x7b: {  	_ =	shalt  }
0x7c: {  	_ =	shalt  }
0x7d: {  	_ =	shalt  }
0x7e: {  	_ =	shalt  }
0x7f: {  	_ =	shalt  }
0x80: {  	_ =	shalt  }
0x81: {  	_ =	shalt  }
0x82: {  	_ =	shalt  }
0x83: {  	_ =	shalt  }
0x84: {  	_ =	shalt  }
0x85: {  	_ =	shalt  }
0x86: {  	_ =	shalt  }
0x87: {  	_ =	shalt  }
.Lfunc_end0:
.L_simem_size_0:
called_computation.3_lowered:
.L_overlay_start_0:
0x88: {  	s2 =	sld [smem:$0x3FD9]  }
0x89: {  	s3 =	sld [smem:$0x3FFE];
	_ =	sdelay $0x1  }
0x8a: {  	s1 =	srdreg.scid  }
0x8b: {  	s0 =	sand.u32 $0x1, s1  }
0x8c: {  	s16 =	sshll.u32 s0, $0xA;
	s2 =	sadd.s32 s3, s2  }
0x8d: {  	s2 =	sadd.s32 s2, s16  }
0x8e: {  	[smem:$0x3FC5] =	sst s2  }
0x8f: {  	_ = 	snop  }
0x90: {  	(tm) =	ssettm $0x1  }
0x91: {  	s17 =	sld [smem:$0x3FFB];
	_ =	sdelay $0x3  }
0x92: {  	_ =	strace s17  }
0x93: {  	s2 =	sld [smem:$0x3FFC];
	_ =	sdelay $0x3  }
0x94: {  	_ =	strace s2  }
0x95: {  	s2 =	sld [smem:$0x3FFD];
	_ =	sdelay $0x3  }
0x96: {  	_ =	strace s2  }
0x97: {  	_ =	strace $0x8FFFFFFF  }
0x98: {  	s18 =	sld [smem:$0x3FDB];
	_ =	sdelay $0x1  }
0x99: {  	s19 =	simm.s32 $_scs_section_size  }
0x9a: {  	s4 =	simm.s32 $_size__tile_overlayer_lowered;
	s5 =	simm.s32 $_tile_overlayer_lowered  }
0x9b: {  	s22 =	simm.s32 $0x1BFF;
	s21 =	sshll.u32 s5, $0x1;
	s2 =	sadd.s32 s19, s18  }
0x9c: {  	s6 =	simm.s32 $0x0;
	s20 =	sshll.u32 s4, $0x1;
	s4 =	sadd.s32 s21, s2  }
0x9d: {  	[timem:s6], [sflag:s22] =	dma.local [hbm:s4], s20  }
0x9e: {  	_ =	swait.ge [sflag:s22], s20  }
0x9f: {  	s3 =	ssub.s32 $0x0, s20;
	[sflag:s22] =	ssyncset.done $0x0  }
0xa0: {  	[sflag:s22] =	ssyncadd.s32 s3;
	_ =	sdelay $0x1  }
0xa1: {  	s23 =	simm.s32 $0x1B8B  }
0xa2: {  	_ =	swait.ge [sflag:s23], $0x1  }
0xa3: {  	[sflag:s23] =	ssyncset.done $0x0  }
0xa4: {  	s25 =	simm.s32 $0x1B8E;
	s24 =	sld [smem:$0x3FFE];
	[sflag:s23] =	ssyncadd.s32 $0xFFFFFFFF  }
0xa5: {  	s26 =	simm.s32 $execute0_lowered;
	[smem:$0x3FD2] =	sst s25  }
0xa6: {  	s4 =	sshll.u32 s26, $0x1;
	_ =	strace $0x80000046;
	[dreg:$0x1] =	wrdreg $0xFFFFFFFF  }
0xa7: {  	s28 =	simm.s32 $_size_execute0_lowered;
	s2 =	sadd.s32 s2, s4;
	[dreg:$0x0] =	wrdreg $0x0  }
0xa8: {  	s4 =	sshll.u32 s28, $0x1;
	[dreg:$0x2] =	wrdreg s2  }
0xa9: {  	[dreg:$0x3] =	wrdreg s4  }
0xaa: {  	[dreg:$0x4] =	wrdreg $0xC0  }
0xab: {  	_ =	task [dreg:s6], $0x5FFFF  }
0xac: {  	[dreg:$0x1] =	wrdreg $0xFFFFFFFF  }
0xad: {  	[dreg:$0x0] =	wrdreg $0x60  }
0xae: {  	[dreg:$0x2] =	wrdreg s24  }
0xaf: {  	[dreg:$0x3] =	wrdreg $0xC  }
0xb0: {  	_ =	task.clear_ibuf [dreg:s6], $0x4FFFF;
	_ =	strace $0x90000046  }
0xb1: {  	s29 =	simm.s32 $0xC;
	_ =	strace $0x80000048  }
0xb2: {  	_ =	swait.ge [sflag:s29], $0x1  }
0xb3: {  	[sflag:s29] =	ssyncadd.s32 $0xFFFFFFFF  }
0xb4: {  	_ =	strace $0x90000048  }
0xb5: {  	_ =	sfence  }
0xb6: {  	s30 =	sld [smem:$0x0];
	_ =	sdelay $0x2  }
0xb7: {  	s31 =	sshll.u32 s1, $0xD;
	s1 =	sshrl.u32 s1, $0x2  }
0xb8: {  	s3 =	sand.u32 $0x4000, s31;
	s1 =	sadd.s32 s1, s30  }
0xb9: {  	s0 =	sor.u32 s3, s0;
	s1 =	sshll.u32 s1, $0x11  }
0xba: {  	s0 =	sor.u32 s1, s0  }
0xbb: {  	s0 =	sadd.s32 $0x8F2B, s0  }
0xbc: {  	[sflag:s0] =	ssyncadd.remote.s32 $0x1  }
0xbd: {  	_ =	sfence.sel $0xFFFF  }
0xbe: {  	[dreg:$0x0] =	wrdreg $0xFFFFFFFF;
	(pc) =	sbr.abs _section_cstart, $3  }
0xbf: {  	[dreg:$0x1] =	wrdreg $0xFFFFFFFF  }
0xc0: {  	_ =	task.clear_ibuf [dreg:s6], $0x2FFFF;
	_ =	strace $0x9FFFFFFF  }
0xc1: {  	(tm) =	ssettm $0x7FFFFFFF  }
tec
execute0_lowered:
.L_overlay_start_1:
0x0: {  	(tag) =	ssettag $0x1  }
0x1: {  	s0 =	rddreg [dreg:$0x0]  }
0x2: {  	s1 =	srdreg.scid;
	s3 =	stileid.u32;
	s2 =	simm.s32 $0x0  }
0x3: {  	s7 =	simm.s32 $0x2;
	s8 =	simm.s32 $0x80;
	s10 =	simm.s32 $0x800  }
0x4: {  	s11 =	simm.s32 $0x480;
	s12 =	simm.s32 $0x880;
	s13 =	simm.s32 $0x500  }
0x5: {  	s14 =	simm.s32 $0x900;
	s15 =	simm.s32 $0x580;
	s16 =	simm.s32 $0x980  }
0x6: {  	s17 =	simm.s32 $0x600;
	s18 =	simm.s32 $0xA00;
	s19 =	simm.s32 $0x680  }
0x7: {  	s20 =	simm.s32 $0xA80;
	s21 =	simm.s32 $0x700;
	s22 =	simm.s32 $0xB00  }
0x8: {  	s23 =	simm.s32 $0x780;
	s24 =	simm.s32 $0xB80;
	s25 =	simm.s32 $0x1  }
0x9: {  	s26 =	simm.s32 $0xC00;
	s1 =	sand.u32 $0x1, s1;
	s3 =	sshll.u32 s3, $0x1  }
0xa: {  	s28 =	simm.s32 $0x0;
	[smem:$0x7FF] =	sst s2;
	s3 =	sor.u32 s1, s3  }
0xb: {  	_ =	strace $0x80000047;
	s1 =	ssub.s32 $0x2, s1;
	s4 =	sshll.u32 s3, $0x7  }
0xc: {  	s5 =	sshll.u32 s3, $0x6;
	s6 =	sshrl.u32 s1, $0x1;
	s3 =	sadd.s32 $0xAA00, s0  }
0xd: {  	s4 =	sadd.s32 s4, s0;
	s0 =	sadd.s32 s5, s0;
	s1 =	ssub.s32 s1, s6  }
0xe: {  	s4 =	sadd.s32 $0x9A00, s4;
	s5 =	sadd.s32 $0x47E00, s0;
	s6 =	smax.u32 s1, $0x1  }
.LBB2_1:
0xf: {  	[tilespmem:s2], [sflag:$0x2] =	stream.linear.gather [hbm4b:s4+s2], $0x400, $0x38;
	[tilespmem:$0xE00] =	vst v63  }
0x10: {  	_ =	swait.ge [sflag:s7], $0x400  }
0x11: {  	[sflag:s7] =	ssyncset.done $0x0  }
0x12: {  	s0 =	simm.s32 $0x40;
	[sflag:s7] =	ssyncadd.s32 $0xFFFFFC00  }
0x13: {  	v0 =	vld [tilespmem:s0+$0xFFFFFFC0];
	_ =	sdelay $0x4  }
0x14: {  	s1 =	simm.s32 $0x0;
	v0 =	vtrunc.f32 v0  }
0x15: {  	s1 =	smul.u32 $0xF4280, s1;
	v0 =	vcvt.f32.s32 v0;
	_ =	sdelay $0x1  }
0x16: {  	s29 =	simm.s32 $0x440;
	v0 =	vadd.s32 s1, v0  }
0x17: {  	[tilespmem:s29+$0xFFFFFFC0] =	vst v0  }
0x18: {  	v0 =	vld [tilespmem:s0+$0xFFFFFFD0];
	_ =	sdelay $0x4  }
0x19: {  	v0 =	vtrunc.f32 v0  }
0x1a: {  	v0 =	vcvt.f32.s32 v0;
	_ =	sdelay $0x1  }
0x1b: {  	v0 =	vadd.s32 s1, v0  }
0x1c: {  	[tilespmem:s29+$0xFFFFFFD0] =	vst v0  }
0x1d: {  	v0 =	vld [tilespmem:s0+$0xFFFFFFE0];
	_ =	sdelay $0x4  }
0x1e: {  	v0 =	vtrunc.f32 v0  }
0x1f: {  	v0 =	vcvt.f32.s32 v0;
	_ =	sdelay $0x1  }
0x20: {  	v0 =	vadd.s32 s1, v0  }
0x21: {  	[tilespmem:s29+$0xFFFFFFE0] =	vst v0  }
0x22: {  	v0 =	vld [tilespmem:s0+$0xFFFFFFF0];
	_ =	sdelay $0x4  }
0x23: {  	v0 =	vtrunc.f32 v0  }
0x24: {  	v0 =	vcvt.f32.s32 v0;
	_ =	sdelay $0x1  }
0x25: {  	v0 =	vadd.s32 s1, v0  }
0x26: {  	[tilespmem:s29+$0xFFFFFFF0] =	vst v0  }
0x27: {  	v0 =	vld [tilespmem:s0+$0x0];
	_ =	sdelay $0x4  }
0x28: {  	v0 =	vtrunc.f32 v0  }
0x29: {  	v0 =	vcvt.f32.s32 v0;
	_ =	sdelay $0x1  }
0x2a: {  	v0 =	vadd.s32 s1, v0  }
0x2b: {  	[tilespmem:s29+$0x0] =	vst v0  }
0x2c: {  	v0 =	vld [tilespmem:s0+$0x10];
	_ =	sdelay $0x4  }
0x2d: {  	v0 =	vtrunc.f32 v0  }
0x2e: {  	v0 =	vcvt.f32.s32 v0;
	_ =	sdelay $0x1  }
0x2f: {  	v0 =	vadd.s32 s1, v0  }
0x30: {  	[tilespmem:s29+$0x10] =	vst v0  }
0x31: {  	v0 =	vld [tilespmem:s0+$0x20];
	_ =	sdelay $0x4  }
0x32: {  	v0 =	vtrunc.f32 v0  }
0x33: {  	v0 =	vcvt.f32.s32 v0;
	_ =	sdelay $0x1  }
0x34: {  	v0 =	vadd.s32 s1, v0  }
0x35: {  	[tilespmem:s29+$0x20] =	vst v0  }
0x36: {  	v0 =	vld [tilespmem:s0+$0x30];
	_ =	sdelay $0x4  }
0x37: {  	v0 =	vtrunc.f32 v0  }
0x38: {  	v0 =	vcvt.f32.s32 v0;
	_ =	sdelay $0x1  }
0x39: {  	v0 =	vadd.s32 s1, v0  }
0x3a: {  	s30 =	simm.s32 $0xC0;
	[tilespmem:s29+$0x30] =	vst v0  }
0x3b: {  	s31 =	simm.s32 $0x1;
	s0 =	simm.s32 $0x2;
	v0 =	vld [tilespmem:s30+$0xFFFFFFC0]  }
.LBB2_2:
0x3c: {  	p0 =	sne.s32 s0, $0x7;
	_ =	sdelay $0x3  }
0x3d: {  	s1 =	sshrl.u32 s31, $0x2;
	s31 =	smov.u32 s0;
	v0 =	vtrunc.f32 v0  }
0x3e: {  	s1 =	smul.u32 $0xF4280, s1;
	v0 =	vcvt.f32.s32 v0;
	_ =	sdelay $0x1  }
0x3f: {  	s29 =	sadd.s32 $0x80, s29;
	v0 =	vadd.s32 s1, v0  }
0x40: {  	[tilespmem:s29+$0xFFFFFFC0] =	vst v0  }
0x41: {  	v0 =	vld [tilespmem:s30+$0xFFFFFFD0];
	_ =	sdelay $0x4  }
0x42: {  	v0 =	vtrunc.f32 v0  }
0x43: {  	v0 =	vcvt.f32.s32 v0;
	_ =	sdelay $0x1  }
0x44: {  	v0 =	vadd.s32 s1, v0  }
0x45: {  	[tilespmem:s29+$0xFFFFFFD0] =	vst v0  }
0x46: {  	v0 =	vld [tilespmem:s30+$0xFFFFFFE0];
	_ =	sdelay $0x4  }
0x47: {  	v0 =	vtrunc.f32 v0  }
0x48: {  	v0 =	vcvt.f32.s32 v0;
	_ =	sdelay $0x1  }
0x49: {  	v0 =	vadd.s32 s1, v0  }
0x4a: {  	[tilespmem:s29+$0xFFFFFFE0] =	vst v0  }
0x4b: {  	v0 =	vld [tilespmem:s30+$0xFFFFFFF0];
	_ =	sdelay $0x4  }
0x4c: {  	v0 =	vtrunc.f32 v0  }
0x4d: {  	v0 =	vcvt.f32.s32 v0;
	_ =	sdelay $0x1  }
0x4e: {  	v0 =	vadd.s32 s1, v0  }
0x4f: {  	[tilespmem:s29+$0xFFFFFFF0] =	vst v0  }
0x50: {  	v0 =	vld [tilespmem:s30+$0x0];
	_ =	sdelay $0x4  }
0x51: {  	v0 =	vtrunc.f32 v0  }
0x52: {  	v0 =	vcvt.f32.s32 v0;
	_ =	sdelay $0x1  }
0x53: {  	v0 =	vadd.s32 s1, v0  }
0x54: {  	[tilespmem:s29+$0x0] =	vst v0  }
0x55: {  	v0 =	vld [tilespmem:s30+$0x10];
	_ =	sdelay $0x4  }
0x56: {  	v0 =	vtrunc.f32 v0  }
0x57: {  	v0 =	vcvt.f32.s32 v0;
	_ =	sdelay $0x1  }
0x58: {  	v0 =	vadd.s32 s1, v0  }
0x59: {  	[tilespmem:s29+$0x10] =	vst v0  }
0x5a: {  	v0 =	vld [tilespmem:s30+$0x20];
	_ =	sdelay $0x4  }
0x5b: {  	v0 =	vtrunc.f32 v0  }
0x5c: {  	v0 =	vcvt.f32.s32 v0;
	_ =	sdelay $0x1  }
0x5d: {  	v0 =	vadd.s32 s1, v0  }
0x5e: {  	[tilespmem:s29+$0x20] =	vst v0  }
0x5f: {  	v0 =	vld [tilespmem:s30+$0x30];
	_ =	sdelay $0x4  }
0x60: {  	v0 =	vtrunc.f32 v0  }
.Ltmp0:
0x61: {  	v0 =	vcvt.f32.s32 v0;
	(pc) =	sbr.rel @p0 .LBB2_2-.Ltmp0, $4  }
0x62: {  	_ = 	snop  }
0x63: {  	v0 =	vadd.s32 s1, v0  }
0x64: {  	s30 =	sadd.s32 $0x80, s30;
	[tilespmem:s29+$0x30] =	vst v0  }
0x65: {  	s0 =	sadd.s32 $0x1, s0;
	v0 =	vld [tilespmem:s30+$0xFFFFFFC0]  }
0x66: {  	_ =	sdelay $0x3  }
0x67: {  	s0 =	sshrl.u32 s31, $0x2;
	v0 =	vtrunc.f32 v0  }
0x68: {  	s0 =	smul.u32 $0xF4280, s0;
	v0 =	vcvt.f32.s32 v0;
	_ =	sdelay $0x1  }
0x69: {  	s1 =	sadd.s32 $0x80, s29;
	v0 =	vadd.s32 s0, v0  }
0x6a: {  	[tilespmem:s1+$0xFFFFFFC0] =	vst v0  }
0x6b: {  	v0 =	vld [tilespmem:s30+$0xFFFFFFD0];
	_ =	sdelay $0x4  }
0x6c: {  	v0 =	vtrunc.f32 v0  }
0x6d: {  	v0 =	vcvt.f32.s32 v0;
	_ =	sdelay $0x1  }
0x6e: {  	v0 =	vadd.s32 s0, v0  }
0x6f: {  	[tilespmem:s1+$0xFFFFFFD0] =	vst v0  }
0x70: {  	v0 =	vld [tilespmem:s30+$0xFFFFFFE0];
	_ =	sdelay $0x4  }
0x71: {  	v0 =	vtrunc.f32 v0  }
0x72: {  	v0 =	vcvt.f32.s32 v0;
	_ =	sdelay $0x1  }
0x73: {  	v0 =	vadd.s32 s0, v0  }
0x74: {  	[tilespmem:s1+$0xFFFFFFE0] =	vst v0  }
0x75: {  	v0 =	vld [tilespmem:s30+$0xFFFFFFF0];
	_ =	sdelay $0x4  }
0x76: {  	v0 =	vtrunc.f32 v0  }
0x77: {  	v0 =	vcvt.f32.s32 v0;
	_ =	sdelay $0x1  }
0x78: {  	v0 =	vadd.s32 s0, v0  }
0x79: {  	[tilespmem:s1+$0xFFFFFFF0] =	vst v0  }
0x7a: {  	v0 =	vld [tilespmem:s30+$0x0];
	_ =	sdelay $0x4  }
0x7b: {  	v0 =	vtrunc.f32 v0  }
0x7c: {  	v0 =	vcvt.f32.s32 v0;
	_ =	sdelay $0x1  }
0x7d: {  	v0 =	vadd.s32 s0, v0  }
0x7e: {  	[tilespmem:s1+$0x0] =	vst v0  }
0x7f: {  	v0 =	vld [tilespmem:s30+$0x10];
	_ =	sdelay $0x4  }
0x80: {  	v0 =	vtrunc.f32 v0  }
0x81: {  	v0 =	vcvt.f32.s32 v0;
	_ =	sdelay $0x1  }
0x82: {  	v0 =	vadd.s32 s0, v0  }
0x83: {  	[tilespmem:s1+$0x10] =	vst v0  }
0x84: {  	v0 =	vld [tilespmem:s30+$0x20];
	_ =	sdelay $0x4  }
0x85: {  	v0 =	vtrunc.f32 v0  }
0x86: {  	v0 =	vcvt.f32.s32 v0;
	_ =	sdelay $0x1  }
0x87: {  	v0 =	vadd.s32 s0, v0  }
0x88: {  	[tilespmem:s1+$0x20] =	vst v0  }
0x89: {  	v0 =	vld [tilespmem:s30+$0x30];
	_ =	sdelay $0x4  }
0x8a: {  	v0 =	vtrunc.f32 v0  }
0x8b: {  	v0 =	vcvt.f32.s32 v0;
	_ =	sdelay $0x1  }
0x8c: {  	v0 =	vadd.s32 s0, v0  }
0x8d: {  	s9 =	simm.s32 $0x400;
	[tilespmem:s1+$0x30] =	vst v0  }
0x8e: {  	[tilespmem:s10], [sflag:$0x1] =	stream.indirect.gather [hbm4b:s3+s8], $0x1, s9, s8, $0xb8;
	[tilespmem:$0xE00] =	vst v63  }
0x8f: {  	_ = 	snop  }
0x90: {  	[tilespmem:s12], [sflag:$0x1] =	stream.indirect.gather [hbm4b:s3+s8], $0x1, s11, s8, $0xb8;
	[tilespmem:$0xE00] =	vst v63  }
0x91: {  	_ = 	snop  }
0x92: {  	[tilespmem:s14], [sflag:$0x1] =	stream.indirect.gather [hbm4b:s3+s8], $0x1, s13, s8, $0xb8;
	[tilespmem:$0xE00] =	vst v63  }
0x93: {  	_ = 	snop  }
0x94: {  	[tilespmem:s16], [sflag:$0x1] =	stream.indirect.gather [hbm4b:s3+s8], $0x1, s15, s8, $0xb8;
	[tilespmem:$0xE00] =	vst v63  }
0x95: {  	_ = 	snop  }
0x96: {  	[tilespmem:s18], [sflag:$0x1] =	stream.indirect.gather [hbm4b:s3+s8], $0x1, s17, s8, $0xb8;
	[tilespmem:$0xE00] =	vst v63  }
0x97: {  	_ = 	snop  }
0x98: {  	[tilespmem:s20], [sflag:$0x1] =	stream.indirect.gather [hbm4b:s3+s8], $0x1, s19, s8, $0xb8;
	[tilespmem:$0xE00] =	vst v63  }
0x99: {  	_ = 	snop  }
0x9a: {  	[tilespmem:s22], [sflag:$0x1] =	stream.indirect.gather [hbm4b:s3+s8], $0x1, s21, s8, $0xb8;
	[tilespmem:$0xE00] =	vst v63  }
0x9b: {  	_ = 	snop  }
0x9c: {  	[tilespmem:s24], [sflag:$0x1] =	stream.indirect.gather [hbm4b:s3+s8], $0x1, s23, s8, $0xb8;
	[tilespmem:$0xE00] =	vst v63  }
0x9d: {  	_ =	swait.ge [sflag:s25], $0x80  }
0x9e: {  	[sflag:s25] =	ssyncset.done $0x0  }
0x9f: {  	[sflag:s25] =	ssyncadd.s32 $0xFFFFFF80  }
0xa0: {  	_ =	swait.ge [sflag:s25], $0x80  }
0xa1: {  	[sflag:s25] =	ssyncset.done $0x0  }
0xa2: {  	[sflag:s25] =	ssyncadd.s32 $0xFFFFFF80  }
0xa3: {  	_ =	swait.ge [sflag:s25], $0x80  }
0xa4: {  	[sflag:s25] =	ssyncset.done $0x0  }
0xa5: {  	[sflag:s25] =	ssyncadd.s32 $0xFFFFFF80  }
0xa6: {  	_ =	swait.ge [sflag:s25], $0x80  }
0xa7: {  	[sflag:s25] =	ssyncset.done $0x0  }
0xa8: {  	[sflag:s25] =	ssyncadd.s32 $0xFFFFFF80  }
0xa9: {  	_ =	swait.ge [sflag:s25], $0x80  }
0xaa: {  	[sflag:s25] =	ssyncset.done $0x0  }
0xab: {  	[sflag:s25] =	ssyncadd.s32 $0xFFFFFF80  }
0xac: {  	_ =	swait.ge [sflag:s25], $0x80  }
0xad: {  	[sflag:s25] =	ssyncset.done $0x0  }
0xae: {  	[sflag:s25] =	ssyncadd.s32 $0xFFFFFF80  }
0xaf: {  	_ =	swait.ge [sflag:s25], $0x80  }
0xb0: {  	[sflag:s25] =	ssyncset.done $0x0  }
0xb1: {  	[sflag:s25] =	ssyncadd.s32 $0xFFFFFF80  }
0xb2: {  	s1 =	simm.s32 $0x0;
	s9 =	simm.s32 $0x0;
	_ =	swait.ge [sflag:s25], $0x80  }
0xb3: {  	s0 =	sand.u32 $0x70, s1;
	s1 =	sand.u32 $0x180, s9;
	[sflag:s25] =	ssyncset.done $0x0  }
0xb4: {  	s0 =	sor.u32 s0, s1;
	[sflag:s25] =	ssyncadd.s32 $0xFFFFFF80  }
0xb5: {  	v0 =	vld [tilespmem:s0+$0xA00]  }
0xb6: {  	v1 =	vld [tilespmem:s0+$0x800];
	_ =	sdelay $0x3  }
0xb7: {  	s29 =	simm.s32 $0x80  }
0xb8: {  	s30 =	simm.s32 $0x0;
	s9 =	simm.s32 $0x10;
	s1 =	simm.s32 $0x10;
	v0 =	vadd.f32 v0, v1  }
0xb9: {  	s9 =	sand.u32 $0x180, s9;
	s31 =	sand.u32 $0x70, s1;
	s0 =	simm.s32 $0x40  }
.LBB2_4:
0xba: {  	p0 =	sne.s32 s29, $0x7C0;
	s9 =	sor.u32 s31, s9;
	[tilespmem:s30+$0xC00] =	vst v0;
	s30 =	smov.u32 s0  }
0xbb: {  	s0 =	smov.u32 s29;
	v0 =	vld [tilespmem:s9+$0xA00]  }
0xbc: {  	v1 =	vld [tilespmem:s9+$0x800];
	_ =	sdelay $0x1  }
.Ltmp1:
0xbd: {  	(pc) =	sbr.rel @p0 .LBB2_4-.Ltmp1, $3  }
0xbe: {  	_ =	sdelay $0x1  }
0xbf: {  	s1 =	sadd.s32 $0x10, s1;
	s30 =	sshra.s32 s30, $0x2;
	s9 =	sshrl.u32 s29, $0x2;
	v0 =	vadd.f32 v0, v1  }
0xc0: {  	s31 =	sand.u32 $0x70, s1;
	s29 =	sadd.s32 $0x40, s29;
	s9 =	sand.u32 $0x180, s9  }
0xc1: {  	s1 =	sor.u32 s31, s9;
	[tilespmem:s30+$0xC00] =	vst v0  }
0xc2: {  	v0 =	vld [tilespmem:s1+$0xA00]  }
0xc3: {  	v1 =	vld [tilespmem:s1+$0x800];
	_ =	sdelay $0x4  }
0xc4: {  	s28 =	sadd.s32 $0x1, s28;
	v0 =	vadd.f32 v0, v1  }
0xc5: {  	s0 =	sshra.s32 s0, $0x2;
	p0 =	sne.s32 s28, s6  }
.Ltmp2:
0xc6: {  	[tilespmem:s0+$0xC00] =	vst v0;
	(pc) =	sbr.rel @p0 .LBB2_1-.Ltmp2, $4  }
0xc7: {  	[hbm4b:s5+s2] =	stream.linear.scatter [tilespmem:s26], [sflag:$0x2], $0x200, $0x38;
	[tilespmem:$0xE00] =	vst v63  }
0xc8: {  	_ =	swait.ge [sflag:s7], $0x200  }
0xc9: {  	[sflag:s7] =	ssyncset.done $0x0  }
0xca: {  	[sflag:s7] =	ssyncadd.s32 $0xFFFFFE00  }
0xcb: {  	_ =	sfence.sel $0x180000  }
0xcc: {  	[bflag:$0x0] =	sbarrier.arrive $0xFFFF  }
0xcd: {  	_ =	strace $0x90000047  }
0xce: {  	s0 =	stileid.u32;
	[bflag:$0x2] =	sbarrier.arrive $0xFFFF  }
0xcf: {  	p0 =	sne.s32 s0, $0x0;
	s0 =	rddreg [dreg:$0x1]  }
0xd0: {  	s0 =	sadd.s32 @!p0 $0x100000, s0  }
0xd1: {  	[sflag:s0] =	ssyncadd.tile.s32 @!p0 $0x1;
	_ =	shalt  }
.Lfunc_end2:
_tile_overlayer_lowered:
.L_overlay_start_2:
0xd2: {  	(tag) =	ssettag $0x2  }
0xd3: {  	s0 =	rddreg [dreg:$0x0];
	s2 =	stileid.u32  }
0xd4: {  	s1 =	rddreg [dreg:$0x1];
	p0 =	sne.s32 s2, $0x0  }
0xd5: {  	s3 =	rddreg [dreg:$0x2];
	[bflag:$0x3] =	sbarrier.arrive $0xFFFF;
	s2 =	simm.s32 @!p0 $0x1C02  }
0xd6: {  	[timem:s3], [sflag:s2] =	dma.local @!p0 [hbm:s0], s1  }
0xd7: {  	s0 =	simm.s32 @!p0 $0x2  }
0xd8: {  	_ =	swait.ge @!p0 [sflag:s0], s1  }
0xd9: {  	s1 =	ssub.s32 @!p0 $0x0, s1;
	[sflag:s0] =	ssyncset.done @!p0 $0x0  }
0xda: {  	[sflag:s0] =	ssyncadd.s32 @!p0 s1  }
0xdb: {  	[bflag:$0x3] =	sbarrier.arrive $0xFFFF  }
0xdc: {  	_ =	shalt  }

</sc_bundles>
